<compile_context>
chip_gen: v7x
topology: tpu7x:2x2x1
jax: 0.10.2.dev20260603
libtpu: 0.0.44.dev20260713+nightly
codegen_flags: <defaults>
</compile_context>

<pallas_src>
import functools

import jax
import jax.numpy as jnp
from jax import lax
from jax.experimental import pallas as pl
from jax.experimental.pallas import tpu as pltpu
from jax.experimental.pallas import tpu_sc as plsc

_TSC = 256
_TC_BLK = 256


def _tc_add(x_ref, pe_ref, o_ref):
    o_ref[...] = x_ref[...] + pe_ref[...][None]


def kernel(x, pe):
    b, t, d = x.shape
    nc, ns, nl = 2, 16, 16
    nw = nc * ns
    t1 = t - _TSC
    rows_per_w = _TSC // nw

    mesh = plsc.VectorSubcoreMesh(
        core_axis_name="c", subcore_axis_name="s", num_cores=nc, num_subcores=ns
    )

    @functools.partial(
        pl.kernel,
        out_type=jax.ShapeDtypeStruct((b, _TSC, d), jnp.float32),
        mesh=mesh,
        scratch_types=[
            pltpu.VMEM((rows_per_w, d), jnp.float32),
            pltpu.VMEM((b, rows_per_w, d), jnp.float32),
            pltpu.SemaphoreType.DMA,
            pltpu.SemaphoreType.DMA,
        ],
    )
    def sc_fn(x_hbm, pe_hbm, out_hbm, pe_s, xb, in_sem, out_sem):
        wid = lax.axis_index("s") * nc + lax.axis_index("c")
        r0 = wid * rows_per_w

        pltpu.async_copy(pe_hbm.at[pl.ds(t1 + r0, rows_per_w)], pe_s, in_sem)
        for bb in range(b):
            pltpu.async_copy(
                x_hbm.at[bb, pl.ds(t1 + r0, rows_per_w)], xb.at[bb], in_sem
            )
        pltpu.make_async_copy(pe_hbm.at[pl.ds(0, rows_per_w)], pe_s, in_sem).wait()
        for bb in range(b):
            pltpu.make_async_copy(
                x_hbm.at[0, pl.ds(0, rows_per_w)], xb.at[bb], in_sem
            ).wait()

        @plsc.parallel_loop(0, rows_per_w, 1, unroll=2)
        def row_body(r):
            grp = 4
            for g in range(0, d // nl, grp):
                sls = [pl.ds((g + u) * nl, nl) for u in range(grp)]
                vals = [pe_s[r, sls[u]] for u in range(grp)]
                for bb in range(b):
                    for u in range(grp):
                        plsc.addupdate(xb.at[bb, r, sls[u]], vals[u])

        for bb in range(b):
            pltpu.async_copy(xb.at[bb], out_hbm.at[bb, pl.ds(r0, rows_per_w)], out_sem)
        for bb in range(b):
            pltpu.make_async_copy(
                xb.at[0], out_hbm.at[0, pl.ds(0, rows_per_w)], out_sem
            ).wait()

    sc_out = sc_fn(x, pe)

    nt1 = t1 // _TC_BLK
    tc_out = pl.pallas_call(
        _tc_add,
        grid=(nt1, b),
        in_specs=[
            pl.BlockSpec((1, _TC_BLK, d), lambda i, bb: (bb, i, 0)),
            pl.BlockSpec((_TC_BLK, d), lambda i, bb: (i, 0)),
        ],
        out_specs=pl.BlockSpec((1, _TC_BLK, d), lambda i, bb: (bb, i, 0)),
        out_shape=jax.ShapeDtypeStruct((b, t, d), jnp.float32),
    )(x, pe)

    return lax.dynamic_update_slice(tc_out, sc_out, (0, t1, 0))

# --- scband reference (transcript-rebuilt; emitter-appended) ---
"""Pipeline reference for scband-peembed-13821204758882 (READ-ONLY COPY).

The authoritative reference and input builder live on the scoring server;
editing this copy changes nothing except your own understanding.
"""

import jax, jax.numpy as jnp
import numpy as np

B, T, D = 4, 2048, 1024
MAX_LEN = 2048

def setup_inputs(seed: int = 0) -> dict:
    key = jax.random.key(seed)
    k1, k2 = jax.random.split(key)
    x = jax.random.normal(k1, (B, T, D), dtype=jnp.float32)
    # learned positional embedding table (nn.Embedding weight), sized per init_kwargs
    pe = jax.random.normal(k2, (MAX_LEN, D), dtype=jnp.float32) * 0.02
    return {"x": x, "pe": pe}

def reference(x, pe):
    b, t, d = x.shape
    # self.pe(torch.arange(t)) -> embedding gather of positions 0..t-1
    pos = jnp.take(pe, jnp.arange(t), axis=0)
    out = x + pos  # broadcast over batch
    # dropout p=0.0 (eval / identity)
    return out

if __name__ == "__main__":
    import jax
    _d = setup_inputs()
    print(jax.jit(kernel)(*tuple(_d.values())))

</pallas_src>

<mosaic_0001>
#map = affine_map<(d0, d1) -> (0, 0, 0)>
#map1 = affine_map<(d0, d1) -> (0, 0)>
module attributes {stable_mosaic.version = 14 : i64} {
  func.func @sc_fn(%arg0: i32, %arg1: i32, %arg2: memref<4x2048x1024xf32, #tpu.memory_space<hbm>>, %arg3: memref<2048x1024xf32, #tpu.memory_space<hbm>>, %arg4: memref<4x256x1024xf32, #tpu.memory_space<hbm>>, %arg5: memref<8x1024xf32, #tpu.memory_space<vmem>>, %arg6: memref<4x8x1024xf32, #tpu.memory_space<vmem>>, %arg7: memref<!tpu.dma_semaphore, #tpu.memory_space<semaphore_mem>>, %arg8: memref<!tpu.dma_semaphore, #tpu.memory_space<semaphore_mem>>) attributes {dimension_semantics = [#tpu.dimension_semantics<core_parallel>, #tpu.dimension_semantics<subcore_parallel>], iteration_bounds = array<i64: 2, 16>, scalar_prefetch = 0 : i64, scratch_operands = 4 : i64, tpu.core_type = #tpu.core_type<sc_vector_subcore>, window_params = [{transform_indices = #map}, {transform_indices = #map1}, {transform_indices = #map}]} {
    %mul3A = arith.constant 2 : i32
    %mul3A_0 = arith.muli %arg1, %mul3A : i32
    %add3A = arith.addi %mul3A_0, %arg0 : i32
    %mul3A_1 = arith.constant 8 : i32
    %mul3A_2 = arith.muli %add3A, %mul3A_1 : i32
    %add3A_3 = arith.constant 1792 : i32
    %add3A_4 = arith.addi %add3A_3, %mul3A_2 : i32
    %dma_start3A = arith.constant 0 : i32
    %dma_start3A_5 = tpu.memref_slice %arg3[%add3A_4, %dma_start3A] : memref<2048x1024xf32, #tpu.memory_space<hbm>> -> memref<8x1024xf32, #tpu.memory_space<hbm>>
    %dma_start3A_6 = arith.constant 0 : i32
    %dma_start3A_7 = tpu.memref_slice %arg3[%add3A_4, %dma_start3A_6] : memref<2048x1024xf32, #tpu.memory_space<hbm>> -> memref<8x1024xf32, #tpu.memory_space<hbm>>
    tpu.enqueue_dma source(%dma_start3A_7 : memref<8x1024xf32, #tpu.memory_space<hbm>>) target(%arg5 : memref<8x1024xf32, #tpu.memory_space<vmem>>) target_semaphore(%arg7 : memref<!tpu.dma_semaphore, #tpu.memory_space<semaphore_mem>>)
    %add3A_8 = arith.constant 1792 : i32
    %add3A_9 = arith.addi %add3A_8, %mul3A_2 : i32
    %dma_start3A_10 = arith.constant 0 : i32
    %dma_start3A_11 = arith.constant 0 : i32
    %dma_start3A_12 = arith.constant 0 : i32
    %dma_start3A_13 = arith.constant 0 : i32
    %dma_start3A_14 = tpu.memref_slice %arg6[%dma_start3A_11, %dma_start3A_12, %dma_start3A_13] : memref<4x8x1024xf32, #tpu.memory_space<vmem>> -> memref<1x8x1024xf32, #tpu.memory_space<vmem>>
    %dma_start3A_15 = tpu.memref_squeeze %dma_start3A_14 : memref<1x8x1024xf32, #tpu.memory_space<vmem>> -> memref<8x1024xf32, #tpu.memory_space<vmem>>
    %dma_start3A_16 = arith.constant 0 : i32
    %dma_start3A_17 = tpu.memref_slice %arg2[%dma_start3A_10, %add3A_9, %dma_start3A_16] : memref<4x2048x1024xf32, #tpu.memory_space<hbm>> -> memref<1x8x1024xf32, #tpu.memory_space<hbm>>
    %dma_start3A_18 = tpu.memref_squeeze %dma_start3A_17 : memref<1x8x1024xf32, #tpu.memory_space<hbm>> -> memref<8x1024xf32, #tpu.memory_space<hbm>>
    %dma_start3A_19 = arith.constant 0 : i32
    %dma_start3A_20 = arith.constant 0 : i32
    %dma_start3A_21 = tpu.memref_slice %arg6[%dma_start3A_11, %dma_start3A_19, %dma_start3A_20] : memref<4x8x1024xf32, #tpu.memory_space<vmem>> -> memref<1x8x1024xf32, #tpu.memory_space<vmem>>
    %dma_start3A_22 = tpu.memref_squeeze %dma_start3A_21 : memref<1x8x1024xf32, #tpu.memory_space<vmem>> -> memref<8x1024xf32, #tpu.memory_space<vmem>>
    %dma_start3A_23 = arith.constant 0 : i32
    %dma_start3A_24 = tpu.memref_slice %arg2[%dma_start3A_10, %add3A_9, %dma_start3A_23] : memref<4x2048x1024xf32, #tpu.memory_space<hbm>> -> memref<1x8x1024xf32, #tpu.memory_space<hbm>>
    %dma_start3A_25 = tpu.memref_squeeze %dma_start3A_24 : memref<1x8x1024xf32, #tpu.memory_space<hbm>> -> memref<8x1024xf32, #tpu.memory_space<hbm>>
    tpu.enqueue_dma source(%dma_start3A_25 : memref<8x1024xf32, #tpu.memory_space<hbm>>) target(%dma_start3A_22 : memref<8x1024xf32, #tpu.memory_space<vmem>>) target_semaphore(%arg7 : memref<!tpu.dma_semaphore, #tpu.memory_space<semaphore_mem>>)
    %add3A_26 = arith.constant 1792 : i32
    %add3A_27 = arith.addi %add3A_26, %mul3A_2 : i32
    %dma_start3A_28 = arith.constant 1 : i32
    %dma_start3A_29 = arith.constant 1 : i32
    %dma_start3A_30 = arith.constant 0 : i32
    %dma_start3A_31 = arith.constant 0 : i32
    %dma_start3A_32 = tpu.memref_slice %arg6[%dma_start3A_29, %dma_start3A_30, %dma_start3A_31] : memref<4x8x1024xf32, #tpu.memory_space<vmem>> -> memref<1x8x1024xf32, #tpu.memory_space<vmem>>
    %dma_start3A_33 = tpu.memref_squeeze %dma_start3A_32 : memref<1x8x1024xf32, #tpu.memory_space<vmem>> -> memref<8x1024xf32, #tpu.memory_space<vmem>>
    %dma_start3A_34 = arith.constant 0 : i32
    %dma_start3A_35 = tpu.memref_slice %arg2[%dma_start3A_28, %add3A_27, %dma_start3A_34] : memref<4x2048x1024xf32, #tpu.memory_space<hbm>> -> memref<1x8x1024xf32, #tpu.memory_space<hbm>>
    %dma_start3A_36 = tpu.memref_squeeze %dma_start3A_35 : memref<1x8x1024xf32, #tpu.memory_space<hbm>> -> memref<8x1024xf32, #tpu.memory_space<hbm>>
    %dma_start3A_37 = arith.constant 0 : i32
    %dma_start3A_38 = arith.constant 0 : i32
    %dma_start3A_39 = tpu.memref_slice %arg6[%dma_start3A_29, %dma_start3A_37, %dma_start3A_38] : memref<4x8x1024xf32, #tpu.memory_space<vmem>> -> memref<1x8x1024xf32, #tpu.memory_space<vmem>>
    %dma_start3A_40 = tpu.memref_squeeze %dma_start3A_39 : memref<1x8x1024xf32, #tpu.memory_space<vmem>> -> memref<8x1024xf32, #tpu.memory_space<vmem>>
    %dma_start3A_41 = arith.constant 0 : i32
    %dma_start3A_42 = tpu.memref_slice %arg2[%dma_start3A_28, %add3A_27, %dma_start3A_41] : memref<4x2048x1024xf32, #tpu.memory_space<hbm>> -> memref<1x8x1024xf32, #tpu.memory_space<hbm>>
    %dma_start3A_43 = tpu.memref_squeeze %dma_start3A_42 : memref<1x8x1024xf32, #tpu.memory_space<hbm>> -> memref<8x1024xf32, #tpu.memory_space<hbm>>
    tpu.enqueue_dma source(%dma_start3A_43 : memref<8x1024xf32, #tpu.memory_space<hbm>>) target(%dma_start3A_40 : memref<8x1024xf32, #tpu.memory_space<vmem>>) target_semaphore(%arg7 : memref<!tpu.dma_semaphore, #tpu.memory_space<semaphore_mem>>)
    %add3A_44 = arith.constant 1792 : i32
    %add3A_45 = arith.addi %add3A_44, %mul3A_2 : i32
    %dma_start3A_46 = arith.constant 2 : i32
    %dma_start3A_47 = arith.constant 2 : i32
    %dma_start3A_48 = arith.constant 0 : i32
    %dma_start3A_49 = arith.constant 0 : i32
    %dma_start3A_50 = tpu.memref_slice %arg6[%dma_start3A_47, %dma_start3A_48, %dma_start3A_49] : memref<4x8x1024xf32, #tpu.memory_space<vmem>> -> memref<1x8x1024xf32, #tpu.memory_space<vmem>>
    %dma_start3A_51 = tpu.memref_squeeze %dma_start3A_50 : memref<1x8x1024xf32, #tpu.memory_space<vmem>> -> memref<8x1024xf32, #tpu.memory_space<vmem>>
    %dma_start3A_52 = arith.constant 0 : i32
    %dma_start3A_53 = tpu.memref_slice %arg2[%dma_start3A_46, %add3A_45, %dma_start3A_52] : memref<4x2048x1024xf32, #tpu.memory_space<hbm>> -> memref<1x8x1024xf32, #tpu.memory_space<hbm>>
    %dma_start3A_54 = tpu.memref_squeeze %dma_start3A_53 : memref<1x8x1024xf32, #tpu.memory_space<hbm>> -> memref<8x1024xf32, #tpu.memory_space<hbm>>
    %dma_start3A_55 = arith.constant 0 : i32
    %dma_start3A_56 = arith.constant 0 : i32
    %dma_start3A_57 = tpu.memref_slice %arg6[%dma_start3A_47, %dma_start3A_55, %dma_start3A_56] : memref<4x8x1024xf32, #tpu.memory_space<vmem>> -> memref<1x8x1024xf32, #tpu.memory_space<vmem>>
    %dma_start3A_58 = tpu.memref_squeeze %dma_start3A_57 : memref<1x8x1024xf32, #tpu.memory_space<vmem>> -> memref<8x1024xf32, #tpu.memory_space<vmem>>
    %dma_start3A_59 = arith.constant 0 : i32
    %dma_start3A_60 = tpu.memref_slice %arg2[%dma_start3A_46, %add3A_45, %dma_start3A_59] : memref<4x2048x1024xf32, #tpu.memory_space<hbm>> -> memref<1x8x1024xf32, #tpu.memory_space<hbm>>
    %dma_start3A_61 = tpu.memref_squeeze %dma_start3A_60 : memref<1x8x1024xf32, #tpu.memory_space<hbm>> -> memref<8x1024xf32, #tpu.memory_space<hbm>>
    tpu.enqueue_dma source(%dma_start3A_61 : memref<8x1024xf32, #tpu.memory_space<hbm>>) target(%dma_start3A_58 : memref<8x1024xf32, #tpu.memory_space<vmem>>) target_semaphore(%arg7 : memref<!tpu.dma_semaphore, #tpu.memory_space<semaphore_mem>>)
    %add3A_62 = arith.constant 1792 : i32
    %add3A_63 = arith.addi %add3A_62, %mul3A_2 : i32
    %dma_start3A_64 = arith.constant 3 : i32
    %dma_start3A_65 = arith.constant 3 : i32
    %dma_start3A_66 = arith.constant 0 : i32
    %dma_start3A_67 = arith.constant 0 : i32
    %dma_start3A_68 = tpu.memref_slice %arg6[%dma_start3A_65, %dma_start3A_66, %dma_start3A_67] : memref<4x8x1024xf32, #tpu.memory_space<vmem>> -> memref<1x8x1024xf32, #tpu.memory_space<vmem>>
    %dma_start3A_69 = tpu.memref_squeeze %dma_start3A_68 : memref<1x8x1024xf32, #tpu.memory_space<vmem>> -> memref<8x1024xf32, #tpu.memory_space<vmem>>
    %dma_start3A_70 = arith.constant 0 : i32
    %dma_start3A_71 = tpu.memref_slice %arg2[%dma_start3A_64, %add3A_63, %dma_start3A_70] : memref<4x2048x1024xf32, #tpu.memory_space<hbm>> -> memref<1x8x1024xf32, #tpu.memory_space<hbm>>
    %dma_start3A_72 = tpu.memref_squeeze %dma_start3A_71 : memref<1x8x1024xf32, #tpu.memory_space<hbm>> -> memref<8x1024xf32, #tpu.memory_space<hbm>>
    %dma_start3A_73 = arith.constant 0 : i32
    %dma_start3A_74 = arith.constant 0 : i32
    %dma_start3A_75 = tpu.memref_slice %arg6[%dma_start3A_65, %dma_start3A_73, %dma_start3A_74] : memref<4x8x1024xf32, #tpu.memory_space<vmem>> -> memref<1x8x1024xf32, #tpu.memory_space<vmem>>
    %dma_start3A_76 = tpu.memref_squeeze %dma_start3A_75 : memref<1x8x1024xf32, #tpu.memory_space<vmem>> -> memref<8x1024xf32, #tpu.memory_space<vmem>>
    %dma_start3A_77 = arith.constant 0 : i32
    %dma_start3A_78 = tpu.memref_slice %arg2[%dma_start3A_64, %add3A_63, %dma_start3A_77] : memref<4x2048x1024xf32, #tpu.memory_space<hbm>> -> memref<1x8x1024xf32, #tpu.memory_space<hbm>>
    %dma_start3A_79 = tpu.memref_squeeze %dma_start3A_78 : memref<1x8x1024xf32, #tpu.memory_space<hbm>> -> memref<8x1024xf32, #tpu.memory_space<hbm>>
    tpu.enqueue_dma source(%dma_start3A_79 : memref<8x1024xf32, #tpu.memory_space<hbm>>) target(%dma_start3A_76 : memref<8x1024xf32, #tpu.memory_space<vmem>>) target_semaphore(%arg7 : memref<!tpu.dma_semaphore, #tpu.memory_space<semaphore_mem>>)
    %dma_wait3A = arith.constant 0 : i32
    %dma_wait3A_80 = arith.constant 0 : i32
    %dma_wait3A_81 = tpu.memref_slice %arg3[%dma_wait3A, %dma_wait3A_80] : memref<2048x1024xf32, #tpu.memory_space<hbm>> -> memref<8x1024xf32, #tpu.memory_space<hbm>>
    %dma_wait3A_82 = arith.constant 0 : i32
    %dma_wait3A_83 = arith.constant 0 : i32
    %dma_wait3A_84 = tpu.memref_slice %arg3[%dma_wait3A_82, %dma_wait3A_83] : memref<2048x1024xf32, #tpu.memory_space<hbm>> -> memref<8x1024xf32, #tpu.memory_space<hbm>>
    tpu.wait_dma2 semaphore(%arg7 : memref<!tpu.dma_semaphore, #tpu.memory_space<semaphore_mem>>) src(%dma_wait3A_84 : memref<8x1024xf32, #tpu.memory_space<hbm>>) dst(%arg5 : memref<8x1024xf32, #tpu.memory_space<vmem>>)
    %dma_wait3A_85 = arith.constant 0 : i32
    %dma_wait3A_86 = arith.constant 0 : i32
    %dma_wait3A_87 = arith.constant 0 : i32
    %dma_wait3A_88 = arith.constant 0 : i32
    %dma_wait3A_89 = tpu.memref_slice %arg6[%dma_wait3A_86, %dma_wait3A_87, %dma_wait3A_88] : memref<4x8x1024xf32, #tpu.memory_space<vmem>> -> memref<1x8x1024xf32, #tpu.memory_space<vmem>>
    %dma_wait3A_90 = tpu.memref_squeeze %dma_wait3A_89 : memref<1x8x1024xf32, #tpu.memory_space<vmem>> -> memref<8x1024xf32, #tpu.memory_space<vmem>>
    %dma_wait3A_91 = arith.constant 0 : i32
    %dma_wait3A_92 = arith.constant 0 : i32
    %dma_wait3A_93 = tpu.memref_slice %arg2[%dma_wait3A_85, %dma_wait3A_91, %dma_wait3A_92] : memref<4x2048x1024xf32, #tpu.memory_space<hbm>> -> memref<1x8x1024xf32, #tpu.memory_space<hbm>>
    %dma_wait3A_94 = tpu.memref_squeeze %dma_wait3A_93 : memref<1x8x1024xf32, #tpu.memory_space<hbm>> -> memref<8x1024xf32, #tpu.memory_space<hbm>>
    %dma_wait3A_95 = arith.constant 0 : i32
    %dma_wait3A_96 = arith.constant 0 : i32
    %dma_wait3A_97 = tpu.memref_slice %arg6[%dma_wait3A_86, %dma_wait3A_95, %dma_wait3A_96] : memref<4x8x1024xf32, #tpu.memory_space<vmem>> -> memref<1x8x1024xf32, #tpu.memory_space<vmem>>
    %dma_wait3A_98 = tpu.memref_squeeze %dma_wait3A_97 : memref<1x8x1024xf32, #tpu.memory_space<vmem>> -> memref<8x1024xf32, #tpu.memory_space<vmem>>
    %dma_wait3A_99 = arith.constant 0 : i32
    %dma_wait3A_100 = arith.constant 0 : i32
    %dma_wait3A_101 = tpu.memref_slice %arg2[%dma_wait3A_85, %dma_wait3A_99, %dma_wait3A_100] : memref<4x2048x1024xf32, #tpu.memory_space<hbm>> -> memref<1x8x1024xf32, #tpu.memory_space<hbm>>
    %dma_wait3A_102 = tpu.memref_squeeze %dma_wait3A_101 : memref<1x8x1024xf32, #tpu.memory_space<hbm>> -> memref<8x1024xf32, #tpu.memory_space<hbm>>
    tpu.wait_dma2 semaphore(%arg7 : memref<!tpu.dma_semaphore, #tpu.memory_space<semaphore_mem>>) src(%dma_wait3A_102 : memref<8x1024xf32, #tpu.memory_space<hbm>>) dst(%dma_wait3A_98 : memref<8x1024xf32, #tpu.memory_space<vmem>>)
    %dma_wait3A_103 = arith.constant 0 : i32
    %dma_wait3A_104 = arith.constant 1 : i32
    %dma_wait3A_105 = arith.constant 0 : i32
    %dma_wait3A_106 = arith.constant 0 : i32
    %dma_wait3A_107 = tpu.memref_slice %arg6[%dma_wait3A_104, %dma_wait3A_105, %dma_wait3A_106] : memref<4x8x1024xf32, #tpu.memory_space<vmem>> -> memref<1x8x1024xf32, #tpu.memory_space<vmem>>
    %dma_wait3A_108 = tpu.memref_squeeze %dma_wait3A_107 : memref<1x8x1024xf32, #tpu.memory_space<vmem>> -> memref<8x1024xf32, #tpu.memory_space<vmem>>
    %dma_wait3A_109 = arith.constant 0 : i32
    %dma_wait3A_110 = arith.constant 0 : i32
    %dma_wait3A_111 = tpu.memref_slice %arg2[%dma_wait3A_103, %dma_wait3A_109, %dma_wait3A_110] : memref<4x2048x1024xf32, #tpu.memory_space<hbm>> -> memref<1x8x1024xf32, #tpu.memory_space<hbm>>
    %dma_wait3A_112 = tpu.memref_squeeze %dma_wait3A_111 : memref<1x8x1024xf32, #tpu.memory_space<hbm>> -> memref<8x1024xf32, #tpu.memory_space<hbm>>
    %dma_wait3A_113 = arith.constant 0 : i32
    %dma_wait3A_114 = arith.constant 0 : i32
    %dma_wait3A_115 = tpu.memref_slice %arg6[%dma_wait3A_104, %dma_wait3A_113, %dma_wait3A_114] : memref<4x8x1024xf32, #tpu.memory_space<vmem>> -> memref<1x8x1024xf32, #tpu.memory_space<vmem>>
    %dma_wait3A_116 = tpu.memref_squeeze %dma_wait3A_115 : memref<1x8x1024xf32, #tpu.memory_space<vmem>> -> memref<8x1024xf32, #tpu.memory_space<vmem>>
    %dma_wait3A_117 = arith.constant 0 : i32
    %dma_wait3A_118 = arith.constant 0 : i32
    %dma_wait3A_119 = tpu.memref_slice %arg2[%dma_wait3A_103, %dma_wait3A_117, %dma_wait3A_118] : memref<4x2048x1024xf32, #tpu.memory_space<hbm>> -> memref<1x8x1024xf32, #tpu.memory_space<hbm>>
    %dma_wait3A_120 = tpu.memref_squeeze %dma_wait3A_119 : memref<1x8x1024xf32, #tpu.memory_space<hbm>> -> memref<8x1024xf32, #tpu.memory_space<hbm>>
    tpu.wait_dma2 semaphore(%arg7 : memref<!tpu.dma_semaphore, #tpu.memory_space<semaphore_mem>>) src(%dma_wait3A_120 : memref<8x1024xf32, #tpu.memory_space<hbm>>) dst(%dma_wait3A_116 : memref<8x1024xf32, #tpu.memory_space<vmem>>)
    %dma_wait3A_121 = arith.constant 0 : i32
    %dma_wait3A_122 = arith.constant 2 : i32
    %dma_wait3A_123 = arith.constant 0 : i32
    %dma_wait3A_124 = arith.constant 0 : i32
    %dma_wait3A_125 = tpu.memref_slice %arg6[%dma_wait3A_122, %dma_wait3A_123, %dma_wait3A_124] : memref<4x8x1024xf32, #tpu.memory_space<vmem>> -> memref<1x8x1024xf32, #tpu.memory_space<vmem>>
    %dma_wait3A_126 = tpu.memref_squeeze %dma_wait3A_125 : memref<1x8x1024xf32, #tpu.memory_space<vmem>> -> memref<8x1024xf32, #tpu.memory_space<vmem>>
    %dma_wait3A_127 = arith.constant 0 : i32
    %dma_wait3A_128 = arith.constant 0 : i32
    %dma_wait3A_129 = tpu.memref_slice %arg2[%dma_wait3A_121, %dma_wait3A_127, %dma_wait3A_128] : memref<4x2048x1024xf32, #tpu.memory_space<hbm>> -> memref<1x8x1024xf32, #tpu.memory_space<hbm>>
    %dma_wait3A_130 = tpu.memref_squeeze %dma_wait3A_129 : memref<1x8x1024xf32, #tpu.memory_space<hbm>> -> memref<8x1024xf32, #tpu.memory_space<hbm>>
    %dma_wait3A_131 = arith.constant 0 : i32
    %dma_wait3A_132 = arith.constant 0 : i32
    %dma_wait3A_133 = tpu.memref_slice %arg6[%dma_wait3A_122, %dma_wait3A_131, %dma_wait3A_132] : memref<4x8x1024xf32, #tpu.memory_space<vmem>> -> memref<1x8x1024xf32, #tpu.memory_space<vmem>>
    %dma_wait3A_134 = tpu.memref_squeeze %dma_wait3A_133 : memref<1x8x1024xf32, #tpu.memory_space<vmem>> -> memref<8x1024xf32, #tpu.memory_space<vmem>>
    %dma_wait3A_135 = arith.constant 0 : i32
    %dma_wait3A_136 = arith.constant 0 : i32
    %dma_wait3A_137 = tpu.memref_slice %arg2[%dma_wait3A_121, %dma_wait3A_135, %dma_wait3A_136] : memref<4x2048x1024xf32, #tpu.memory_space<hbm>> -> memref<1x8x1024xf32, #tpu.memory_space<hbm>>
    %dma_wait3A_138 = tpu.memref_squeeze %dma_wait3A_137 : memref<1x8x1024xf32, #tpu.memory_space<hbm>> -> memref<8x1024xf32, #tpu.memory_space<hbm>>
    tpu.wait_dma2 semaphore(%arg7 : memref<!tpu.dma_semaphore, #tpu.memory_space<semaphore_mem>>) src(%dma_wait3A_138 : memref<8x1024xf32, #tpu.memory_space<hbm>>) dst(%dma_wait3A_134 : memref<8x1024xf32, #tpu.memory_space<vmem>>)
    %dma_wait3A_139 = arith.constant 0 : i32
    %dma_wait3A_140 = arith.constant 3 : i32
    %dma_wait3A_141 = arith.constant 0 : i32
    %dma_wait3A_142 = arith.constant 0 : i32
    %dma_wait3A_143 = tpu.memref_slice %arg6[%dma_wait3A_140, %dma_wait3A_141, %dma_wait3A_142] : memref<4x8x1024xf32, #tpu.memory_space<vmem>> -> memref<1x8x1024xf32, #tpu.memory_space<vmem>>
    %dma_wait3A_144 = tpu.memref_squeeze %dma_wait3A_143 : memref<1x8x1024xf32, #tpu.memory_space<vmem>> -> memref<8x1024xf32, #tpu.memory_space<vmem>>
    %dma_wait3A_145 = arith.constant 0 : i32
    %dma_wait3A_146 = arith.constant 0 : i32
    %dma_wait3A_147 = tpu.memref_slice %arg2[%dma_wait3A_139, %dma_wait3A_145, %dma_wait3A_146] : memref<4x2048x1024xf32, #tpu.memory_space<hbm>> -> memref<1x8x1024xf32, #tpu.memory_space<hbm>>
    %dma_wait3A_148 = tpu.memref_squeeze %dma_wait3A_147 : memref<1x8x1024xf32, #tpu.memory_space<hbm>> -> memref<8x1024xf32, #tpu.memory_space<hbm>>
    %dma_wait3A_149 = arith.constant 0 : i32
    %dma_wait3A_150 = arith.constant 0 : i32
    %dma_wait3A_151 = tpu.memref_slice %arg6[%dma_wait3A_140, %dma_wait3A_149, %dma_wait3A_150] : memref<4x8x1024xf32, #tpu.memory_space<vmem>> -> memref<1x8x1024xf32, #tpu.memory_space<vmem>>
    %dma_wait3A_152 = tpu.memref_squeeze %dma_wait3A_151 : memref<1x8x1024xf32, #tpu.memory_space<vmem>> -> memref<8x1024xf32, #tpu.memory_space<vmem>>
    %dma_wait3A_153 = arith.constant 0 : i32
    %dma_wait3A_154 = arith.constant 0 : i32
    %dma_wait3A_155 = tpu.memref_slice %arg2[%dma_wait3A_139, %dma_wait3A_153, %dma_wait3A_154] : memref<4x2048x1024xf32, #tpu.memory_space<hbm>> -> memref<1x8x1024xf32, #tpu.memory_space<hbm>>
    %dma_wait3A_156 = tpu.memref_squeeze %dma_wait3A_155 : memref<1x8x1024xf32, #tpu.memory_space<hbm>> -> memref<8x1024xf32, #tpu.memory_space<hbm>>
    tpu.wait_dma2 semaphore(%arg7 : memref<!tpu.dma_semaphore, #tpu.memory_space<semaphore_mem>>) src(%dma_wait3A_156 : memref<8x1024xf32, #tpu.memory_space<hbm>>) dst(%dma_wait3A_152 : memref<8x1024xf32, #tpu.memory_space<vmem>>)
    %parallel_loop3A = arith.constant 0 : i32
    %parallel_loop3A_157 = arith.constant 8 : i32
    %parallel_loop3A_158 = arith.constant 1 : i32
    scf.for %parallel_loop3A_295 = %parallel_loop3A to %parallel_loop3A_157 step %parallel_loop3A_158  : i32 {
      %parallel_loop3A_296 = arith.index_cast %parallel_loop3A_295 : i32 to index
      %parallel_loop3A_297 = arith.constant 0 : index
      %parallel_loop3A_298 = tpu.vector_load %arg5[%parallel_loop3A_296, %parallel_loop3A_297] {strides = array<i32>} : memref<8x1024xf32, #tpu.memory_space<vmem>>, vector<1x16xf32>,
      %parallel_loop3A_299 = vector.shape_cast %parallel_loop3A_298 : vector<1x16xf32> to vector<16xf32>
      %parallel_loop3A_300 = arith.index_cast %parallel_loop3A_295 : i32 to index
      %parallel_loop3A_301 = arith.constant 16 : index
      %parallel_loop3A_302 = tpu.vector_load %arg5[%parallel_loop3A_300, %parallel_loop3A_301] {strides = array<i32>} : memref<8x1024xf32, #tpu.memory_space<vmem>>, vector<1x16xf32>,
      %parallel_loop3A_303 = vector.shape_cast %parallel_loop3A_302 : vector<1x16xf32> to vector<16xf32>
      %parallel_loop3A_304 = arith.index_cast %parallel_loop3A_295 : i32 to index
      %parallel_loop3A_305 = arith.constant 32 : index
      %parallel_loop3A_306 = tpu.vector_load %arg5[%parallel_loop3A_304, %parallel_loop3A_305] {strides = array<i32>} : memref<8x1024xf32, #tpu.memory_space<vmem>>, vector<1x16xf32>,
      %parallel_loop3A_307 = vector.shape_cast %parallel_loop3A_306 : vector<1x16xf32> to vector<16xf32>
      %parallel_loop3A_308 = arith.index_cast %parallel_loop3A_295 : i32 to index
      %parallel_loop3A_309 = arith.constant 48 : index
      %parallel_loop3A_310 = tpu.vector_load %arg5[%parallel_loop3A_308, %parallel_loop3A_309] {strides = array<i32>} : memref<8x1024xf32, #tpu.memory_space<vmem>>, vector<1x16xf32>,
      %parallel_loop3A_311 = vector.shape_cast %parallel_loop3A_310 : vector<1x16xf32> to vector<16xf32>
      %parallel_loop3A_312 = arith.constant 0 : i32
      %parallel_loop3A_313 = arith.index_cast %parallel_loop3A_312 : i32 to index
      %parallel_loop3A_314 = arith.index_cast %parallel_loop3A_295 : i32 to index
      %parallel_loop3A_315 = arith.constant 0 : index
      %parallel_loop3A_316 = tpu.vector_load %arg6[%parallel_loop3A_313, %parallel_loop3A_314, %parallel_loop3A_315] {strides = array<i32>} : memref<4x8x1024xf32, #tpu.memory_space<vmem>>, vector<1x1x16xf32>,
      %parallel_loop3A_317 = vector.shape_cast %parallel_loop3A_316 : vector<1x1x16xf32> to vector<16xf32>
      %parallel_loop3A_318 = vector.shape_cast %parallel_loop3A_299 : vector<16xf32> to vector<1x1x16xf32>
      tpu.vector_store %arg6[%parallel_loop3A_313, %parallel_loop3A_314, %parallel_loop3A_315], %parallel_loop3A_318 {add = true, strides = array<i32>} : memref<4x8x1024xf32, #tpu.memory_space<vmem>>, vector<1x1x16xf32>,
      %parallel_loop3A_319 = arith.constant 0 : i32
      %parallel_loop3A_320 = arith.index_cast %parallel_loop3A_319 : i32 to index
      %parallel_loop3A_321 = arith.index_cast %parallel_loop3A_295 : i32 to index
      %parallel_loop3A_322 = arith.constant 16 : index
      %parallel_loop3A_323 = tpu.vector_load %arg6[%parallel_loop3A_320, %parallel_loop3A_321, %parallel_loop3A_322] {strides = array<i32>} : memref<4x8x1024xf32, #tpu.memory_space<vmem>>, vector<1x1x16xf32>,
      %parallel_loop3A_324 = vector.shape_cast %parallel_loop3A_323 : vector<1x1x16xf32> to vector<16xf32>
      %parallel_loop3A_325 = vector.shape_cast %parallel_loop3A_303 : vector<16xf32> to vector<1x1x16xf32>
      tpu.vector_store %arg6[%parallel_loop3A_320, %parallel_loop3A_321, %parallel_loop3A_322], %parallel_loop3A_325 {add = true, strides = array<i32>} : memref<4x8x1024xf32, #tpu.memory_space<vmem>>, vector<1x1x16xf32>,
      %parallel_loop3A_326 = arith.constant 0 : i32
      %parallel_loop3A_327 = arith.index_cast %parallel_loop3A_326 : i32 to index
      %parallel_loop3A_328 = arith.index_cast %parallel_loop3A_295 : i32 to index
      %parallel_loop3A_329 = arith.constant 32 : index
      %parallel_loop3A_330 = tpu.vector_load %arg6[%parallel_loop3A_327, %parallel_loop3A_328, %parallel_loop3A_329] {strides = array<i32>} : memref<4x8x1024xf32, #tpu.memory_space<vmem>>, vector<1x1x16xf32>,
      %parallel_loop3A_331 = vector.shape_cast %parallel_loop3A_330 : vector<1x1x16xf32> to vector<16xf32>
      %parallel_loop3A_332 = vector.shape_cast %parallel_loop3A_307 : vector<16xf32> to vector<1x1x16xf32>
      tpu.vector_store %arg6[%parallel_loop3A_327, %parallel_loop3A_328, %parallel_loop3A_329], %parallel_loop3A_332 {add = true, strides = array<i32>} : memref<4x8x1024xf32, #tpu.memory_space<vmem>>, vector<1x1x16xf32>,
      %parallel_loop3A_333 = arith.constant 0 : i32
      %parallel_loop3A_334 = arith.index_cast %parallel_loop3A_333 : i32 to index
      %parallel_loop3A_335 = arith.index_cast %parallel_loop3A_295 : i32 to index
      %parallel_loop3A_336 = arith.constant 48 : index
      %parallel_loop3A_337 = tpu.vector_load %arg6[%parallel_loop3A_334, %parallel_loop3A_335, %parallel_loop3A_336] {strides = array<i32>} : memref<4x8x1024xf32, #tpu.memory_space<vmem>>, vector<1x1x16xf32>,
      %parallel_loop3A_338 = vector.shape_cast %parallel_loop3A_337 : vector<1x1x16xf32> to vector<16xf32>
      %parallel_loop3A_339 = vector.shape_cast %parallel_loop3A_311 : vector<16xf32> to vector<1x1x16xf32>
      tpu.vector_store %arg6[%parallel_loop3A_334, %parallel_loop3A_335, %parallel_loop3A_336], %parallel_loop3A_339 {add = true, strides = array<i32>} : memref<4x8x1024xf32, #tpu.memory_space<vmem>>, vector<1x1x16xf32>,
      %parallel_loop3A_340 = arith.constant 1 : i32
      %parallel_loop3A_341 = arith.index_cast %parallel_loop3A_340 : i32 to index
      %parallel_loop3A_342 = arith.index_cast %parallel_loop3A_295 : i32 to index
      %parallel_loop3A_343 = arith.constant 0 : index
      %parallel_loop3A_344 = tpu.vector_load %arg6[%parallel_loop3A_341, %parallel_loop3A_342, %parallel_loop3A_343] {strides = array<i32>} : memref<4x8x1024xf32, #tpu.memory_space<vmem>>, vector<1x1x16xf32>,
      %parallel_loop3A_345 = vector.shape_cast %parallel_loop3A_344 : vector<1x1x16xf32> to vector<16xf32>
      %parallel_loop3A_346 = vector.shape_cast %parallel_loop3A_299 : vector<16xf32> to vector<1x1x16xf32>
      tpu.vector_store %arg6[%parallel_loop3A_341, %parallel_loop3A_342, %parallel_loop3A_343], %parallel_loop3A_346 {add = true, strides = array<i32>} : memref<4x8x1024xf32, #tpu.memory_space<vmem>>, vector<1x1x16xf32>,
      %parallel_loop3A_347 = arith.constant 1 : i32
      %parallel_loop3A_348 = arith.index_cast %parallel_loop3A_347 : i32 to index
      %parallel_loop3A_349 = arith.index_cast %parallel_loop3A_295 : i32 to index
      %parallel_loop3A_350 = arith.constant 16 : index
      %parallel_loop3A_351 = tpu.vector_load %arg6[%parallel_loop3A_348, %parallel_loop3A_349, %parallel_loop3A_350] {strides = array<i32>} : memref<4x8x1024xf32, #tpu.memory_space<vmem>>, vector<1x1x16xf32>,
      %parallel_loop3A_352 = vector.shape_cast %parallel_loop3A_351 : vector<1x1x16xf32> to vector<16xf32>
      %parallel_loop3A_353 = vector.shape_cast %parallel_loop3A_303 : vector<16xf32> to vector<1x1x16xf32>
      tpu.vector_store %arg6[%parallel_loop3A_348, %parallel_loop3A_349, %parallel_loop3A_350], %parallel_loop3A_353 {add = true, strides = array<i32>} : memref<4x8x1024xf32, #tpu.memory_space<vmem>>, vector<1x1x16xf32>,
      %parallel_loop3A_354 = arith.constant 1 : i32
      %parallel_loop3A_355 = arith.index_cast %parallel_loop3A_354 : i32 to index
      %parallel_loop3A_356 = arith.index_cast %parallel_loop3A_295 : i32 to index
      %parallel_loop3A_357 = arith.constant 32 : index
      %parallel_loop3A_358 = tpu.vector_load %arg6[%parallel_loop3A_355, %parallel_loop3A_356, %parallel_loop3A_357] {strides = array<i32>} : memref<4x8x1024xf32, #tpu.memory_space<vmem>>, vector<1x1x16xf32>,
      %parallel_loop3A_359 = vector.shape_cast %parallel_loop3A_358 : vector<1x1x16xf32> to vector<16xf32>
      %parallel_loop3A_360 = vector.shape_cast %parallel_loop3A_307 : vector<16xf32> to vector<1x1x16xf32>
      tpu.vector_store %arg6[%parallel_loop3A_355, %parallel_loop3A_356, %parallel_loop3A_357], %parallel_loop3A_360 {add = true, strides = array<i32>} : memref<4x8x1024xf32, #tpu.memory_space<vmem>>, vector<1x1x16xf32>,
      %parallel_loop3A_361 = arith.constant 1 : i32
      %parallel_loop3A_362 = arith.index_cast %parallel_loop3A_361 : i32 to index
      %parallel_loop3A_363 = arith.index_cast %parallel_loop3A_295 : i32 to index
      %parallel_loop3A_364 = arith.constant 48 : index
      %parallel_loop3A_365 = tpu.vector_load %arg6[%parallel_loop3A_362, %parallel_loop3A_363, %parallel_loop3A_364] {strides = array<i32>} : memref<4x8x1024xf32, #tpu.memory_space<vmem>>, vector<1x1x16xf32>,
      %parallel_loop3A_366 = vector.shape_cast %parallel_loop3A_365 : vector<1x1x16xf32> to vector<16xf32>
      %parallel_loop3A_367 = vector.shape_cast %parallel_loop3A_311 : vector<16xf32> to vector<1x1x16xf32>
      tpu.vector_store %arg6[%parallel_loop3A_362, %parallel_loop3A_363, %parallel_loop3A_364], %parallel_loop3A_367 {add = true, strides = array<i32>} : memref<4x8x1024xf32, #tpu.memory_space<vmem>>, vector<1x1x16xf32>,
      %parallel_loop3A_368 = arith.constant 2 : i32
      %parallel_loop3A_369 = arith.index_cast %parallel_loop3A_368 : i32 to index
      %parallel_loop3A_370 = arith.index_cast %parallel_loop3A_295 : i32 to index
      %parallel_loop3A_371 = arith.constant 0 : index
      %parallel_loop3A_372 = tpu.vector_load %arg6[%parallel_loop3A_369, %parallel_loop3A_370, %parallel_loop3A_371] {strides = array<i32>} : memref<4x8x1024xf32, #tpu.memory_space<vmem>>, vector<1x1x16xf32>,
      %parallel_loop3A_373 = vector.shape_cast %parallel_loop3A_372 : vector<1x1x16xf32> to vector<16xf32>
      %parallel_loop3A_374 = vector.shape_cast %parallel_loop3A_299 : vector<16xf32> to vector<1x1x16xf32>
      tpu.vector_store %arg6[%parallel_loop3A_369, %parallel_loop3A_370, %parallel_loop3A_371], %parallel_loop3A_374 {add = true, strides = array<i32>} : memref<4x8x1024xf32, #tpu.memory_space<vmem>>, vector<1x1x16xf32>,
      %parallel_loop3A_375 = arith.constant 2 : i32
      %parallel_loop3A_376 = arith.index_cast %parallel_loop3A_375 : i32 to index
      %parallel_loop3A_377 = arith.index_cast %parallel_loop3A_295 : i32 to index
      %parallel_loop3A_378 = arith.constant 16 : index
      %parallel_loop3A_379 = tpu.vector_load %arg6[%parallel_loop3A_376, %parallel_loop3A_377, %parallel_loop3A_378] {strides = array<i32>} : memref<4x8x1024xf32, #tpu.memory_space<vmem>>, vector<1x1x16xf32>,
      %parallel_loop3A_380 = vector.shape_cast %parallel_loop3A_379 : vector<1x1x16xf32> to vector<16xf32>
      %parallel_loop3A_381 = vector.shape_cast %parallel_loop3A_303 : vector<16xf32> to vector<1x1x16xf32>
      tpu.vector_store %arg6[%parallel_loop3A_376, %parallel_loop3A_377, %parallel_loop3A_378], %parallel_loop3A_381 {add = true, strides = array<i32>} : memref<4x8x1024xf32, #tpu.memory_space<vmem>>, vector<1x1x16xf32>,
      %parallel_loop3A_382 = arith.constant 2 : i32
      %parallel_loop3A_383 = arith.index_cast %parallel_loop3A_382 : i32 to index
      %parallel_loop3A_384 = arith.index_cast %parallel_loop3A_295 : i32 to index
      %parallel_loop3A_385 = arith.constant 32 : index
      %parallel_loop3A_386 = tpu.vector_load %arg6[%parallel_loop3A_383, %parallel_loop3A_384, %parallel_loop3A_385] {strides = array<i32>} : memref<4x8x1024xf32, #tpu.memory_space<vmem>>, vector<1x1x16xf32>,
      %parallel_loop3A_387 = vector.shape_cast %parallel_loop3A_386 : vector<1x1x16xf32> to vector<16xf32>
      %parallel_loop3A_388 = vector.shape_cast %parallel_loop3A_307 : vector<16xf32> to vector<1x1x16xf32>
      tpu.vector_store %arg6[%parallel_loop3A_383, %parallel_loop3A_384, %parallel_loop3A_385], %parallel_loop3A_388 {add = true, strides = array<i32>} : memref<4x8x1024xf32, #tpu.memory_space<vmem>>, vector<1x1x16xf32>,
      %parallel_loop3A_389 = arith.constant 2 : i32
      %parallel_loop3A_390 = arith.index_cast %parallel_loop3A_389 : i32 to index
      %parallel_loop3A_391 = arith.index_cast %parallel_loop3A_295 : i32 to index
      %parallel_loop3A_392 = arith.constant 48 : index
      %parallel_loop3A_393 = tpu.vector_load %arg6[%parallel_loop3A_390, %parallel_loop3A_391, %parallel_loop3A_392] {strides = array<i32>} : memref<4x8x1024xf32, #tpu.memory_space<vmem>>, vector<1x1x16xf32>,
      %parallel_loop3A_394 = vector.shape_cast %parallel_loop3A_393 : vector<1x1x16xf32> to vector<16xf32>
      %parallel_loop3A_395 = vector.shape_cast %parallel_loop3A_311 : vector<16xf32> to vector<1x1x16xf32>
      tpu.vector_store %arg6[%parallel_loop3A_390, %parallel_loop3A_391, %parallel_loop3A_392], %parallel_loop3A_395 {add = true, strides = array<i32>} : memref<4x8x1024xf32, #tpu.memory_space<vmem>>, vector<1x1x16xf32>,
      %parallel_loop3A_396 = arith.constant 3 : i32
      %parallel_loop3A_397 = arith.index_cast %parallel_loop3A_396 : i32 to index
      %parallel_loop3A_398 = arith.index_cast %parallel_loop3A_295 : i32 to index
      %parallel_loop3A_399 = arith.constant 0 : index
      %parallel_loop3A_400 = tpu.vector_load %arg6[%parallel_loop3A_397, %parallel_loop3A_398, %parallel_loop3A_399] {strides = array<i32>} : memref<4x8x1024xf32, #tpu.memory_space<vmem>>, vector<1x1x16xf32>,
      %parallel_loop3A_401 = vector.shape_cast %parallel_loop3A_400 : vector<1x1x16xf32> to vector<16xf32>
      %parallel_loop3A_402 = vector.shape_cast %parallel_loop3A_299 : vector<16xf32> to vector<1x1x16xf32>
      tpu.vector_store %arg6[%parallel_loop3A_397, %parallel_loop3A_398, %parallel_loop3A_399], %parallel_loop3A_402 {add = true, strides = array<i32>} : memref<4x8x1024xf32, #tpu.memory_space<vmem>>, vector<1x1x16xf32>,
      %parallel_loop3A_403 = arith.constant 3 : i32
      %parallel_loop3A_404 = arith.index_cast %parallel_loop3A_403 : i32 to index
      %parallel_loop3A_405 = arith.index_cast %parallel_loop3A_295 : i32 to index
      %parallel_loop3A_406 = arith.constant 16 : index
      %parallel_loop3A_407 = tpu.vector_load %arg6[%parallel_loop3A_404, %parallel_loop3A_405, %parallel_loop3A_406] {strides = array<i32>} : memref<4x8x1024xf32, #tpu.memory_space<vmem>>, vector<1x1x16xf32>,
      %parallel_loop3A_408 = vector.shape_cast %parallel_loop3A_407 : vector<1x1x16xf32> to vector<16xf32>
      %parallel_loop3A_409 = vector.shape_cast %parallel_loop3A_303 : vector<16xf32> to vector<1x1x16xf32>
      tpu.vector_store %arg6[%parallel_loop3A_404, %parallel_loop3A_405, %parallel_loop3A_406], %parallel_loop3A_409 {add = true, strides = array<i32>} : memref<4x8x1024xf32, #tpu.memory_space<vmem>>, vector<1x1x16xf32>,
      %parallel_loop3A_410 = arith.constant 3 : i32
      %parallel_loop3A_411 = arith.index_cast %parallel_loop3A_410 : i32 to index
      %parallel_loop3A_412 = arith.index_cast %parallel_loop3A_295 : i32 to index
      %parallel_loop3A_413 = arith.constant 32 : index
      %parallel_loop3A_414 = tpu.vector_load %arg6[%parallel_loop3A_411, %parallel_loop3A_412, %parallel_loop3A_413] {strides = array<i32>} : memref<4x8x1024xf32, #tpu.memory_space<vmem>>, vector<1x1x16xf32>,
      %parallel_loop3A_415 = vector.shape_cast %parallel_loop3A_414 : vector<1x1x16xf32> to vector<16xf32>
      %parallel_loop3A_416 = vector.shape_cast %parallel_loop3A_307 : vector<16xf32> to vector<1x1x16xf32>
      tpu.vector_store %arg6[%parallel_loop3A_411, %parallel_loop3A_412, %parallel_loop3A_413], %parallel_loop3A_416 {add = true, strides = array<i32>} : memref<4x8x1024xf32, #tpu.memory_space<vmem>>, vector<1x1x16xf32>,
      %parallel_loop3A_417 = arith.constant 3 : i32
      %parallel_loop3A_418 = arith.index_cast %parallel_loop3A_417 : i32 to index
      %parallel_loop3A_419 = arith.index_cast %parallel_loop3A_295 : i32 to index
      %parallel_loop3A_420 = arith.constant 48 : index
      %parallel_loop3A_421 = tpu.vector_load %arg6[%parallel_loop3A_418, %parallel_loop3A_419, %parallel_loop3A_420] {strides = array<i32>} : memref<4x8x1024xf32, #tpu.memory_space<vmem>>, vector<1x1x16xf32>,
      %parallel_loop3A_422 = vector.shape_cast %parallel_loop3A_421 : vector<1x1x16xf32> to vector<16xf32>
      %parallel_loop3A_423 = vector.shape_cast %parallel_loop3A_311 : vector<16xf32> to vector<1x1x16xf32>
      tpu.vector_store %arg6[%parallel_loop3A_418, %parallel_loop3A_419, %parallel_loop3A_420], %parallel_loop3A_423 {add = true, strides = array<i32>} : memref<4x8x1024xf32, #tpu.memory_space<vmem>>, vector<1x1x16xf32>,
      %parallel_loop3A_424 = arith.index_cast %parallel_loop3A_295 : i32 to index
      %parallel_loop3A_425 = arith.constant 64 : index
      %parallel_loop3A_426 = tpu.vector_load %arg5[%parallel_loop3A_424, %parallel_loop3A_425] {strides = array<i32>} : memref<8x1024xf32, #tpu.memory_space<vmem>>, vector<1x16xf32>,
      %parallel_loop3A_427 = vector.shape_cast %parallel_loop3A_426 : vector<1x16xf32> to vector<16xf32>
      %parallel_loop3A_428 = arith.index_cast %parallel_loop3A_295 : i32 to index
      %parallel_loop3A_429 = arith.constant 80 : index
      %parallel_loop3A_430 = tpu.vector_load %arg5[%parallel_loop3A_428, %parallel_loop3A_429] {strides = array<i32>} : memref<8x1024xf32, #tpu.memory_space<vmem>>, vector<1x16xf32>,
      %parallel_loop3A_431 = vector.shape_cast %parallel_loop3A_430 : vector<1x16xf32> to vector<16xf32>
      %parallel_loop3A_432 = arith.index_cast %parallel_loop3A_295 : i32 to index
      %parallel_loop3A_433 = arith.constant 96 : index
      %parallel_loop3A_434 = tpu.vector_load %arg5[%parallel_loop3A_432, %parallel_loop3A_433] {strides = array<i32>} : memref<8x1024xf32, #tpu.memory_space<vmem>>, vector<1x16xf32>,
      %parallel_loop3A_435 = vector.shape_cast %parallel_loop3A_434 : vector<1x16xf32> to vector<16xf32>
      %parallel_loop3A_436 = arith.index_cast %parallel_loop3A_295 : i32 to index
      %parallel_loop3A_437 = arith.constant 112 : index
      %parallel_loop3A_438 = tpu.vector_load %arg5[%parallel_loop3A_436, %parallel_loop3A_437] {strides = array<i32>} : memref<8x1024xf32, #tpu.memory_space<vmem>>, vector<1x16xf32>,
      %parallel_loop3A_439 = vector.shape_cast %parallel_loop3A_438 : vector<1x16xf32> to vector<16xf32>
      %parallel_loop3A_440 = arith.constant 0 : i32
      %parallel_loop3A_441 = arith.index_cast %parallel_loop3A_440 : i32 to index
      %parallel_loop3A_442 = arith.index_cast %parallel_loop3A_295 : i32 to index
      %parallel_loop3A_443 = arith.constant 64 : index
      %parallel_loop3A_444 = tpu.vector_load %arg6[%parallel_loop3A_441, %parallel_loop3A_442, %parallel_loop3A_443] {strides = array<i32>} : memref<4x8x1024xf32, #tpu.memory_space<vmem>>, vector<1x1x16xf32>,
      %parallel_loop3A_445 = vector.shape_cast %parallel_loop3A_444 : vector<1x1x16xf32> to vector<16xf32>
      %parallel_loop3A_446 = vector.shape_cast %parallel_loop3A_427 : vector<16xf32> to vector<1x1x16xf32>
      tpu.vector_store %arg6[%parallel_loop3A_441, %parallel_loop3A_442, %parallel_loop3A_443], %parallel_loop3A_446 {add = true, strides = array<i32>} : memref<4x8x1024xf32, #tpu.memory_space<vmem>>, vector<1x1x16xf32>,
      %parallel_loop3A_447 = arith.constant 0 : i32
      %parallel_loop3A_448 = arith.index_cast %parallel_loop3A_447 : i32 to index
      %parallel_loop3A_449 = arith.index_cast %parallel_loop3A_295 : i32 to index
      %parallel_loop3A_450 = arith.constant 80 : index
      %parallel_loop3A_451 = tpu.vector_load %arg6[%parallel_loop3A_448, %parallel_loop3A_449, %parallel_loop3A_450] {strides = array<i32>} : memref<4x8x1024xf32, #tpu.memory_space<vmem>>, vector<1x1x16xf32>,
      %parallel_loop3A_452 = vector.shape_cast %parallel_loop3A_451 : vector<1x1x16xf32> to vector<16xf32>
      %parallel_loop3A_453 = vector.shape_cast %parallel_loop3A_431 : vector<16xf32> to vector<1x1x16xf32>
      tpu.vector_store %arg6[%parallel_loop3A_448, %parallel_loop3A_449, %parallel_loop3A_450], %parallel_loop3A_453 {add = true, strides = array<i32>} : memref<4x8x1024xf32, #tpu.memory_space<vmem>>, vector<1x1x16xf32>,
      %parallel_loop3A_454 = arith.constant 0 : i32
      %parallel_loop3A_455 = arith.index_cast %parallel_loop3A_454 : i32 to index
      %parallel_loop3A_456 = arith.index_cast %parallel_loop3A_295 : i32 to index
      %parallel_loop3A_457 = arith.constant 96 : index
      %parallel_loop3A_458 = tpu.vector_load %arg6[%parallel_loop3A_455, %parallel_loop3A_456, %parallel_loop3A_457] {strides = array<i32>} : memref<4x8x1024xf32, #tpu.memory_space<vmem>>, vector<1x1x16xf32>,
      %parallel_loop3A_459 = vector.shape_cast %parallel_loop3A_458 : vector<1x1x16xf32> to vector<16xf32>
      %parallel_loop3A_460 = vector.shape_cast %parallel_loop3A_435 : vector<16xf32> to vector<1x1x16xf32>
      tpu.vector_store %arg6[%parallel_loop3A_455, %parallel_loop3A_456, %parallel_loop3A_457], %parallel_loop3A_460 {add = true, strides = array<i32>} : memref<4x8x1024xf32, #tpu.memory_space<vmem>>, vector<1x1x16xf32>,
      %parallel_loop3A_461 = arith.constant 0 : i32
      %parallel_loop3A_462 = arith.index_cast %parallel_loop3A_461 : i32 to index
      %parallel_loop3A_463 = arith.index_cast %parallel_loop3A_295 : i32 to index
      %parallel_loop3A_464 = arith.constant 112 : index
      %parallel_loop3A_465 = tpu.vector_load %arg6[%parallel_loop3A_462, %parallel_loop3A_463, %parallel_loop3A_464] {strides = array<i32>} : memref<4x8x1024xf32, #tpu.memory_space<vmem>>, vector<1x1x16xf32>,
      %parallel_loop3A_466 = vector.shape_cast %parallel_loop3A_465 : vector<1x1x16xf32> to vector<16xf32>
      %parallel_loop3A_467 = vector.shape_cast %parallel_loop3A_439 : vector<16xf32> to vector<1x1x16xf32>
      tpu.vector_store %arg6[%parallel_loop3A_462, %parallel_loop3A_463, %parallel_loop3A_464], %parallel_loop3A_467 {add = true, strides = array<i32>} : memref<4x8x1024xf32, #tpu.memory_space<vmem>>, vector<1x1x16xf32>,
      %parallel_loop3A_468 = arith.constant 1 : i32
      %parallel_loop3A_469 = arith.index_cast %parallel_loop3A_468 : i32 to index
      %parallel_loop3A_470 = arith.index_cast %parallel_loop3A_295 : i32 to index
      %parallel_loop3A_471 = arith.constant 64 : index
      %parallel_loop3A_472 = tpu.vector_load %arg6[%parallel_loop3A_469, %parallel_loop3A_470, %parallel_loop3A_471] {strides = array<i32>} : memref<4x8x1024xf32, #tpu.memory_space<vmem>>, vector<1x1x16xf32>,
      %parallel_loop3A_473 = vector.shape_cast %parallel_loop3A_472 : vector<1x1x16xf32> to vector<16xf32>
      %parallel_loop3A_474 = vector.shape_cast %parallel_loop3A_427 : vector<16xf32> to vector<1x1x16xf32>
      tpu.vector_store %arg6[%parallel_loop3A_469, %parallel_loop3A_470, %parallel_loop3A_471], %parallel_loop3A_474 {add = true, strides = array<i32>} : memref<4x8x1024xf32, #tpu.memory_space<vmem>>, vector<1x1x16xf32>,
      %parallel_loop3A_475 = arith.constant 1 : i32
      %parallel_loop3A_476 = arith.index_cast %parallel_loop3A_475 : i32 to index
      %parallel_loop3A_477 = arith.index_cast %parallel_loop3A_295 : i32 to index
      %parallel_loop3A_478 = arith.constant 80 : index
      %parallel_loop3A_479 = tpu.vector_load %arg6[%parallel_loop3A_476, %parallel_loop3A_477, %parallel_loop3A_478] {strides = array<i32>} : memref<4x8x1024xf32, #tpu.memory_space<vmem>>, vector<1x1x16xf32>,
      %parallel_loop3A_480 = vector.shape_cast %parallel_loop3A_479 : vector<1x1x16xf32> to vector<16xf32>
      %parallel_loop3A_481 = vector.shape_cast %parallel_loop3A_431 : vector<16xf32> to vector<1x1x16xf32>
      tpu.vector_store %arg6[%parallel_loop3A_476, %parallel_loop3A_477, %parallel_loop3A_478], %parallel_loop3A_481 {add = true, strides = array<i32>} : memref<4x8x1024xf32, #tpu.memory_space<vmem>>, vector<1x1x16xf32>,
      %parallel_loop3A_482 = arith.constant 1 : i32
      %parallel_loop3A_483 = arith.index_cast %parallel_loop3A_482 : i32 to index
      %parallel_loop3A_484 = arith.index_cast %parallel_loop3A_295 : i32 to index
      %parallel_loop3A_485 = arith.constant 96 : index
      %parallel_loop3A_486 = tpu.vector_load %arg6[%parallel_loop3A_483, %parallel_loop3A_484, %parallel_loop3A_485] {strides = array<i32>} : memref<4x8x1024xf32, #tpu.memory_space<vmem>>, vector<1x1x16xf32>,
      %parallel_loop3A_487 = vector.shape_cast %parallel_loop3A_486 : vector<1x1x16xf32> to vector<16xf32>
      %parallel_loop3A_488 = vector.shape_cast %parallel_loop3A_435 : vector<16xf32> to vector<1x1x16xf32>
      tpu.vector_store %arg6[%parallel_loop3A_483, %parallel_loop3A_484, %parallel_loop3A_485], %parallel_loop3A_488 {add = true, strides = array<i32>} : memref<4x8x1024xf32, #tpu.memory_space<vmem>>, vector<1x1x16xf32>,
      %parallel_loop3A_489 = arith.constant 1 : i32
      %parallel_loop3A_490 = arith.index_cast %parallel_loop3A_489 : i32 to index
      %parallel_loop3A_491 = arith.index_cast %parallel_loop3A_295 : i32 to index
      %parallel_loop3A_492 = arith.constant 112 : index
      %parallel_loop3A_493 = tpu.vector_load %arg6[%parallel_loop3A_490, %parallel_loop3A_491, %parallel_loop3A_492] {strides = array<i32>} : memref<4x8x1024xf32, #tpu.memory_space<vmem>>, vector<1x1x16xf32>,
      %parallel_loop3A_494 = vector.shape_cast %parallel_loop3A_493 : vector<1x1x16xf32> to vector<16xf32>
      %parallel_loop3A_495 = vector.shape_cast %parallel_loop3A_439 : vector<16xf32> to vector<1x1x16xf32>
      tpu.vector_store %arg6[%parallel_loop3A_490, %parallel_loop3A_491, %parallel_loop3A_492], %parallel_loop3A_495 {add = true, strides = array<i32>} : memref<4x8x1024xf32, #tpu.memory_space<vmem>>, vector<1x1x16xf32>,
      %parallel_loop3A_496 = arith.constant 2 : i32
      %parallel_loop3A_497 = arith.index_cast %parallel_loop3A_496 : i32 to index
      %parallel_loop3A_498 = arith.index_cast %parallel_loop3A_295 : i32 to index
      %parallel_loop3A_499 = arith.constant 64 : index
      %parallel_loop3A_500 = tpu.vector_load %arg6[%parallel_loop3A_497, %parallel_loop3A_498, %parallel_loop3A_499] {strides = array<i32>} : memref<4x8x1024xf32, #tpu.memory_space<vmem>>, vector<1x1x16xf32>,
      %parallel_loop3A_501 = vector.shape_cast %parallel_loop3A_500 : vector<1x1x16xf32> to vector<16xf32>
      %parallel_loop3A_502 = vector.shape_cast %parallel_loop3A_427 : vector<16xf32> to vector<1x1x16xf32>
      tpu.vector_store %arg6[%parallel_loop3A_497, %parallel_loop3A_498, %parallel_loop3A_499], %parallel_loop3A_502 {add = true, strides = array<i32>} : memref<4x8x1024xf32, #tpu.memory_space<vmem>>, vector<1x1x16xf32>,
      %parallel_loop3A_503 = arith.constant 2 : i32
      %parallel_loop3A_504 = arith.index_cast %parallel_loop3A_503 : i32 to index
      %parallel_loop3A_505 = arith.index_cast %parallel_loop3A_295 : i32 to index
      %parallel_loop3A_506 = arith.constant 80 : index
      %parallel_loop3A_507 = tpu.vector_load %arg6[%parallel_loop3A_504, %parallel_loop3A_505, %parallel_loop3A_506] {strides = array<i32>} : memref<4x8x1024xf32, #tpu.memory_space<vmem>>, vector<1x1x16xf32>,
      %parallel_loop3A_508 = vector.shape_cast %parallel_loop3A_507 : vector<1x1x16xf32> to vector<16xf32>
      %parallel_loop3A_509 = vector.shape_cast %parallel_loop3A_431 : vector<16xf32> to vector<1x1x16xf32>
      tpu.vector_store %arg6[%parallel_loop3A_504, %parallel_loop3A_505, %parallel_loop3A_506], %parallel_loop3A_509 {add = true, strides = array<i32>} : memref<4x8x1024xf32, #tpu.memory_space<vmem>>, vector<1x1x16xf32>,
      %parallel_loop3A_510 = arith.constant 2 : i32
      %parallel_loop3A_511 = arith.index_cast %parallel_loop3A_510 : i32 to index
      %parallel_loop3A_512 = arith.index_cast %parallel_loop3A_295 : i32 to index
      %parallel_loop3A_513 = arith.constant 96 : index
      %parallel_loop3A_514 = tpu.vector_load %arg6[%parallel_loop3A_511, %parallel_loop3A_512, %parallel_loop3A_513] {strides = array<i32>} : memref<4x8x1024xf32, #tpu.memory_space<vmem>>, vector<1x1x16xf32>,
      %parallel_loop3A_515 = vector.shape_cast %parallel_loop3A_514 : vector<1x1x16xf32> to vector<16xf32>
      %parallel_loop3A_516 = vector.shape_cast %parallel_loop3A_435 : vector<16xf32> to vector<1x1x16xf32>
      tpu.vector_store %arg6[%parallel_loop3A_511, %parallel_loop3A_512, %parallel_loop3A_513], %parallel_loop3A_516 {add = true, strides = array<i32>} : memref<4x8x1024xf32, #tpu.memory_space<vmem>>, vector<1x1x16xf32>,
      %parallel_loop3A_517 = arith.constant 2 : i32
      %parallel_loop3A_518 = arith.index_cast %parallel_loop3A_517 : i32 to index
      %parallel_loop3A_519 = arith.index_cast %parallel_loop3A_295 : i32 to index
      %parallel_loop3A_520 = arith.constant 112 : index
      %parallel_loop3A_521 = tpu.vector_load %arg6[%parallel_loop3A_518, %parallel_loop3A_519, %parallel_loop3A_520] {strides = array<i32>} : memref<4x8x1024xf32, #tpu.memory_space<vmem>>, vector<1x1x16xf32>,
      %parallel_loop3A_522 = vector.shape_cast %parallel_loop3A_521 : vector<1x1x16xf32> to vector<16xf32>
      %parallel_loop3A_523 = vector.shape_cast %parallel_loop3A_439 : vector<16xf32> to vector<1x1x16xf32>
      tpu.vector_store %arg6[%parallel_loop3A_518, %parallel_loop3A_519, %parallel_loop3A_520], %parallel_loop3A_523 {add = true, strides = array<i32>} : memref<4x8x1024xf32, #tpu.memory_space<vmem>>, vector<1x1x16xf32>,
      %parallel_loop3A_524 = arith.constant 3 : i32
      %parallel_loop3A_525 = arith.index_cast %parallel_loop3A_524 : i32 to index
      %parallel_loop3A_526 = arith.index_cast %parallel_loop3A_295 : i32 to index
      %parallel_loop3A_527 = arith.constant 64 : index
      %parallel_loop3A_528 = tpu.vector_load %arg6[%parallel_loop3A_525, %parallel_loop3A_526, %parallel_loop3A_527] {strides = array<i32>} : memref<4x8x1024xf32, #tpu.memory_space<vmem>>, vector<1x1x16xf32>,
      %parallel_loop3A_529 = vector.shape_cast %parallel_loop3A_528 : vector<1x1x16xf32> to vector<16xf32>
      %parallel_loop3A_530 = vector.shape_cast %parallel_loop3A_427 : vector<16xf32> to vector<1x1x16xf32>
      tpu.vector_store %arg6[%parallel_loop3A_525, %parallel_loop3A_526, %parallel_loop3A_527], %parallel_loop3A_530 {add = true, strides = array<i32>} : memref<4x8x1024xf32, #tpu.memory_space<vmem>>, vector<1x1x16xf32>,
      %parallel_loop3A_531 = arith.constant 3 : i32
      %parallel_loop3A_532 = arith.index_cast %parallel_loop3A_531 : i32 to index
      %parallel_loop3A_533 = arith.index_cast %parallel_loop3A_295 : i32 to index
      %parallel_loop3A_534 = arith.constant 80 : index
      %parallel_loop3A_535 = tpu.vector_load %arg6[%parallel_loop3A_532, %parallel_loop3A_533, %parallel_loop3A_534] {strides = array<i32>} : memref<4x8x1024xf32, #tpu.memory_space<vmem>>, vector<1x1x16xf32>,
      %parallel_loop3A_536 = vector.shape_cast %parallel_loop3A_535 : vector<1x1x16xf32> to vector<16xf32>
      %parallel_loop3A_537 = vector.shape_cast %parallel_loop3A_431 : vector<16xf32> to vector<1x1x16xf32>
      tpu.vector_store %arg6[%parallel_loop3A_532, %parallel_loop3A_533, %parallel_loop3A_534], %parallel_loop3A_537 {add = true, strides = array<i32>} : memref<4x8x1024xf32, #tpu.memory_space<vmem>>, vector<1x1x16xf32>,
      %parallel_loop3A_538 = arith.constant 3 : i32
      %parallel_loop3A_539 = arith.index_cast %parallel_loop3A_538 : i32 to index
      %parallel_loop3A_540 = arith.index_cast %parallel_loop3A_295 : i32 to index
      %parallel_loop3A_541 = arith.constant 96 : index
      %parallel_loop3A_542 = tpu.vector_load %arg6[%parallel_loop3A_539, %parallel_loop3A_540, %parallel_loop3A_541] {strides = array<i32>} : memref<4x8x1024xf32, #tpu.memory_space<vmem>>, vector<1x1x16xf32>,
      %parallel_loop3A_543 = vector.shape_cast %parallel_loop3A_542 : vector<1x1x16xf32> to vector<16xf32>
      %parallel_loop3A_544 = vector.shape_cast %parallel_loop3A_435 : vector<16xf32> to vector<1x1x16xf32>
      tpu.vector_store %arg6[%parallel_loop3A_539, %parallel_loop3A_540, %parallel_loop3A_541], %parallel_loop3A_544 {add = true, strides = array<i32>} : memref<4x8x1024xf32, #tpu.memory_space<vmem>>, vector<1x1x16xf32>,
      %parallel_loop3A_545 = arith.constant 3 : i32
      %parallel_loop3A_546 = arith.index_cast %parallel_loop3A_545 : i32 to index
      %parallel_loop3A_547 = arith.index_cast %parallel_loop3A_295 : i32 to index
      %parallel_loop3A_548 = arith.constant 112 : index
      %parallel_loop3A_549 = tpu.vector_load %arg6[%parallel_loop3A_546, %parallel_loop3A_547, %parallel_loop3A_548] {strides = array<i32>} : memref<4x8x1024xf32, #tpu.memory_space<vmem>>, vector<1x1x16xf32>,
      %parallel_loop3A_550 = vector.shape_cast %parallel_loop3A_549 : vector<1x1x16xf32> to vector<16xf32>
      %parallel_loop3A_551 = vector.shape_cast %parallel_loop3A_439 : vector<16xf32> to vector<1x1x16xf32>
      tpu.vector_store %arg6[%parallel_loop3A_546, %parallel_loop3A_547, %parallel_loop3A_548], %parallel_loop3A_551 {add = true, strides = array<i32>} : memref<4x8x1024xf32, #tpu.memory_space<vmem>>, vector<1x1x16xf32>,
      %parallel_loop3A_552 = arith.index_cast %parallel_loop3A_295 : i32 to index
      %parallel_loop3A_553 = arith.constant 128 : index
      %parallel_loop3A_554 = tpu.vector_load %arg5[%parallel_loop3A_552, %parallel_loop3A_553] {strides = array<i32>} : memref<8x1024xf32, #tpu.memory_space<vmem>>, vector<1x16xf32>,
      %parallel_loop3A_555 = vector.shape_cast %parallel_loop3A_554 : vector<1x16xf32> to vector<16xf32>
      %parallel_loop3A_556 = arith.index_cast %parallel_loop3A_295 : i32 to index
      %parallel_loop3A_557 = arith.constant 144 : index
      %parallel_loop3A_558 = tpu.vector_load %arg5[%parallel_loop3A_556, %parallel_loop3A_557] {strides = array<i32>} : memref<8x1024xf32, #tpu.memory_space<vmem>>, vector<1x16xf32>,
      %parallel_loop3A_559 = vector.shape_cast %parallel_loop3A_558 : vector<1x16xf32> to vector<16xf32>
      %parallel_loop3A_560 = arith.index_cast %parallel_loop3A_295 : i32 to index
      %parallel_loop3A_561 = arith.constant 160 : index
      %parallel_loop3A_562 = tpu.vector_load %arg5[%parallel_loop3A_560, %parallel_loop3A_561] {strides = array<i32>} : memref<8x1024xf32, #tpu.memory_space<vmem>>, vector<1x16xf32>,
      %parallel_loop3A_563 = vector.shape_cast %parallel_loop3A_562 : vector<1x16xf32> to vector<16xf32>
      %parallel_loop3A_564 = arith.index_cast %parallel_loop3A_295 : i32 to index
      %parallel_loop3A_565 = arith.constant 176 : index
      %parallel_loop3A_566 = tpu.vector_load %arg5[%parallel_loop3A_564, %parallel_loop3A_565] {strides = array<i32>} : memref<8x1024xf32, #tpu.memory_space<vmem>>, vector<1x16xf32>,
      %parallel_loop3A_567 = vector.shape_cast %parallel_loop3A_566 : vector<1x16xf32> to vector<16xf32>
      %parallel_loop3A_568 = arith.constant 0 : i32
      %parallel_loop3A_569 = arith.index_cast %parallel_loop3A_568 : i32 to index
      %parallel_loop3A_570 = arith.index_cast %parallel_loop3A_295 : i32 to index
      %parallel_loop3A_571 = arith.constant 128 : index
      %parallel_loop3A_572 = tpu.vector_load %arg6[%parallel_loop3A_569, %parallel_loop3A_570, %parallel_loop3A_571] {strides = array<i32>} : memref<4x8x1024xf32, #tpu.memory_space<vmem>>, vector<1x1x16xf32>,
      %parallel_loop3A_573 = vector.shape_cast %parallel_loop3A_572 : vector<1x1x16xf32> to vector<16xf32>
      %parallel_loop3A_574 = vector.shape_cast %parallel_loop3A_555 : vector<16xf32> to vector<1x1x16xf32>
      tpu.vector_store %arg6[%parallel_loop3A_569, %parallel_loop3A_570, %parallel_loop3A_571], %parallel_loop3A_574 {add = true, strides = array<i32>} : memref<4x8x1024xf32, #tpu.memory_space<vmem>>, vector<1x1x16xf32>,
      %parallel_loop3A_575 = arith.constant 0 : i32
      %parallel_loop3A_576 = arith.index_cast %parallel_loop3A_575 : i32 to index
      %parallel_loop3A_577 = arith.index_cast %parallel_loop3A_295 : i32 to index
      %parallel_loop3A_578 = arith.constant 144 : index
      %parallel_loop3A_579 = tpu.vector_load %arg6[%parallel_loop3A_576, %parallel_loop3A_577, %parallel_loop3A_578] {strides = array<i32>} : memref<4x8x1024xf32, #tpu.memory_space<vmem>>, vector<1x1x16xf32>,
      %parallel_loop3A_580 = vector.shape_cast %parallel_loop3A_579 : vector<1x1x16xf32> to vector<16xf32>
      %parallel_loop3A_581 = vector.shape_cast %parallel_loop3A_559 : vector<16xf32> to vector<1x1x16xf32>
      tpu.vector_store %arg6[%parallel_loop3A_576, %parallel_loop3A_577, %parallel_loop3A_578], %parallel_loop3A_581 {add = true, strides = array<i32>} : memref<4x8x1024xf32, #tpu.memory_space<vmem>>, vector<1x1x16xf32>,
      %parallel_loop3A_582 = arith.constant 0 : i32
      %parallel_loop3A_583 = arith.index_cast %parallel_loop3A_582 : i32 to index
      %parallel_loop3A_584 = arith.index_cast %parallel_loop3A_295 : i32 to index
      %parallel_loop3A_585 = arith.constant 160 : index
      %parallel_loop3A_586 = tpu.vector_load %arg6[%parallel_loop3A_583, %parallel_loop3A_584, %parallel_loop3A_585] {strides = array<i32>} : memref<4x8x1024xf32, #tpu.memory_space<vmem>>, vector<1x1x16xf32>,
      %parallel_loop3A_587 = vector.shape_cast %parallel_loop3A_586 : vector<1x1x16xf32> to vector<16xf32>
      %parallel_loop3A_588 = vector.shape_cast %parallel_loop3A_563 : vector<16xf32> to vector<1x1x16xf32>
      tpu.vector_store %arg6[%parallel_loop3A_583, %parallel_loop3A_584, %parallel_loop3A_585], %parallel_loop3A_588 {add = true, strides = array<i32>} : memref<4x8x1024xf32, #tpu.memory_space<vmem>>, vector<1x1x16xf32>,
      %parallel_loop3A_589 = arith.constant 0 : i32
      %parallel_loop3A_590 = arith.index_cast %parallel_loop3A_589 : i32 to index
      %parallel_loop3A_591 = arith.index_cast %parallel_loop3A_295 : i32 to index
      %parallel_loop3A_592 = arith.constant 176 : index
      %parallel_loop3A_593 = tpu.vector_load %arg6[%parallel_loop3A_590, %parallel_loop3A_591, %parallel_loop3A_592] {strides = array<i32>} : memref<4x8x1024xf32, #tpu.memory_space<vmem>>, vector<1x1x16xf32>,
      %parallel_loop3A_594 = vector.shape_cast %parallel_loop3A_593 : vector<1x1x16xf32> to vector<16xf32>
      %parallel_loop3A_595 = vector.shape_cast %parallel_loop3A_567 : vector<16xf32> to vector<1x1x16xf32>
      tpu.vector_store %arg6[%parallel_loop3A_590, %parallel_loop3A_591, %parallel_loop3A_592], %parallel_loop3A_595 {add = true, strides = array<i32>} : memref<4x8x1024xf32, #tpu.memory_space<vmem>>, vector<1x1x16xf32>,
      %parallel_loop3A_596 = arith.constant 1 : i32
      %parallel_loop3A_597 = arith.index_cast %parallel_loop3A_596 : i32 to index
      %parallel_loop3A_598 = arith.index_cast %parallel_loop3A_295 : i32 to index
      %parallel_loop3A_599 = arith.constant 128 : index
      %parallel_loop3A_600 = tpu.vector_load %arg6[%parallel_loop3A_597, %parallel_loop3A_598, %parallel_loop3A_599] {strides = array<i32>} : memref<4x8x1024xf32, #tpu.memory_space<vmem>>, vector<1x1x16xf32>,
      %parallel_loop3A_601 = vector.shape_cast %parallel_loop3A_600 : vector<1x1x16xf32> to vector<16xf32>
      %parallel_loop3A_602 = vector.shape_cast %parallel_loop3A_555 : vector<16xf32> to vector<1x1x16xf32>
      tpu.vector_store %arg6[%parallel_loop3A_597, %parallel_loop3A_598, %parallel_loop3A_599], %parallel_loop3A_602 {add = true, strides = array<i32>} : memref<4x8x1024xf32, #tpu.memory_space<vmem>>, vector<1x1x16xf32>,
      %parallel_loop3A_603 = arith.constant 1 : i32
      %parallel_loop3A_604 = arith.index_cast %parallel_loop3A_603 : i32 to index
      %parallel_loop3A_605 = arith.index_cast %parallel_loop3A_295 : i32 to index
      %parallel_loop3A_606 = arith.constant 144 : index
      %parallel_loop3A_607 = tpu.vector_load %arg6[%parallel_loop3A_604, %parallel_loop3A_605, %parallel_loop3A_606] {strides = array<i32>} : memref<4x8x1024xf32, #tpu.memory_space<vmem>>, vector<1x1x16xf32>,
      %parallel_loop3A_608 = vector.shape_cast %parallel_loop3A_607 : vector<1x1x16xf32> to vector<16xf32>
      %parallel_loop3A_609 = vector.shape_cast %parallel_loop3A_559 : vector<16xf32> to vector<1x1x16xf32>
      tpu.vector_store %arg6[%parallel_loop3A_604, %parallel_loop3A_605, %parallel_loop3A_606], %parallel_loop3A_609 {add = true, strides = array<i32>} : memref<4x8x1024xf32, #tpu.memory_space<vmem>>, vector<1x1x16xf32>,
      %parallel_loop3A_610 = arith.constant 1 : i32
      %parallel_loop3A_611 = arith.index_cast %parallel_loop3A_610 : i32 to index
      %parallel_loop3A_612 = arith.index_cast %parallel_loop3A_295 : i32 to index
      %parallel_loop3A_613 = arith.constant 160 : index
      %parallel_loop3A_614 = tpu.vector_load %arg6[%parallel_loop3A_611, %parallel_loop3A_612, %parallel_loop3A_613] {strides = array<i32>} : memref<4x8x1024xf32, #tpu.memory_space<vmem>>, vector<1x1x16xf32>,
      %parallel_loop3A_615 = vector.shape_cast %parallel_loop3A_614 : vector<1x1x16xf32> to vector<16xf32>
      %parallel_loop3A_616 = vector.shape_cast %parallel_loop3A_563 : vector<16xf32> to vector<1x1x16xf32>
      tpu.vector_store %arg6[%parallel_loop3A_611, %parallel_loop3A_612, %parallel_loop3A_613], %parallel_loop3A_616 {add = true, strides = array<i32>} : memref<4x8x1024xf32, #tpu.memory_space<vmem>>, vector<1x1x16xf32>,
      %parallel_loop3A_617 = arith.constant 1 : i32
      %parallel_loop3A_618 = arith.index_cast %parallel_loop3A_617 : i32 to index
      %parallel_loop3A_619 = arith.index_cast %parallel_loop3A_295 : i32 to index
      %parallel_loop3A_620 = arith.constant 176 : index
      %parallel_loop3A_621 = tpu.vector_load %arg6[%parallel_loop3A_618, %parallel_loop3A_619, %parallel_loop3A_620] {strides = array<i32>} : memref<4x8x1024xf32, #tpu.memory_space<vmem>>, vector<1x1x16xf32>,
      %parallel_loop3A_622 = vector.shape_cast %parallel_loop3A_621 : vector<1x1x16xf32> to vector<16xf32>
      %parallel_loop3A_623 = vector.shape_cast %parallel_loop3A_567 : vector<16xf32> to vector<1x1x16xf32>
      tpu.vector_store %arg6[%parallel_loop3A_618, %parallel_loop3A_619, %parallel_loop3A_620], %parallel_loop3A_623 {add = true, strides = array<i32>} : memref<4x8x1024xf32, #tpu.memory_space<vmem>>, vector<1x1x16xf32>,
      %parallel_loop3A_624 = arith.constant 2 : i32
      %parallel_loop3A_625 = arith.index_cast %parallel_loop3A_624 : i32 to index
      %parallel_loop3A_626 = arith.index_cast %parallel_loop3A_295 : i32 to index
      %parallel_loop3A_627 = arith.constant 128 : index
      %parallel_loop3A_628 = tpu.vector_load %arg6[%parallel_loop3A_625, %parallel_loop3A_626, %parallel_loop3A_627] {strides = array<i32>} : memref<4x8x1024xf32, #tpu.memory_space<vmem>>, vector<1x1x16xf32>,
      %parallel_loop3A_629 = vector.shape_cast %parallel_loop3A_628 : vector<1x1x16xf32> to vector<16xf32>
      %parallel_loop3A_630 = vector.shape_cast %parallel_loop3A_555 : vector<16xf32> to vector<1x1x16xf32>
      tpu.vector_store %arg6[%parallel_loop3A_625, %parallel_loop3A_626, %parallel_loop3A_627], %parallel_loop3A_630 {add = true, strides = array<i32>} : memref<4x8x1024xf32, #tpu.memory_space<vmem>>, vector<1x1x16xf32>,
      %parallel_loop3A_631 = arith.constant 2 : i32
      %parallel_loop3A_632 = arith.index_cast %parallel_loop3A_631 : i32 to index
      %parallel_loop3A_633 = arith.index_cast %parallel_loop3A_295 : i32 to index
      %parallel_loop3A_634 = arith.constant 144 : index
      %parallel_loop3A_635 = tpu.vector_load %arg6[%parallel_loop3A_632, %parallel_loop3A_633, %parallel_loop3A_634] {strides = array<i32>} : memref<4x8x1024xf32, #tpu.memory_space<vmem>>, vector<1x1x16xf32>,
      %parallel_loop3A_636 = vector.shape_cast %parallel_loop3A_635 : vector<1x1x16xf32> to vector<16xf32>
      %parallel_loop3A_637 = vector.shape_cast %parallel_loop3A_559 : vector<16xf32> to vector<1x1x16xf32>
      tpu.vector_store %arg6[%parallel_loop3A_632, %parallel_loop3A_633, %parallel_loop3A_634], %parallel_loop3A_637 {add = true, strides = array<i32>} : memref<4x8x1024xf32, #tpu.memory_space<vmem>>, vector<1x1x16xf32>,
      %parallel_loop3A_638 = arith.constant 2 : i32
      %parallel_loop3A_639 = arith.index_cast %parallel_loop3A_638 : i32 to index
      %parallel_loop3A_640 = arith.index_cast %parallel_loop3A_295 : i32 to index
      %parallel_loop3A_641 = arith.constant 160 : index
      %parallel_loop3A_642 = tpu.vector_load %arg6[%parallel_loop3A_639, %parallel_loop3A_640, %parallel_loop3A_641] {strides = array<i32>} : memref<4x8x1024xf32, #tpu.memory_space<vmem>>, vector<1x1x16xf32>,
      %parallel_loop3A_643 = vector.shape_cast %parallel_loop3A_642 : vector<1x1x16xf32> to vector<16xf32>
      %parallel_loop3A_644 = vector.shape_cast %parallel_loop3A_563 : vector<16xf32> to vector<1x1x16xf32>
      tpu.vector_store %arg6[%parallel_loop3A_639, %parallel_loop3A_640, %parallel_loop3A_641], %parallel_loop3A_644 {add = true, strides = array<i32>} : memref<4x8x1024xf32, #tpu.memory_space<vmem>>, vector<1x1x16xf32>,
      %parallel_loop3A_645 = arith.constant 2 : i32
      %parallel_loop3A_646 = arith.index_cast %parallel_loop3A_645 : i32 to index
      %parallel_loop3A_647 = arith.index_cast %parallel_loop3A_295 : i32 to index
      %parallel_loop3A_648 = arith.constant 176 : index
      %parallel_loop3A_649 = tpu.vector_load %arg6[%parallel_loop3A_646, %parallel_loop3A_647, %parallel_loop3A_648] {strides = array<i32>} : memref<4x8x1024xf32, #tpu.memory_space<vmem>>, vector<1x1x16xf32>,
      %parallel_loop3A_650 = vector.shape_cast %parallel_loop3A_649 : vector<1x1x16xf32> to vector<16xf32>
      %parallel_loop3A_651 = vector.shape_cast %parallel_loop3A_567 : vector<16xf32> to vector<1x1x16xf32>
      tpu.vector_store %arg6[%parallel_loop3A_646, %parallel_loop3A_647, %parallel_loop3A_648], %parallel_loop3A_651 {add = true, strides = array<i32>} : memref<4x8x1024xf32, #tpu.memory_space<vmem>>, vector<1x1x16xf32>,
      %parallel_loop3A_652 = arith.constant 3 : i32
      %parallel_loop3A_653 = arith.index_cast %parallel_loop3A_652 : i32 to index
      %parallel_loop3A_654 = arith.index_cast %parallel_loop3A_295 : i32 to index
      %parallel_loop3A_655 = arith.constant 128 : index
      %parallel_loop3A_656 = tpu.vector_load %arg6[%parallel_loop3A_653, %parallel_loop3A_654, %parallel_loop3A_655] {strides = array<i32>} : memref<4x8x1024xf32, #tpu.memory_space<vmem>>, vector<1x1x16xf32>,
      %parallel_loop3A_657 = vector.shape_cast %parallel_loop3A_656 : vector<1x1x16xf32> to vector<16xf32>
      %parallel_loop3A_658 = vector.shape_cast %parallel_loop3A_555 : vector<16xf32> to vector<1x1x16xf32>
      tpu.vector_store %arg6[%parallel_loop3A_653, %parallel_loop3A_654, %parallel_loop3A_655], %parallel_loop3A_658 {add = true, strides = array<i32>} : memref<4x8x1024xf32, #tpu.memory_space<vmem>>, vector<1x1x16xf32>,
      %parallel_loop3A_659 = arith.constant 3 : i32
      %parallel_loop3A_660 = arith.index_cast %parallel_loop3A_659 : i32 to index
      %parallel_loop3A_661 = arith.index_cast %parallel_loop3A_295 : i32 to index
      %parallel_loop3A_662 = arith.constant 144 : index
      %parallel_loop3A_663 = tpu.vector_load %arg6[%parallel_loop3A_660, %parallel_loop3A_661, %parallel_loop3A_662] {strides = array<i32>} : memref<4x8x1024xf32, #tpu.memory_space<vmem>>, vector<1x1x16xf32>,
      %parallel_loop3A_664 = vector.shape_cast %parallel_loop3A_663 : vector<1x1x16xf32> to vector<16xf32>
      %parallel_loop3A_665 = vector.shape_cast %parallel_loop3A_559 : vector<16xf32> to vector<1x1x16xf32>
      tpu.vector_store %arg6[%parallel_loop3A_660, %parallel_loop3A_661, %parallel_loop3A_662], %parallel_loop3A_665 {add = true, strides = array<i32>} : memref<4x8x1024xf32, #tpu.memory_space<vmem>>, vector<1x1x16xf32>,
      %parallel_loop3A_666 = arith.constant 3 : i32
      %parallel_loop3A_667 = arith.index_cast %parallel_loop3A_666 : i32 to index
      %parallel_loop3A_668 = arith.index_cast %parallel_loop3A_295 : i32 to index
      %parallel_loop3A_669 = arith.constant 160 : index
      %parallel_loop3A_670 = tpu.vector_load %arg6[%parallel_loop3A_667, %parallel_loop3A_668, %parallel_loop3A_669] {strides = array<i32>} : memref<4x8x1024xf32, #tpu.memory_space<vmem>>, vector<1x1x16xf32>,
      %parallel_loop3A_671 = vector.shape_cast %parallel_loop3A_670 : vector<1x1x16xf32> to vector<16xf32>
      %parallel_loop3A_672 = vector.shape_cast %parallel_loop3A_563 : vector<16xf32> to vector<1x1x16xf32>
      tpu.vector_store %arg6[%parallel_loop3A_667, %parallel_loop3A_668, %parallel_loop3A_669], %parallel_loop3A_672 {add = true, strides = array<i32>} : memref<4x8x1024xf32, #tpu.memory_space<vmem>>, vector<1x1x16xf32>,
      %parallel_loop3A_673 = arith.constant 3 : i32
      %parallel_loop3A_674 = arith.index_cast %parallel_loop3A_673 : i32 to index
      %parallel_loop3A_675 = arith.index_cast %parallel_loop3A_295 : i32 to index
      %parallel_loop3A_676 = arith.constant 176 : index
      %parallel_loop3A_677 = tpu.vector_load %arg6[%parallel_loop3A_674, %parallel_loop3A_675, %parallel_loop3A_676] {strides = array<i32>} : memref<4x8x1024xf32, #tpu.memory_space<vmem>>, vector<1x1x16xf32>,
      %parallel_loop3A_678 = vector.shape_cast %parallel_loop3A_677 : vector<1x1x16xf32> to vector<16xf32>
      %parallel_loop3A_679 = vector.shape_cast %parallel_loop3A_567 : vector<16xf32> to vector<1x1x16xf32>
      tpu.vector_store %arg6[%parallel_loop3A_674, %parallel_loop3A_675, %parallel_loop3A_676], %parallel_loop3A_679 {add = true, strides = array<i32>} : memref<4x8x1024xf32, #tpu.memory_space<vmem>>, vector<1x1x16xf32>,
      %parallel_loop3A_680 = arith.index_cast %parallel_loop3A_295 : i32 to index
      %parallel_loop3A_681 = arith.constant 192 : index
      %parallel_loop3A_682 = tpu.vector_load %arg5[%parallel_loop3A_680, %parallel_loop3A_681] {strides = array<i32>} : memref<8x1024xf32, #tpu.memory_space<vmem>>, vector<1x16xf32>,
      %parallel_loop3A_683 = vector.shape_cast %parallel_loop3A_682 : vector<1x16xf32> to vector<16xf32>
      %parallel_loop3A_684 = arith.index_cast %parallel_loop3A_295 : i32 to index
      %parallel_loop3A_685 = arith.constant 208 : index
      %parallel_loop3A_686 = tpu.vector_load %arg5[%parallel_loop3A_684, %parallel_loop3A_685] {strides = array<i32>} : memref<8x1024xf32, #tpu.memory_space<vmem>>, vector<1x16xf32>,
      %parallel_loop3A_687 = vector.shape_cast %parallel_loop3A_686 : vector<1x16xf32> to vector<16xf32>
      %parallel_loop3A_688 = arith.index_cast %parallel_loop3A_295 : i32 to index
      %parallel_loop3A_689 = arith.constant 224 : index
      %parallel_loop3A_690 = tpu.vector_load %arg5[%parallel_loop3A_688, %parallel_loop3A_689] {strides = array<i32>} : memref<8x1024xf32, #tpu.memory_space<vmem>>, vector<1x16xf32>,
      %parallel_loop3A_691 = vector.shape_cast %parallel_loop3A_690 : vector<1x16xf32> to vector<16xf32>
      %parallel_loop3A_692 = arith.index_cast %parallel_loop3A_295 : i32 to index
      %parallel_loop3A_693 = arith.constant 240 : index
      %parallel_loop3A_694 = tpu.vector_load %arg5[%parallel_loop3A_692, %parallel_loop3A_693] {strides = array<i32>} : memref<8x1024xf32, #tpu.memory_space<vmem>>, vector<1x16xf32>,
      %parallel_loop3A_695 = vector.shape_cast %parallel_loop3A_694 : vector<1x16xf32> to vector<16xf32>
      %parallel_loop3A_696 = arith.constant 0 : i32
      %parallel_loop3A_697 = arith.index_cast %parallel_loop3A_696 : i32 to index
      %parallel_loop3A_698 = arith.index_cast %parallel_loop3A_295 : i32 to index
      %parallel_loop3A_699 = arith.constant 192 : index
      %parallel_loop3A_700 = tpu.vector_load %arg6[%parallel_loop3A_697, %parallel_loop3A_698, %parallel_loop3A_699] {strides = array<i32>} : memref<4x8x1024xf32, #tpu.memory_space<vmem>>, vector<1x1x16xf32>,
      %parallel_loop3A_701 = vector.shape_cast %parallel_loop3A_700 : vector<1x1x16xf32> to vector<16xf32>
      %parallel_loop3A_702 = vector.shape_cast %parallel_loop3A_683 : vector<16xf32> to vector<1x1x16xf32>
      tpu.vector_store %arg6[%parallel_loop3A_697, %parallel_loop3A_698, %parallel_loop3A_699], %parallel_loop3A_702 {add = true, strides = array<i32>} : memref<4x8x1024xf32, #tpu.memory_space<vmem>>, vector<1x1x16xf32>,
      %parallel_loop3A_703 = arith.constant 0 : i32
      %parallel_loop3A_704 = arith.index_cast %parallel_loop3A_703 : i32 to index
      %parallel_loop3A_705 = arith.index_cast %parallel_loop3A_295 : i32 to index
      %parallel_loop3A_706 = arith.constant 208 : index
      %parallel_loop3A_707 = tpu.vector_load %arg6[%parallel_loop3A_704, %parallel_loop3A_705, %parallel_loop3A_706] {strides = array<i32>} : memref<4x8x1024xf32, #tpu.memory_space<vmem>>, vector<1x1x16xf32>,
      %parallel_loop3A_708 = vector.shape_cast %parallel_loop3A_707 : vector<1x1x16xf32> to vector<16xf32>
      %parallel_loop3A_709 = vector.shape_cast %parallel_loop3A_687 : vector<16xf32> to vector<1x1x16xf32>
      tpu.vector_store %arg6[%parallel_loop3A_704, %parallel_loop3A_705, %parallel_loop3A_706], %parallel_loop3A_709 {add = true, strides = array<i32>} : memref<4x8x1024xf32, #tpu.memory_space<vmem>>, vector<1x1x16xf32>,
      %parallel_loop3A_710 = arith.constant 0 : i32
      %parallel_loop3A_711 = arith.index_cast %parallel_loop3A_710 : i32 to index
      %parallel_loop3A_712 = arith.index_cast %parallel_loop3A_295 : i32 to index
      %parallel_loop3A_713 = arith.constant 224 : index
      %parallel_loop3A_714 = tpu.vector_load %arg6[%parallel_loop3A_711, %parallel_loop3A_712, %parallel_loop3A_713] {strides = array<i32>} : memref<4x8x1024xf32, #tpu.memory_space<vmem>>, vector<1x1x16xf32>,
      %parallel_loop3A_715 = vector.shape_cast %parallel_loop3A_714 : vector<1x1x16xf32> to vector<16xf32>
      %parallel_loop3A_716 = vector.shape_cast %parallel_loop3A_691 : vector<16xf32> to vector<1x1x16xf32>
      tpu.vector_store %arg6[%parallel_loop3A_711, %parallel_loop3A_712, %parallel_loop3A_713], %parallel_loop3A_716 {add = true, strides = array<i32>} : memref<4x8x1024xf32, #tpu.memory_space<vmem>>, vector<1x1x16xf32>,
      %parallel_loop3A_717 = arith.constant 0 : i32
      %parallel_loop3A_718 = arith.index_cast %parallel_loop3A_717 : i32 to index
      %parallel_loop3A_719 = arith.index_cast %parallel_loop3A_295 : i32 to index
      %parallel_loop3A_720 = arith.constant 240 : index
      %parallel_loop3A_721 = tpu.vector_load %arg6[%parallel_loop3A_718, %parallel_loop3A_719, %parallel_loop3A_720] {strides = array<i32>} : memref<4x8x1024xf32, #tpu.memory_space<vmem>>, vector<1x1x16xf32>,
      %parallel_loop3A_722 = vector.shape_cast %parallel_loop3A_721 : vector<1x1x16xf32> to vector<16xf32>
      %parallel_loop3A_723 = vector.shape_cast %parallel_loop3A_695 : vector<16xf32> to vector<1x1x16xf32>
      tpu.vector_store %arg6[%parallel_loop3A_718, %parallel_loop3A_719, %parallel_loop3A_720], %parallel_loop3A_723 {add = true, strides = array<i32>} : memref<4x8x1024xf32, #tpu.memory_space<vmem>>, vector<1x1x16xf32>,
      %parallel_loop3A_724 = arith.constant 1 : i32
      %parallel_loop3A_725 = arith.index_cast %parallel_loop3A_724 : i32 to index
      %parallel_loop3A_726 = arith.index_cast %parallel_loop3A_295 : i32 to index
      %parallel_loop3A_727 = arith.constant 192 : index
      %parallel_loop3A_728 = tpu.vector_load %arg6[%parallel_loop3A_725, %parallel_loop3A_726, %parallel_loop3A_727] {strides = array<i32>} : memref<4x8x1024xf32, #tpu.memory_space<vmem>>, vector<1x1x16xf32>,
      %parallel_loop3A_729 = vector.shape_cast %parallel_loop3A_728 : vector<1x1x16xf32> to vector<16xf32>
      %parallel_loop3A_730 = vector.shape_cast %parallel_loop3A_683 : vector<16xf32> to vector<1x1x16xf32>
      tpu.vector_store %arg6[%parallel_loop3A_725, %parallel_loop3A_726, %parallel_loop3A_727], %parallel_loop3A_730 {add = true, strides = array<i32>} : memref<4x8x1024xf32, #tpu.memory_space<vmem>>, vector<1x1x16xf32>,
      %parallel_loop3A_731 = arith.constant 1 : i32
      %parallel_loop3A_732 = arith.index_cast %parallel_loop3A_731 : i32 to index
      %parallel_loop3A_733 = arith.index_cast %parallel_loop3A_295 : i32 to index
      %parallel_loop3A_734 = arith.constant 208 : index
      %parallel_loop3A_735 = tpu.vector_load %arg6[%parallel_loop3A_732, %parallel_loop3A_733, %parallel_loop3A_734] {strides = array<i32>} : memref<4x8x1024xf32, #tpu.memory_space<vmem>>, vector<1x1x16xf32>,
      %parallel_loop3A_736 = vector.shape_cast %parallel_loop3A_735 : vector<1x1x16xf32> to vector<16xf32>
      %parallel_loop3A_737 = vector.shape_cast %parallel_loop3A_687 : vector<16xf32> to vector<1x1x16xf32>
      tpu.vector_store %arg6[%parallel_loop3A_732, %parallel_loop3A_733, %parallel_loop3A_734], %parallel_loop3A_737 {add = true, strides = array<i32>} : memref<4x8x1024xf32, #tpu.memory_space<vmem>>, vector<1x1x16xf32>,
      %parallel_loop3A_738 = arith.constant 1 : i32
      %parallel_loop3A_739 = arith.index_cast %parallel_loop3A_738 : i32 to index
      %parallel_loop3A_740 = arith.index_cast %parallel_loop3A_295 : i32 to index
      %parallel_loop3A_741 = arith.constant 224 : index
      %parallel_loop3A_742 = tpu.vector_load %arg6[%parallel_loop3A_739, %parallel_loop3A_740, %parallel_loop3A_741] {strides = array<i32>} : memref<4x8x1024xf32, #tpu.memory_space<vmem>>, vector<1x1x16xf32>,
      %parallel_loop3A_743 = vector.shape_cast %parallel_loop3A_742 : vector<1x1x16xf32> to vector<16xf32>
      %parallel_loop3A_744 = vector.shape_cast %parallel_loop3A_691 : vector<16xf32> to vector<1x1x16xf32>
      tpu.vector_store %arg6[%parallel_loop3A_739, %parallel_loop3A_740, %parallel_loop3A_741], %parallel_loop3A_744 {add = true, strides = array<i32>} : memref<4x8x1024xf32, #tpu.memory_space<vmem>>, vector<1x1x16xf32>,
      %parallel_loop3A_745 = arith.constant 1 : i32
      %parallel_loop3A_746 = arith.index_cast %parallel_loop3A_745 : i32 to index
      %parallel_loop3A_747 = arith.index_cast %parallel_loop3A_295 : i32 to index
      %parallel_loop3A_748 = arith.constant 240 : index
      %parallel_loop3A_749 = tpu.vector_load %arg6[%parallel_loop3A_746, %parallel_loop3A_747, %parallel_loop3A_748] {strides = array<i32>} : memref<4x8x1024xf32, #tpu.memory_space<vmem>>, vector<1x1x16xf32>,
      %parallel_loop3A_750 = vector.shape_cast %parallel_loop3A_749 : vector<1x1x16xf32> to vector<16xf32>
      %parallel_loop3A_751 = vector.shape_cast %parallel_loop3A_695 : vector<16xf32> to vector<1x1x16xf32>
      tpu.vector_store %arg6[%parallel_loop3A_746, %parallel_loop3A_747, %parallel_loop3A_748], %parallel_loop3A_751 {add = true, strides = array<i32>} : memref<4x8x1024xf32, #tpu.memory_space<vmem>>, vector<1x1x16xf32>,
      %parallel_loop3A_752 = arith.constant 2 : i32
      %parallel_loop3A_753 = arith.index_cast %parallel_loop3A_752 : i32 to index
      %parallel_loop3A_754 = arith.index_cast %parallel_loop3A_295 : i32 to index
      %parallel_loop3A_755 = arith.constant 192 : index
      %parallel_loop3A_756 = tpu.vector_load %arg6[%parallel_loop3A_753, %parallel_loop3A_754, %parallel_loop3A_755] {strides = array<i32>} : memref<4x8x1024xf32, #tpu.memory_space<vmem>>, vector<1x1x16xf32>,
      %parallel_loop3A_757 = vector.shape_cast %parallel_loop3A_756 : vector<1x1x16xf32> to vector<16xf32>
      %parallel_loop3A_758 = vector.shape_cast %parallel_loop3A_683 : vector<16xf32> to vector<1x1x16xf32>
      tpu.vector_store %arg6[%parallel_loop3A_753, %parallel_loop3A_754, %parallel_loop3A_755], %parallel_loop3A_758 {add = true, strides = array<i32>} : memref<4x8x1024xf32, #tpu.memory_space<vmem>>, vector<1x1x16xf32>,
      %parallel_loop3A_759 = arith.constant 2 : i32
      %parallel_loop3A_760 = arith.index_cast %parallel_loop3A_759 : i32 to index
      %parallel_loop3A_761 = arith.index_cast %parallel_loop3A_295 : i32 to index
      %parallel_loop3A_762 = arith.constant 208 : index
      %parallel_loop3A_763 = tpu.vector_load %arg6[%parallel_loop3A_760, %parallel_loop3A_761, %parallel_loop3A_762] {strides = array<i32>} : memref<4x8x1024xf32, #tpu.memory_space<vmem>>, vector<1x1x16xf32>,
      %parallel_loop3A_764 = vector.shape_cast %parallel_loop3A_763 : vector<1x1x16xf32> to vector<16xf32>
      %parallel_loop3A_765 = vector.shape_cast %parallel_loop3A_687 : vector<16xf32> to vector<1x1x16xf32>
      tpu.vector_store %arg6[%parallel_loop3A_760, %parallel_loop3A_761, %parallel_loop3A_762], %parallel_loop3A_765 {add = true, strides = array<i32>} : memref<4x8x1024xf32, #tpu.memory_space<vmem>>, vector<1x1x16xf32>,
      %parallel_loop3A_766 = arith.constant 2 : i32
      %parallel_loop3A_767 = arith.index_cast %parallel_loop3A_766 : i32 to index
      %parallel_loop3A_768 = arith.index_cast %parallel_loop3A_295 : i32 to index
      %parallel_loop3A_769 = arith.constant 224 : index
      %parallel_loop3A_770 = tpu.vector_load %arg6[%parallel_loop3A_767, %parallel_loop3A_768, %parallel_loop3A_769] {strides = array<i32>} : memref<4x8x1024xf32, #tpu.memory_space<vmem>>, vector<1x1x16xf32>,
      %parallel_loop3A_771 = vector.shape_cast %parallel_loop3A_770 : vector<1x1x16xf32> to vector<16xf32>
      %parallel_loop3A_772 = vector.shape_cast %parallel_loop3A_691 : vector<16xf32> to vector<1x1x16xf32>
      tpu.vector_store %arg6[%parallel_loop3A_767, %parallel_loop3A_768, %parallel_loop3A_769], %parallel_loop3A_772 {add = true, strides = array<i32>} : memref<4x8x1024xf32, #tpu.memory_space<vmem>>, vector<1x1x16xf32>,
      %parallel_loop3A_773 = arith.constant 2 : i32
      %parallel_loop3A_774 = arith.index_cast %parallel_loop3A_773 : i32 to index
      %parallel_loop3A_775 = arith.index_cast %parallel_loop3A_295 : i32 to index
      %parallel_loop3A_776 = arith.constant 240 : index
      %parallel_loop3A_777 = tpu.vector_load %arg6[%parallel_loop3A_774, %parallel_loop3A_775, %parallel_loop3A_776] {strides = array<i32>} : memref<4x8x1024xf32, #tpu.memory_space<vmem>>, vector<1x1x16xf32>,
      %parallel_loop3A_778 = vector.shape_cast %parallel_loop3A_777 : vector<1x1x16xf32> to vector<16xf32>
      %parallel_loop3A_779 = vector.shape_cast %parallel_loop3A_695 : vector<16xf32> to vector<1x1x16xf32>
      tpu.vector_store %arg6[%parallel_loop3A_774, %parallel_loop3A_775, %parallel_loop3A_776], %parallel_loop3A_779 {add = true, strides = array<i32>} : memref<4x8x1024xf32, #tpu.memory_space<vmem>>, vector<1x1x16xf32>,
      %parallel_loop3A_780 = arith.constant 3 : i32
      %parallel_loop3A_781 = arith.index_cast %parallel_loop3A_780 : i32 to index
      %parallel_loop3A_782 = arith.index_cast %parallel_loop3A_295 : i32 to index
      %parallel_loop3A_783 = arith.constant 192 : index
      %parallel_loop3A_784 = tpu.vector_load %arg6[%parallel_loop3A_781, %parallel_loop3A_782, %parallel_loop3A_783] {strides = array<i32>} : memref<4x8x1024xf32, #tpu.memory_space<vmem>>, vector<1x1x16xf32>,
      %parallel_loop3A_785 = vector.shape_cast %parallel_loop3A_784 : vector<1x1x16xf32> to vector<16xf32>
      %parallel_loop3A_786 = vector.shape_cast %parallel_loop3A_683 : vector<16xf32> to vector<1x1x16xf32>
      tpu.vector_store %arg6[%parallel_loop3A_781, %parallel_loop3A_782, %parallel_loop3A_783], %parallel_loop3A_786 {add = true, strides = array<i32>} : memref<4x8x1024xf32, #tpu.memory_space<vmem>>, vector<1x1x16xf32>,
      %parallel_loop3A_787 = arith.constant 3 : i32
      %parallel_loop3A_788 = arith.index_cast %parallel_loop3A_787 : i32 to index
      %parallel_loop3A_789 = arith.index_cast %parallel_loop3A_295 : i32 to index
      %parallel_loop3A_790 = arith.constant 208 : index
      %parallel_loop3A_791 = tpu.vector_load %arg6[%parallel_loop3A_788, %parallel_loop3A_789, %parallel_loop3A_790] {strides = array<i32>} : memref<4x8x1024xf32, #tpu.memory_space<vmem>>, vector<1x1x16xf32>,
      %parallel_loop3A_792 = vector.shape_cast %parallel_loop3A_791 : vector<1x1x16xf32> to vector<16xf32>
      %parallel_loop3A_793 = vector.shape_cast %parallel_loop3A_687 : vector<16xf32> to vector<1x1x16xf32>
      tpu.vector_store %arg6[%parallel_loop3A_788, %parallel_loop3A_789, %parallel_loop3A_790], %parallel_loop3A_793 {add = true, strides = array<i32>} : memref<4x8x1024xf32, #tpu.memory_space<vmem>>, vector<1x1x16xf32>,
      %parallel_loop3A_794 = arith.constant 3 : i32
      %parallel_loop3A_795 = arith.index_cast %parallel_loop3A_794 : i32 to index
      %parallel_loop3A_796 = arith.index_cast %parallel_loop3A_295 : i32 to index
      %parallel_loop3A_797 = arith.constant 224 : index
      %parallel_loop3A_798 = tpu.vector_load %arg6[%parallel_loop3A_795, %parallel_loop3A_796, %parallel_loop3A_797] {strides = array<i32>} : memref<4x8x1024xf32, #tpu.memory_space<vmem>>, vector<1x1x16xf32>,
      %parallel_loop3A_799 = vector.shape_cast %parallel_loop3A_798 : vector<1x1x16xf32> to vector<16xf32>
      %parallel_loop3A_800 = vector.shape_cast %parallel_loop3A_691 : vector<16xf32> to vector<1x1x16xf32>
      tpu.vector_store %arg6[%parallel_loop3A_795, %parallel_loop3A_796, %parallel_loop3A_797], %parallel_loop3A_800 {add = true, strides = array<i32>} : memref<4x8x1024xf32, #tpu.memory_space<vmem>>, vector<1x1x16xf32>,
      %parallel_loop3A_801 = arith.constant 3 : i32
      %parallel_loop3A_802 = arith.index_cast %parallel_loop3A_801 : i32 to index
      %parallel_loop3A_803 = arith.index_cast %parallel_loop3A_295 : i32 to index
      %parallel_loop3A_804 = arith.constant 240 : index
      %parallel_loop3A_805 = tpu.vector_load %arg6[%parallel_loop3A_802, %parallel_loop3A_803, %parallel_loop3A_804] {strides = array<i32>} : memref<4x8x1024xf32, #tpu.memory_space<vmem>>, vector<1x1x16xf32>,
      %parallel_loop3A_806 = vector.shape_cast %parallel_loop3A_805 : vector<1x1x16xf32> to vector<16xf32>
      %parallel_loop3A_807 = vector.shape_cast %parallel_loop3A_695 : vector<16xf32> to vector<1x1x16xf32>
      tpu.vector_store %arg6[%parallel_loop3A_802, %parallel_loop3A_803, %parallel_loop3A_804], %parallel_loop3A_807 {add = true, strides = array<i32>} : memref<4x8x1024xf32, #tpu.memory_space<vmem>>, vector<1x1x16xf32>,
      %parallel_loop3A_808 = arith.index_cast %parallel_loop3A_295 : i32 to index
      %parallel_loop3A_809 = arith.constant 256 : index
      %parallel_loop3A_810 = tpu.vector_load %arg5[%parallel_loop3A_808, %parallel_loop3A_809] {strides = array<i32>} : memref<8x1024xf32, #tpu.memory_space<vmem>>, vector<1x16xf32>,
      %parallel_loop3A_811 = vector.shape_cast %parallel_loop3A_810 : vector<1x16xf32> to vector<16xf32>
      %parallel_loop3A_812 = arith.index_cast %parallel_loop3A_295 : i32 to index
      %parallel_loop3A_813 = arith.constant 272 : index
      %parallel_loop3A_814 = tpu.vector_load %arg5[%parallel_loop3A_812, %parallel_loop3A_813] {strides = array<i32>} : memref<8x1024xf32, #tpu.memory_space<vmem>>, vector<1x16xf32>,
      %parallel_loop3A_815 = vector.shape_cast %parallel_loop3A_814 : vector<1x16xf32> to vector<16xf32>
      %parallel_loop3A_816 = arith.index_cast %parallel_loop3A_295 : i32 to index
      %parallel_loop3A_817 = arith.constant 288 : index
      %parallel_loop3A_818 = tpu.vector_load %arg5[%parallel_loop3A_816, %parallel_loop3A_817] {strides = array<i32>} : memref<8x1024xf32, #tpu.memory_space<vmem>>, vector<1x16xf32>,
      %parallel_loop3A_819 = vector.shape_cast %parallel_loop3A_818 : vector<1x16xf32> to vector<16xf32>
      %parallel_loop3A_820 = arith.index_cast %parallel_loop3A_295 : i32 to index
      %parallel_loop3A_821 = arith.constant 304 : index
      %parallel_loop3A_822 = tpu.vector_load %arg5[%parallel_loop3A_820, %parallel_loop3A_821] {strides = array<i32>} : memref<8x1024xf32, #tpu.memory_space<vmem>>, vector<1x16xf32>,
      %parallel_loop3A_823 = vector.shape_cast %parallel_loop3A_822 : vector<1x16xf32> to vector<16xf32>
      %parallel_loop3A_824 = arith.constant 0 : i32
      %parallel_loop3A_825 = arith.index_cast %parallel_loop3A_824 : i32 to index
      %parallel_loop3A_826 = arith.index_cast %parallel_loop3A_295 : i32 to index
      %parallel_loop3A_827 = arith.constant 256 : index
      %parallel_loop3A_828 = tpu.vector_load %arg6[%parallel_loop3A_825, %parallel_loop3A_826, %parallel_loop3A_827] {strides = array<i32>} : memref<4x8x1024xf32, #tpu.memory_space<vmem>>, vector<1x1x16xf32>,
      %parallel_loop3A_829 = vector.shape_cast %parallel_loop3A_828 : vector<1x1x16xf32> to vector<16xf32>
      %parallel_loop3A_830 = vector.shape_cast %parallel_loop3A_811 : vector<16xf32> to vector<1x1x16xf32>
      tpu.vector_store %arg6[%parallel_loop3A_825, %parallel_loop3A_826, %parallel_loop3A_827], %parallel_loop3A_830 {add = true, strides = array<i32>} : memref<4x8x1024xf32, #tpu.memory_space<vmem>>, vector<1x1x16xf32>,
      %parallel_loop3A_831 = arith.constant 0 : i32
      %parallel_loop3A_832 = arith.index_cast %parallel_loop3A_831 : i32 to index
      %parallel_loop3A_833 = arith.index_cast %parallel_loop3A_295 : i32 to index
      %parallel_loop3A_834 = arith.constant 272 : index
      %parallel_loop3A_835 = tpu.vector_load %arg6[%parallel_loop3A_832, %parallel_loop3A_833, %parallel_loop3A_834] {strides = array<i32>} : memref<4x8x1024xf32, #tpu.memory_space<vmem>>, vector<1x1x16xf32>,
      %parallel_loop3A_836 = vector.shape_cast %parallel_loop3A_835 : vector<1x1x16xf32> to vector<16xf32>
      %parallel_loop3A_837 = vector.shape_cast %parallel_loop3A_815 : vector<16xf32> to vector<1x1x16xf32>
      tpu.vector_store %arg6[%parallel_loop3A_832, %parallel_loop3A_833, %parallel_loop3A_834], %parallel_loop3A_837 {add = true, strides = array<i32>} : memref<4x8x1024xf32, #tpu.memory_space<vmem>>, vector<1x1x16xf32>,
      %parallel_loop3A_838 = arith.constant 0 : i32
      %parallel_loop3A_839 = arith.index_cast %parallel_loop3A_838 : i32 to index
      %parallel_loop3A_840 = arith.index_cast %parallel_loop3A_295 : i32 to index
      %parallel_loop3A_841 = arith.constant 288 : index
      %parallel_loop3A_842 = tpu.vector_load %arg6[%parallel_loop3A_839, %parallel_loop3A_840, %parallel_loop3A_841] {strides = array<i32>} : memref<4x8x1024xf32, #tpu.memory_space<vmem>>, vector<1x1x16xf32>,
      %parallel_loop3A_843 = vector.shape_cast %parallel_loop3A_842 : vector<1x1x16xf32> to vector<16xf32>
      %parallel_loop3A_844 = vector.shape_cast %parallel_loop3A_819 : vector<16xf32> to vector<1x1x16xf32>
      tpu.vector_store %arg6[%parallel_loop3A_839, %parallel_loop3A_840, %parallel_loop3A_841], %parallel_loop3A_844 {add = true, strides = array<i32>} : memref<4x8x1024xf32, #tpu.memory_space<vmem>>, vector<1x1x16xf32>,
      %parallel_loop3A_845 = arith.constant 0 : i32
      %parallel_loop3A_846 = arith.index_cast %parallel_loop3A_845 : i32 to index
      %parallel_loop3A_847 = arith.index_cast %parallel_loop3A_295 : i32 to index
      %parallel_loop3A_848 = arith.constant 304 : index
      %parallel_loop3A_849 = tpu.vector_load %arg6[%parallel_loop3A_846, %parallel_loop3A_847, %parallel_loop3A_848] {strides = array<i32>} : memref<4x8x1024xf32, #tpu.memory_space<vmem>>, vector<1x1x16xf32>,
      %parallel_loop3A_850 = vector.shape_cast %parallel_loop3A_849 : vector<1x1x16xf32> to vector<16xf32>
      %parallel_loop3A_851 = vector.shape_cast %parallel_loop3A_823 : vector<16xf32> to vector<1x1x16xf32>
      tpu.vector_store %arg6[%parallel_loop3A_846, %parallel_loop3A_847, %parallel_loop3A_848], %parallel_loop3A_851 {add = true, strides = array<i32>} : memref<4x8x1024xf32, #tpu.memory_space<vmem>>, vector<1x1x16xf32>,
      %parallel_loop3A_852 = arith.constant 1 : i32
      %parallel_loop3A_853 = arith.index_cast %parallel_loop3A_852 : i32 to index
      %parallel_loop3A_854 = arith.index_cast %parallel_loop3A_295 : i32 to index
      %parallel_loop3A_855 = arith.constant 256 : index
      %parallel_loop3A_856 = tpu.vector_load %arg6[%parallel_loop3A_853, %parallel_loop3A_854, %parallel_loop3A_855] {strides = array<i32>} : memref<4x8x1024xf32, #tpu.memory_space<vmem>>, vector<1x1x16xf32>,
      %parallel_loop3A_857 = vector.shape_cast %parallel_loop3A_856 : vector<1x1x16xf32> to vector<16xf32>
      %parallel_loop3A_858 = vector.shape_cast %parallel_loop3A_811 : vector<16xf32> to vector<1x1x16xf32>
      tpu.vector_store %arg6[%parallel_loop3A_853, %parallel_loop3A_854, %parallel_loop3A_855], %parallel_loop3A_858 {add = true, strides = array<i32>} : memref<4x8x1024xf32, #tpu.memory_space<vmem>>, vector<1x1x16xf32>,
      %parallel_loop3A_859 = arith.constant 1 : i32
      %parallel_loop3A_860 = arith.index_cast %parallel_loop3A_859 : i32 to index
      %parallel_loop3A_861 = arith.index_cast %parallel_loop3A_295 : i32 to index
      %parallel_loop3A_862 = arith.constant 272 : index
      %parallel_loop3A_863 = tpu.vector_load %arg6[%parallel_loop3A_860, %parallel_loop3A_861, %parallel_loop3A_862] {strides = array<i32>} : memref<4x8x1024xf32, #tpu.memory_space<vmem>>, vector<1x1x16xf32>,
      %parallel_loop3A_864 = vector.shape_cast %parallel_loop3A_863 : vector<1x1x16xf32> to vector<16xf32>
      %parallel_loop3A_865 = vector.shape_cast %parallel_loop3A_815 : vector<16xf32> to vector<1x1x16xf32>
      tpu.vector_store %arg6[%parallel_loop3A_860, %parallel_loop3A_861, %parallel_loop3A_862], %parallel_loop3A_865 {add = true, strides = array<i32>} : memref<4x8x1024xf32, #tpu.memory_space<vmem>>, vector<1x1x16xf32>,
      %parallel_loop3A_866 = arith.constant 1 : i32
      %parallel_loop3A_867 = arith.index_cast %parallel_loop3A_866 : i32 to index
      %parallel_loop3A_868 = arith.index_cast %parallel_loop3A_295 : i32 to index
      %parallel_loop3A_869 = arith.constant 288 : index
      %parallel_loop3A_870 = tpu.vector_load %arg6[%parallel_loop3A_867, %parallel_loop3A_868, %parallel_loop3A_869] {strides = array<i32>} : memref<4x8x1024xf32, #tpu.memory_space<vmem>>, vector<1x1x16xf32>,
      %parallel_loop3A_871 = vector.shape_cast %parallel_loop3A_870 : vector<1x1x16xf32> to vector<16xf32>
      %parallel_loop3A_872 = vector.shape_cast %parallel_loop3A_819 : vector<16xf32> to vector<1x1x16xf32>
      tpu.vector_store %arg6[%parallel_loop3A_867, %parallel_loop3A_868, %parallel_loop3A_869], %parallel_loop3A_872 {add = true, strides = array<i32>} : memref<4x8x1024xf32, #tpu.memory_space<vmem>>, vector<1x1x16xf32>,
      %parallel_loop3A_873 = arith.constant 1 : i32
      %parallel_loop3A_874 = arith.index_cast %parallel_loop3A_873 : i32 to index
      %parallel_loop3A_875 = arith.index_cast %parallel_loop3A_295 : i32 to index
      %parallel_loop3A_876 = arith.constant 304 : index
      %parallel_loop3A_877 = tpu.vector_load %arg6[%parallel_loop3A_874, %parallel_loop3A_875, %parallel_loop3A_876] {strides = array<i32>} : memref<4x8x1024xf32, #tpu.memory_space<vmem>>, vector<1x1x16xf32>,
      %parallel_loop3A_878 = vector.shape_cast %parallel_loop3A_877 : vector<1x1x16xf32> to vector<16xf32>
      %parallel_loop3A_879 = vector.shape_cast %parallel_loop3A_823 : vector<16xf32> to vector<1x1x16xf32>
      tpu.vector_store %arg6[%parallel_loop3A_874, %parallel_loop3A_875, %parallel_loop3A_876], %parallel_loop3A_879 {add = true, strides = array<i32>} : memref<4x8x1024xf32, #tpu.memory_space<vmem>>, vector<1x1x16xf32>,
      %parallel_loop3A_880 = arith.constant 2 : i32
      %parallel_loop3A_881 = arith.index_cast %parallel_loop3A_880 : i32 to index
      %parallel_loop3A_882 = arith.index_cast %parallel_loop3A_295 : i32 to index
      %parallel_loop3A_883 = arith.constant 256 : index
      %parallel_loop3A_884 = tpu.vector_load %arg6[%parallel_loop3A_881, %parallel_loop3A_882, %parallel_loop3A_883] {strides = array<i32>} : memref<4x8x1024xf32, #tpu.memory_space<vmem>>, vector<1x1x16xf32>,
      %parallel_loop3A_885 = vector.shape_cast %parallel_loop3A_884 : vector<1x1x16xf32> to vector<16xf32>
      %parallel_loop3A_886 = vector.shape_cast %parallel_loop3A_811 : vector<16xf32> to vector<1x1x16xf32>
      tpu.vector_store %arg6[%parallel_loop3A_881, %parallel_loop3A_882, %parallel_loop3A_883], %parallel_loop3A_886 {add = true, strides = array<i32>} : memref<4x8x1024xf32, #tpu.memory_space<vmem>>, vector<1x1x16xf32>,
      %parallel_loop3A_887 = arith.constant 2 : i32
      %parallel_loop3A_888 = arith.index_cast %parallel_loop3A_887 : i32 to index
      %parallel_loop3A_889 = arith.index_cast %parallel_loop3A_295 : i32 to index
      %parallel_loop3A_890 = arith.constant 272 : index
      %parallel_loop3A_891 = tpu.vector_load %arg6[%parallel_loop3A_888, %parallel_loop3A_889, %parallel_loop3A_890] {strides = array<i32>} : memref<4x8x1024xf32, #tpu.memory_space<vmem>>, vector<1x1x16xf32>,
      %parallel_loop3A_892 = vector.shape_cast %parallel_loop3A_891 : vector<1x1x16xf32> to vector<16xf32>
      %parallel_loop3A_893 = vector.shape_cast %parallel_loop3A_815 : vector<16xf32> to vector<1x1x16xf32>
      tpu.vector_store %arg6[%parallel_loop3A_888, %parallel_loop3A_889, %parallel_loop3A_890], %parallel_loop3A_893 {add = true, strides = array<i32>} : memref<4x8x1024xf32, #tpu.memory_space<vmem>>, vector<1x1x16xf32>,
      %parallel_loop3A_894 = arith.constant 2 : i32
      %parallel_loop3A_895 = arith.index_cast %parallel_loop3A_894 : i32 to index
      %parallel_loop3A_896 = arith.index_cast %parallel_loop3A_295 : i32 to index
      %parallel_loop3A_897 = arith.constant 288 : index
      %parallel_loop3A_898 = tpu.vector_load %arg6[%parallel_loop3A_895, %parallel_loop3A_896, %parallel_loop3A_897] {strides = array<i32>} : memref<4x8x1024xf32, #tpu.memory_space<vmem>>, vector<1x1x16xf32>,
      %parallel_loop3A_899 = vector.shape_cast %parallel_loop3A_898 : vector<1x1x16xf32> to vector<16xf32>
      %parallel_loop3A_900 = vector.shape_cast %parallel_loop3A_819 : vector<16xf32> to vector<1x1x16xf32>
      tpu.vector_store %arg6[%parallel_loop3A_895, %parallel_loop3A_896, %parallel_loop3A_897], %parallel_loop3A_900 {add = true, strides = array<i32>} : memref<4x8x1024xf32, #tpu.memory_space<vmem>>, vector<1x1x16xf32>,
      %parallel_loop3A_901 = arith.constant 2 : i32
      %parallel_loop3A_902 = arith.index_cast %parallel_loop3A_901 : i32 to index
      %parallel_loop3A_903 = arith.index_cast %parallel_loop3A_295 : i32 to index
      %parallel_loop3A_904 = arith.constant 304 : index
      %parallel_loop3A_905 = tpu.vector_load %arg6[%parallel_loop3A_902, %parallel_loop3A_903, %parallel_loop3A_904] {strides = array<i32>} : memref<4x8x1024xf32, #tpu.memory_space<vmem>>, vector<1x1x16xf32>,
      %parallel_loop3A_906 = vector.shape_cast %parallel_loop3A_905 : vector<1x1x16xf32> to vector<16xf32>
      %parallel_loop3A_907 = vector.shape_cast %parallel_loop3A_823 : vector<16xf32> to vector<1x1x16xf32>
      tpu.vector_store %arg6[%parallel_loop3A_902, %parallel_loop3A_903, %parallel_loop3A_904], %parallel_loop3A_907 {add = true, strides = array<i32>} : memref<4x8x1024xf32, #tpu.memory_space<vmem>>, vector<1x1x16xf32>,
      %parallel_loop3A_908 = arith.constant 3 : i32
      %parallel_loop3A_909 = arith.index_cast %parallel_loop3A_908 : i32 to index
      %parallel_loop3A_910 = arith.index_cast %parallel_loop3A_295 : i32 to index
      %parallel_loop3A_911 = arith.constant 256 : index
      %parallel_loop3A_912 = tpu.vector_load %arg6[%parallel_loop3A_909, %parallel_loop3A_910, %parallel_loop3A_911] {strides = array<i32>} : memref<4x8x1024xf32, #tpu.memory_space<vmem>>, vector<1x1x16xf32>,
      %parallel_loop3A_913 = vector.shape_cast %parallel_loop3A_912 : vector<1x1x16xf32> to vector<16xf32>
      %parallel_loop3A_914 = vector.shape_cast %parallel_loop3A_811 : vector<16xf32> to vector<1x1x16xf32>
      tpu.vector_store %arg6[%parallel_loop3A_909, %parallel_loop3A_910, %parallel_loop3A_911], %parallel_loop3A_914 {add = true, strides = array<i32>} : memref<4x8x1024xf32, #tpu.memory_space<vmem>>, vector<1x1x16xf32>,
      %parallel_loop3A_915 = arith.constant 3 : i32
      %parallel_loop3A_916 = arith.index_cast %parallel_loop3A_915 : i32 to index
      %parallel_loop3A_917 = arith.index_cast %parallel_loop3A_295 : i32 to index
      %parallel_loop3A_918 = arith.constant 272 : index
      %parallel_loop3A_919 = tpu.vector_load %arg6[%parallel_loop3A_916, %parallel_loop3A_917, %parallel_loop3A_918] {strides = array<i32>} : memref<4x8x1024xf32, #tpu.memory_space<vmem>>, vector<1x1x16xf32>,
      %parallel_loop3A_920 = vector.shape_cast %parallel_loop3A_919 : vector<1x1x16xf32> to vector<16xf32>
      %parallel_loop3A_921 = vector.shape_cast %parallel_loop3A_815 : vector<16xf32> to vector<1x1x16xf32>
      tpu.vector_store %arg6[%parallel_loop3A_916, %parallel_loop3A_917, %parallel_loop3A_918], %parallel_loop3A_921 {add = true, strides = array<i32>} : memref<4x8x1024xf32, #tpu.memory_space<vmem>>, vector<1x1x16xf32>,
      %parallel_loop3A_922 = arith.constant 3 : i32
      %parallel_loop3A_923 = arith.index_cast %parallel_loop3A_922 : i32 to index
      %parallel_loop3A_924 = arith.index_cast %parallel_loop3A_295 : i32 to index
      %parallel_loop3A_925 = arith.constant 288 : index
      %parallel_loop3A_926 = tpu.vector_load %arg6[%parallel_loop3A_923, %parallel_loop3A_924, %parallel_loop3A_925] {strides = array<i32>} : memref<4x8x1024xf32, #tpu.memory_space<vmem>>, vector<1x1x16xf32>,
      %parallel_loop3A_927 = vector.shape_cast %parallel_loop3A_926 : vector<1x1x16xf32> to vector<16xf32>
      %parallel_loop3A_928 = vector.shape_cast %parallel_loop3A_819 : vector<16xf32> to vector<1x1x16xf32>
      tpu.vector_store %arg6[%parallel_loop3A_923, %parallel_loop3A_924, %parallel_loop3A_925], %parallel_loop3A_928 {add = true, strides = array<i32>} : memref<4x8x1024xf32, #tpu.memory_space<vmem>>, vector<1x1x16xf32>,
      %parallel_loop3A_929 = arith.constant 3 : i32
      %parallel_loop3A_930 = arith.index_cast %parallel_loop3A_929 : i32 to index
      %parallel_loop3A_931 = arith.index_cast %parallel_loop3A_295 : i32 to index
      %parallel_loop3A_932 = arith.constant 304 : index
      %parallel_loop3A_933 = tpu.vector_load %arg6[%parallel_loop3A_930, %parallel_loop3A_931, %parallel_loop3A_932] {strides = array<i32>} : memref<4x8x1024xf32, #tpu.memory_space<vmem>>, vector<1x1x16xf32>,
      %parallel_loop3A_934 = vector.shape_cast %parallel_loop3A_933 : vector<1x1x16xf32> to vector<16xf32>
      %parallel_loop3A_935 = vector.shape_cast %parallel_loop3A_823 : vector<16xf32> to vector<1x1x16xf32>
      tpu.vector_store %arg6[%parallel_loop3A_930, %parallel_loop3A_931, %parallel_loop3A_932], %parallel_loop3A_935 {add = true, strides = array<i32>} : memref<4x8x1024xf32, #tpu.memory_space<vmem>>, vector<1x1x16xf32>,
      %parallel_loop3A_936 = arith.index_cast %parallel_loop3A_295 : i32 to index
      %parallel_loop3A_937 = arith.constant 320 : index
      %parallel_loop3A_938 = tpu.vector_load %arg5[%parallel_loop3A_936, %parallel_loop3A_937] {strides = array<i32>} : memref<8x1024xf32, #tpu.memory_space<vmem>>, vector<1x16xf32>,
      %parallel_loop3A_939 = vector.shape_cast %parallel_loop3A_938 : vector<1x16xf32> to vector<16xf32>
      %parallel_loop3A_940 = arith.index_cast %parallel_loop3A_295 : i32 to index
      %parallel_loop3A_941 = arith.constant 336 : index
      %parallel_loop3A_942 = tpu.vector_load %arg5[%parallel_loop3A_940, %parallel_loop3A_941] {strides = array<i32>} : memref<8x1024xf32, #tpu.memory_space<vmem>>, vector<1x16xf32>,
      %parallel_loop3A_943 = vector.shape_cast %parallel_loop3A_942 : vector<1x16xf32> to vector<16xf32>
      %parallel_loop3A_944 = arith.index_cast %parallel_loop3A_295 : i32 to index
      %parallel_loop3A_945 = arith.constant 352 : index
      %parallel_loop3A_946 = tpu.vector_load %arg5[%parallel_loop3A_944, %parallel_loop3A_945] {strides = array<i32>} : memref<8x1024xf32, #tpu.memory_space<vmem>>, vector<1x16xf32>,
      %parallel_loop3A_947 = vector.shape_cast %parallel_loop3A_946 : vector<1x16xf32> to vector<16xf32>
      %parallel_loop3A_948 = arith.index_cast %parallel_loop3A_295 : i32 to index
      %parallel_loop3A_949 = arith.constant 368 : index
      %parallel_loop3A_950 = tpu.vector_load %arg5[%parallel_loop3A_948, %parallel_loop3A_949] {strides = array<i32>} : memref<8x1024xf32, #tpu.memory_space<vmem>>, vector<1x16xf32>,
      %parallel_loop3A_951 = vector.shape_cast %parallel_loop3A_950 : vector<1x16xf32> to vector<16xf32>
      %parallel_loop3A_952 = arith.constant 0 : i32
      %parallel_loop3A_953 = arith.index_cast %parallel_loop3A_952 : i32 to index
      %parallel_loop3A_954 = arith.index_cast %parallel_loop3A_295 : i32 to index
      %parallel_loop3A_955 = arith.constant 320 : index
      %parallel_loop3A_956 = tpu.vector_load %arg6[%parallel_loop3A_953, %parallel_loop3A_954, %parallel_loop3A_955] {strides = array<i32>} : memref<4x8x1024xf32, #tpu.memory_space<vmem>>, vector<1x1x16xf32>,
      %parallel_loop3A_957 = vector.shape_cast %parallel_loop3A_956 : vector<1x1x16xf32> to vector<16xf32>
      %parallel_loop3A_958 = vector.shape_cast %parallel_loop3A_939 : vector<16xf32> to vector<1x1x16xf32>
      tpu.vector_store %arg6[%parallel_loop3A_953, %parallel_loop3A_954, %parallel_loop3A_955], %parallel_loop3A_958 {add = true, strides = array<i32>} : memref<4x8x1024xf32, #tpu.memory_space<vmem>>, vector<1x1x16xf32>,
      %parallel_loop3A_959 = arith.constant 0 : i32
      %parallel_loop3A_960 = arith.index_cast %parallel_loop3A_959 : i32 to index
      %parallel_loop3A_961 = arith.index_cast %parallel_loop3A_295 : i32 to index
      %parallel_loop3A_962 = arith.constant 336 : index
      %parallel_loop3A_963 = tpu.vector_load %arg6[%parallel_loop3A_960, %parallel_loop3A_961, %parallel_loop3A_962] {strides = array<i32>} : memref<4x8x1024xf32, #tpu.memory_space<vmem>>, vector<1x1x16xf32>,
      %parallel_loop3A_964 = vector.shape_cast %parallel_loop3A_963 : vector<1x1x16xf32> to vector<16xf32>
      %parallel_loop3A_965 = vector.shape_cast %parallel_loop3A_943 : vector<16xf32> to vector<1x1x16xf32>
      tpu.vector_store %arg6[%parallel_loop3A_960, %parallel_loop3A_961, %parallel_loop3A_962], %parallel_loop3A_965 {add = true, strides = array<i32>} : memref<4x8x1024xf32, #tpu.memory_space<vmem>>, vector<1x1x16xf32>,
      %parallel_loop3A_966 = arith.constant 0 : i32
      %parallel_loop3A_967 = arith.index_cast %parallel_loop3A_966 : i32 to index
      %parallel_loop3A_968 = arith.index_cast %parallel_loop3A_295 : i32 to index
      %parallel_loop3A_969 = arith.constant 352 : index
      %parallel_loop3A_970 = tpu.vector_load %arg6[%parallel_loop3A_967, %parallel_loop3A_968, %parallel_loop3A_969] {strides = array<i32>} : memref<4x8x1024xf32, #tpu.memory_space<vmem>>, vector<1x1x16xf32>,
      %parallel_loop3A_971 = vector.shape_cast %parallel_loop3A_970 : vector<1x1x16xf32> to vector<16xf32>
      %parallel_loop3A_972 = vector.shape_cast %parallel_loop3A_947 : vector<16xf32> to vector<1x1x16xf32>
      tpu.vector_store %arg6[%parallel_loop3A_967, %parallel_loop3A_968, %parallel_loop3A_969], %parallel_loop3A_972 {add = true, strides = array<i32>} : memref<4x8x1024xf32, #tpu.memory_space<vmem>>, vector<1x1x16xf32>,
      %parallel_loop3A_973 = arith.constant 0 : i32
      %parallel_loop3A_974 = arith.index_cast %parallel_loop3A_973 : i32 to index
      %parallel_loop3A_975 = arith.index_cast %parallel_loop3A_295 : i32 to index
      %parallel_loop3A_976 = arith.constant 368 : index
      %parallel_loop3A_977 = tpu.vector_load %arg6[%parallel_loop3A_974, %parallel_loop3A_975, %parallel_loop3A_976] {strides = array<i32>} : memref<4x8x1024xf32, #tpu.memory_space<vmem>>, vector<1x1x16xf32>,
      %parallel_loop3A_978 = vector.shape_cast %parallel_loop3A_977 : vector<1x1x16xf32> to vector<16xf32>
      %parallel_loop3A_979 = vector.shape_cast %parallel_loop3A_951 : vector<16xf32> to vector<1x1x16xf32>
      tpu.vector_store %arg6[%parallel_loop3A_974, %parallel_loop3A_975, %parallel_loop3A_976], %parallel_loop3A_979 {add = true, strides = array<i32>} : memref<4x8x1024xf32, #tpu.memory_space<vmem>>, vector<1x1x16xf32>,
      %parallel_loop3A_980 = arith.constant 1 : i32
      %parallel_loop3A_981 = arith.index_cast %parallel_loop3A_980 : i32 to index
      %parallel_loop3A_982 = arith.index_cast %parallel_loop3A_295 : i32 to index
      %parallel_loop3A_983 = arith.constant 320 : index
      %parallel_loop3A_984 = tpu.vector_load %arg6[%parallel_loop3A_981, %parallel_loop3A_982, %parallel_loop3A_983] {strides = array<i32>} : memref<4x8x1024xf32, #tpu.memory_space<vmem>>, vector<1x1x16xf32>,
      %parallel_loop3A_985 = vector.shape_cast %parallel_loop3A_984 : vector<1x1x16xf32> to vector<16xf32>
      %parallel_loop3A_986 = vector.shape_cast %parallel_loop3A_939 : vector<16xf32> to vector<1x1x16xf32>
      tpu.vector_store %arg6[%parallel_loop3A_981, %parallel_loop3A_982, %parallel_loop3A_983], %parallel_loop3A_986 {add = true, strides = array<i32>} : memref<4x8x1024xf32, #tpu.memory_space<vmem>>, vector<1x1x16xf32>,
      %parallel_loop3A_987 = arith.constant 1 : i32
      %parallel_loop3A_988 = arith.index_cast %parallel_loop3A_987 : i32 to index
      %parallel_loop3A_989 = arith.index_cast %parallel_loop3A_295 : i32 to index
      %parallel_loop3A_990 = arith.constant 336 : index
      %parallel_loop3A_991 = tpu.vector_load %arg6[%parallel_loop3A_988, %parallel_loop3A_989, %parallel_loop3A_990] {strides = array<i32>} : memref<4x8x1024xf32, #tpu.memory_space<vmem>>, vector<1x1x16xf32>,
      %parallel_loop3A_992 = vector.shape_cast %parallel_loop3A_991 : vector<1x1x16xf32> to vector<16xf32>
      %parallel_loop3A_993 = vector.shape_cast %parallel_loop3A_943 : vector<16xf32> to vector<1x1x16xf32>
      tpu.vector_store %arg6[%parallel_loop3A_988, %parallel_loop3A_989, %parallel_loop3A_990], %parallel_loop3A_993 {add = true, strides = array<i32>} : memref<4x8x1024xf32, #tpu.memory_space<vmem>>, vector<1x1x16xf32>,
      %parallel_loop3A_994 = arith.constant 1 : i32
      %parallel_loop3A_995 = arith.index_cast %parallel_loop3A_994 : i32 to index
      %parallel_loop3A_996 = arith.index_cast %parallel_loop3A_295 : i32 to index
      %parallel_loop3A_997 = arith.constant 352 : index
      %parallel_loop3A_998 = tpu.vector_load %arg6[%parallel_loop3A_995, %parallel_loop3A_996, %parallel_loop3A_997] {strides = array<i32>} : memref<4x8x1024xf32, #tpu.memory_space<vmem>>, vector<1x1x16xf32>,
      %parallel_loop3A_999 = vector.shape_cast %parallel_loop3A_998 : vector<1x1x16xf32> to vector<16xf32>
      %parallel_loop3A_1000 = vector.shape_cast %parallel_loop3A_947 : vector<16xf32> to vector<1x1x16xf32>
      tpu.vector_store %arg6[%parallel_loop3A_995, %parallel_loop3A_996, %parallel_loop3A_997], %parallel_loop3A_1000 {add = true, strides = array<i32>} : memref<4x8x1024xf32, #tpu.memory_space<vmem>>, vector<1x1x16xf32>,
      %parallel_loop3A_1001 = arith.constant 1 : i32
      %parallel_loop3A_1002 = arith.index_cast %parallel_loop3A_1001 : i32 to index
      %parallel_loop3A_1003 = arith.index_cast %parallel_loop3A_295 : i32 to index
      %parallel_loop3A_1004 = arith.constant 368 : index
      %parallel_loop3A_1005 = tpu.vector_load %arg6[%parallel_loop3A_1002, %parallel_loop3A_1003, %parallel_loop3A_1004] {strides = array<i32>} : memref<4x8x1024xf32, #tpu.memory_space<vmem>>, vector<1x1x16xf32>,
      %parallel_loop3A_1006 = vector.shape_cast %parallel_loop3A_1005 : vector<1x1x16xf32> to vector<16xf32>
      %parallel_loop3A_1007 = vector.shape_cast %parallel_loop3A_951 : vector<16xf32> to vector<1x1x16xf32>
      tpu.vector_store %arg6[%parallel_loop3A_1002, %parallel_loop3A_1003, %parallel_loop3A_1004], %parallel_loop3A_1007 {add = true, strides = array<i32>} : memref<4x8x1024xf32, #tpu.memory_space<vmem>>, vector<1x1x16xf32>,
      %parallel_loop3A_1008 = arith.constant 2 : i32
      %parallel_loop3A_1009 = arith.index_cast %parallel_loop3A_1008 : i32 to index
      %parallel_loop3A_1010 = arith.index_cast %parallel_loop3A_295 : i32 to index
      %parallel_loop3A_1011 = arith.constant 320 : index
      %parallel_loop3A_1012 = tpu.vector_load %arg6[%parallel_loop3A_1009, %parallel_loop3A_1010, %parallel_loop3A_1011] {strides = array<i32>} : memref<4x8x1024xf32, #tpu.memory_space<vmem>>, vector<1x1x16xf32>,
      %parallel_loop3A_1013 = vector.shape_cast %parallel_loop3A_1012 : vector<1x1x16xf32> to vector<16xf32>
      %parallel_loop3A_1014 = vector.shape_cast %parallel_loop3A_939 : vector<16xf32> to vector<1x1x16xf32>
      tpu.vector_store %arg6[%parallel_loop3A_1009, %parallel_loop3A_1010, %parallel_loop3A_1011], %parallel_loop3A_1014 {add = true, strides = array<i32>} : memref<4x8x1024xf32, #tpu.memory_space<vmem>>, vector<1x1x16xf32>,
      %parallel_loop3A_1015 = arith.constant 2 : i32
      %parallel_loop3A_1016 = arith.index_cast %parallel_loop3A_1015 : i32 to index
      %parallel_loop3A_1017 = arith.index_cast %parallel_loop3A_295 : i32 to index
      %parallel_loop3A_1018 = arith.constant 336 : index
      %parallel_loop3A_1019 = tpu.vector_load %arg6[%parallel_loop3A_1016, %parallel_loop3A_1017, %parallel_loop3A_1018] {strides = array<i32>} : memref<4x8x1024xf32, #tpu.memory_space<vmem>>, vector<1x1x16xf32>,
      %parallel_loop3A_1020 = vector.shape_cast %parallel_loop3A_1019 : vector<1x1x16xf32> to vector<16xf32>
      %parallel_loop3A_1021 = vector.shape_cast %parallel_loop3A_943 : vector<16xf32> to vector<1x1x16xf32>
      tpu.vector_store %arg6[%parallel_loop3A_1016, %parallel_loop3A_1017, %parallel_loop3A_1018], %parallel_loop3A_1021 {add = true, strides = array<i32>} : memref<4x8x1024xf32, #tpu.memory_space<vmem>>, vector<1x1x16xf32>,
      %parallel_loop3A_1022 = arith.constant 2 : i32
      %parallel_loop3A_1023 = arith.index_cast %parallel_loop3A_1022 : i32 to index
      %parallel_loop3A_1024 = arith.index_cast %parallel_loop3A_295 : i32 to index
      %parallel_loop3A_1025 = arith.constant 352 : index
      %parallel_loop3A_1026 = tpu.vector_load %arg6[%parallel_loop3A_1023, %parallel_loop3A_1024, %parallel_loop3A_1025] {strides = array<i32>} : memref<4x8x1024xf32, #tpu.memory_space<vmem>>, vector<1x1x16xf32>,
      %parallel_loop3A_1027 = vector.shape_cast %parallel_loop3A_1026 : vector<1x1x16xf32> to vector<16xf32>
      %parallel_loop3A_1028 = vector.shape_cast %parallel_loop3A_947 : vector<16xf32> to vector<1x1x16xf32>
      tpu.vector_store %arg6[%parallel_loop3A_1023, %parallel_loop3A_1024, %parallel_loop3A_1025], %parallel_loop3A_1028 {add = true, strides = array<i32>} : memref<4x8x1024xf32, #tpu.memory_space<vmem>>, vector<1x1x16xf32>,
      %parallel_loop3A_1029 = arith.constant 2 : i32
      %parallel_loop3A_1030 = arith.index_cast %parallel_loop3A_1029 : i32 to index
      %parallel_loop3A_1031 = arith.index_cast %parallel_loop3A_295 : i32 to index
      %parallel_loop3A_1032 = arith.constant 368 : index
      %parallel_loop3A_1033 = tpu.vector_load %arg6[%parallel_loop3A_1030, %parallel_loop3A_1031, %parallel_loop3A_1032] {strides = array<i32>} : memref<4x8x1024xf32, #tpu.memory_space<vmem>>, vector<1x1x16xf32>,
      %parallel_loop3A_1034 = vector.shape_cast %parallel_loop3A_1033 : vector<1x1x16xf32> to vector<16xf32>
      %parallel_loop3A_1035 = vector.shape_cast %parallel_loop3A_951 : vector<16xf32> to vector<1x1x16xf32>
      tpu.vector_store %arg6[%parallel_loop3A_1030, %parallel_loop3A_1031, %parallel_loop3A_1032], %parallel_loop3A_1035 {add = true, strides = array<i32>} : memref<4x8x1024xf32, #tpu.memory_space<vmem>>, vector<1x1x16xf32>,
      %parallel_loop3A_1036 = arith.constant 3 : i32
      %parallel_loop3A_1037 = arith.index_cast %parallel_loop3A_1036 : i32 to index
      %parallel_loop3A_1038 = arith.index_cast %parallel_loop3A_295 : i32 to index
      %parallel_loop3A_1039 = arith.constant 320 : index
      %parallel_loop3A_1040 = tpu.vector_load %arg6[%parallel_loop3A_1037, %parallel_loop3A_1038, %parallel_loop3A_1039] {strides = array<i32>} : memref<4x8x1024xf32, #tpu.memory_space<vmem>>, vector<1x1x16xf32>,
      %parallel_loop3A_1041 = vector.shape_cast %parallel_loop3A_1040 : vector<1x1x16xf32> to vector<16xf32>
      %parallel_loop3A_1042 = vector.shape_cast %parallel_loop3A_939 : vector<16xf32> to vector<1x1x16xf32>
      tpu.vector_store %arg6[%parallel_loop3A_1037, %parallel_loop3A_1038, %parallel_loop3A_1039], %parallel_loop3A_1042 {add = true, strides = array<i32>} : memref<4x8x1024xf32, #tpu.memory_space<vmem>>, vector<1x1x16xf32>,
      %parallel_loop3A_1043 = arith.constant 3 : i32
      %parallel_loop3A_1044 = arith.index_cast %parallel_loop3A_1043 : i32 to index
      %parallel_loop3A_1045 = arith.index_cast %parallel_loop3A_295 : i32 to index
      %parallel_loop3A_1046 = arith.constant 336 : index
      %parallel_loop3A_1047 = tpu.vector_load %arg6[%parallel_loop3A_1044, %parallel_loop3A_1045, %parallel_loop3A_1046] {strides = array<i32>} : memref<4x8x1024xf32, #tpu.memory_space<vmem>>, vector<1x1x16xf32>,
      %parallel_loop3A_1048 = vector.shape_cast %parallel_loop3A_1047 : vector<1x1x16xf32> to vector<16xf32>
      %parallel_loop3A_1049 = vector.shape_cast %parallel_loop3A_943 : vector<16xf32> to vector<1x1x16xf32>
      tpu.vector_store %arg6[%parallel_loop3A_1044, %parallel_loop3A_1045, %parallel_loop3A_1046], %parallel_loop3A_1049 {add = true, strides = array<i32>} : memref<4x8x1024xf32, #tpu.memory_space<vmem>>, vector<1x1x16xf32>,
      %parallel_loop3A_1050 = arith.constant 3 : i32
      %parallel_loop3A_1051 = arith.index_cast %parallel_loop3A_1050 : i32 to index
      %parallel_loop3A_1052 = arith.index_cast %parallel_loop3A_295 : i32 to index
      %parallel_loop3A_1053 = arith.constant 352 : index
      %parallel_loop3A_1054 = tpu.vector_load %arg6[%parallel_loop3A_1051, %parallel_loop3A_1052, %parallel_loop3A_1053] {strides = array<i32>} : memref<4x8x1024xf32, #tpu.memory_space<vmem>>, vector<1x1x16xf32>,
      %parallel_loop3A_1055 = vector.shape_cast %parallel_loop3A_1054 : vector<1x1x16xf32> to vector<16xf32>
      %parallel_loop3A_1056 = vector.shape_cast %parallel_loop3A_947 : vector<16xf32> to vector<1x1x16xf32>
      tpu.vector_store %arg6[%parallel_loop3A_1051, %parallel_loop3A_1052, %parallel_loop3A_1053], %parallel_loop3A_1056 {add = true, strides = array<i32>} : memref<4x8x1024xf32, #tpu.memory_space<vmem>>, vector<1x1x16xf32>,
      %parallel_loop3A_1057 = arith.constant 3 : i32
      %parallel_loop3A_1058 = arith.index_cast %parallel_loop3A_1057 : i32 to index
      %parallel_loop3A_1059 = arith.index_cast %parallel_loop3A_295 : i32 to index
      %parallel_loop3A_1060 = arith.constant 368 : index
      %parallel_loop3A_1061 = tpu.vector_load %arg6[%parallel_loop3A_1058, %parallel_loop3A_1059, %parallel_loop3A_1060] {strides = array<i32>} : memref<4x8x1024xf32, #tpu.memory_space<vmem>>, vector<1x1x16xf32>,
      %parallel_loop3A_1062 = vector.shape_cast %parallel_loop3A_1061 : vector<1x1x16xf32> to vector<16xf32>
      %parallel_loop3A_1063 = vector.shape_cast %parallel_loop3A_951 : vector<16xf32> to vector<1x1x16xf32>
      tpu.vector_store %arg6[%parallel_loop3A_1058, %parallel_loop3A_1059, %parallel_loop3A_1060], %parallel_loop3A_1063 {add = true, strides = array<i32>} : memref<4x8x1024xf32, #tpu.memory_space<vmem>>, vector<1x1x16xf32>,
      %parallel_loop3A_1064 = arith.index_cast %parallel_loop3A_295 : i32 to index
      %parallel_loop3A_1065 = arith.constant 384 : index
      %parallel_loop3A_1066 = tpu.vector_load %arg5[%parallel_loop3A_1064, %parallel_loop3A_1065] {strides = array<i32>} : memref<8x1024xf32, #tpu.memory_space<vmem>>, vector<1x16xf32>,
      %parallel_loop3A_1067 = vector.shape_cast %parallel_loop3A_1066 : vector<1x16xf32> to vector<16xf32>
      %parallel_loop3A_1068 = arith.index_cast %parallel_loop3A_295 : i32 to index
      %parallel_loop3A_1069 = arith.constant 400 : index
      %parallel_loop3A_1070 = tpu.vector_load %arg5[%parallel_loop3A_1068, %parallel_loop3A_1069] {strides = array<i32>} : memref<8x1024xf32, #tpu.memory_space<vmem>>, vector<1x16xf32>,
      %parallel_loop3A_1071 = vector.shape_cast %parallel_loop3A_1070 : vector<1x16xf32> to vector<16xf32>
      %parallel_loop3A_1072 = arith.index_cast %parallel_loop3A_295 : i32 to index
      %parallel_loop3A_1073 = arith.constant 416 : index
      %parallel_loop3A_1074 = tpu.vector_load %arg5[%parallel_loop3A_1072, %parallel_loop3A_1073] {strides = array<i32>} : memref<8x1024xf32, #tpu.memory_space<vmem>>, vector<1x16xf32>,
      %parallel_loop3A_1075 = vector.shape_cast %parallel_loop3A_1074 : vector<1x16xf32> to vector<16xf32>
      %parallel_loop3A_1076 = arith.index_cast %parallel_loop3A_295 : i32 to index
      %parallel_loop3A_1077 = arith.constant 432 : index
      %parallel_loop3A_1078 = tpu.vector_load %arg5[%parallel_loop3A_1076, %parallel_loop3A_1077] {strides = array<i32>} : memref<8x1024xf32, #tpu.memory_space<vmem>>, vector<1x16xf32>,
      %parallel_loop3A_1079 = vector.shape_cast %parallel_loop3A_1078 : vector<1x16xf32> to vector<16xf32>
      %parallel_loop3A_1080 = arith.constant 0 : i32
      %parallel_loop3A_1081 = arith.index_cast %parallel_loop3A_1080 : i32 to index
      %parallel_loop3A_1082 = arith.index_cast %parallel_loop3A_295 : i32 to index
      %parallel_loop3A_1083 = arith.constant 384 : index
      %parallel_loop3A_1084 = tpu.vector_load %arg6[%parallel_loop3A_1081, %parallel_loop3A_1082, %parallel_loop3A_1083] {strides = array<i32>} : memref<4x8x1024xf32, #tpu.memory_space<vmem>>, vector<1x1x16xf32>,
      %parallel_loop3A_1085 = vector.shape_cast %parallel_loop3A_1084 : vector<1x1x16xf32> to vector<16xf32>
      %parallel_loop3A_1086 = vector.shape_cast %parallel_loop3A_1067 : vector<16xf32> to vector<1x1x16xf32>
      tpu.vector_store %arg6[%parallel_loop3A_1081, %parallel_loop3A_1082, %parallel_loop3A_1083], %parallel_loop3A_1086 {add = true, strides = array<i32>} : memref<4x8x1024xf32, #tpu.memory_space<vmem>>, vector<1x1x16xf32>,
      %parallel_loop3A_1087 = arith.constant 0 : i32
      %parallel_loop3A_1088 = arith.index_cast %parallel_loop3A_1087 : i32 to index
      %parallel_loop3A_1089 = arith.index_cast %parallel_loop3A_295 : i32 to index
      %parallel_loop3A_1090 = arith.constant 400 : index
      %parallel_loop3A_1091 = tpu.vector_load %arg6[%parallel_loop3A_1088, %parallel_loop3A_1089, %parallel_loop3A_1090] {strides = array<i32>} : memref<4x8x1024xf32, #tpu.memory_space<vmem>>, vector<1x1x16xf32>,
      %parallel_loop3A_1092 = vector.shape_cast %parallel_loop3A_1091 : vector<1x1x16xf32> to vector<16xf32>
      %parallel_loop3A_1093 = vector.shape_cast %parallel_loop3A_1071 : vector<16xf32> to vector<1x1x16xf32>
      tpu.vector_store %arg6[%parallel_loop3A_1088, %parallel_loop3A_1089, %parallel_loop3A_1090], %parallel_loop3A_1093 {add = true, strides = array<i32>} : memref<4x8x1024xf32, #tpu.memory_space<vmem>>, vector<1x1x16xf32>,
      %parallel_loop3A_1094 = arith.constant 0 : i32
      %parallel_loop3A_1095 = arith.index_cast %parallel_loop3A_1094 : i32 to index
      %parallel_loop3A_1096 = arith.index_cast %parallel_loop3A_295 : i32 to index
      %parallel_loop3A_1097 = arith.constant 416 : index
      %parallel_loop3A_1098 = tpu.vector_load %arg6[%parallel_loop3A_1095, %parallel_loop3A_1096, %parallel_loop3A_1097] {strides = array<i32>} : memref<4x8x1024xf32, #tpu.memory_space<vmem>>, vector<1x1x16xf32>,
      %parallel_loop3A_1099 = vector.shape_cast %parallel_loop3A_1098 : vector<1x1x16xf32> to vector<16xf32>
      %parallel_loop3A_1100 = vector.shape_cast %parallel_loop3A_1075 : vector<16xf32> to vector<1x1x16xf32>
      tpu.vector_store %arg6[%parallel_loop3A_1095, %parallel_loop3A_1096, %parallel_loop3A_1097], %parallel_loop3A_1100 {add = true, strides = array<i32>} : memref<4x8x1024xf32, #tpu.memory_space<vmem>>, vector<1x1x16xf32>,
      %parallel_loop3A_1101 = arith.constant 0 : i32
      %parallel_loop3A_1102 = arith.index_cast %parallel_loop3A_1101 : i32 to index
      %parallel_loop3A_1103 = arith.index_cast %parallel_loop3A_295 : i32 to index
      %parallel_loop3A_1104 = arith.constant 432 : index
      %parallel_loop3A_1105 = tpu.vector_load %arg6[%parallel_loop3A_1102, %parallel_loop3A_1103, %parallel_loop3A_1104] {strides = array<i32>} : memref<4x8x1024xf32, #tpu.memory_space<vmem>>, vector<1x1x16xf32>,
      %parallel_loop3A_1106 = vector.shape_cast %parallel_loop3A_1105 : vector<1x1x16xf32> to vector<16xf32>
      %parallel_loop3A_1107 = vector.shape_cast %parallel_loop3A_1079 : vector<16xf32> to vector<1x1x16xf32>
      tpu.vector_store %arg6[%parallel_loop3A_1102, %parallel_loop3A_1103, %parallel_loop3A_1104], %parallel_loop3A_1107 {add = true, strides = array<i32>} : memref<4x8x1024xf32, #tpu.memory_space<vmem>>, vector<1x1x16xf32>,
      %parallel_loop3A_1108 = arith.constant 1 : i32
      %parallel_loop3A_1109 = arith.index_cast %parallel_loop3A_1108 : i32 to index
      %parallel_loop3A_1110 = arith.index_cast %parallel_loop3A_295 : i32 to index
      %parallel_loop3A_1111 = arith.constant 384 : index
      %parallel_loop3A_1112 = tpu.vector_load %arg6[%parallel_loop3A_1109, %parallel_loop3A_1110, %parallel_loop3A_1111] {strides = array<i32>} : memref<4x8x1024xf32, #tpu.memory_space<vmem>>, vector<1x1x16xf32>,
      %parallel_loop3A_1113 = vector.shape_cast %parallel_loop3A_1112 : vector<1x1x16xf32> to vector<16xf32>
      %parallel_loop3A_1114 = vector.shape_cast %parallel_loop3A_1067 : vector<16xf32> to vector<1x1x16xf32>
      tpu.vector_store %arg6[%parallel_loop3A_1109, %parallel_loop3A_1110, %parallel_loop3A_1111], %parallel_loop3A_1114 {add = true, strides = array<i32>} : memref<4x8x1024xf32, #tpu.memory_space<vmem>>, vector<1x1x16xf32>,
      %parallel_loop3A_1115 = arith.constant 1 : i32
      %parallel_loop3A_1116 = arith.index_cast %parallel_loop3A_1115 : i32 to index
      %parallel_loop3A_1117 = arith.index_cast %parallel_loop3A_295 : i32 to index
      %parallel_loop3A_1118 = arith.constant 400 : index
      %parallel_loop3A_1119 = tpu.vector_load %arg6[%parallel_loop3A_1116, %parallel_loop3A_1117, %parallel_loop3A_1118] {strides = array<i32>} : memref<4x8x1024xf32, #tpu.memory_space<vmem>>, vector<1x1x16xf32>,
      %parallel_loop3A_1120 = vector.shape_cast %parallel_loop3A_1119 : vector<1x1x16xf32> to vector<16xf32>
      %parallel_loop3A_1121 = vector.shape_cast %parallel_loop3A_1071 : vector<16xf32> to vector<1x1x16xf32>
      tpu.vector_store %arg6[%parallel_loop3A_1116, %parallel_loop3A_1117, %parallel_loop3A_1118], %parallel_loop3A_1121 {add = true, strides = array<i32>} : memref<4x8x1024xf32, #tpu.memory_space<vmem>>, vector<1x1x16xf32>,
      %parallel_loop3A_1122 = arith.constant 1 : i32
      %parallel_loop3A_1123 = arith.index_cast %parallel_loop3A_1122 : i32 to index
      %parallel_loop3A_1124 = arith.index_cast %parallel_loop3A_295 : i32 to index
      %parallel_loop3A_1125 = arith.constant 416 : index
      %parallel_loop3A_1126 = tpu.vector_load %arg6[%parallel_loop3A_1123, %parallel_loop3A_1124, %parallel_loop3A_1125] {strides = array<i32>} : memref<4x8x1024xf32, #tpu.memory_space<vmem>>, vector<1x1x16xf32>,
      %parallel_loop3A_1127 = vector.shape_cast %parallel_loop3A_1126 : vector<1x1x16xf32> to vector<16xf32>
      %parallel_loop3A_1128 = vector.shape_cast %parallel_loop3A_1075 : vector<16xf32> to vector<1x1x16xf32>
      tpu.vector_store %arg6[%parallel_loop3A_1123, %parallel_loop3A_1124, %parallel_loop3A_1125], %parallel_loop3A_1128 {add = true, strides = array<i32>} : memref<4x8x1024xf32, #tpu.memory_space<vmem>>, vector<1x1x16xf32>,
      %parallel_loop3A_1129 = arith.constant 1 : i32
      %parallel_loop3A_1130 = arith.index_cast %parallel_loop3A_1129 : i32 to index
      %parallel_loop3A_1131 = arith.index_cast %parallel_loop3A_295 : i32 to index
      %parallel_loop3A_1132 = arith.constant 432 : index
      %parallel_loop3A_1133 = tpu.vector_load %arg6[%parallel_loop3A_1130, %parallel_loop3A_1131, %parallel_loop3A_1132] {strides = array<i32>} : memref<4x8x1024xf32, #tpu.memory_space<vmem>>, vector<1x1x16xf32>,
      %parallel_loop3A_1134 = vector.shape_cast %parallel_loop3A_1133 : vector<1x1x16xf32> to vector<16xf32>
      %parallel_loop3A_1135 = vector.shape_cast %parallel_loop3A_1079 : vector<16xf32> to vector<1x1x16xf32>
      tpu.vector_store %arg6[%parallel_loop3A_1130, %parallel_loop3A_1131, %parallel_loop3A_1132], %parallel_loop3A_1135 {add = true, strides = array<i32>} : memref<4x8x1024xf32, #tpu.memory_space<vmem>>, vector<1x1x16xf32>,
      %parallel_loop3A_1136 = arith.constant 2 : i32
      %parallel_loop3A_1137 = arith.index_cast %parallel_loop3A_1136 : i32 to index
      %parallel_loop3A_1138 = arith.index_cast %parallel_loop3A_295 : i32 to index
      %parallel_loop3A_1139 = arith.constant 384 : index
      %parallel_loop3A_1140 = tpu.vector_load %arg6[%parallel_loop3A_1137, %parallel_loop3A_1138, %parallel_loop3A_1139] {strides = array<i32>} : memref<4x8x1024xf32, #tpu.memory_space<vmem>>, vector<1x1x16xf32>,
      %parallel_loop3A_1141 = vector.shape_cast %parallel_loop3A_1140 : vector<1x1x16xf32> to vector<16xf32>
      %parallel_loop3A_1142 = vector.shape_cast %parallel_loop3A_1067 : vector<16xf32> to vector<1x1x16xf32>
      tpu.vector_store %arg6[%parallel_loop3A_1137, %parallel_loop3A_1138, %parallel_loop3A_1139], %parallel_loop3A_1142 {add = true, strides = array<i32>} : memref<4x8x1024xf32, #tpu.memory_space<vmem>>, vector<1x1x16xf32>,
      %parallel_loop3A_1143 = arith.constant 2 : i32
      %parallel_loop3A_1144 = arith.index_cast %parallel_loop3A_1143 : i32 to index
      %parallel_loop3A_1145 = arith.index_cast %parallel_loop3A_295 : i32 to index
      %parallel_loop3A_1146 = arith.constant 400 : index
      %parallel_loop3A_1147 = tpu.vector_load %arg6[%parallel_loop3A_1144, %parallel_loop3A_1145, %parallel_loop3A_1146] {strides = array<i32>} : memref<4x8x1024xf32, #tpu.memory_space<vmem>>, vector<1x1x16xf32>,
      %parallel_loop3A_1148 = vector.shape_cast %parallel_loop3A_1147 : vector<1x1x16xf32> to vector<16xf32>
      %parallel_loop3A_1149 = vector.shape_cast %parallel_loop3A_1071 : vector<16xf32> to vector<1x1x16xf32>
      tpu.vector_store %arg6[%parallel_loop3A_1144, %parallel_loop3A_1145, %parallel_loop3A_1146], %parallel_loop3A_1149 {add = true, strides = array<i32>} : memref<4x8x1024xf32, #tpu.memory_space<vmem>>, vector<1x1x16xf32>,
      %parallel_loop3A_1150 = arith.constant 2 : i32
      %parallel_loop3A_1151 = arith.index_cast %parallel_loop3A_1150 : i32 to index
      %parallel_loop3A_1152 = arith.index_cast %parallel_loop3A_295 : i32 to index
      %parallel_loop3A_1153 = arith.constant 416 : index
      %parallel_loop3A_1154 = tpu.vector_load %arg6[%parallel_loop3A_1151, %parallel_loop3A_1152, %parallel_loop3A_1153] {strides = array<i32>} : memref<4x8x1024xf32, #tpu.memory_space<vmem>>, vector<1x1x16xf32>,
      %parallel_loop3A_1155 = vector.shape_cast %parallel_loop3A_1154 : vector<1x1x16xf32> to vector<16xf32>
      %parallel_loop3A_1156 = vector.shape_cast %parallel_loop3A_1075 : vector<16xf32> to vector<1x1x16xf32>
      tpu.vector_store %arg6[%parallel_loop3A_1151, %parallel_loop3A_1152, %parallel_loop3A_1153], %parallel_loop3A_1156 {add = true, strides = array<i32>} : memref<4x8x1024xf32, #tpu.memory_space<vmem>>, vector<1x1x16xf32>,
      %parallel_loop3A_1157 = arith.constant 2 : i32
      %parallel_loop3A_1158 = arith.index_cast %parallel_loop3A_1157 : i32 to index
      %parallel_loop3A_1159 = arith.index_cast %parallel_loop3A_295 : i32 to index
      %parallel_loop3A_1160 = arith.constant 432 : index
      %parallel_loop3A_1161 = tpu.vector_load %arg6[%parallel_loop3A_1158, %parallel_loop3A_1159, %parallel_loop3A_1160] {strides = array<i32>} : memref<4x8x1024xf32, #tpu.memory_space<vmem>>, vector<1x1x16xf32>,
      %parallel_loop3A_1162 = vector.shape_cast %parallel_loop3A_1161 : vector<1x1x16xf32> to vector<16xf32>
      %parallel_loop3A_1163 = vector.shape_cast %parallel_loop3A_1079 : vector<16xf32> to vector<1x1x16xf32>
      tpu.vector_store %arg6[%parallel_loop3A_1158, %parallel_loop3A_1159, %parallel_loop3A_1160], %parallel_loop3A_1163 {add = true, strides = array<i32>} : memref<4x8x1024xf32, #tpu.memory_space<vmem>>, vector<1x1x16xf32>,
      %parallel_loop3A_1164 = arith.constant 3 : i32
      %parallel_loop3A_1165 = arith.index_cast %parallel_loop3A_1164 : i32 to index
      %parallel_loop3A_1166 = arith.index_cast %parallel_loop3A_295 : i32 to index
      %parallel_loop3A_1167 = arith.constant 384 : index
      %parallel_loop3A_1168 = tpu.vector_load %arg6[%parallel_loop3A_1165, %parallel_loop3A_1166, %parallel_loop3A_1167] {strides = array<i32>} : memref<4x8x1024xf32, #tpu.memory_space<vmem>>, vector<1x1x16xf32>,
      %parallel_loop3A_1169 = vector.shape_cast %parallel_loop3A_1168 : vector<1x1x16xf32> to vector<16xf32>
      %parallel_loop3A_1170 = vector.shape_cast %parallel_loop3A_1067 : vector<16xf32> to vector<1x1x16xf32>
      tpu.vector_store %arg6[%parallel_loop3A_1165, %parallel_loop3A_1166, %parallel_loop3A_1167], %parallel_loop3A_1170 {add = true, strides = array<i32>} : memref<4x8x1024xf32, #tpu.memory_space<vmem>>, vector<1x1x16xf32>,
      %parallel_loop3A_1171 = arith.constant 3 : i32
      %parallel_loop3A_1172 = arith.index_cast %parallel_loop3A_1171 : i32 to index
      %parallel_loop3A_1173 = arith.index_cast %parallel_loop3A_295 : i32 to index
      %parallel_loop3A_1174 = arith.constant 400 : index
      %parallel_loop3A_1175 = tpu.vector_load %arg6[%parallel_loop3A_1172, %parallel_loop3A_1173, %parallel_loop3A_1174] {strides = array<i32>} : memref<4x8x1024xf32, #tpu.memory_space<vmem>>, vector<1x1x16xf32>,
      %parallel_loop3A_1176 = vector.shape_cast %parallel_loop3A_1175 : vector<1x1x16xf32> to vector<16xf32>
      %parallel_loop3A_1177 = vector.shape_cast %parallel_loop3A_1071 : vector<16xf32> to vector<1x1x16xf32>
      tpu.vector_store %arg6[%parallel_loop3A_1172, %parallel_loop3A_1173, %parallel_loop3A_1174], %parallel_loop3A_1177 {add = true, strides = array<i32>} : memref<4x8x1024xf32, #tpu.memory_space<vmem>>, vector<1x1x16xf32>,
      %parallel_loop3A_1178 = arith.constant 3 : i32
      %parallel_loop3A_1179 = arith.index_cast %parallel_loop3A_1178 : i32 to index
      %parallel_loop3A_1180 = arith.index_cast %parallel_loop3A_295 : i32 to index
      %parallel_loop3A_1181 = arith.constant 416 : index
      %parallel_loop3A_1182 = tpu.vector_load %arg6[%parallel_loop3A_1179, %parallel_loop3A_1180, %parallel_loop3A_1181] {strides = array<i32>} : memref<4x8x1024xf32, #tpu.memory_space<vmem>>, vector<1x1x16xf32>,
      %parallel_loop3A_1183 = vector.shape_cast %parallel_loop3A_1182 : vector<1x1x16xf32> to vector<16xf32>
      %parallel_loop3A_1184 = vector.shape_cast %parallel_loop3A_1075 : vector<16xf32> to vector<1x1x16xf32>
      tpu.vector_store %arg6[%parallel_loop3A_1179, %parallel_loop3A_1180, %parallel_loop3A_1181], %parallel_loop3A_1184 {add = true, strides = array<i32>} : memref<4x8x1024xf32, #tpu.memory_space<vmem>>, vector<1x1x16xf32>,
      %parallel_loop3A_1185 = arith.constant 3 : i32
      %parallel_loop3A_1186 = arith.index_cast %parallel_loop3A_1185 : i32 to index
      %parallel_loop3A_1187 = arith.index_cast %parallel_loop3A_295 : i32 to index
      %parallel_loop3A_1188 = arith.constant 432 : index
      %parallel_loop3A_1189 = tpu.vector_load %arg6[%parallel_loop3A_1186, %parallel_loop3A_1187, %parallel_loop3A_1188] {strides = array<i32>} : memref<4x8x1024xf32, #tpu.memory_space<vmem>>, vector<1x1x16xf32>,
      %parallel_loop3A_1190 = vector.shape_cast %parallel_loop3A_1189 : vector<1x1x16xf32> to vector<16xf32>
      %parallel_loop3A_1191 = vector.shape_cast %parallel_loop3A_1079 : vector<16xf32> to vector<1x1x16xf32>
      tpu.vector_store %arg6[%parallel_loop3A_1186, %parallel_loop3A_1187, %parallel_loop3A_1188], %parallel_loop3A_1191 {add = true, strides = array<i32>} : memref<4x8x1024xf32, #tpu.memory_space<vmem>>, vector<1x1x16xf32>,
      %parallel_loop3A_1192 = arith.index_cast %parallel_loop3A_295 : i32 to index
      %parallel_loop3A_1193 = arith.constant 448 : index
      %parallel_loop3A_1194 = tpu.vector_load %arg5[%parallel_loop3A_1192, %parallel_loop3A_1193] {strides = array<i32>} : memref<8x1024xf32, #tpu.memory_space<vmem>>, vector<1x16xf32>,
      %parallel_loop3A_1195 = vector.shape_cast %parallel_loop3A_1194 : vector<1x16xf32> to vector<16xf32>
      %parallel_loop3A_1196 = arith.index_cast %parallel_loop3A_295 : i32 to index
      %parallel_loop3A_1197 = arith.constant 464 : index
      %parallel_loop3A_1198 = tpu.vector_load %arg5[%parallel_loop3A_1196, %parallel_loop3A_1197] {strides = array<i32>} : memref<8x1024xf32, #tpu.memory_space<vmem>>, vector<1x16xf32>,
      %parallel_loop3A_1199 = vector.shape_cast %parallel_loop3A_1198 : vector<1x16xf32> to vector<16xf32>
      %parallel_loop3A_1200 = arith.index_cast %parallel_loop3A_295 : i32 to index
      %parallel_loop3A_1201 = arith.constant 480 : index
      %parallel_loop3A_1202 = tpu.vector_load %arg5[%parallel_loop3A_1200, %parallel_loop3A_1201] {strides = array<i32>} : memref<8x1024xf32, #tpu.memory_space<vmem>>, vector<1x16xf32>,
      %parallel_loop3A_1203 = vector.shape_cast %parallel_loop3A_1202 : vector<1x16xf32> to vector<16xf32>
      %parallel_loop3A_1204 = arith.index_cast %parallel_loop3A_295 : i32 to index
      %parallel_loop3A_1205 = arith.constant 496 : index
      %parallel_loop3A_1206 = tpu.vector_load %arg5[%parallel_loop3A_1204, %parallel_loop3A_1205] {strides = array<i32>} : memref<8x1024xf32, #tpu.memory_space<vmem>>, vector<1x16xf32>,
      %parallel_loop3A_1207 = vector.shape_cast %parallel_loop3A_1206 : vector<1x16xf32> to vector<16xf32>
      %parallel_loop3A_1208 = arith.constant 0 : i32
      %parallel_loop3A_1209 = arith.index_cast %parallel_loop3A_1208 : i32 to index
      %parallel_loop3A_1210 = arith.index_cast %parallel_loop3A_295 : i32 to index
      %parallel_loop3A_1211 = arith.constant 448 : index
      %parallel_loop3A_1212 = tpu.vector_load %arg6[%parallel_loop3A_1209, %parallel_loop3A_1210, %parallel_loop3A_1211] {strides = array<i32>} : memref<4x8x1024xf32, #tpu.memory_space<vmem>>, vector<1x1x16xf32>,
      %parallel_loop3A_1213 = vector.shape_cast %parallel_loop3A_1212 : vector<1x1x16xf32> to vector<16xf32>
      %parallel_loop3A_1214 = vector.shape_cast %parallel_loop3A_1195 : vector<16xf32> to vector<1x1x16xf32>
      tpu.vector_store %arg6[%parallel_loop3A_1209, %parallel_loop3A_1210, %parallel_loop3A_1211], %parallel_loop3A_1214 {add = true, strides = array<i32>} : memref<4x8x1024xf32, #tpu.memory_space<vmem>>, vector<1x1x16xf32>,
      %parallel_loop3A_1215 = arith.constant 0 : i32
      %parallel_loop3A_1216 = arith.index_cast %parallel_loop3A_1215 : i32 to index
      %parallel_loop3A_1217 = arith.index_cast %parallel_loop3A_295 : i32 to index
      %parallel_loop3A_1218 = arith.constant 464 : index
      %parallel_loop3A_1219 = tpu.vector_load %arg6[%parallel_loop3A_1216, %parallel_loop3A_1217, %parallel_loop3A_1218] {strides = array<i32>} : memref<4x8x1024xf32, #tpu.memory_space<vmem>>, vector<1x1x16xf32>,
      %parallel_loop3A_1220 = vector.shape_cast %parallel_loop3A_1219 : vector<1x1x16xf32> to vector<16xf32>
      %parallel_loop3A_1221 = vector.shape_cast %parallel_loop3A_1199 : vector<16xf32> to vector<1x1x16xf32>
      tpu.vector_store %arg6[%parallel_loop3A_1216, %parallel_loop3A_1217, %parallel_loop3A_1218], %parallel_loop3A_1221 {add = true, strides = array<i32>} : memref<4x8x1024xf32, #tpu.memory_space<vmem>>, vector<1x1x16xf32>,
      %parallel_loop3A_1222 = arith.constant 0 : i32
      %parallel_loop3A_1223 = arith.index_cast %parallel_loop3A_1222 : i32 to index
      %parallel_loop3A_1224 = arith.index_cast %parallel_loop3A_295 : i32 to index
      %parallel_loop3A_1225 = arith.constant 480 : index
      %parallel_loop3A_1226 = tpu.vector_load %arg6[%parallel_loop3A_1223, %parallel_loop3A_1224, %parallel_loop3A_1225] {strides = array<i32>} : memref<4x8x1024xf32, #tpu.memory_space<vmem>>, vector<1x1x16xf32>,
      %parallel_loop3A_1227 = vector.shape_cast %parallel_loop3A_1226 : vector<1x1x16xf32> to vector<16xf32>
      %parallel_loop3A_1228 = vector.shape_cast %parallel_loop3A_1203 : vector<16xf32> to vector<1x1x16xf32>
      tpu.vector_store %arg6[%parallel_loop3A_1223, %parallel_loop3A_1224, %parallel_loop3A_1225], %parallel_loop3A_1228 {add = true, strides = array<i32>} : memref<4x8x1024xf32, #tpu.memory_space<vmem>>, vector<1x1x16xf32>,
      %parallel_loop3A_1229 = arith.constant 0 : i32
      %parallel_loop3A_1230 = arith.index_cast %parallel_loop3A_1229 : i32 to index
      %parallel_loop3A_1231 = arith.index_cast %parallel_loop3A_295 : i32 to index
      %parallel_loop3A_1232 = arith.constant 496 : index
      %parallel_loop3A_1233 = tpu.vector_load %arg6[%parallel_loop3A_1230, %parallel_loop3A_1231, %parallel_loop3A_1232] {strides = array<i32>} : memref<4x8x1024xf32, #tpu.memory_space<vmem>>, vector<1x1x16xf32>,
      %parallel_loop3A_1234 = vector.shape_cast %parallel_loop3A_1233 : vector<1x1x16xf32> to vector<16xf32>
      %parallel_loop3A_1235 = vector.shape_cast %parallel_loop3A_1207 : vector<16xf32> to vector<1x1x16xf32>
      tpu.vector_store %arg6[%parallel_loop3A_1230, %parallel_loop3A_1231, %parallel_loop3A_1232], %parallel_loop3A_1235 {add = true, strides = array<i32>} : memref<4x8x1024xf32, #tpu.memory_space<vmem>>, vector<1x1x16xf32>,
      %parallel_loop3A_1236 = arith.constant 1 : i32
      %parallel_loop3A_1237 = arith.index_cast %parallel_loop3A_1236 : i32 to index
      %parallel_loop3A_1238 = arith.index_cast %parallel_loop3A_295 : i32 to index
      %parallel_loop3A_1239 = arith.constant 448 : index
      %parallel_loop3A_1240 = tpu.vector_load %arg6[%parallel_loop3A_1237, %parallel_loop3A_1238, %parallel_loop3A_1239] {strides = array<i32>} : memref<4x8x1024xf32, #tpu.memory_space<vmem>>, vector<1x1x16xf32>,
      %parallel_loop3A_1241 = vector.shape_cast %parallel_loop3A_1240 : vector<1x1x16xf32> to vector<16xf32>
      %parallel_loop3A_1242 = vector.shape_cast %parallel_loop3A_1195 : vector<16xf32> to vector<1x1x16xf32>
      tpu.vector_store %arg6[%parallel_loop3A_1237, %parallel_loop3A_1238, %parallel_loop3A_1239], %parallel_loop3A_1242 {add = true, strides = array<i32>} : memref<4x8x1024xf32, #tpu.memory_space<vmem>>, vector<1x1x16xf32>,
      %parallel_loop3A_1243 = arith.constant 1 : i32
      %parallel_loop3A_1244 = arith.index_cast %parallel_loop3A_1243 : i32 to index
      %parallel_loop3A_1245 = arith.index_cast %parallel_loop3A_295 : i32 to index
      %parallel_loop3A_1246 = arith.constant 464 : index
      %parallel_loop3A_1247 = tpu.vector_load %arg6[%parallel_loop3A_1244, %parallel_loop3A_1245, %parallel_loop3A_1246] {strides = array<i32>} : memref<4x8x1024xf32, #tpu.memory_space<vmem>>, vector<1x1x16xf32>,
      %parallel_loop3A_1248 = vector.shape_cast %parallel_loop3A_1247 : vector<1x1x16xf32> to vector<16xf32>
      %parallel_loop3A_1249 = vector.shape_cast %parallel_loop3A_1199 : vector<16xf32> to vector<1x1x16xf32>
      tpu.vector_store %arg6[%parallel_loop3A_1244, %parallel_loop3A_1245, %parallel_loop3A_1246], %parallel_loop3A_1249 {add = true, strides = array<i32>} : memref<4x8x1024xf32, #tpu.memory_space<vmem>>, vector<1x1x16xf32>,
      %parallel_loop3A_1250 = arith.constant 1 : i32
      %parallel_loop3A_1251 = arith.index_cast %parallel_loop3A_1250 : i32 to index
      %parallel_loop3A_1252 = arith.index_cast %parallel_loop3A_295 : i32 to index
      %parallel_loop3A_1253 = arith.constant 480 : index
      %parallel_loop3A_1254 = tpu.vector_load %arg6[%parallel_loop3A_1251, %parallel_loop3A_1252, %parallel_loop3A_1253] {strides = array<i32>} : memref<4x8x1024xf32, #tpu.memory_space<vmem>>, vector<1x1x16xf32>,
      %parallel_loop3A_1255 = vector.shape_cast %parallel_loop3A_1254 : vector<1x1x16xf32> to vector<16xf32>
      %parallel_loop3A_1256 = vector.shape_cast %parallel_loop3A_1203 : vector<16xf32> to vector<1x1x16xf32>
      tpu.vector_store %arg6[%parallel_loop3A_1251, %parallel_loop3A_1252, %parallel_loop3A_1253], %parallel_loop3A_1256 {add = true, strides = array<i32>} : memref<4x8x1024xf32, #tpu.memory_space<vmem>>, vector<1x1x16xf32>,
      %parallel_loop3A_1257 = arith.constant 1 : i32
      %parallel_loop3A_1258 = arith.index_cast %parallel_loop3A_1257 : i32 to index
      %parallel_loop3A_1259 = arith.index_cast %parallel_loop3A_295 : i32 to index
      %parallel_loop3A_1260 = arith.constant 496 : index
      %parallel_loop3A_1261 = tpu.vector_load %arg6[%parallel_loop3A_1258, %parallel_loop3A_1259, %parallel_loop3A_1260] {strides = array<i32>} : memref<4x8x1024xf32, #tpu.memory_space<vmem>>, vector<1x1x16xf32>,
      %parallel_loop3A_1262 = vector.shape_cast %parallel_loop3A_1261 : vector<1x1x16xf32> to vector<16xf32>
      %parallel_loop3A_1263 = vector.shape_cast %parallel_loop3A_1207 : vector<16xf32> to vector<1x1x16xf32>
      tpu.vector_store %arg6[%parallel_loop3A_1258, %parallel_loop3A_1259, %parallel_loop3A_1260], %parallel_loop3A_1263 {add = true, strides = array<i32>} : memref<4x8x1024xf32, #tpu.memory_space<vmem>>, vector<1x1x16xf32>,
      %parallel_loop3A_1264 = arith.constant 2 : i32
      %parallel_loop3A_1265 = arith.index_cast %parallel_loop3A_1264 : i32 to index
      %parallel_loop3A_1266 = arith.index_cast %parallel_loop3A_295 : i32 to index
      %parallel_loop3A_1267 = arith.constant 448 : index
      %parallel_loop3A_1268 = tpu.vector_load %arg6[%parallel_loop3A_1265, %parallel_loop3A_1266, %parallel_loop3A_1267] {strides = array<i32>} : memref<4x8x1024xf32, #tpu.memory_space<vmem>>, vector<1x1x16xf32>,
      %parallel_loop3A_1269 = vector.shape_cast %parallel_loop3A_1268 : vector<1x1x16xf32> to vector<16xf32>
      %parallel_loop3A_1270 = vector.shape_cast %parallel_loop3A_1195 : vector<16xf32> to vector<1x1x16xf32>
      tpu.vector_store %arg6[%parallel_loop3A_1265, %parallel_loop3A_1266, %parallel_loop3A_1267], %parallel_loop3A_1270 {add = true, strides = array<i32>} : memref<4x8x1024xf32, #tpu.memory_space<vmem>>, vector<1x1x16xf32>,
      %parallel_loop3A_1271 = arith.constant 2 : i32
      %parallel_loop3A_1272 = arith.index_cast %parallel_loop3A_1271 : i32 to index
      %parallel_loop3A_1273 = arith.index_cast %parallel_loop3A_295 : i32 to index
      %parallel_loop3A_1274 = arith.constant 464 : index
      %parallel_loop3A_1275 = tpu.vector_load %arg6[%parallel_loop3A_1272, %parallel_loop3A_1273, %parallel_loop3A_1274] {strides = array<i32>} : memref<4x8x1024xf32, #tpu.memory_space<vmem>>, vector<1x1x16xf32>,
      %parallel_loop3A_1276 = vector.shape_cast %parallel_loop3A_1275 : vector<1x1x16xf32> to vector<16xf32>
      %parallel_loop3A_1277 = vector.shape_cast %parallel_loop3A_1199 : vector<16xf32> to vector<1x1x16xf32>
      tpu.vector_store %arg6[%parallel_loop3A_1272, %parallel_loop3A_1273, %parallel_loop3A_1274], %parallel_loop3A_1277 {add = true, strides = array<i32>} : memref<4x8x1024xf32, #tpu.memory_space<vmem>>, vector<1x1x16xf32>,
      %parallel_loop3A_1278 = arith.constant 2 : i32
      %parallel_loop3A_1279 = arith.index_cast %parallel_loop3A_1278 : i32 to index
      %parallel_loop3A_1280 = arith.index_cast %parallel_loop3A_295 : i32 to index
      %parallel_loop3A_1281 = arith.constant 480 : index
      %parallel_loop3A_1282 = tpu.vector_load %arg6[%parallel_loop3A_1279, %parallel_loop3A_1280, %parallel_loop3A_1281] {strides = array<i32>} : memref<4x8x1024xf32, #tpu.memory_space<vmem>>, vector<1x1x16xf32>,
      %parallel_loop3A_1283 = vector.shape_cast %parallel_loop3A_1282 : vector<1x1x16xf32> to vector<16xf32>
      %parallel_loop3A_1284 = vector.shape_cast %parallel_loop3A_1203 : vector<16xf32> to vector<1x1x16xf32>
      tpu.vector_store %arg6[%parallel_loop3A_1279, %parallel_loop3A_1280, %parallel_loop3A_1281], %parallel_loop3A_1284 {add = true, strides = array<i32>} : memref<4x8x1024xf32, #tpu.memory_space<vmem>>, vector<1x1x16xf32>,
      %parallel_loop3A_1285 = arith.constant 2 : i32
      %parallel_loop3A_1286 = arith.index_cast %parallel_loop3A_1285 : i32 to index
      %parallel_loop3A_1287 = arith.index_cast %parallel_loop3A_295 : i32 to index
      %parallel_loop3A_1288 = arith.constant 496 : index
      %parallel_loop3A_1289 = tpu.vector_load %arg6[%parallel_loop3A_1286, %parallel_loop3A_1287, %parallel_loop3A_1288] {strides = array<i32>} : memref<4x8x1024xf32, #tpu.memory_space<vmem>>, vector<1x1x16xf32>,
      %parallel_loop3A_1290 = vector.shape_cast %parallel_loop3A_1289 : vector<1x1x16xf32> to vector<16xf32>
      %parallel_loop3A_1291 = vector.shape_cast %parallel_loop3A_1207 : vector<16xf32> to vector<1x1x16xf32>
      tpu.vector_store %arg6[%parallel_loop3A_1286, %parallel_loop3A_1287, %parallel_loop3A_1288], %parallel_loop3A_1291 {add = true, strides = array<i32>} : memref<4x8x1024xf32, #tpu.memory_space<vmem>>, vector<1x1x16xf32>,
      %parallel_loop3A_1292 = arith.constant 3 : i32
      %parallel_loop3A_1293 = arith.index_cast %parallel_loop3A_1292 : i32 to index
      %parallel_loop3A_1294 = arith.index_cast %parallel_loop3A_295 : i32 to index
      %parallel_loop3A_1295 = arith.constant 448 : index
      %parallel_loop3A_1296 = tpu.vector_load %arg6[%parallel_loop3A_1293, %parallel_loop3A_1294, %parallel_loop3A_1295] {strides = array<i32>} : memref<4x8x1024xf32, #tpu.memory_space<vmem>>, vector<1x1x16xf32>,
      %parallel_loop3A_1297 = vector.shape_cast %parallel_loop3A_1296 : vector<1x1x16xf32> to vector<16xf32>
      %parallel_loop3A_1298 = vector.shape_cast %parallel_loop3A_1195 : vector<16xf32> to vector<1x1x16xf32>
      tpu.vector_store %arg6[%parallel_loop3A_1293, %parallel_loop3A_1294, %parallel_loop3A_1295], %parallel_loop3A_1298 {add = true, strides = array<i32>} : memref<4x8x1024xf32, #tpu.memory_space<vmem>>, vector<1x1x16xf32>,
      %parallel_loop3A_1299 = arith.constant 3 : i32
      %parallel_loop3A_1300 = arith.index_cast %parallel_loop3A_1299 : i32 to index
      %parallel_loop3A_1301 = arith.index_cast %parallel_loop3A_295 : i32 to index
      %parallel_loop3A_1302 = arith.constant 464 : index
      %parallel_loop3A_1303 = tpu.vector_load %arg6[%parallel_loop3A_1300, %parallel_loop3A_1301, %parallel_loop3A_1302] {strides = array<i32>} : memref<4x8x1024xf32, #tpu.memory_space<vmem>>, vector<1x1x16xf32>,
      %parallel_loop3A_1304 = vector.shape_cast %parallel_loop3A_1303 : vector<1x1x16xf32> to vector<16xf32>
      %parallel_loop3A_1305 = vector.shape_cast %parallel_loop3A_1199 : vector<16xf32> to vector<1x1x16xf32>
      tpu.vector_store %arg6[%parallel_loop3A_1300, %parallel_loop3A_1301, %parallel_loop3A_1302], %parallel_loop3A_1305 {add = true, strides = array<i32>} : memref<4x8x1024xf32, #tpu.memory_space<vmem>>, vector<1x1x16xf32>,
      %parallel_loop3A_1306 = arith.constant 3 : i32
      %parallel_loop3A_1307 = arith.index_cast %parallel_loop3A_1306 : i32 to index
      %parallel_loop3A_1308 = arith.index_cast %parallel_loop3A_295 : i32 to index
      %parallel_loop3A_1309 = arith.constant 480 : index
      %parallel_loop3A_1310 = tpu.vector_load %arg6[%parallel_loop3A_1307, %parallel_loop3A_1308, %parallel_loop3A_1309] {strides = array<i32>} : memref<4x8x1024xf32, #tpu.memory_space<vmem>>, vector<1x1x16xf32>,
      %parallel_loop3A_1311 = vector.shape_cast %parallel_loop3A_1310 : vector<1x1x16xf32> to vector<16xf32>
      %parallel_loop3A_1312 = vector.shape_cast %parallel_loop3A_1203 : vector<16xf32> to vector<1x1x16xf32>
      tpu.vector_store %arg6[%parallel_loop3A_1307, %parallel_loop3A_1308, %parallel_loop3A_1309], %parallel_loop3A_1312 {add = true, strides = array<i32>} : memref<4x8x1024xf32, #tpu.memory_space<vmem>>, vector<1x1x16xf32>,
      %parallel_loop3A_1313 = arith.constant 3 : i32
      %parallel_loop3A_1314 = arith.index_cast %parallel_loop3A_1313 : i32 to index
      %parallel_loop3A_1315 = arith.index_cast %parallel_loop3A_295 : i32 to index
      %parallel_loop3A_1316 = arith.constant 496 : index
      %parallel_loop3A_1317 = tpu.vector_load %arg6[%parallel_loop3A_1314, %parallel_loop3A_1315, %parallel_loop3A_1316] {strides = array<i32>} : memref<4x8x1024xf32, #tpu.memory_space<vmem>>, vector<1x1x16xf32>,
      %parallel_loop3A_1318 = vector.shape_cast %parallel_loop3A_1317 : vector<1x1x16xf32> to vector<16xf32>
      %parallel_loop3A_1319 = vector.shape_cast %parallel_loop3A_1207 : vector<16xf32> to vector<1x1x16xf32>
      tpu.vector_store %arg6[%parallel_loop3A_1314, %parallel_loop3A_1315, %parallel_loop3A_1316], %parallel_loop3A_1319 {add = true, strides = array<i32>} : memref<4x8x1024xf32, #tpu.memory_space<vmem>>, vector<1x1x16xf32>,
      %parallel_loop3A_1320 = arith.index_cast %parallel_loop3A_295 : i32 to index
      %parallel_loop3A_1321 = arith.constant 512 : index
      %parallel_loop3A_1322 = tpu.vector_load %arg5[%parallel_loop3A_1320, %parallel_loop3A_1321] {strides = array<i32>} : memref<8x1024xf32, #tpu.memory_space<vmem>>, vector<1x16xf32>,
      %parallel_loop3A_1323 = vector.shape_cast %parallel_loop3A_1322 : vector<1x16xf32> to vector<16xf32>
      %parallel_loop3A_1324 = arith.index_cast %parallel_loop3A_295 : i32 to index
      %parallel_loop3A_1325 = arith.constant 528 : index
      %parallel_loop3A_1326 = tpu.vector_load %arg5[%parallel_loop3A_1324, %parallel_loop3A_1325] {strides = array<i32>} : memref<8x1024xf32, #tpu.memory_space<vmem>>, vector<1x16xf32>,
      %parallel_loop3A_1327 = vector.shape_cast %parallel_loop3A_1326 : vector<1x16xf32> to vector<16xf32>
      %parallel_loop3A_1328 = arith.index_cast %parallel_loop3A_295 : i32 to index
      %parallel_loop3A_1329 = arith.constant 544 : index
      %parallel_loop3A_1330 = tpu.vector_load %arg5[%parallel_loop3A_1328, %parallel_loop3A_1329] {strides = array<i32>} : memref<8x1024xf32, #tpu.memory_space<vmem>>, vector<1x16xf32>,
      %parallel_loop3A_1331 = vector.shape_cast %parallel_loop3A_1330 : vector<1x16xf32> to vector<16xf32>
      %parallel_loop3A_1332 = arith.index_cast %parallel_loop3A_295 : i32 to index
      %parallel_loop3A_1333 = arith.constant 560 : index
      %parallel_loop3A_1334 = tpu.vector_load %arg5[%parallel_loop3A_1332, %parallel_loop3A_1333] {strides = array<i32>} : memref<8x1024xf32, #tpu.memory_space<vmem>>, vector<1x16xf32>,
      %parallel_loop3A_1335 = vector.shape_cast %parallel_loop3A_1334 : vector<1x16xf32> to vector<16xf32>
      %parallel_loop3A_1336 = arith.constant 0 : i32
      %parallel_loop3A_1337 = arith.index_cast %parallel_loop3A_1336 : i32 to index
      %parallel_loop3A_1338 = arith.index_cast %parallel_loop3A_295 : i32 to index
      %parallel_loop3A_1339 = arith.constant 512 : index
      %parallel_loop3A_1340 = tpu.vector_load %arg6[%parallel_loop3A_1337, %parallel_loop3A_1338, %parallel_loop3A_1339] {strides = array<i32>} : memref<4x8x1024xf32, #tpu.memory_space<vmem>>, vector<1x1x16xf32>,
      %parallel_loop3A_1341 = vector.shape_cast %parallel_loop3A_1340 : vector<1x1x16xf32> to vector<16xf32>
      %parallel_loop3A_1342 = vector.shape_cast %parallel_loop3A_1323 : vector<16xf32> to vector<1x1x16xf32>
      tpu.vector_store %arg6[%parallel_loop3A_1337, %parallel_loop3A_1338, %parallel_loop3A_1339], %parallel_loop3A_1342 {add = true, strides = array<i32>} : memref<4x8x1024xf32, #tpu.memory_space<vmem>>, vector<1x1x16xf32>,
      %parallel_loop3A_1343 = arith.constant 0 : i32
      %parallel_loop3A_1344 = arith.index_cast %parallel_loop3A_1343 : i32 to index
      %parallel_loop3A_1345 = arith.index_cast %parallel_loop3A_295 : i32 to index
      %parallel_loop3A_1346 = arith.constant 528 : index
      %parallel_loop3A_1347 = tpu.vector_load %arg6[%parallel_loop3A_1344, %parallel_loop3A_1345, %parallel_loop3A_1346] {strides = array<i32>} : memref<4x8x1024xf32, #tpu.memory_space<vmem>>, vector<1x1x16xf32>,
      %parallel_loop3A_1348 = vector.shape_cast %parallel_loop3A_1347 : vector<1x1x16xf32> to vector<16xf32>
      %parallel_loop3A_1349 = vector.shape_cast %parallel_loop3A_1327 : vector<16xf32> to vector<1x1x16xf32>
      tpu.vector_store %arg6[%parallel_loop3A_1344, %parallel_loop3A_1345, %parallel_loop3A_1346], %parallel_loop3A_1349 {add = true, strides = array<i32>} : memref<4x8x1024xf32, #tpu.memory_space<vmem>>, vector<1x1x16xf32>,
      %parallel_loop3A_1350 = arith.constant 0 : i32
      %parallel_loop3A_1351 = arith.index_cast %parallel_loop3A_1350 : i32 to index
      %parallel_loop3A_1352 = arith.index_cast %parallel_loop3A_295 : i32 to index
      %parallel_loop3A_1353 = arith.constant 544 : index
      %parallel_loop3A_1354 = tpu.vector_load %arg6[%parallel_loop3A_1351, %parallel_loop3A_1352, %parallel_loop3A_1353] {strides = array<i32>} : memref<4x8x1024xf32, #tpu.memory_space<vmem>>, vector<1x1x16xf32>,
      %parallel_loop3A_1355 = vector.shape_cast %parallel_loop3A_1354 : vector<1x1x16xf32> to vector<16xf32>
      %parallel_loop3A_1356 = vector.shape_cast %parallel_loop3A_1331 : vector<16xf32> to vector<1x1x16xf32>
      tpu.vector_store %arg6[%parallel_loop3A_1351, %parallel_loop3A_1352, %parallel_loop3A_1353], %parallel_loop3A_1356 {add = true, strides = array<i32>} : memref<4x8x1024xf32, #tpu.memory_space<vmem>>, vector<1x1x16xf32>,
      %parallel_loop3A_1357 = arith.constant 0 : i32
      %parallel_loop3A_1358 = arith.index_cast %parallel_loop3A_1357 : i32 to index
      %parallel_loop3A_1359 = arith.index_cast %parallel_loop3A_295 : i32 to index
      %parallel_loop3A_1360 = arith.constant 560 : index
      %parallel_loop3A_1361 = tpu.vector_load %arg6[%parallel_loop3A_1358, %parallel_loop3A_1359, %parallel_loop3A_1360] {strides = array<i32>} : memref<4x8x1024xf32, #tpu.memory_space<vmem>>, vector<1x1x16xf32>,
      %parallel_loop3A_1362 = vector.shape_cast %parallel_loop3A_1361 : vector<1x1x16xf32> to vector<16xf32>
      %parallel_loop3A_1363 = vector.shape_cast %parallel_loop3A_1335 : vector<16xf32> to vector<1x1x16xf32>
      tpu.vector_store %arg6[%parallel_loop3A_1358, %parallel_loop3A_1359, %parallel_loop3A_1360], %parallel_loop3A_1363 {add = true, strides = array<i32>} : memref<4x8x1024xf32, #tpu.memory_space<vmem>>, vector<1x1x16xf32>,
      %parallel_loop3A_1364 = arith.constant 1 : i32
      %parallel_loop3A_1365 = arith.index_cast %parallel_loop3A_1364 : i32 to index
      %parallel_loop3A_1366 = arith.index_cast %parallel_loop3A_295 : i32 to index
      %parallel_loop3A_1367 = arith.constant 512 : index
      %parallel_loop3A_1368 = tpu.vector_load %arg6[%parallel_loop3A_1365, %parallel_loop3A_1366, %parallel_loop3A_1367] {strides = array<i32>} : memref<4x8x1024xf32, #tpu.memory_space<vmem>>, vector<1x1x16xf32>,
      %parallel_loop3A_1369 = vector.shape_cast %parallel_loop3A_1368 : vector<1x1x16xf32> to vector<16xf32>
      %parallel_loop3A_1370 = vector.shape_cast %parallel_loop3A_1323 : vector<16xf32> to vector<1x1x16xf32>
      tpu.vector_store %arg6[%parallel_loop3A_1365, %parallel_loop3A_1366, %parallel_loop3A_1367], %parallel_loop3A_1370 {add = true, strides = array<i32>} : memref<4x8x1024xf32, #tpu.memory_space<vmem>>, vector<1x1x16xf32>,
      %parallel_loop3A_1371 = arith.constant 1 : i32
      %parallel_loop3A_1372 = arith.index_cast %parallel_loop3A_1371 : i32 to index
      %parallel_loop3A_1373 = arith.index_cast %parallel_loop3A_295 : i32 to index
      %parallel_loop3A_1374 = arith.constant 528 : index
      %parallel_loop3A_1375 = tpu.vector_load %arg6[%parallel_loop3A_1372, %parallel_loop3A_1373, %parallel_loop3A_1374] {strides = array<i32>} : memref<4x8x1024xf32, #tpu.memory_space<vmem>>, vector<1x1x16xf32>,
      %parallel_loop3A_1376 = vector.shape_cast %parallel_loop3A_1375 : vector<1x1x16xf32> to vector<16xf32>
      %parallel_loop3A_1377 = vector.shape_cast %parallel_loop3A_1327 : vector<16xf32> to vector<1x1x16xf32>
      tpu.vector_store %arg6[%parallel_loop3A_1372, %parallel_loop3A_1373, %parallel_loop3A_1374], %parallel_loop3A_1377 {add = true, strides = array<i32>} : memref<4x8x1024xf32, #tpu.memory_space<vmem>>, vector<1x1x16xf32>,
      %parallel_loop3A_1378 = arith.constant 1 : i32
      %parallel_loop3A_1379 = arith.index_cast %parallel_loop3A_1378 : i32 to index
      %parallel_loop3A_1380 = arith.index_cast %parallel_loop3A_295 : i32 to index
      %parallel_loop3A_1381 = arith.constant 544 : index
      %parallel_loop3A_1382 = tpu.vector_load %arg6[%parallel_loop3A_1379, %parallel_loop3A_1380, %parallel_loop3A_1381] {strides = array<i32>} : memref<4x8x1024xf32, #tpu.memory_space<vmem>>, vector<1x1x16xf32>,
      %parallel_loop3A_1383 = vector.shape_cast %parallel_loop3A_1382 : vector<1x1x16xf32> to vector<16xf32>
      %parallel_loop3A_1384 = vector.shape_cast %parallel_loop3A_1331 : vector<16xf32> to vector<1x1x16xf32>
      tpu.vector_store %arg6[%parallel_loop3A_1379, %parallel_loop3A_1380, %parallel_loop3A_1381], %parallel_loop3A_1384 {add = true, strides = array<i32>} : memref<4x8x1024xf32, #tpu.memory_space<vmem>>, vector<1x1x16xf32>,
      %parallel_loop3A_1385 = arith.constant 1 : i32
      %parallel_loop3A_1386 = arith.index_cast %parallel_loop3A_1385 : i32 to index
      %parallel_loop3A_1387 = arith.index_cast %parallel_loop3A_295 : i32 to index
      %parallel_loop3A_1388 = arith.constant 560 : index
      %parallel_loop3A_1389 = tpu.vector_load %arg6[%parallel_loop3A_1386, %parallel_loop3A_1387, %parallel_loop3A_1388] {strides = array<i32>} : memref<4x8x1024xf32, #tpu.memory_space<vmem>>, vector<1x1x16xf32>,
      %parallel_loop3A_1390 = vector.shape_cast %parallel_loop3A_1389 : vector<1x1x16xf32> to vector<16xf32>
      %parallel_loop3A_1391 = vector.shape_cast %parallel_loop3A_1335 : vector<16xf32> to vector<1x1x16xf32>
      tpu.vector_store %arg6[%parallel_loop3A_1386, %parallel_loop3A_1387, %parallel_loop3A_1388], %parallel_loop3A_1391 {add = true, strides = array<i32>} : memref<4x8x1024xf32, #tpu.memory_space<vmem>>, vector<1x1x16xf32>,
      %parallel_loop3A_1392 = arith.constant 2 : i32
      %parallel_loop3A_1393 = arith.index_cast %parallel_loop3A_1392 : i32 to index
      %parallel_loop3A_1394 = arith.index_cast %parallel_loop3A_295 : i32 to index
      %parallel_loop3A_1395 = arith.constant 512 : index
      %parallel_loop3A_1396 = tpu.vector_load %arg6[%parallel_loop3A_1393, %parallel_loop3A_1394, %parallel_loop3A_1395] {strides = array<i32>} : memref<4x8x1024xf32, #tpu.memory_space<vmem>>, vector<1x1x16xf32>,
      %parallel_loop3A_1397 = vector.shape_cast %parallel_loop3A_1396 : vector<1x1x16xf32> to vector<16xf32>
      %parallel_loop3A_1398 = vector.shape_cast %parallel_loop3A_1323 : vector<16xf32> to vector<1x1x16xf32>
      tpu.vector_store %arg6[%parallel_loop3A_1393, %parallel_loop3A_1394, %parallel_loop3A_1395], %parallel_loop3A_1398 {add = true, strides = array<i32>} : memref<4x8x1024xf32, #tpu.memory_space<vmem>>, vector<1x1x16xf32>,
      %parallel_loop3A_1399 = arith.constant 2 : i32
      %parallel_loop3A_1400 = arith.index_cast %parallel_loop3A_1399 : i32 to index
      %parallel_loop3A_1401 = arith.index_cast %parallel_loop3A_295 : i32 to index
      %parallel_loop3A_1402 = arith.constant 528 : index
      %parallel_loop3A_1403 = tpu.vector_load %arg6[%parallel_loop3A_1400, %parallel_loop3A_1401, %parallel_loop3A_1402] {strides = array<i32>} : memref<4x8x1024xf32, #tpu.memory_space<vmem>>, vector<1x1x16xf32>,
      %parallel_loop3A_1404 = vector.shape_cast %parallel_loop3A_1403 : vector<1x1x16xf32> to vector<16xf32>
      %parallel_loop3A_1405 = vector.shape_cast %parallel_loop3A_1327 : vector<16xf32> to vector<1x1x16xf32>
      tpu.vector_store %arg6[%parallel_loop3A_1400, %parallel_loop3A_1401, %parallel_loop3A_1402], %parallel_loop3A_1405 {add = true, strides = array<i32>} : memref<4x8x1024xf32, #tpu.memory_space<vmem>>, vector<1x1x16xf32>,
      %parallel_loop3A_1406 = arith.constant 2 : i32
      %parallel_loop3A_1407 = arith.index_cast %parallel_loop3A_1406 : i32 to index
      %parallel_loop3A_1408 = arith.index_cast %parallel_loop3A_295 : i32 to index
      %parallel_loop3A_1409 = arith.constant 544 : index
      %parallel_loop3A_1410 = tpu.vector_load %arg6[%parallel_loop3A_1407, %parallel_loop3A_1408, %parallel_loop3A_1409] {strides = array<i32>} : memref<4x8x1024xf32, #tpu.memory_space<vmem>>, vector<1x1x16xf32>,
      %parallel_loop3A_1411 = vector.shape_cast %parallel_loop3A_1410 : vector<1x1x16xf32> to vector<16xf32>
      %parallel_loop3A_1412 = vector.shape_cast %parallel_loop3A_1331 : vector<16xf32> to vector<1x1x16xf32>
      tpu.vector_store %arg6[%parallel_loop3A_1407, %parallel_loop3A_1408, %parallel_loop3A_1409], %parallel_loop3A_1412 {add = true, strides = array<i32>} : memref<4x8x1024xf32, #tpu.memory_space<vmem>>, vector<1x1x16xf32>,
      %parallel_loop3A_1413 = arith.constant 2 : i32
      %parallel_loop3A_1414 = arith.index_cast %parallel_loop3A_1413 : i32 to index
      %parallel_loop3A_1415 = arith.index_cast %parallel_loop3A_295 : i32 to index
      %parallel_loop3A_1416 = arith.constant 560 : index
      %parallel_loop3A_1417 = tpu.vector_load %arg6[%parallel_loop3A_1414, %parallel_loop3A_1415, %parallel_loop3A_1416] {strides = array<i32>} : memref<4x8x1024xf32, #tpu.memory_space<vmem>>, vector<1x1x16xf32>,
      %parallel_loop3A_1418 = vector.shape_cast %parallel_loop3A_1417 : vector<1x1x16xf32> to vector<16xf32>
      %parallel_loop3A_1419 = vector.shape_cast %parallel_loop3A_1335 : vector<16xf32> to vector<1x1x16xf32>
      tpu.vector_store %arg6[%parallel_loop3A_1414, %parallel_loop3A_1415, %parallel_loop3A_1416], %parallel_loop3A_1419 {add = true, strides = array<i32>} : memref<4x8x1024xf32, #tpu.memory_space<vmem>>, vector<1x1x16xf32>,
      %parallel_loop3A_1420 = arith.constant 3 : i32
      %parallel_loop3A_1421 = arith.index_cast %parallel_loop3A_1420 : i32 to index
      %parallel_loop3A_1422 = arith.index_cast %parallel_loop3A_295 : i32 to index
      %parallel_loop3A_1423 = arith.constant 512 : index
      %parallel_loop3A_1424 = tpu.vector_load %arg6[%parallel_loop3A_1421, %parallel_loop3A_1422, %parallel_loop3A_1423] {strides = array<i32>} : memref<4x8x1024xf32, #tpu.memory_space<vmem>>, vector<1x1x16xf32>,
      %parallel_loop3A_1425 = vector.shape_cast %parallel_loop3A_1424 : vector<1x1x16xf32> to vector<16xf32>
      %parallel_loop3A_1426 = vector.shape_cast %parallel_loop3A_1323 : vector<16xf32> to vector<1x1x16xf32>
      tpu.vector_store %arg6[%parallel_loop3A_1421, %parallel_loop3A_1422, %parallel_loop3A_1423], %parallel_loop3A_1426 {add = true, strides = array<i32>} : memref<4x8x1024xf32, #tpu.memory_space<vmem>>, vector<1x1x16xf32>,
      %parallel_loop3A_1427 = arith.constant 3 : i32
      %parallel_loop3A_1428 = arith.index_cast %parallel_loop3A_1427 : i32 to index
      %parallel_loop3A_1429 = arith.index_cast %parallel_loop3A_295 : i32 to index
      %parallel_loop3A_1430 = arith.constant 528 : index
      %parallel_loop3A_1431 = tpu.vector_load %arg6[%parallel_loop3A_1428, %parallel_loop3A_1429, %parallel_loop3A_1430] {strides = array<i32>} : memref<4x8x1024xf32, #tpu.memory_space<vmem>>, vector<1x1x16xf32>,
      %parallel_loop3A_1432 = vector.shape_cast %parallel_loop3A_1431 : vector<1x1x16xf32> to vector<16xf32>
      %parallel_loop3A_1433 = vector.shape_cast %parallel_loop3A_1327 : vector<16xf32> to vector<1x1x16xf32>
      tpu.vector_store %arg6[%parallel_loop3A_1428, %parallel_loop3A_1429, %parallel_loop3A_1430], %parallel_loop3A_1433 {add = true, strides = array<i32>} : memref<4x8x1024xf32, #tpu.memory_space<vmem>>, vector<1x1x16xf32>,
      %parallel_loop3A_1434 = arith.constant 3 : i32
      %parallel_loop3A_1435 = arith.index_cast %parallel_loop3A_1434 : i32 to index
      %parallel_loop3A_1436 = arith.index_cast %parallel_loop3A_295 : i32 to index
      %parallel_loop3A_1437 = arith.constant 544 : index
      %parallel_loop3A_1438 = tpu.vector_load %arg6[%parallel_loop3A_1435, %parallel_loop3A_1436, %parallel_loop3A_1437] {strides = array<i32>} : memref<4x8x1024xf32, #tpu.memory_space<vmem>>, vector<1x1x16xf32>,
      %parallel_loop3A_1439 = vector.shape_cast %parallel_loop3A_1438 : vector<1x1x16xf32> to vector<16xf32>
      %parallel_loop3A_1440 = vector.shape_cast %parallel_loop3A_1331 : vector<16xf32> to vector<1x1x16xf32>
      tpu.vector_store %arg6[%parallel_loop3A_1435, %parallel_loop3A_1436, %parallel_loop3A_1437], %parallel_loop3A_1440 {add = true, strides = array<i32>} : memref<4x8x1024xf32, #tpu.memory_space<vmem>>, vector<1x1x16xf32>,
      %parallel_loop3A_1441 = arith.constant 3 : i32
      %parallel_loop3A_1442 = arith.index_cast %parallel_loop3A_1441 : i32 to index
      %parallel_loop3A_1443 = arith.index_cast %parallel_loop3A_295 : i32 to index
      %parallel_loop3A_1444 = arith.constant 560 : index
      %parallel_loop3A_1445 = tpu.vector_load %arg6[%parallel_loop3A_1442, %parallel_loop3A_1443, %parallel_loop3A_1444] {strides = array<i32>} : memref<4x8x1024xf32, #tpu.memory_space<vmem>>, vector<1x1x16xf32>,
      %parallel_loop3A_1446 = vector.shape_cast %parallel_loop3A_1445 : vector<1x1x16xf32> to vector<16xf32>
      %parallel_loop3A_1447 = vector.shape_cast %parallel_loop3A_1335 : vector<16xf32> to vector<1x1x16xf32>
      tpu.vector_store %arg6[%parallel_loop3A_1442, %parallel_loop3A_1443, %parallel_loop3A_1444], %parallel_loop3A_1447 {add = true, strides = array<i32>} : memref<4x8x1024xf32, #tpu.memory_space<vmem>>, vector<1x1x16xf32>,
      %parallel_loop3A_1448 = arith.index_cast %parallel_loop3A_295 : i32 to index
      %parallel_loop3A_1449 = arith.constant 576 : index
      %parallel_loop3A_1450 = tpu.vector_load %arg5[%parallel_loop3A_1448, %parallel_loop3A_1449] {strides = array<i32>} : memref<8x1024xf32, #tpu.memory_space<vmem>>, vector<1x16xf32>,
      %parallel_loop3A_1451 = vector.shape_cast %parallel_loop3A_1450 : vector<1x16xf32> to vector<16xf32>
      %parallel_loop3A_1452 = arith.index_cast %parallel_loop3A_295 : i32 to index
      %parallel_loop3A_1453 = arith.constant 592 : index
      %parallel_loop3A_1454 = tpu.vector_load %arg5[%parallel_loop3A_1452, %parallel_loop3A_1453] {strides = array<i32>} : memref<8x1024xf32, #tpu.memory_space<vmem>>, vector<1x16xf32>,
      %parallel_loop3A_1455 = vector.shape_cast %parallel_loop3A_1454 : vector<1x16xf32> to vector<16xf32>
      %parallel_loop3A_1456 = arith.index_cast %parallel_loop3A_295 : i32 to index
      %parallel_loop3A_1457 = arith.constant 608 : index
      %parallel_loop3A_1458 = tpu.vector_load %arg5[%parallel_loop3A_1456, %parallel_loop3A_1457] {strides = array<i32>} : memref<8x1024xf32, #tpu.memory_space<vmem>>, vector<1x16xf32>,
      %parallel_loop3A_1459 = vector.shape_cast %parallel_loop3A_1458 : vector<1x16xf32> to vector<16xf32>
      %parallel_loop3A_1460 = arith.index_cast %parallel_loop3A_295 : i32 to index
      %parallel_loop3A_1461 = arith.constant 624 : index
      %parallel_loop3A_1462 = tpu.vector_load %arg5[%parallel_loop3A_1460, %parallel_loop3A_1461] {strides = array<i32>} : memref<8x1024xf32, #tpu.memory_space<vmem>>, vector<1x16xf32>,
      %parallel_loop3A_1463 = vector.shape_cast %parallel_loop3A_1462 : vector<1x16xf32> to vector<16xf32>
      %parallel_loop3A_1464 = arith.constant 0 : i32
      %parallel_loop3A_1465 = arith.index_cast %parallel_loop3A_1464 : i32 to index
      %parallel_loop3A_1466 = arith.index_cast %parallel_loop3A_295 : i32 to index
      %parallel_loop3A_1467 = arith.constant 576 : index
      %parallel_loop3A_1468 = tpu.vector_load %arg6[%parallel_loop3A_1465, %parallel_loop3A_1466, %parallel_loop3A_1467] {strides = array<i32>} : memref<4x8x1024xf32, #tpu.memory_space<vmem>>, vector<1x1x16xf32>,
      %parallel_loop3A_1469 = vector.shape_cast %parallel_loop3A_1468 : vector<1x1x16xf32> to vector<16xf32>
      %parallel_loop3A_1470 = vector.shape_cast %parallel_loop3A_1451 : vector<16xf32> to vector<1x1x16xf32>
      tpu.vector_store %arg6[%parallel_loop3A_1465, %parallel_loop3A_1466, %parallel_loop3A_1467], %parallel_loop3A_1470 {add = true, strides = array<i32>} : memref<4x8x1024xf32, #tpu.memory_space<vmem>>, vector<1x1x16xf32>,
      %parallel_loop3A_1471 = arith.constant 0 : i32
      %parallel_loop3A_1472 = arith.index_cast %parallel_loop3A_1471 : i32 to index
      %parallel_loop3A_1473 = arith.index_cast %parallel_loop3A_295 : i32 to index
      %parallel_loop3A_1474 = arith.constant 592 : index
      %parallel_loop3A_1475 = tpu.vector_load %arg6[%parallel_loop3A_1472, %parallel_loop3A_1473, %parallel_loop3A_1474] {strides = array<i32>} : memref<4x8x1024xf32, #tpu.memory_space<vmem>>, vector<1x1x16xf32>,
      %parallel_loop3A_1476 = vector.shape_cast %parallel_loop3A_1475 : vector<1x1x16xf32> to vector<16xf32>
      %parallel_loop3A_1477 = vector.shape_cast %parallel_loop3A_1455 : vector<16xf32> to vector<1x1x16xf32>
      tpu.vector_store %arg6[%parallel_loop3A_1472, %parallel_loop3A_1473, %parallel_loop3A_1474], %parallel_loop3A_1477 {add = true, strides = array<i32>} : memref<4x8x1024xf32, #tpu.memory_space<vmem>>, vector<1x1x16xf32>,
      %parallel_loop3A_1478 = arith.constant 0 : i32
      %parallel_loop3A_1479 = arith.index_cast %parallel_loop3A_1478 : i32 to index
      %parallel_loop3A_1480 = arith.index_cast %parallel_loop3A_295 : i32 to index
      %parallel_loop3A_1481 = arith.constant 608 : index
      %parallel_loop3A_1482 = tpu.vector_load %arg6[%parallel_loop3A_1479, %parallel_loop3A_1480, %parallel_loop3A_1481] {strides = array<i32>} : memref<4x8x1024xf32, #tpu.memory_space<vmem>>, vector<1x1x16xf32>,
      %parallel_loop3A_1483 = vector.shape_cast %parallel_loop3A_1482 : vector<1x1x16xf32> to vector<16xf32>
      %parallel_loop3A_1484 = vector.shape_cast %parallel_loop3A_1459 : vector<16xf32> to vector<1x1x16xf32>
      tpu.vector_store %arg6[%parallel_loop3A_1479, %parallel_loop3A_1480, %parallel_loop3A_1481], %parallel_loop3A_1484 {add = true, strides = array<i32>} : memref<4x8x1024xf32, #tpu.memory_space<vmem>>, vector<1x1x16xf32>,
      %parallel_loop3A_1485 = arith.constant 0 : i32
      %parallel_loop3A_1486 = arith.index_cast %parallel_loop3A_1485 : i32 to index
      %parallel_loop3A_1487 = arith.index_cast %parallel_loop3A_295 : i32 to index
      %parallel_loop3A_1488 = arith.constant 624 : index
      %parallel_loop3A_1489 = tpu.vector_load %arg6[%parallel_loop3A_1486, %parallel_loop3A_1487, %parallel_loop3A_1488] {strides = array<i32>} : memref<4x8x1024xf32, #tpu.memory_space<vmem>>, vector<1x1x16xf32>,
      %parallel_loop3A_1490 = vector.shape_cast %parallel_loop3A_1489 : vector<1x1x16xf32> to vector<16xf32>
      %parallel_loop3A_1491 = vector.shape_cast %parallel_loop3A_1463 : vector<16xf32> to vector<1x1x16xf32>
      tpu.vector_store %arg6[%parallel_loop3A_1486, %parallel_loop3A_1487, %parallel_loop3A_1488], %parallel_loop3A_1491 {add = true, strides = array<i32>} : memref<4x8x1024xf32, #tpu.memory_space<vmem>>, vector<1x1x16xf32>,
      %parallel_loop3A_1492 = arith.constant 1 : i32
      %parallel_loop3A_1493 = arith.index_cast %parallel_loop3A_1492 : i32 to index
      %parallel_loop3A_1494 = arith.index_cast %parallel_loop3A_295 : i32 to index
      %parallel_loop3A_1495 = arith.constant 576 : index
      %parallel_loop3A_1496 = tpu.vector_load %arg6[%parallel_loop3A_1493, %parallel_loop3A_1494, %parallel_loop3A_1495] {strides = array<i32>} : memref<4x8x1024xf32, #tpu.memory_space<vmem>>, vector<1x1x16xf32>,
      %parallel_loop3A_1497 = vector.shape_cast %parallel_loop3A_1496 : vector<1x1x16xf32> to vector<16xf32>
      %parallel_loop3A_1498 = vector.shape_cast %parallel_loop3A_1451 : vector<16xf32> to vector<1x1x16xf32>
      tpu.vector_store %arg6[%parallel_loop3A_1493, %parallel_loop3A_1494, %parallel_loop3A_1495], %parallel_loop3A_1498 {add = true, strides = array<i32>} : memref<4x8x1024xf32, #tpu.memory_space<vmem>>, vector<1x1x16xf32>,
      %parallel_loop3A_1499 = arith.constant 1 : i32
      %parallel_loop3A_1500 = arith.index_cast %parallel_loop3A_1499 : i32 to index
      %parallel_loop3A_1501 = arith.index_cast %parallel_loop3A_295 : i32 to index
      %parallel_loop3A_1502 = arith.constant 592 : index
      %parallel_loop3A_1503 = tpu.vector_load %arg6[%parallel_loop3A_1500, %parallel_loop3A_1501, %parallel_loop3A_1502] {strides = array<i32>} : memref<4x8x1024xf32, #tpu.memory_space<vmem>>, vector<1x1x16xf32>,
      %parallel_loop3A_1504 = vector.shape_cast %parallel_loop3A_1503 : vector<1x1x16xf32> to vector<16xf32>
      %parallel_loop3A_1505 = vector.shape_cast %parallel_loop3A_1455 : vector<16xf32> to vector<1x1x16xf32>
      tpu.vector_store %arg6[%parallel_loop3A_1500, %parallel_loop3A_1501, %parallel_loop3A_1502], %parallel_loop3A_1505 {add = true, strides = array<i32>} : memref<4x8x1024xf32, #tpu.memory_space<vmem>>, vector<1x1x16xf32>,
      %parallel_loop3A_1506 = arith.constant 1 : i32
      %parallel_loop3A_1507 = arith.index_cast %parallel_loop3A_1506 : i32 to index
      %parallel_loop3A_1508 = arith.index_cast %parallel_loop3A_295 : i32 to index
      %parallel_loop3A_1509 = arith.constant 608 : index
      %parallel_loop3A_1510 = tpu.vector_load %arg6[%parallel_loop3A_1507, %parallel_loop3A_1508, %parallel_loop3A_1509] {strides = array<i32>} : memref<4x8x1024xf32, #tpu.memory_space<vmem>>, vector<1x1x16xf32>,
      %parallel_loop3A_1511 = vector.shape_cast %parallel_loop3A_1510 : vector<1x1x16xf32> to vector<16xf32>
      %parallel_loop3A_1512 = vector.shape_cast %parallel_loop3A_1459 : vector<16xf32> to vector<1x1x16xf32>
      tpu.vector_store %arg6[%parallel_loop3A_1507, %parallel_loop3A_1508, %parallel_loop3A_1509], %parallel_loop3A_1512 {add = true, strides = array<i32>} : memref<4x8x1024xf32, #tpu.memory_space<vmem>>, vector<1x1x16xf32>,
      %parallel_loop3A_1513 = arith.constant 1 : i32
      %parallel_loop3A_1514 = arith.index_cast %parallel_loop3A_1513 : i32 to index
      %parallel_loop3A_1515 = arith.index_cast %parallel_loop3A_295 : i32 to index
      %parallel_loop3A_1516 = arith.constant 624 : index
      %parallel_loop3A_1517 = tpu.vector_load %arg6[%parallel_loop3A_1514, %parallel_loop3A_1515, %parallel_loop3A_1516] {strides = array<i32>} : memref<4x8x1024xf32, #tpu.memory_space<vmem>>, vector<1x1x16xf32>,
      %parallel_loop3A_1518 = vector.shape_cast %parallel_loop3A_1517 : vector<1x1x16xf32> to vector<16xf32>
      %parallel_loop3A_1519 = vector.shape_cast %parallel_loop3A_1463 : vector<16xf32> to vector<1x1x16xf32>
      tpu.vector_store %arg6[%parallel_loop3A_1514, %parallel_loop3A_1515, %parallel_loop3A_1516], %parallel_loop3A_1519 {add = true, strides = array<i32>} : memref<4x8x1024xf32, #tpu.memory_space<vmem>>, vector<1x1x16xf32>,
      %parallel_loop3A_1520 = arith.constant 2 : i32
      %parallel_loop3A_1521 = arith.index_cast %parallel_loop3A_1520 : i32 to index
      %parallel_loop3A_1522 = arith.index_cast %parallel_loop3A_295 : i32 to index
      %parallel_loop3A_1523 = arith.constant 576 : index
      %parallel_loop3A_1524 = tpu.vector_load %arg6[%parallel_loop3A_1521, %parallel_loop3A_1522, %parallel_loop3A_1523] {strides = array<i32>} : memref<4x8x1024xf32, #tpu.memory_space<vmem>>, vector<1x1x16xf32>,
      %parallel_loop3A_1525 = vector.shape_cast %parallel_loop3A_1524 : vector<1x1x16xf32> to vector<16xf32>
      %parallel_loop3A_1526 = vector.shape_cast %parallel_loop3A_1451 : vector<16xf32> to vector<1x1x16xf32>
      tpu.vector_store %arg6[%parallel_loop3A_1521, %parallel_loop3A_1522, %parallel_loop3A_1523], %parallel_loop3A_1526 {add = true, strides = array<i32>} : memref<4x8x1024xf32, #tpu.memory_space<vmem>>, vector<1x1x16xf32>,
      %parallel_loop3A_1527 = arith.constant 2 : i32
      %parallel_loop3A_1528 = arith.index_cast %parallel_loop3A_1527 : i32 to index
      %parallel_loop3A_1529 = arith.index_cast %parallel_loop3A_295 : i32 to index
      %parallel_loop3A_1530 = arith.constant 592 : index
      %parallel_loop3A_1531 = tpu.vector_load %arg6[%parallel_loop3A_1528, %parallel_loop3A_1529, %parallel_loop3A_1530] {strides = array<i32>} : memref<4x8x1024xf32, #tpu.memory_space<vmem>>, vector<1x1x16xf32>,
      %parallel_loop3A_1532 = vector.shape_cast %parallel_loop3A_1531 : vector<1x1x16xf32> to vector<16xf32>
      %parallel_loop3A_1533 = vector.shape_cast %parallel_loop3A_1455 : vector<16xf32> to vector<1x1x16xf32>
      tpu.vector_store %arg6[%parallel_loop3A_1528, %parallel_loop3A_1529, %parallel_loop3A_1530], %parallel_loop3A_1533 {add = true, strides = array<i32>} : memref<4x8x1024xf32, #tpu.memory_space<vmem>>, vector<1x1x16xf32>,
      %parallel_loop3A_1534 = arith.constant 2 : i32
      %parallel_loop3A_1535 = arith.index_cast %parallel_loop3A_1534 : i32 to index
      %parallel_loop3A_1536 = arith.index_cast %parallel_loop3A_295 : i32 to index
      %parallel_loop3A_1537 = arith.constant 608 : index
      %parallel_loop3A_1538 = tpu.vector_load %arg6[%parallel_loop3A_1535, %parallel_loop3A_1536, %parallel_loop3A_1537] {strides = array<i32>} : memref<4x8x1024xf32, #tpu.memory_space<vmem>>, vector<1x1x16xf32>,
      %parallel_loop3A_1539 = vector.shape_cast %parallel_loop3A_1538 : vector<1x1x16xf32> to vector<16xf32>
      %parallel_loop3A_1540 = vector.shape_cast %parallel_loop3A_1459 : vector<16xf32> to vector<1x1x16xf32>
      tpu.vector_store %arg6[%parallel_loop3A_1535, %parallel_loop3A_1536, %parallel_loop3A_1537], %parallel_loop3A_1540 {add = true, strides = array<i32>} : memref<4x8x1024xf32, #tpu.memory_space<vmem>>, vector<1x1x16xf32>,
      %parallel_loop3A_1541 = arith.constant 2 : i32
      %parallel_loop3A_1542 = arith.index_cast %parallel_loop3A_1541 : i32 to index
      %parallel_loop3A_1543 = arith.index_cast %parallel_loop3A_295 : i32 to index
      %parallel_loop3A_1544 = arith.constant 624 : index
      %parallel_loop3A_1545 = tpu.vector_load %arg6[%parallel_loop3A_1542, %parallel_loop3A_1543, %parallel_loop3A_1544] {strides = array<i32>} : memref<4x8x1024xf32, #tpu.memory_space<vmem>>, vector<1x1x16xf32>,
      %parallel_loop3A_1546 = vector.shape_cast %parallel_loop3A_1545 : vector<1x1x16xf32> to vector<16xf32>
      %parallel_loop3A_1547 = vector.shape_cast %parallel_loop3A_1463 : vector<16xf32> to vector<1x1x16xf32>
      tpu.vector_store %arg6[%parallel_loop3A_1542, %parallel_loop3A_1543, %parallel_loop3A_1544], %parallel_loop3A_1547 {add = true, strides = array<i32>} : memref<4x8x1024xf32, #tpu.memory_space<vmem>>, vector<1x1x16xf32>,
      %parallel_loop3A_1548 = arith.constant 3 : i32
      %parallel_loop3A_1549 = arith.index_cast %parallel_loop3A_1548 : i32 to index
      %parallel_loop3A_1550 = arith.index_cast %parallel_loop3A_295 : i32 to index
      %parallel_loop3A_1551 = arith.constant 576 : index
      %parallel_loop3A_1552 = tpu.vector_load %arg6[%parallel_loop3A_1549, %parallel_loop3A_1550, %parallel_loop3A_1551] {strides = array<i32>} : memref<4x8x1024xf32, #tpu.memory_space<vmem>>, vector<1x1x16xf32>,
      %parallel_loop3A_1553 = vector.shape_cast %parallel_loop3A_1552 : vector<1x1x16xf32> to vector<16xf32>
      %parallel_loop3A_1554 = vector.shape_cast %parallel_loop3A_1451 : vector<16xf32> to vector<1x1x16xf32>
      tpu.vector_store %arg6[%parallel_loop3A_1549, %parallel_loop3A_1550, %parallel_loop3A_1551], %parallel_loop3A_1554 {add = true, strides = array<i32>} : memref<4x8x1024xf32, #tpu.memory_space<vmem>>, vector<1x1x16xf32>,
      %parallel_loop3A_1555 = arith.constant 3 : i32
      %parallel_loop3A_1556 = arith.index_cast %parallel_loop3A_1555 : i32 to index
      %parallel_loop3A_1557 = arith.index_cast %parallel_loop3A_295 : i32 to index
      %parallel_loop3A_1558 = arith.constant 592 : index
      %parallel_loop3A_1559 = tpu.vector_load %arg6[%parallel_loop3A_1556, %parallel_loop3A_1557, %parallel_loop3A_1558] {strides = array<i32>} : memref<4x8x1024xf32, #tpu.memory_space<vmem>>, vector<1x1x16xf32>,
      %parallel_loop3A_1560 = vector.shape_cast %parallel_loop3A_1559 : vector<1x1x16xf32> to vector<16xf32>
      %parallel_loop3A_1561 = vector.shape_cast %parallel_loop3A_1455 : vector<16xf32> to vector<1x1x16xf32>
      tpu.vector_store %arg6[%parallel_loop3A_1556, %parallel_loop3A_1557, %parallel_loop3A_1558], %parallel_loop3A_1561 {add = true, strides = array<i32>} : memref<4x8x1024xf32, #tpu.memory_space<vmem>>, vector<1x1x16xf32>,
      %parallel_loop3A_1562 = arith.constant 3 : i32
      %parallel_loop3A_1563 = arith.index_cast %parallel_loop3A_1562 : i32 to index
      %parallel_loop3A_1564 = arith.index_cast %parallel_loop3A_295 : i32 to index
      %parallel_loop3A_1565 = arith.constant 608 : index
      %parallel_loop3A_1566 = tpu.vector_load %arg6[%parallel_loop3A_1563, %parallel_loop3A_1564, %parallel_loop3A_1565] {strides = array<i32>} : memref<4x8x1024xf32, #tpu.memory_space<vmem>>, vector<1x1x16xf32>,
      %parallel_loop3A_1567 = vector.shape_cast %parallel_loop3A_1566 : vector<1x1x16xf32> to vector<16xf32>
      %parallel_loop3A_1568 = vector.shape_cast %parallel_loop3A_1459 : vector<16xf32> to vector<1x1x16xf32>
      tpu.vector_store %arg6[%parallel_loop3A_1563, %parallel_loop3A_1564, %parallel_loop3A_1565], %parallel_loop3A_1568 {add = true, strides = array<i32>} : memref<4x8x1024xf32, #tpu.memory_space<vmem>>, vector<1x1x16xf32>,
      %parallel_loop3A_1569 = arith.constant 3 : i32
      %parallel_loop3A_1570 = arith.index_cast %parallel_loop3A_1569 : i32 to index
      %parallel_loop3A_1571 = arith.index_cast %parallel_loop3A_295 : i32 to index
      %parallel_loop3A_1572 = arith.constant 624 : index
      %parallel_loop3A_1573 = tpu.vector_load %arg6[%parallel_loop3A_1570, %parallel_loop3A_1571, %parallel_loop3A_1572] {strides = array<i32>} : memref<4x8x1024xf32, #tpu.memory_space<vmem>>, vector<1x1x16xf32>,
      %parallel_loop3A_1574 = vector.shape_cast %parallel_loop3A_1573 : vector<1x1x16xf32> to vector<16xf32>
      %parallel_loop3A_1575 = vector.shape_cast %parallel_loop3A_1463 : vector<16xf32> to vector<1x1x16xf32>
      tpu.vector_store %arg6[%parallel_loop3A_1570, %parallel_loop3A_1571, %parallel_loop3A_1572], %parallel_loop3A_1575 {add = true, strides = array<i32>} : memref<4x8x1024xf32, #tpu.memory_space<vmem>>, vector<1x1x16xf32>,
      %parallel_loop3A_1576 = arith.index_cast %parallel_loop3A_295 : i32 to index
      %parallel_loop3A_1577 = arith.constant 640 : index
      %parallel_loop3A_1578 = tpu.vector_load %arg5[%parallel_loop3A_1576, %parallel_loop3A_1577] {strides = array<i32>} : memref<8x1024xf32, #tpu.memory_space<vmem>>, vector<1x16xf32>,
      %parallel_loop3A_1579 = vector.shape_cast %parallel_loop3A_1578 : vector<1x16xf32> to vector<16xf32>
      %parallel_loop3A_1580 = arith.index_cast %parallel_loop3A_295 : i32 to index
      %parallel_loop3A_1581 = arith.constant 656 : index
      %parallel_loop3A_1582 = tpu.vector_load %arg5[%parallel_loop3A_1580, %parallel_loop3A_1581] {strides = array<i32>} : memref<8x1024xf32, #tpu.memory_space<vmem>>, vector<1x16xf32>,
      %parallel_loop3A_1583 = vector.shape_cast %parallel_loop3A_1582 : vector<1x16xf32> to vector<16xf32>
      %parallel_loop3A_1584 = arith.index_cast %parallel_loop3A_295 : i32 to index
      %parallel_loop3A_1585 = arith.constant 672 : index
      %parallel_loop3A_1586 = tpu.vector_load %arg5[%parallel_loop3A_1584, %parallel_loop3A_1585] {strides = array<i32>} : memref<8x1024xf32, #tpu.memory_space<vmem>>, vector<1x16xf32>,
      %parallel_loop3A_1587 = vector.shape_cast %parallel_loop3A_1586 : vector<1x16xf32> to vector<16xf32>
      %parallel_loop3A_1588 = arith.index_cast %parallel_loop3A_295 : i32 to index
      %parallel_loop3A_1589 = arith.constant 688 : index
      %parallel_loop3A_1590 = tpu.vector_load %arg5[%parallel_loop3A_1588, %parallel_loop3A_1589] {strides = array<i32>} : memref<8x1024xf32, #tpu.memory_space<vmem>>, vector<1x16xf32>,
      %parallel_loop3A_1591 = vector.shape_cast %parallel_loop3A_1590 : vector<1x16xf32> to vector<16xf32>
      %parallel_loop3A_1592 = arith.constant 0 : i32
      %parallel_loop3A_1593 = arith.index_cast %parallel_loop3A_1592 : i32 to index
      %parallel_loop3A_1594 = arith.index_cast %parallel_loop3A_295 : i32 to index
      %parallel_loop3A_1595 = arith.constant 640 : index
      %parallel_loop3A_1596 = tpu.vector_load %arg6[%parallel_loop3A_1593, %parallel_loop3A_1594, %parallel_loop3A_1595] {strides = array<i32>} : memref<4x8x1024xf32, #tpu.memory_space<vmem>>, vector<1x1x16xf32>,
      %parallel_loop3A_1597 = vector.shape_cast %parallel_loop3A_1596 : vector<1x1x16xf32> to vector<16xf32>
      %parallel_loop3A_1598 = vector.shape_cast %parallel_loop3A_1579 : vector<16xf32> to vector<1x1x16xf32>
      tpu.vector_store %arg6[%parallel_loop3A_1593, %parallel_loop3A_1594, %parallel_loop3A_1595], %parallel_loop3A_1598 {add = true, strides = array<i32>} : memref<4x8x1024xf32, #tpu.memory_space<vmem>>, vector<1x1x16xf32>,
      %parallel_loop3A_1599 = arith.constant 0 : i32
      %parallel_loop3A_1600 = arith.index_cast %parallel_loop3A_1599 : i32 to index
      %parallel_loop3A_1601 = arith.index_cast %parallel_loop3A_295 : i32 to index
      %parallel_loop3A_1602 = arith.constant 656 : index
      %parallel_loop3A_1603 = tpu.vector_load %arg6[%parallel_loop3A_1600, %parallel_loop3A_1601, %parallel_loop3A_1602] {strides = array<i32>} : memref<4x8x1024xf32, #tpu.memory_space<vmem>>, vector<1x1x16xf32>,
      %parallel_loop3A_1604 = vector.shape_cast %parallel_loop3A_1603 : vector<1x1x16xf32> to vector<16xf32>
      %parallel_loop3A_1605 = vector.shape_cast %parallel_loop3A_1583 : vector<16xf32> to vector<1x1x16xf32>
      tpu.vector_store %arg6[%parallel_loop3A_1600, %parallel_loop3A_1601, %parallel_loop3A_1602], %parallel_loop3A_1605 {add = true, strides = array<i32>} : memref<4x8x1024xf32, #tpu.memory_space<vmem>>, vector<1x1x16xf32>,
      %parallel_loop3A_1606 = arith.constant 0 : i32
      %parallel_loop3A_1607 = arith.index_cast %parallel_loop3A_1606 : i32 to index
      %parallel_loop3A_1608 = arith.index_cast %parallel_loop3A_295 : i32 to index
      %parallel_loop3A_1609 = arith.constant 672 : index
      %parallel_loop3A_1610 = tpu.vector_load %arg6[%parallel_loop3A_1607, %parallel_loop3A_1608, %parallel_loop3A_1609] {strides = array<i32>} : memref<4x8x1024xf32, #tpu.memory_space<vmem>>, vector<1x1x16xf32>,
      %parallel_loop3A_1611 = vector.shape_cast %parallel_loop3A_1610 : vector<1x1x16xf32> to vector<16xf32>
      %parallel_loop3A_1612 = vector.shape_cast %parallel_loop3A_1587 : vector<16xf32> to vector<1x1x16xf32>
      tpu.vector_store %arg6[%parallel_loop3A_1607, %parallel_loop3A_1608, %parallel_loop3A_1609], %parallel_loop3A_1612 {add = true, strides = array<i32>} : memref<4x8x1024xf32, #tpu.memory_space<vmem>>, vector<1x1x16xf32>,
      %parallel_loop3A_1613 = arith.constant 0 : i32
      %parallel_loop3A_1614 = arith.index_cast %parallel_loop3A_1613 : i32 to index
      %parallel_loop3A_1615 = arith.index_cast %parallel_loop3A_295 : i32 to index
      %parallel_loop3A_1616 = arith.constant 688 : index
      %parallel_loop3A_1617 = tpu.vector_load %arg6[%parallel_loop3A_1614, %parallel_loop3A_1615, %parallel_loop3A_1616] {strides = array<i32>} : memref<4x8x1024xf32, #tpu.memory_space<vmem>>, vector<1x1x16xf32>,
      %parallel_loop3A_1618 = vector.shape_cast %parallel_loop3A_1617 : vector<1x1x16xf32> to vector<16xf32>
      %parallel_loop3A_1619 = vector.shape_cast %parallel_loop3A_1591 : vector<16xf32> to vector<1x1x16xf32>
      tpu.vector_store %arg6[%parallel_loop3A_1614, %parallel_loop3A_1615, %parallel_loop3A_1616], %parallel_loop3A_1619 {add = true, strides = array<i32>} : memref<4x8x1024xf32, #tpu.memory_space<vmem>>, vector<1x1x16xf32>,
      %parallel_loop3A_1620 = arith.constant 1 : i32
      %parallel_loop3A_1621 = arith.index_cast %parallel_loop3A_1620 : i32 to index
      %parallel_loop3A_1622 = arith.index_cast %parallel_loop3A_295 : i32 to index
      %parallel_loop3A_1623 = arith.constant 640 : index
      %parallel_loop3A_1624 = tpu.vector_load %arg6[%parallel_loop3A_1621, %parallel_loop3A_1622, %parallel_loop3A_1623] {strides = array<i32>} : memref<4x8x1024xf32, #tpu.memory_space<vmem>>, vector<1x1x16xf32>,
      %parallel_loop3A_1625 = vector.shape_cast %parallel_loop3A_1624 : vector<1x1x16xf32> to vector<16xf32>
      %parallel_loop3A_1626 = vector.shape_cast %parallel_loop3A_1579 : vector<16xf32> to vector<1x1x16xf32>
      tpu.vector_store %arg6[%parallel_loop3A_1621, %parallel_loop3A_1622, %parallel_loop3A_1623], %parallel_loop3A_1626 {add = true, strides = array<i32>} : memref<4x8x1024xf32, #tpu.memory_space<vmem>>, vector<1x1x16xf32>,
      %parallel_loop3A_1627 = arith.constant 1 : i32
      %parallel_loop3A_1628 = arith.index_cast %parallel_loop3A_1627 : i32 to index
      %parallel_loop3A_1629 = arith.index_cast %parallel_loop3A_295 : i32 to index
      %parallel_loop3A_1630 = arith.constant 656 : index
      %parallel_loop3A_1631 = tpu.vector_load %arg6[%parallel_loop3A_1628, %parallel_loop3A_1629, %parallel_loop3A_1630] {strides = array<i32>} : memref<4x8x1024xf32, #tpu.memory_space<vmem>>, vector<1x1x16xf32>,
      %parallel_loop3A_1632 = vector.shape_cast %parallel_loop3A_1631 : vector<1x1x16xf32> to vector<16xf32>
      %parallel_loop3A_1633 = vector.shape_cast %parallel_loop3A_1583 : vector<16xf32> to vector<1x1x16xf32>
      tpu.vector_store %arg6[%parallel_loop3A_1628, %parallel_loop3A_1629, %parallel_loop3A_1630], %parallel_loop3A_1633 {add = true, strides = array<i32>} : memref<4x8x1024xf32, #tpu.memory_space<vmem>>, vector<1x1x16xf32>,
      %parallel_loop3A_1634 = arith.constant 1 : i32
      %parallel_loop3A_1635 = arith.index_cast %parallel_loop3A_1634 : i32 to index
      %parallel_loop3A_1636 = arith.index_cast %parallel_loop3A_295 : i32 to index
      %parallel_loop3A_1637 = arith.constant 672 : index
      %parallel_loop3A_1638 = tpu.vector_load %arg6[%parallel_loop3A_1635, %parallel_loop3A_1636, %parallel_loop3A_1637] {strides = array<i32>} : memref<4x8x1024xf32, #tpu.memory_space<vmem>>, vector<1x1x16xf32>,
      %parallel_loop3A_1639 = vector.shape_cast %parallel_loop3A_1638 : vector<1x1x16xf32> to vector<16xf32>
      %parallel_loop3A_1640 = vector.shape_cast %parallel_loop3A_1587 : vector<16xf32> to vector<1x1x16xf32>
      tpu.vector_store %arg6[%parallel_loop3A_1635, %parallel_loop3A_1636, %parallel_loop3A_1637], %parallel_loop3A_1640 {add = true, strides = array<i32>} : memref<4x8x1024xf32, #tpu.memory_space<vmem>>, vector<1x1x16xf32>,
      %parallel_loop3A_1641 = arith.constant 1 : i32
      %parallel_loop3A_1642 = arith.index_cast %parallel_loop3A_1641 : i32 to index
      %parallel_loop3A_1643 = arith.index_cast %parallel_loop3A_295 : i32 to index
      %parallel_loop3A_1644 = arith.constant 688 : index
      %parallel_loop3A_1645 = tpu.vector_load %arg6[%parallel_loop3A_1642, %parallel_loop3A_1643, %parallel_loop3A_1644] {strides = array<i32>} : memref<4x8x1024xf32, #tpu.memory_space<vmem>>, vector<1x1x16xf32>,
      %parallel_loop3A_1646 = vector.shape_cast %parallel_loop3A_1645 : vector<1x1x16xf32> to vector<16xf32>
      %parallel_loop3A_1647 = vector.shape_cast %parallel_loop3A_1591 : vector<16xf32> to vector<1x1x16xf32>
      tpu.vector_store %arg6[%parallel_loop3A_1642, %parallel_loop3A_1643, %parallel_loop3A_1644], %parallel_loop3A_1647 {add = true, strides = array<i32>} : memref<4x8x1024xf32, #tpu.memory_space<vmem>>, vector<1x1x16xf32>,
      %parallel_loop3A_1648 = arith.constant 2 : i32
      %parallel_loop3A_1649 = arith.index_cast %parallel_loop3A_1648 : i32 to index
      %parallel_loop3A_1650 = arith.index_cast %parallel_loop3A_295 : i32 to index
      %parallel_loop3A_1651 = arith.constant 640 : index
      %parallel_loop3A_1652 = tpu.vector_load %arg6[%parallel_loop3A_1649, %parallel_loop3A_1650, %parallel_loop3A_1651] {strides = array<i32>} : memref<4x8x1024xf32, #tpu.memory_space<vmem>>, vector<1x1x16xf32>,
      %parallel_loop3A_1653 = vector.shape_cast %parallel_loop3A_1652 : vector<1x1x16xf32> to vector<16xf32>
      %parallel_loop3A_1654 = vector.shape_cast %parallel_loop3A_1579 : vector<16xf32> to vector<1x1x16xf32>
      tpu.vector_store %arg6[%parallel_loop3A_1649, %parallel_loop3A_1650, %parallel_loop3A_1651], %parallel_loop3A_1654 {add = true, strides = array<i32>} : memref<4x8x1024xf32, #tpu.memory_space<vmem>>, vector<1x1x16xf32>,
      %parallel_loop3A_1655 = arith.constant 2 : i32
      %parallel_loop3A_1656 = arith.index_cast %parallel_loop3A_1655 : i32 to index
      %parallel_loop3A_1657 = arith.index_cast %parallel_loop3A_295 : i32 to index
      %parallel_loop3A_1658 = arith.constant 656 : index
      %parallel_loop3A_1659 = tpu.vector_load %arg6[%parallel_loop3A_1656, %parallel_loop3A_1657, %parallel_loop3A_1658] {strides = array<i32>} : memref<4x8x1024xf32, #tpu.memory_space<vmem>>, vector<1x1x16xf32>,
      %parallel_loop3A_1660 = vector.shape_cast %parallel_loop3A_1659 : vector<1x1x16xf32> to vector<16xf32>
      %parallel_loop3A_1661 = vector.shape_cast %parallel_loop3A_1583 : vector<16xf32> to vector<1x1x16xf32>
      tpu.vector_store %arg6[%parallel_loop3A_1656, %parallel_loop3A_1657, %parallel_loop3A_1658], %parallel_loop3A_1661 {add = true, strides = array<i32>} : memref<4x8x1024xf32, #tpu.memory_space<vmem>>, vector<1x1x16xf32>,
      %parallel_loop3A_1662 = arith.constant 2 : i32
      %parallel_loop3A_1663 = arith.index_cast %parallel_loop3A_1662 : i32 to index
      %parallel_loop3A_1664 = arith.index_cast %parallel_loop3A_295 : i32 to index
      %parallel_loop3A_1665 = arith.constant 672 : index
      %parallel_loop3A_1666 = tpu.vector_load %arg6[%parallel_loop3A_1663, %parallel_loop3A_1664, %parallel_loop3A_1665] {strides = array<i32>} : memref<4x8x1024xf32, #tpu.memory_space<vmem>>, vector<1x1x16xf32>,
      %parallel_loop3A_1667 = vector.shape_cast %parallel_loop3A_1666 : vector<1x1x16xf32> to vector<16xf32>
      %parallel_loop3A_1668 = vector.shape_cast %parallel_loop3A_1587 : vector<16xf32> to vector<1x1x16xf32>
      tpu.vector_store %arg6[%parallel_loop3A_1663, %parallel_loop3A_1664, %parallel_loop3A_1665], %parallel_loop3A_1668 {add = true, strides = array<i32>} : memref<4x8x1024xf32, #tpu.memory_space<vmem>>, vector<1x1x16xf32>,
      %parallel_loop3A_1669 = arith.constant 2 : i32
      %parallel_loop3A_1670 = arith.index_cast %parallel_loop3A_1669 : i32 to index
      %parallel_loop3A_1671 = arith.index_cast %parallel_loop3A_295 : i32 to index
      %parallel_loop3A_1672 = arith.constant 688 : index
      %parallel_loop3A_1673 = tpu.vector_load %arg6[%parallel_loop3A_1670, %parallel_loop3A_1671, %parallel_loop3A_1672] {strides = array<i32>} : memref<4x8x1024xf32, #tpu.memory_space<vmem>>, vector<1x1x16xf32>,
      %parallel_loop3A_1674 = vector.shape_cast %parallel_loop3A_1673 : vector<1x1x16xf32> to vector<16xf32>
      %parallel_loop3A_1675 = vector.shape_cast %parallel_loop3A_1591 : vector<16xf32> to vector<1x1x16xf32>
      tpu.vector_store %arg6[%parallel_loop3A_1670, %parallel_loop3A_1671, %parallel_loop3A_1672], %parallel_loop3A_1675 {add = true, strides = array<i32>} : memref<4x8x1024xf32, #tpu.memory_space<vmem>>, vector<1x1x16xf32>,
      %parallel_loop3A_1676 = arith.constant 3 : i32
      %parallel_loop3A_1677 = arith.index_cast %parallel_loop3A_1676 : i32 to index
      %parallel_loop3A_1678 = arith.index_cast %parallel_loop3A_295 : i32 to index
      %parallel_loop3A_1679 = arith.constant 640 : index
      %parallel_loop3A_1680 = tpu.vector_load %arg6[%parallel_loop3A_1677, %parallel_loop3A_1678, %parallel_loop3A_1679] {strides = array<i32>} : memref<4x8x1024xf32, #tpu.memory_space<vmem>>, vector<1x1x16xf32>,
      %parallel_loop3A_1681 = vector.shape_cast %parallel_loop3A_1680 : vector<1x1x16xf32> to vector<16xf32>
      %parallel_loop3A_1682 = vector.shape_cast %parallel_loop3A_1579 : vector<16xf32> to vector<1x1x16xf32>
      tpu.vector_store %arg6[%parallel_loop3A_1677, %parallel_loop3A_1678, %parallel_loop3A_1679], %parallel_loop3A_1682 {add = true, strides = array<i32>} : memref<4x8x1024xf32, #tpu.memory_space<vmem>>, vector<1x1x16xf32>,
      %parallel_loop3A_1683 = arith.constant 3 : i32
      %parallel_loop3A_1684 = arith.index_cast %parallel_loop3A_1683 : i32 to index
      %parallel_loop3A_1685 = arith.index_cast %parallel_loop3A_295 : i32 to index
      %parallel_loop3A_1686 = arith.constant 656 : index
      %parallel_loop3A_1687 = tpu.vector_load %arg6[%parallel_loop3A_1684, %parallel_loop3A_1685, %parallel_loop3A_1686] {strides = array<i32>} : memref<4x8x1024xf32, #tpu.memory_space<vmem>>, vector<1x1x16xf32>,
      %parallel_loop3A_1688 = vector.shape_cast %parallel_loop3A_1687 : vector<1x1x16xf32> to vector<16xf32>
      %parallel_loop3A_1689 = vector.shape_cast %parallel_loop3A_1583 : vector<16xf32> to vector<1x1x16xf32>
      tpu.vector_store %arg6[%parallel_loop3A_1684, %parallel_loop3A_1685, %parallel_loop3A_1686], %parallel_loop3A_1689 {add = true, strides = array<i32>} : memref<4x8x1024xf32, #tpu.memory_space<vmem>>, vector<1x1x16xf32>,
      %parallel_loop3A_1690 = arith.constant 3 : i32
      %parallel_loop3A_1691 = arith.index_cast %parallel_loop3A_1690 : i32 to index
      %parallel_loop3A_1692 = arith.index_cast %parallel_loop3A_295 : i32 to index
      %parallel_loop3A_1693 = arith.constant 672 : index
      %parallel_loop3A_1694 = tpu.vector_load %arg6[%parallel_loop3A_1691, %parallel_loop3A_1692, %parallel_loop3A_1693] {strides = array<i32>} : memref<4x8x1024xf32, #tpu.memory_space<vmem>>, vector<1x1x16xf32>,
      %parallel_loop3A_1695 = vector.shape_cast %parallel_loop3A_1694 : vector<1x1x16xf32> to vector<16xf32>
      %parallel_loop3A_1696 = vector.shape_cast %parallel_loop3A_1587 : vector<16xf32> to vector<1x1x16xf32>
      tpu.vector_store %arg6[%parallel_loop3A_1691, %parallel_loop3A_1692, %parallel_loop3A_1693], %parallel_loop3A_1696 {add = true, strides = array<i32>} : memref<4x8x1024xf32, #tpu.memory_space<vmem>>, vector<1x1x16xf32>,
      %parallel_loop3A_1697 = arith.constant 3 : i32
      %parallel_loop3A_1698 = arith.index_cast %parallel_loop3A_1697 : i32 to index
      %parallel_loop3A_1699 = arith.index_cast %parallel_loop3A_295 : i32 to index
      %parallel_loop3A_1700 = arith.constant 688 : index
      %parallel_loop3A_1701 = tpu.vector_load %arg6[%parallel_loop3A_1698, %parallel_loop3A_1699, %parallel_loop3A_1700] {strides = array<i32>} : memref<4x8x1024xf32, #tpu.memory_space<vmem>>, vector<1x1x16xf32>,
      %parallel_loop3A_1702 = vector.shape_cast %parallel_loop3A_1701 : vector<1x1x16xf32> to vector<16xf32>
      %parallel_loop3A_1703 = vector.shape_cast %parallel_loop3A_1591 : vector<16xf32> to vector<1x1x16xf32>
      tpu.vector_store %arg6[%parallel_loop3A_1698, %parallel_loop3A_1699, %parallel_loop3A_1700], %parallel_loop3A_1703 {add = true, strides = array<i32>} : memref<4x8x1024xf32, #tpu.memory_space<vmem>>, vector<1x1x16xf32>,
      %parallel_loop3A_1704 = arith.index_cast %parallel_loop3A_295 : i32 to index
      %parallel_loop3A_1705 = arith.constant 704 : index
      %parallel_loop3A_1706 = tpu.vector_load %arg5[%parallel_loop3A_1704, %parallel_loop3A_1705] {strides = array<i32>} : memref<8x1024xf32, #tpu.memory_space<vmem>>, vector<1x16xf32>,
      %parallel_loop3A_1707 = vector.shape_cast %parallel_loop3A_1706 : vector<1x16xf32> to vector<16xf32>
      %parallel_loop3A_1708 = arith.index_cast %parallel_loop3A_295 : i32 to index
      %parallel_loop3A_1709 = arith.constant 720 : index
      %parallel_loop3A_1710 = tpu.vector_load %arg5[%parallel_loop3A_1708, %parallel_loop3A_1709] {strides = array<i32>} : memref<8x1024xf32, #tpu.memory_space<vmem>>, vector<1x16xf32>,
      %parallel_loop3A_1711 = vector.shape_cast %parallel_loop3A_1710 : vector<1x16xf32> to vector<16xf32>
      %parallel_loop3A_1712 = arith.index_cast %parallel_loop3A_295 : i32 to index
      %parallel_loop3A_1713 = arith.constant 736 : index
      %parallel_loop3A_1714 = tpu.vector_load %arg5[%parallel_loop3A_1712, %parallel_loop3A_1713] {strides = array<i32>} : memref<8x1024xf32, #tpu.memory_space<vmem>>, vector<1x16xf32>,
      %parallel_loop3A_1715 = vector.shape_cast %parallel_loop3A_1714 : vector<1x16xf32> to vector<16xf32>
      %parallel_loop3A_1716 = arith.index_cast %parallel_loop3A_295 : i32 to index
      %parallel_loop3A_1717 = arith.constant 752 : index
      %parallel_loop3A_1718 = tpu.vector_load %arg5[%parallel_loop3A_1716, %parallel_loop3A_1717] {strides = array<i32>} : memref<8x1024xf32, #tpu.memory_space<vmem>>, vector<1x16xf32>,
      %parallel_loop3A_1719 = vector.shape_cast %parallel_loop3A_1718 : vector<1x16xf32> to vector<16xf32>
      %parallel_loop3A_1720 = arith.constant 0 : i32
      %parallel_loop3A_1721 = arith.index_cast %parallel_loop3A_1720 : i32 to index
      %parallel_loop3A_1722 = arith.index_cast %parallel_loop3A_295 : i32 to index
      %parallel_loop3A_1723 = arith.constant 704 : index
      %parallel_loop3A_1724 = tpu.vector_load %arg6[%parallel_loop3A_1721, %parallel_loop3A_1722, %parallel_loop3A_1723] {strides = array<i32>} : memref<4x8x1024xf32, #tpu.memory_space<vmem>>, vector<1x1x16xf32>,
      %parallel_loop3A_1725 = vector.shape_cast %parallel_loop3A_1724 : vector<1x1x16xf32> to vector<16xf32>
      %parallel_loop3A_1726 = vector.shape_cast %parallel_loop3A_1707 : vector<16xf32> to vector<1x1x16xf32>
      tpu.vector_store %arg6[%parallel_loop3A_1721, %parallel_loop3A_1722, %parallel_loop3A_1723], %parallel_loop3A_1726 {add = true, strides = array<i32>} : memref<4x8x1024xf32, #tpu.memory_space<vmem>>, vector<1x1x16xf32>,
      %parallel_loop3A_1727 = arith.constant 0 : i32
      %parallel_loop3A_1728 = arith.index_cast %parallel_loop3A_1727 : i32 to index
      %parallel_loop3A_1729 = arith.index_cast %parallel_loop3A_295 : i32 to index
      %parallel_loop3A_1730 = arith.constant 720 : index
      %parallel_loop3A_1731 = tpu.vector_load %arg6[%parallel_loop3A_1728, %parallel_loop3A_1729, %parallel_loop3A_1730] {strides = array<i32>} : memref<4x8x1024xf32, #tpu.memory_space<vmem>>, vector<1x1x16xf32>,
      %parallel_loop3A_1732 = vector.shape_cast %parallel_loop3A_1731 : vector<1x1x16xf32> to vector<16xf32>
      %parallel_loop3A_1733 = vector.shape_cast %parallel_loop3A_1711 : vector<16xf32> to vector<1x1x16xf32>
      tpu.vector_store %arg6[%parallel_loop3A_1728, %parallel_loop3A_1729, %parallel_loop3A_1730], %parallel_loop3A_1733 {add = true, strides = array<i32>} : memref<4x8x1024xf32, #tpu.memory_space<vmem>>, vector<1x1x16xf32>,
      %parallel_loop3A_1734 = arith.constant 0 : i32
      %parallel_loop3A_1735 = arith.index_cast %parallel_loop3A_1734 : i32 to index
      %parallel_loop3A_1736 = arith.index_cast %parallel_loop3A_295 : i32 to index
      %parallel_loop3A_1737 = arith.constant 736 : index
      %parallel_loop3A_1738 = tpu.vector_load %arg6[%parallel_loop3A_1735, %parallel_loop3A_1736, %parallel_loop3A_1737] {strides = array<i32>} : memref<4x8x1024xf32, #tpu.memory_space<vmem>>, vector<1x1x16xf32>,
      %parallel_loop3A_1739 = vector.shape_cast %parallel_loop3A_1738 : vector<1x1x16xf32> to vector<16xf32>
      %parallel_loop3A_1740 = vector.shape_cast %parallel_loop3A_1715 : vector<16xf32> to vector<1x1x16xf32>
      tpu.vector_store %arg6[%parallel_loop3A_1735, %parallel_loop3A_1736, %parallel_loop3A_1737], %parallel_loop3A_1740 {add = true, strides = array<i32>} : memref<4x8x1024xf32, #tpu.memory_space<vmem>>, vector<1x1x16xf32>,
      %parallel_loop3A_1741 = arith.constant 0 : i32
      %parallel_loop3A_1742 = arith.index_cast %parallel_loop3A_1741 : i32 to index
      %parallel_loop3A_1743 = arith.index_cast %parallel_loop3A_295 : i32 to index
      %parallel_loop3A_1744 = arith.constant 752 : index
      %parallel_loop3A_1745 = tpu.vector_load %arg6[%parallel_loop3A_1742, %parallel_loop3A_1743, %parallel_loop3A_1744] {strides = array<i32>} : memref<4x8x1024xf32, #tpu.memory_space<vmem>>, vector<1x1x16xf32>,
      %parallel_loop3A_1746 = vector.shape_cast %parallel_loop3A_1745 : vector<1x1x16xf32> to vector<16xf32>
      %parallel_loop3A_1747 = vector.shape_cast %parallel_loop3A_1719 : vector<16xf32> to vector<1x1x16xf32>
      tpu.vector_store %arg6[%parallel_loop3A_1742, %parallel_loop3A_1743, %parallel_loop3A_1744], %parallel_loop3A_1747 {add = true, strides = array<i32>} : memref<4x8x1024xf32, #tpu.memory_space<vmem>>, vector<1x1x16xf32>,
      %parallel_loop3A_1748 = arith.constant 1 : i32
      %parallel_loop3A_1749 = arith.index_cast %parallel_loop3A_1748 : i32 to index
      %parallel_loop3A_1750 = arith.index_cast %parallel_loop3A_295 : i32 to index
      %parallel_loop3A_1751 = arith.constant 704 : index
      %parallel_loop3A_1752 = tpu.vector_load %arg6[%parallel_loop3A_1749, %parallel_loop3A_1750, %parallel_loop3A_1751] {strides = array<i32>} : memref<4x8x1024xf32, #tpu.memory_space<vmem>>, vector<1x1x16xf32>,
      %parallel_loop3A_1753 = vector.shape_cast %parallel_loop3A_1752 : vector<1x1x16xf32> to vector<16xf32>
      %parallel_loop3A_1754 = vector.shape_cast %parallel_loop3A_1707 : vector<16xf32> to vector<1x1x16xf32>
      tpu.vector_store %arg6[%parallel_loop3A_1749, %parallel_loop3A_1750, %parallel_loop3A_1751], %parallel_loop3A_1754 {add = true, strides = array<i32>} : memref<4x8x1024xf32, #tpu.memory_space<vmem>>, vector<1x1x16xf32>,
      %parallel_loop3A_1755 = arith.constant 1 : i32
      %parallel_loop3A_1756 = arith.index_cast %parallel_loop3A_1755 : i32 to index
      %parallel_loop3A_1757 = arith.index_cast %parallel_loop3A_295 : i32 to index
      %parallel_loop3A_1758 = arith.constant 720 : index
      %parallel_loop3A_1759 = tpu.vector_load %arg6[%parallel_loop3A_1756, %parallel_loop3A_1757, %parallel_loop3A_1758] {strides = array<i32>} : memref<4x8x1024xf32, #tpu.memory_space<vmem>>, vector<1x1x16xf32>,
      %parallel_loop3A_1760 = vector.shape_cast %parallel_loop3A_1759 : vector<1x1x16xf32> to vector<16xf32>
      %parallel_loop3A_1761 = vector.shape_cast %parallel_loop3A_1711 : vector<16xf32> to vector<1x1x16xf32>
      tpu.vector_store %arg6[%parallel_loop3A_1756, %parallel_loop3A_1757, %parallel_loop3A_1758], %parallel_loop3A_1761 {add = true, strides = array<i32>} : memref<4x8x1024xf32, #tpu.memory_space<vmem>>, vector<1x1x16xf32>,
      %parallel_loop3A_1762 = arith.constant 1 : i32
      %parallel_loop3A_1763 = arith.index_cast %parallel_loop3A_1762 : i32 to index
      %parallel_loop3A_1764 = arith.index_cast %parallel_loop3A_295 : i32 to index
      %parallel_loop3A_1765 = arith.constant 736 : index
      %parallel_loop3A_1766 = tpu.vector_load %arg6[%parallel_loop3A_1763, %parallel_loop3A_1764, %parallel_loop3A_1765] {strides = array<i32>} : memref<4x8x1024xf32, #tpu.memory_space<vmem>>, vector<1x1x16xf32>,
      %parallel_loop3A_1767 = vector.shape_cast %parallel_loop3A_1766 : vector<1x1x16xf32> to vector<16xf32>
      %parallel_loop3A_1768 = vector.shape_cast %parallel_loop3A_1715 : vector<16xf32> to vector<1x1x16xf32>
      tpu.vector_store %arg6[%parallel_loop3A_1763, %parallel_loop3A_1764, %parallel_loop3A_1765], %parallel_loop3A_1768 {add = true, strides = array<i32>} : memref<4x8x1024xf32, #tpu.memory_space<vmem>>, vector<1x1x16xf32>,
      %parallel_loop3A_1769 = arith.constant 1 : i32
      %parallel_loop3A_1770 = arith.index_cast %parallel_loop3A_1769 : i32 to index
      %parallel_loop3A_1771 = arith.index_cast %parallel_loop3A_295 : i32 to index
      %parallel_loop3A_1772 = arith.constant 752 : index
      %parallel_loop3A_1773 = tpu.vector_load %arg6[%parallel_loop3A_1770, %parallel_loop3A_1771, %parallel_loop3A_1772] {strides = array<i32>} : memref<4x8x1024xf32, #tpu.memory_space<vmem>>, vector<1x1x16xf32>,
      %parallel_loop3A_1774 = vector.shape_cast %parallel_loop3A_1773 : vector<1x1x16xf32> to vector<16xf32>
      %parallel_loop3A_1775 = vector.shape_cast %parallel_loop3A_1719 : vector<16xf32> to vector<1x1x16xf32>
      tpu.vector_store %arg6[%parallel_loop3A_1770, %parallel_loop3A_1771, %parallel_loop3A_1772], %parallel_loop3A_1775 {add = true, strides = array<i32>} : memref<4x8x1024xf32, #tpu.memory_space<vmem>>, vector<1x1x16xf32>,
      %parallel_loop3A_1776 = arith.constant 2 : i32
      %parallel_loop3A_1777 = arith.index_cast %parallel_loop3A_1776 : i32 to index
      %parallel_loop3A_1778 = arith.index_cast %parallel_loop3A_295 : i32 to index
      %parallel_loop3A_1779 = arith.constant 704 : index
      %parallel_loop3A_1780 = tpu.vector_load %arg6[%parallel_loop3A_1777, %parallel_loop3A_1778, %parallel_loop3A_1779] {strides = array<i32>} : memref<4x8x1024xf32, #tpu.memory_space<vmem>>, vector<1x1x16xf32>,
      %parallel_loop3A_1781 = vector.shape_cast %parallel_loop3A_1780 : vector<1x1x16xf32> to vector<16xf32>
      %parallel_loop3A_1782 = vector.shape_cast %parallel_loop3A_1707 : vector<16xf32> to vector<1x1x16xf32>
      tpu.vector_store %arg6[%parallel_loop3A_1777, %parallel_loop3A_1778, %parallel_loop3A_1779], %parallel_loop3A_1782 {add = true, strides = array<i32>} : memref<4x8x1024xf32, #tpu.memory_space<vmem>>, vector<1x1x16xf32>,
      %parallel_loop3A_1783 = arith.constant 2 : i32
      %parallel_loop3A_1784 = arith.index_cast %parallel_loop3A_1783 : i32 to index
      %parallel_loop3A_1785 = arith.index_cast %parallel_loop3A_295 : i32 to index
      %parallel_loop3A_1786 = arith.constant 720 : index
      %parallel_loop3A_1787 = tpu.vector_load %arg6[%parallel_loop3A_1784, %parallel_loop3A_1785, %parallel_loop3A_1786] {strides = array<i32>} : memref<4x8x1024xf32, #tpu.memory_space<vmem>>, vector<1x1x16xf32>,
      %parallel_loop3A_1788 = vector.shape_cast %parallel_loop3A_1787 : vector<1x1x16xf32> to vector<16xf32>
      %parallel_loop3A_1789 = vector.shape_cast %parallel_loop3A_1711 : vector<16xf32> to vector<1x1x16xf32>
      tpu.vector_store %arg6[%parallel_loop3A_1784, %parallel_loop3A_1785, %parallel_loop3A_1786], %parallel_loop3A_1789 {add = true, strides = array<i32>} : memref<4x8x1024xf32, #tpu.memory_space<vmem>>, vector<1x1x16xf32>,
      %parallel_loop3A_1790 = arith.constant 2 : i32
      %parallel_loop3A_1791 = arith.index_cast %parallel_loop3A_1790 : i32 to index
      %parallel_loop3A_1792 = arith.index_cast %parallel_loop3A_295 : i32 to index
      %parallel_loop3A_1793 = arith.constant 736 : index
      %parallel_loop3A_1794 = tpu.vector_load %arg6[%parallel_loop3A_1791, %parallel_loop3A_1792, %parallel_loop3A_1793] {strides = array<i32>} : memref<4x8x1024xf32, #tpu.memory_space<vmem>>, vector<1x1x16xf32>,
      %parallel_loop3A_1795 = vector.shape_cast %parallel_loop3A_1794 : vector<1x1x16xf32> to vector<16xf32>
      %parallel_loop3A_1796 = vector.shape_cast %parallel_loop3A_1715 : vector<16xf32> to vector<1x1x16xf32>
      tpu.vector_store %arg6[%parallel_loop3A_1791, %parallel_loop3A_1792, %parallel_loop3A_1793], %parallel_loop3A_1796 {add = true, strides = array<i32>} : memref<4x8x1024xf32, #tpu.memory_space<vmem>>, vector<1x1x16xf32>,
      %parallel_loop3A_1797 = arith.constant 2 : i32
      %parallel_loop3A_1798 = arith.index_cast %parallel_loop3A_1797 : i32 to index
      %parallel_loop3A_1799 = arith.index_cast %parallel_loop3A_295 : i32 to index
      %parallel_loop3A_1800 = arith.constant 752 : index
      %parallel_loop3A_1801 = tpu.vector_load %arg6[%parallel_loop3A_1798, %parallel_loop3A_1799, %parallel_loop3A_1800] {strides = array<i32>} : memref<4x8x1024xf32, #tpu.memory_space<vmem>>, vector<1x1x16xf32>,
      %parallel_loop3A_1802 = vector.shape_cast %parallel_loop3A_1801 : vector<1x1x16xf32> to vector<16xf32>
      %parallel_loop3A_1803 = vector.shape_cast %parallel_loop3A_1719 : vector<16xf32> to vector<1x1x16xf32>
      tpu.vector_store %arg6[%parallel_loop3A_1798, %parallel_loop3A_1799, %parallel_loop3A_1800], %parallel_loop3A_1803 {add = true, strides = array<i32>} : memref<4x8x1024xf32, #tpu.memory_space<vmem>>, vector<1x1x16xf32>,
      %parallel_loop3A_1804 = arith.constant 3 : i32
      %parallel_loop3A_1805 = arith.index_cast %parallel_loop3A_1804 : i32 to index
      %parallel_loop3A_1806 = arith.index_cast %parallel_loop3A_295 : i32 to index
      %parallel_loop3A_1807 = arith.constant 704 : index
      %parallel_loop3A_1808 = tpu.vector_load %arg6[%parallel_loop3A_1805, %parallel_loop3A_1806, %parallel_loop3A_1807] {strides = array<i32>} : memref<4x8x1024xf32, #tpu.memory_space<vmem>>, vector<1x1x16xf32>,
      %parallel_loop3A_1809 = vector.shape_cast %parallel_loop3A_1808 : vector<1x1x16xf32> to vector<16xf32>
      %parallel_loop3A_1810 = vector.shape_cast %parallel_loop3A_1707 : vector<16xf32> to vector<1x1x16xf32>
      tpu.vector_store %arg6[%parallel_loop3A_1805, %parallel_loop3A_1806, %parallel_loop3A_1807], %parallel_loop3A_1810 {add = true, strides = array<i32>} : memref<4x8x1024xf32, #tpu.memory_space<vmem>>, vector<1x1x16xf32>,
      %parallel_loop3A_1811 = arith.constant 3 : i32
      %parallel_loop3A_1812 = arith.index_cast %parallel_loop3A_1811 : i32 to index
      %parallel_loop3A_1813 = arith.index_cast %parallel_loop3A_295 : i32 to index
      %parallel_loop3A_1814 = arith.constant 720 : index
      %parallel_loop3A_1815 = tpu.vector_load %arg6[%parallel_loop3A_1812, %parallel_loop3A_1813, %parallel_loop3A_1814] {strides = array<i32>} : memref<4x8x1024xf32, #tpu.memory_space<vmem>>, vector<1x1x16xf32>,
      %parallel_loop3A_1816 = vector.shape_cast %parallel_loop3A_1815 : vector<1x1x16xf32> to vector<16xf32>
      %parallel_loop3A_1817 = vector.shape_cast %parallel_loop3A_1711 : vector<16xf32> to vector<1x1x16xf32>
      tpu.vector_store %arg6[%parallel_loop3A_1812, %parallel_loop3A_1813, %parallel_loop3A_1814], %parallel_loop3A_1817 {add = true, strides = array<i32>} : memref<4x8x1024xf32, #tpu.memory_space<vmem>>, vector<1x1x16xf32>,
      %parallel_loop3A_1818 = arith.constant 3 : i32
      %parallel_loop3A_1819 = arith.index_cast %parallel_loop3A_1818 : i32 to index
      %parallel_loop3A_1820 = arith.index_cast %parallel_loop3A_295 : i32 to index
      %parallel_loop3A_1821 = arith.constant 736 : index
      %parallel_loop3A_1822 = tpu.vector_load %arg6[%parallel_loop3A_1819, %parallel_loop3A_1820, %parallel_loop3A_1821] {strides = array<i32>} : memref<4x8x1024xf32, #tpu.memory_space<vmem>>, vector<1x1x16xf32>,
      %parallel_loop3A_1823 = vector.shape_cast %parallel_loop3A_1822 : vector<1x1x16xf32> to vector<16xf32>
      %parallel_loop3A_1824 = vector.shape_cast %parallel_loop3A_1715 : vector<16xf32> to vector<1x1x16xf32>
      tpu.vector_store %arg6[%parallel_loop3A_1819, %parallel_loop3A_1820, %parallel_loop3A_1821], %parallel_loop3A_1824 {add = true, strides = array<i32>} : memref<4x8x1024xf32, #tpu.memory_space<vmem>>, vector<1x1x16xf32>,
      %parallel_loop3A_1825 = arith.constant 3 : i32
      %parallel_loop3A_1826 = arith.index_cast %parallel_loop3A_1825 : i32 to index
      %parallel_loop3A_1827 = arith.index_cast %parallel_loop3A_295 : i32 to index
      %parallel_loop3A_1828 = arith.constant 752 : index
      %parallel_loop3A_1829 = tpu.vector_load %arg6[%parallel_loop3A_1826, %parallel_loop3A_1827, %parallel_loop3A_1828] {strides = array<i32>} : memref<4x8x1024xf32, #tpu.memory_space<vmem>>, vector<1x1x16xf32>,
      %parallel_loop3A_1830 = vector.shape_cast %parallel_loop3A_1829 : vector<1x1x16xf32> to vector<16xf32>
      %parallel_loop3A_1831 = vector.shape_cast %parallel_loop3A_1719 : vector<16xf32> to vector<1x1x16xf32>
      tpu.vector_store %arg6[%parallel_loop3A_1826, %parallel_loop3A_1827, %parallel_loop3A_1828], %parallel_loop3A_1831 {add = true, strides = array<i32>} : memref<4x8x1024xf32, #tpu.memory_space<vmem>>, vector<1x1x16xf32>,
      %parallel_loop3A_1832 = arith.index_cast %parallel_loop3A_295 : i32 to index
      %parallel_loop3A_1833 = arith.constant 768 : index
      %parallel_loop3A_1834 = tpu.vector_load %arg5[%parallel_loop3A_1832, %parallel_loop3A_1833] {strides = array<i32>} : memref<8x1024xf32, #tpu.memory_space<vmem>>, vector<1x16xf32>,
      %parallel_loop3A_1835 = vector.shape_cast %parallel_loop3A_1834 : vector<1x16xf32> to vector<16xf32>
      %parallel_loop3A_1836 = arith.index_cast %parallel_loop3A_295 : i32 to index
      %parallel_loop3A_1837 = arith.constant 784 : index
      %parallel_loop3A_1838 = tpu.vector_load %arg5[%parallel_loop3A_1836, %parallel_loop3A_1837] {strides = array<i32>} : memref<8x1024xf32, #tpu.memory_space<vmem>>, vector<1x16xf32>,
      %parallel_loop3A_1839 = vector.shape_cast %parallel_loop3A_1838 : vector<1x16xf32> to vector<16xf32>
      %parallel_loop3A_1840 = arith.index_cast %parallel_loop3A_295 : i32 to index
      %parallel_loop3A_1841 = arith.constant 800 : index
      %parallel_loop3A_1842 = tpu.vector_load %arg5[%parallel_loop3A_1840, %parallel_loop3A_1841] {strides = array<i32>} : memref<8x1024xf32, #tpu.memory_space<vmem>>, vector<1x16xf32>,
      %parallel_loop3A_1843 = vector.shape_cast %parallel_loop3A_1842 : vector<1x16xf32> to vector<16xf32>
      %parallel_loop3A_1844 = arith.index_cast %parallel_loop3A_295 : i32 to index
      %parallel_loop3A_1845 = arith.constant 816 : index
      %parallel_loop3A_1846 = tpu.vector_load %arg5[%parallel_loop3A_1844, %parallel_loop3A_1845] {strides = array<i32>} : memref<8x1024xf32, #tpu.memory_space<vmem>>, vector<1x16xf32>,
      %parallel_loop3A_1847 = vector.shape_cast %parallel_loop3A_1846 : vector<1x16xf32> to vector<16xf32>
      %parallel_loop3A_1848 = arith.constant 0 : i32
      %parallel_loop3A_1849 = arith.index_cast %parallel_loop3A_1848 : i32 to index
      %parallel_loop3A_1850 = arith.index_cast %parallel_loop3A_295 : i32 to index
      %parallel_loop3A_1851 = arith.constant 768 : index
      %parallel_loop3A_1852 = tpu.vector_load %arg6[%parallel_loop3A_1849, %parallel_loop3A_1850, %parallel_loop3A_1851] {strides = array<i32>} : memref<4x8x1024xf32, #tpu.memory_space<vmem>>, vector<1x1x16xf32>,
      %parallel_loop3A_1853 = vector.shape_cast %parallel_loop3A_1852 : vector<1x1x16xf32> to vector<16xf32>
      %parallel_loop3A_1854 = vector.shape_cast %parallel_loop3A_1835 : vector<16xf32> to vector<1x1x16xf32>
      tpu.vector_store %arg6[%parallel_loop3A_1849, %parallel_loop3A_1850, %parallel_loop3A_1851], %parallel_loop3A_1854 {add = true, strides = array<i32>} : memref<4x8x1024xf32, #tpu.memory_space<vmem>>, vector<1x1x16xf32>,
      %parallel_loop3A_1855 = arith.constant 0 : i32
      %parallel_loop3A_1856 = arith.index_cast %parallel_loop3A_1855 : i32 to index
      %parallel_loop3A_1857 = arith.index_cast %parallel_loop3A_295 : i32 to index
      %parallel_loop3A_1858 = arith.constant 784 : index
      %parallel_loop3A_1859 = tpu.vector_load %arg6[%parallel_loop3A_1856, %parallel_loop3A_1857, %parallel_loop3A_1858] {strides = array<i32>} : memref<4x8x1024xf32, #tpu.memory_space<vmem>>, vector<1x1x16xf32>,
      %parallel_loop3A_1860 = vector.shape_cast %parallel_loop3A_1859 : vector<1x1x16xf32> to vector<16xf32>
      %parallel_loop3A_1861 = vector.shape_cast %parallel_loop3A_1839 : vector<16xf32> to vector<1x1x16xf32>
      tpu.vector_store %arg6[%parallel_loop3A_1856, %parallel_loop3A_1857, %parallel_loop3A_1858], %parallel_loop3A_1861 {add = true, strides = array<i32>} : memref<4x8x1024xf32, #tpu.memory_space<vmem>>, vector<1x1x16xf32>,
      %parallel_loop3A_1862 = arith.constant 0 : i32
      %parallel_loop3A_1863 = arith.index_cast %parallel_loop3A_1862 : i32 to index
      %parallel_loop3A_1864 = arith.index_cast %parallel_loop3A_295 : i32 to index
      %parallel_loop3A_1865 = arith.constant 800 : index
      %parallel_loop3A_1866 = tpu.vector_load %arg6[%parallel_loop3A_1863, %parallel_loop3A_1864, %parallel_loop3A_1865] {strides = array<i32>} : memref<4x8x1024xf32, #tpu.memory_space<vmem>>, vector<1x1x16xf32>,
      %parallel_loop3A_1867 = vector.shape_cast %parallel_loop3A_1866 : vector<1x1x16xf32> to vector<16xf32>
      %parallel_loop3A_1868 = vector.shape_cast %parallel_loop3A_1843 : vector<16xf32> to vector<1x1x16xf32>
      tpu.vector_store %arg6[%parallel_loop3A_1863, %parallel_loop3A_1864, %parallel_loop3A_1865], %parallel_loop3A_1868 {add = true, strides = array<i32>} : memref<4x8x1024xf32, #tpu.memory_space<vmem>>, vector<1x1x16xf32>,
      %parallel_loop3A_1869 = arith.constant 0 : i32
      %parallel_loop3A_1870 = arith.index_cast %parallel_loop3A_1869 : i32 to index
      %parallel_loop3A_1871 = arith.index_cast %parallel_loop3A_295 : i32 to index
      %parallel_loop3A_1872 = arith.constant 816 : index
      %parallel_loop3A_1873 = tpu.vector_load %arg6[%parallel_loop3A_1870, %parallel_loop3A_1871, %parallel_loop3A_1872] {strides = array<i32>} : memref<4x8x1024xf32, #tpu.memory_space<vmem>>, vector<1x1x16xf32>,
      %parallel_loop3A_1874 = vector.shape_cast %parallel_loop3A_1873 : vector<1x1x16xf32> to vector<16xf32>
      %parallel_loop3A_1875 = vector.shape_cast %parallel_loop3A_1847 : vector<16xf32> to vector<1x1x16xf32>
      tpu.vector_store %arg6[%parallel_loop3A_1870, %parallel_loop3A_1871, %parallel_loop3A_1872], %parallel_loop3A_1875 {add = true, strides = array<i32>} : memref<4x8x1024xf32, #tpu.memory_space<vmem>>, vector<1x1x16xf32>,
      %parallel_loop3A_1876 = arith.constant 1 : i32
      %parallel_loop3A_1877 = arith.index_cast %parallel_loop3A_1876 : i32 to index
      %parallel_loop3A_1878 = arith.index_cast %parallel_loop3A_295 : i32 to index
      %parallel_loop3A_1879 = arith.constant 768 : index
      %parallel_loop3A_1880 = tpu.vector_load %arg6[%parallel_loop3A_1877, %parallel_loop3A_1878, %parallel_loop3A_1879] {strides = array<i32>} : memref<4x8x1024xf32, #tpu.memory_space<vmem>>, vector<1x1x16xf32>,
      %parallel_loop3A_1881 = vector.shape_cast %parallel_loop3A_1880 : vector<1x1x16xf32> to vector<16xf32>
      %parallel_loop3A_1882 = vector.shape_cast %parallel_loop3A_1835 : vector<16xf32> to vector<1x1x16xf32>
      tpu.vector_store %arg6[%parallel_loop3A_1877, %parallel_loop3A_1878, %parallel_loop3A_1879], %parallel_loop3A_1882 {add = true, strides = array<i32>} : memref<4x8x1024xf32, #tpu.memory_space<vmem>>, vector<1x1x16xf32>,
      %parallel_loop3A_1883 = arith.constant 1 : i32
      %parallel_loop3A_1884 = arith.index_cast %parallel_loop3A_1883 : i32 to index
      %parallel_loop3A_1885 = arith.index_cast %parallel_loop3A_295 : i32 to index
      %parallel_loop3A_1886 = arith.constant 784 : index
      %parallel_loop3A_1887 = tpu.vector_load %arg6[%parallel_loop3A_1884, %parallel_loop3A_1885, %parallel_loop3A_1886] {strides = array<i32>} : memref<4x8x1024xf32, #tpu.memory_space<vmem>>, vector<1x1x16xf32>,
      %parallel_loop3A_1888 = vector.shape_cast %parallel_loop3A_1887 : vector<1x1x16xf32> to vector<16xf32>
      %parallel_loop3A_1889 = vector.shape_cast %parallel_loop3A_1839 : vector<16xf32> to vector<1x1x16xf32>
      tpu.vector_store %arg6[%parallel_loop3A_1884, %parallel_loop3A_1885, %parallel_loop3A_1886], %parallel_loop3A_1889 {add = true, strides = array<i32>} : memref<4x8x1024xf32, #tpu.memory_space<vmem>>, vector<1x1x16xf32>,
      %parallel_loop3A_1890 = arith.constant 1 : i32
      %parallel_loop3A_1891 = arith.index_cast %parallel_loop3A_1890 : i32 to index
      %parallel_loop3A_1892 = arith.index_cast %parallel_loop3A_295 : i32 to index
      %parallel_loop3A_1893 = arith.constant 800 : index
      %parallel_loop3A_1894 = tpu.vector_load %arg6[%parallel_loop3A_1891, %parallel_loop3A_1892, %parallel_loop3A_1893] {strides = array<i32>} : memref<4x8x1024xf32, #tpu.memory_space<vmem>>, vector<1x1x16xf32>,
      %parallel_loop3A_1895 = vector.shape_cast %parallel_loop3A_1894 : vector<1x1x16xf32> to vector<16xf32>
      %parallel_loop3A_1896 = vector.shape_cast %parallel_loop3A_1843 : vector<16xf32> to vector<1x1x16xf32>
      tpu.vector_store %arg6[%parallel_loop3A_1891, %parallel_loop3A_1892, %parallel_loop3A_1893], %parallel_loop3A_1896 {add = true, strides = array<i32>} : memref<4x8x1024xf32, #tpu.memory_space<vmem>>, vector<1x1x16xf32>,
      %parallel_loop3A_1897 = arith.constant 1 : i32
      %parallel_loop3A_1898 = arith.index_cast %parallel_loop3A_1897 : i32 to index
      %parallel_loop3A_1899 = arith.index_cast %parallel_loop3A_295 : i32 to index
      %parallel_loop3A_1900 = arith.constant 816 : index
      %parallel_loop3A_1901 = tpu.vector_load %arg6[%parallel_loop3A_1898, %parallel_loop3A_1899, %parallel_loop3A_1900] {strides = array<i32>} : memref<4x8x1024xf32, #tpu.memory_space<vmem>>, vector<1x1x16xf32>,
      %parallel_loop3A_1902 = vector.shape_cast %parallel_loop3A_1901 : vector<1x1x16xf32> to vector<16xf32>
      %parallel_loop3A_1903 = vector.shape_cast %parallel_loop3A_1847 : vector<16xf32> to vector<1x1x16xf32>
      tpu.vector_store %arg6[%parallel_loop3A_1898, %parallel_loop3A_1899, %parallel_loop3A_1900], %parallel_loop3A_1903 {add = true, strides = array<i32>} : memref<4x8x1024xf32, #tpu.memory_space<vmem>>, vector<1x1x16xf32>,
      %parallel_loop3A_1904 = arith.constant 2 : i32
      %parallel_loop3A_1905 = arith.index_cast %parallel_loop3A_1904 : i32 to index
      %parallel_loop3A_1906 = arith.index_cast %parallel_loop3A_295 : i32 to index
      %parallel_loop3A_1907 = arith.constant 768 : index
      %parallel_loop3A_1908 = tpu.vector_load %arg6[%parallel_loop3A_1905, %parallel_loop3A_1906, %parallel_loop3A_1907] {strides = array<i32>} : memref<4x8x1024xf32, #tpu.memory_space<vmem>>, vector<1x1x16xf32>,
      %parallel_loop3A_1909 = vector.shape_cast %parallel_loop3A_1908 : vector<1x1x16xf32> to vector<16xf32>
      %parallel_loop3A_1910 = vector.shape_cast %parallel_loop3A_1835 : vector<16xf32> to vector<1x1x16xf32>
      tpu.vector_store %arg6[%parallel_loop3A_1905, %parallel_loop3A_1906, %parallel_loop3A_1907], %parallel_loop3A_1910 {add = true, strides = array<i32>} : memref<4x8x1024xf32, #tpu.memory_space<vmem>>, vector<1x1x16xf32>,
      %parallel_loop3A_1911 = arith.constant 2 : i32
      %parallel_loop3A_1912 = arith.index_cast %parallel_loop3A_1911 : i32 to index
      %parallel_loop3A_1913 = arith.index_cast %parallel_loop3A_295 : i32 to index
      %parallel_loop3A_1914 = arith.constant 784 : index
      %parallel_loop3A_1915 = tpu.vector_load %arg6[%parallel_loop3A_1912, %parallel_loop3A_1913, %parallel_loop3A_1914] {strides = array<i32>} : memref<4x8x1024xf32, #tpu.memory_space<vmem>>, vector<1x1x16xf32>,
      %parallel_loop3A_1916 = vector.shape_cast %parallel_loop3A_1915 : vector<1x1x16xf32> to vector<16xf32>
      %parallel_loop3A_1917 = vector.shape_cast %parallel_loop3A_1839 : vector<16xf32> to vector<1x1x16xf32>
      tpu.vector_store %arg6[%parallel_loop3A_1912, %parallel_loop3A_1913, %parallel_loop3A_1914], %parallel_loop3A_1917 {add = true, strides = array<i32>} : memref<4x8x1024xf32, #tpu.memory_space<vmem>>, vector<1x1x16xf32>,
      %parallel_loop3A_1918 = arith.constant 2 : i32
      %parallel_loop3A_1919 = arith.index_cast %parallel_loop3A_1918 : i32 to index
      %parallel_loop3A_1920 = arith.index_cast %parallel_loop3A_295 : i32 to index
      %parallel_loop3A_1921 = arith.constant 800 : index
      %parallel_loop3A_1922 = tpu.vector_load %arg6[%parallel_loop3A_1919, %parallel_loop3A_1920, %parallel_loop3A_1921] {strides = array<i32>} : memref<4x8x1024xf32, #tpu.memory_space<vmem>>, vector<1x1x16xf32>,
      %parallel_loop3A_1923 = vector.shape_cast %parallel_loop3A_1922 : vector<1x1x16xf32> to vector<16xf32>
      %parallel_loop3A_1924 = vector.shape_cast %parallel_loop3A_1843 : vector<16xf32> to vector<1x1x16xf32>
      tpu.vector_store %arg6[%parallel_loop3A_1919, %parallel_loop3A_1920, %parallel_loop3A_1921], %parallel_loop3A_1924 {add = true, strides = array<i32>} : memref<4x8x1024xf32, #tpu.memory_space<vmem>>, vector<1x1x16xf32>,
      %parallel_loop3A_1925 = arith.constant 2 : i32
      %parallel_loop3A_1926 = arith.index_cast %parallel_loop3A_1925 : i32 to index
      %parallel_loop3A_1927 = arith.index_cast %parallel_loop3A_295 : i32 to index
      %parallel_loop3A_1928 = arith.constant 816 : index
      %parallel_loop3A_1929 = tpu.vector_load %arg6[%parallel_loop3A_1926, %parallel_loop3A_1927, %parallel_loop3A_1928] {strides = array<i32>} : memref<4x8x1024xf32, #tpu.memory_space<vmem>>, vector<1x1x16xf32>,
      %parallel_loop3A_1930 = vector.shape_cast %parallel_loop3A_1929 : vector<1x1x16xf32> to vector<16xf32>
      %parallel_loop3A_1931 = vector.shape_cast %parallel_loop3A_1847 : vector<16xf32> to vector<1x1x16xf32>
      tpu.vector_store %arg6[%parallel_loop3A_1926, %parallel_loop3A_1927, %parallel_loop3A_1928], %parallel_loop3A_1931 {add = true, strides = array<i32>} : memref<4x8x1024xf32, #tpu.memory_space<vmem>>, vector<1x1x16xf32>,
      %parallel_loop3A_1932 = arith.constant 3 : i32
      %parallel_loop3A_1933 = arith.index_cast %parallel_loop3A_1932 : i32 to index
      %parallel_loop3A_1934 = arith.index_cast %parallel_loop3A_295 : i32 to index
      %parallel_loop3A_1935 = arith.constant 768 : index
      %parallel_loop3A_1936 = tpu.vector_load %arg6[%parallel_loop3A_1933, %parallel_loop3A_1934, %parallel_loop3A_1935] {strides = array<i32>} : memref<4x8x1024xf32, #tpu.memory_space<vmem>>, vector<1x1x16xf32>,
      %parallel_loop3A_1937 = vector.shape_cast %parallel_loop3A_1936 : vector<1x1x16xf32> to vector<16xf32>
      %parallel_loop3A_1938 = vector.shape_cast %parallel_loop3A_1835 : vector<16xf32> to vector<1x1x16xf32>
      tpu.vector_store %arg6[%parallel_loop3A_1933, %parallel_loop3A_1934, %parallel_loop3A_1935], %parallel_loop3A_1938 {add = true, strides = array<i32>} : memref<4x8x1024xf32, #tpu.memory_space<vmem>>, vector<1x1x16xf32>,
      %parallel_loop3A_1939 = arith.constant 3 : i32
      %parallel_loop3A_1940 = arith.index_cast %parallel_loop3A_1939 : i32 to index
      %parallel_loop3A_1941 = arith.index_cast %parallel_loop3A_295 : i32 to index
      %parallel_loop3A_1942 = arith.constant 784 : index
      %parallel_loop3A_1943 = tpu.vector_load %arg6[%parallel_loop3A_1940, %parallel_loop3A_1941, %parallel_loop3A_1942] {strides = array<i32>} : memref<4x8x1024xf32, #tpu.memory_space<vmem>>, vector<1x1x16xf32>,
      %parallel_loop3A_1944 = vector.shape_cast %parallel_loop3A_1943 : vector<1x1x16xf32> to vector<16xf32>
      %parallel_loop3A_1945 = vector.shape_cast %parallel_loop3A_1839 : vector<16xf32> to vector<1x1x16xf32>
      tpu.vector_store %arg6[%parallel_loop3A_1940, %parallel_loop3A_1941, %parallel_loop3A_1942], %parallel_loop3A_1945 {add = true, strides = array<i32>} : memref<4x8x1024xf32, #tpu.memory_space<vmem>>, vector<1x1x16xf32>,
      %parallel_loop3A_1946 = arith.constant 3 : i32
      %parallel_loop3A_1947 = arith.index_cast %parallel_loop3A_1946 : i32 to index
      %parallel_loop3A_1948 = arith.index_cast %parallel_loop3A_295 : i32 to index
      %parallel_loop3A_1949 = arith.constant 800 : index
      %parallel_loop3A_1950 = tpu.vector_load %arg6[%parallel_loop3A_1947, %parallel_loop3A_1948, %parallel_loop3A_1949] {strides = array<i32>} : memref<4x8x1024xf32, #tpu.memory_space<vmem>>, vector<1x1x16xf32>,
      %parallel_loop3A_1951 = vector.shape_cast %parallel_loop3A_1950 : vector<1x1x16xf32> to vector<16xf32>
      %parallel_loop3A_1952 = vector.shape_cast %parallel_loop3A_1843 : vector<16xf32> to vector<1x1x16xf32>
      tpu.vector_store %arg6[%parallel_loop3A_1947, %parallel_loop3A_1948, %parallel_loop3A_1949], %parallel_loop3A_1952 {add = true, strides = array<i32>} : memref<4x8x1024xf32, #tpu.memory_space<vmem>>, vector<1x1x16xf32>,
      %parallel_loop3A_1953 = arith.constant 3 : i32
      %parallel_loop3A_1954 = arith.index_cast %parallel_loop3A_1953 : i32 to index
      %parallel_loop3A_1955 = arith.index_cast %parallel_loop3A_295 : i32 to index
      %parallel_loop3A_1956 = arith.constant 816 : index
      %parallel_loop3A_1957 = tpu.vector_load %arg6[%parallel_loop3A_1954, %parallel_loop3A_1955, %parallel_loop3A_1956] {strides = array<i32>} : memref<4x8x1024xf32, #tpu.memory_space<vmem>>, vector<1x1x16xf32>,
      %parallel_loop3A_1958 = vector.shape_cast %parallel_loop3A_1957 : vector<1x1x16xf32> to vector<16xf32>
      %parallel_loop3A_1959 = vector.shape_cast %parallel_loop3A_1847 : vector<16xf32> to vector<1x1x16xf32>
      tpu.vector_store %arg6[%parallel_loop3A_1954, %parallel_loop3A_1955, %parallel_loop3A_1956], %parallel_loop3A_1959 {add = true, strides = array<i32>} : memref<4x8x1024xf32, #tpu.memory_space<vmem>>, vector<1x1x16xf32>,
      %parallel_loop3A_1960 = arith.index_cast %parallel_loop3A_295 : i32 to index
      %parallel_loop3A_1961 = arith.constant 832 : index
      %parallel_loop3A_1962 = tpu.vector_load %arg5[%parallel_loop3A_1960, %parallel_loop3A_1961] {strides = array<i32>} : memref<8x1024xf32, #tpu.memory_space<vmem>>, vector<1x16xf32>,
      %parallel_loop3A_1963 = vector.shape_cast %parallel_loop3A_1962 : vector<1x16xf32> to vector<16xf32>
      %parallel_loop3A_1964 = arith.index_cast %parallel_loop3A_295 : i32 to index
      %parallel_loop3A_1965 = arith.constant 848 : index
      %parallel_loop3A_1966 = tpu.vector_load %arg5[%parallel_loop3A_1964, %parallel_loop3A_1965] {strides = array<i32>} : memref<8x1024xf32, #tpu.memory_space<vmem>>, vector<1x16xf32>,
      %parallel_loop3A_1967 = vector.shape_cast %parallel_loop3A_1966 : vector<1x16xf32> to vector<16xf32>
      %parallel_loop3A_1968 = arith.index_cast %parallel_loop3A_295 : i32 to index
      %parallel_loop3A_1969 = arith.constant 864 : index
      %parallel_loop3A_1970 = tpu.vector_load %arg5[%parallel_loop3A_1968, %parallel_loop3A_1969] {strides = array<i32>} : memref<8x1024xf32, #tpu.memory_space<vmem>>, vector<1x16xf32>,
      %parallel_loop3A_1971 = vector.shape_cast %parallel_loop3A_1970 : vector<1x16xf32> to vector<16xf32>
      %parallel_loop3A_1972 = arith.index_cast %parallel_loop3A_295 : i32 to index
      %parallel_loop3A_1973 = arith.constant 880 : index
      %parallel_loop3A_1974 = tpu.vector_load %arg5[%parallel_loop3A_1972, %parallel_loop3A_1973] {strides = array<i32>} : memref<8x1024xf32, #tpu.memory_space<vmem>>, vector<1x16xf32>,
      %parallel_loop3A_1975 = vector.shape_cast %parallel_loop3A_1974 : vector<1x16xf32> to vector<16xf32>
      %parallel_loop3A_1976 = arith.constant 0 : i32
      %parallel_loop3A_1977 = arith.index_cast %parallel_loop3A_1976 : i32 to index
      %parallel_loop3A_1978 = arith.index_cast %parallel_loop3A_295 : i32 to index
      %parallel_loop3A_1979 = arith.constant 832 : index
      %parallel_loop3A_1980 = tpu.vector_load %arg6[%parallel_loop3A_1977, %parallel_loop3A_1978, %parallel_loop3A_1979] {strides = array<i32>} : memref<4x8x1024xf32, #tpu.memory_space<vmem>>, vector<1x1x16xf32>,
      %parallel_loop3A_1981 = vector.shape_cast %parallel_loop3A_1980 : vector<1x1x16xf32> to vector<16xf32>
      %parallel_loop3A_1982 = vector.shape_cast %parallel_loop3A_1963 : vector<16xf32> to vector<1x1x16xf32>
      tpu.vector_store %arg6[%parallel_loop3A_1977, %parallel_loop3A_1978, %parallel_loop3A_1979], %parallel_loop3A_1982 {add = true, strides = array<i32>} : memref<4x8x1024xf32, #tpu.memory_space<vmem>>, vector<1x1x16xf32>,
      %parallel_loop3A_1983 = arith.constant 0 : i32
      %parallel_loop3A_1984 = arith.index_cast %parallel_loop3A_1983 : i32 to index
      %parallel_loop3A_1985 = arith.index_cast %parallel_loop3A_295 : i32 to index
      %parallel_loop3A_1986 = arith.constant 848 : index
      %parallel_loop3A_1987 = tpu.vector_load %arg6[%parallel_loop3A_1984, %parallel_loop3A_1985, %parallel_loop3A_1986] {strides = array<i32>} : memref<4x8x1024xf32, #tpu.memory_space<vmem>>, vector<1x1x16xf32>,
      %parallel_loop3A_1988 = vector.shape_cast %parallel_loop3A_1987 : vector<1x1x16xf32> to vector<16xf32>
      %parallel_loop3A_1989 = vector.shape_cast %parallel_loop3A_1967 : vector<16xf32> to vector<1x1x16xf32>
      tpu.vector_store %arg6[%parallel_loop3A_1984, %parallel_loop3A_1985, %parallel_loop3A_1986], %parallel_loop3A_1989 {add = true, strides = array<i32>} : memref<4x8x1024xf32, #tpu.memory_space<vmem>>, vector<1x1x16xf32>,
      %parallel_loop3A_1990 = arith.constant 0 : i32
      %parallel_loop3A_1991 = arith.index_cast %parallel_loop3A_1990 : i32 to index
      %parallel_loop3A_1992 = arith.index_cast %parallel_loop3A_295 : i32 to index
      %parallel_loop3A_1993 = arith.constant 864 : index
      %parallel_loop3A_1994 = tpu.vector_load %arg6[%parallel_loop3A_1991, %parallel_loop3A_1992, %parallel_loop3A_1993] {strides = array<i32>} : memref<4x8x1024xf32, #tpu.memory_space<vmem>>, vector<1x1x16xf32>,
      %parallel_loop3A_1995 = vector.shape_cast %parallel_loop3A_1994 : vector<1x1x16xf32> to vector<16xf32>
      %parallel_loop3A_1996 = vector.shape_cast %parallel_loop3A_1971 : vector<16xf32> to vector<1x1x16xf32>
      tpu.vector_store %arg6[%parallel_loop3A_1991, %parallel_loop3A_1992, %parallel_loop3A_1993], %parallel_loop3A_1996 {add = true, strides = array<i32>} : memref<4x8x1024xf32, #tpu.memory_space<vmem>>, vector<1x1x16xf32>,
      %parallel_loop3A_1997 = arith.constant 0 : i32
      %parallel_loop3A_1998 = arith.index_cast %parallel_loop3A_1997 : i32 to index
      %parallel_loop3A_1999 = arith.index_cast %parallel_loop3A_295 : i32 to index
      %parallel_loop3A_2000 = arith.constant 880 : index
      %parallel_loop3A_2001 = tpu.vector_load %arg6[%parallel_loop3A_1998, %parallel_loop3A_1999, %parallel_loop3A_2000] {strides = array<i32>} : memref<4x8x1024xf32, #tpu.memory_space<vmem>>, vector<1x1x16xf32>,
      %parallel_loop3A_2002 = vector.shape_cast %parallel_loop3A_2001 : vector<1x1x16xf32> to vector<16xf32>
      %parallel_loop3A_2003 = vector.shape_cast %parallel_loop3A_1975 : vector<16xf32> to vector<1x1x16xf32>
      tpu.vector_store %arg6[%parallel_loop3A_1998, %parallel_loop3A_1999, %parallel_loop3A_2000], %parallel_loop3A_2003 {add = true, strides = array<i32>} : memref<4x8x1024xf32, #tpu.memory_space<vmem>>, vector<1x1x16xf32>,
      %parallel_loop3A_2004 = arith.constant 1 : i32
      %parallel_loop3A_2005 = arith.index_cast %parallel_loop3A_2004 : i32 to index
      %parallel_loop3A_2006 = arith.index_cast %parallel_loop3A_295 : i32 to index
      %parallel_loop3A_2007 = arith.constant 832 : index
      %parallel_loop3A_2008 = tpu.vector_load %arg6[%parallel_loop3A_2005, %parallel_loop3A_2006, %parallel_loop3A_2007] {strides = array<i32>} : memref<4x8x1024xf32, #tpu.memory_space<vmem>>, vector<1x1x16xf32>,
      %parallel_loop3A_2009 = vector.shape_cast %parallel_loop3A_2008 : vector<1x1x16xf32> to vector<16xf32>
      %parallel_loop3A_2010 = vector.shape_cast %parallel_loop3A_1963 : vector<16xf32> to vector<1x1x16xf32>
      tpu.vector_store %arg6[%parallel_loop3A_2005, %parallel_loop3A_2006, %parallel_loop3A_2007], %parallel_loop3A_2010 {add = true, strides = array<i32>} : memref<4x8x1024xf32, #tpu.memory_space<vmem>>, vector<1x1x16xf32>,
      %parallel_loop3A_2011 = arith.constant 1 : i32
      %parallel_loop3A_2012 = arith.index_cast %parallel_loop3A_2011 : i32 to index
      %parallel_loop3A_2013 = arith.index_cast %parallel_loop3A_295 : i32 to index
      %parallel_loop3A_2014 = arith.constant 848 : index
      %parallel_loop3A_2015 = tpu.vector_load %arg6[%parallel_loop3A_2012, %parallel_loop3A_2013, %parallel_loop3A_2014] {strides = array<i32>} : memref<4x8x1024xf32, #tpu.memory_space<vmem>>, vector<1x1x16xf32>,
      %parallel_loop3A_2016 = vector.shape_cast %parallel_loop3A_2015 : vector<1x1x16xf32> to vector<16xf32>
      %parallel_loop3A_2017 = vector.shape_cast %parallel_loop3A_1967 : vector<16xf32> to vector<1x1x16xf32>
      tpu.vector_store %arg6[%parallel_loop3A_2012, %parallel_loop3A_2013, %parallel_loop3A_2014], %parallel_loop3A_2017 {add = true, strides = array<i32>} : memref<4x8x1024xf32, #tpu.memory_space<vmem>>, vector<1x1x16xf32>,
      %parallel_loop3A_2018 = arith.constant 1 : i32
      %parallel_loop3A_2019 = arith.index_cast %parallel_loop3A_2018 : i32 to index
      %parallel_loop3A_2020 = arith.index_cast %parallel_loop3A_295 : i32 to index
      %parallel_loop3A_2021 = arith.constant 864 : index
      %parallel_loop3A_2022 = tpu.vector_load %arg6[%parallel_loop3A_2019, %parallel_loop3A_2020, %parallel_loop3A_2021] {strides = array<i32>} : memref<4x8x1024xf32, #tpu.memory_space<vmem>>, vector<1x1x16xf32>,
      %parallel_loop3A_2023 = vector.shape_cast %parallel_loop3A_2022 : vector<1x1x16xf32> to vector<16xf32>
      %parallel_loop3A_2024 = vector.shape_cast %parallel_loop3A_1971 : vector<16xf32> to vector<1x1x16xf32>
      tpu.vector_store %arg6[%parallel_loop3A_2019, %parallel_loop3A_2020, %parallel_loop3A_2021], %parallel_loop3A_2024 {add = true, strides = array<i32>} : memref<4x8x1024xf32, #tpu.memory_space<vmem>>, vector<1x1x16xf32>,
      %parallel_loop3A_2025 = arith.constant 1 : i32
      %parallel_loop3A_2026 = arith.index_cast %parallel_loop3A_2025 : i32 to index
      %parallel_loop3A_2027 = arith.index_cast %parallel_loop3A_295 : i32 to index
      %parallel_loop3A_2028 = arith.constant 880 : index
      %parallel_loop3A_2029 = tpu.vector_load %arg6[%parallel_loop3A_2026, %parallel_loop3A_2027, %parallel_loop3A_2028] {strides = array<i32>} : memref<4x8x1024xf32, #tpu.memory_space<vmem>>, vector<1x1x16xf32>,
      %parallel_loop3A_2030 = vector.shape_cast %parallel_loop3A_2029 : vector<1x1x16xf32> to vector<16xf32>
      %parallel_loop3A_2031 = vector.shape_cast %parallel_loop3A_1975 : vector<16xf32> to vector<1x1x16xf32>
      tpu.vector_store %arg6[%parallel_loop3A_2026, %parallel_loop3A_2027, %parallel_loop3A_2028], %parallel_loop3A_2031 {add = true, strides = array<i32>} : memref<4x8x1024xf32, #tpu.memory_space<vmem>>, vector<1x1x16xf32>,
      %parallel_loop3A_2032 = arith.constant 2 : i32
      %parallel_loop3A_2033 = arith.index_cast %parallel_loop3A_2032 : i32 to index
      %parallel_loop3A_2034 = arith.index_cast %parallel_loop3A_295 : i32 to index
      %parallel_loop3A_2035 = arith.constant 832 : index
      %parallel_loop3A_2036 = tpu.vector_load %arg6[%parallel_loop3A_2033, %parallel_loop3A_2034, %parallel_loop3A_2035] {strides = array<i32>} : memref<4x8x1024xf32, #tpu.memory_space<vmem>>, vector<1x1x16xf32>,
      %parallel_loop3A_2037 = vector.shape_cast %parallel_loop3A_2036 : vector<1x1x16xf32> to vector<16xf32>
      %parallel_loop3A_2038 = vector.shape_cast %parallel_loop3A_1963 : vector<16xf32> to vector<1x1x16xf32>
      tpu.vector_store %arg6[%parallel_loop3A_2033, %parallel_loop3A_2034, %parallel_loop3A_2035], %parallel_loop3A_2038 {add = true, strides = array<i32>} : memref<4x8x1024xf32, #tpu.memory_space<vmem>>, vector<1x1x16xf32>,
      %parallel_loop3A_2039 = arith.constant 2 : i32
      %parallel_loop3A_2040 = arith.index_cast %parallel_loop3A_2039 : i32 to index
      %parallel_loop3A_2041 = arith.index_cast %parallel_loop3A_295 : i32 to index
      %parallel_loop3A_2042 = arith.constant 848 : index
      %parallel_loop3A_2043 = tpu.vector_load %arg6[%parallel_loop3A_2040, %parallel_loop3A_2041, %parallel_loop3A_2042] {strides = array<i32>} : memref<4x8x1024xf32, #tpu.memory_space<vmem>>, vector<1x1x16xf32>,
      %parallel_loop3A_2044 = vector.shape_cast %parallel_loop3A_2043 : vector<1x1x16xf32> to vector<16xf32>
      %parallel_loop3A_2045 = vector.shape_cast %parallel_loop3A_1967 : vector<16xf32> to vector<1x1x16xf32>
      tpu.vector_store %arg6[%parallel_loop3A_2040, %parallel_loop3A_2041, %parallel_loop3A_2042], %parallel_loop3A_2045 {add = true, strides = array<i32>} : memref<4x8x1024xf32, #tpu.memory_space<vmem>>, vector<1x1x16xf32>,
      %parallel_loop3A_2046 = arith.constant 2 : i32
      %parallel_loop3A_2047 = arith.index_cast %parallel_loop3A_2046 : i32 to index
      %parallel_loop3A_2048 = arith.index_cast %parallel_loop3A_295 : i32 to index
      %parallel_loop3A_2049 = arith.constant 864 : index
      %parallel_loop3A_2050 = tpu.vector_load %arg6[%parallel_loop3A_2047, %parallel_loop3A_2048, %parallel_loop3A_2049] {strides = array<i32>} : memref<4x8x1024xf32, #tpu.memory_space<vmem>>, vector<1x1x16xf32>,
      %parallel_loop3A_2051 = vector.shape_cast %parallel_loop3A_2050 : vector<1x1x16xf32> to vector<16xf32>
      %parallel_loop3A_2052 = vector.shape_cast %parallel_loop3A_1971 : vector<16xf32> to vector<1x1x16xf32>
      tpu.vector_store %arg6[%parallel_loop3A_2047, %parallel_loop3A_2048, %parallel_loop3A_2049], %parallel_loop3A_2052 {add = true, strides = array<i32>} : memref<4x8x1024xf32, #tpu.memory_space<vmem>>, vector<1x1x16xf32>,
      %parallel_loop3A_2053 = arith.constant 2 : i32
      %parallel_loop3A_2054 = arith.index_cast %parallel_loop3A_2053 : i32 to index
      %parallel_loop3A_2055 = arith.index_cast %parallel_loop3A_295 : i32 to index
      %parallel_loop3A_2056 = arith.constant 880 : index
      %parallel_loop3A_2057 = tpu.vector_load %arg6[%parallel_loop3A_2054, %parallel_loop3A_2055, %parallel_loop3A_2056] {strides = array<i32>} : memref<4x8x1024xf32, #tpu.memory_space<vmem>>, vector<1x1x16xf32>,
      %parallel_loop3A_2058 = vector.shape_cast %parallel_loop3A_2057 : vector<1x1x16xf32> to vector<16xf32>
      %parallel_loop3A_2059 = vector.shape_cast %parallel_loop3A_1975 : vector<16xf32> to vector<1x1x16xf32>
      tpu.vector_store %arg6[%parallel_loop3A_2054, %parallel_loop3A_2055, %parallel_loop3A_2056], %parallel_loop3A_2059 {add = true, strides = array<i32>} : memref<4x8x1024xf32, #tpu.memory_space<vmem>>, vector<1x1x16xf32>,
      %parallel_loop3A_2060 = arith.constant 3 : i32
      %parallel_loop3A_2061 = arith.index_cast %parallel_loop3A_2060 : i32 to index
      %parallel_loop3A_2062 = arith.index_cast %parallel_loop3A_295 : i32 to index
      %parallel_loop3A_2063 = arith.constant 832 : index
      %parallel_loop3A_2064 = tpu.vector_load %arg6[%parallel_loop3A_2061, %parallel_loop3A_2062, %parallel_loop3A_2063] {strides = array<i32>} : memref<4x8x1024xf32, #tpu.memory_space<vmem>>, vector<1x1x16xf32>,
      %parallel_loop3A_2065 = vector.shape_cast %parallel_loop3A_2064 : vector<1x1x16xf32> to vector<16xf32>
      %parallel_loop3A_2066 = vector.shape_cast %parallel_loop3A_1963 : vector<16xf32> to vector<1x1x16xf32>
      tpu.vector_store %arg6[%parallel_loop3A_2061, %parallel_loop3A_2062, %parallel_loop3A_2063], %parallel_loop3A_2066 {add = true, strides = array<i32>} : memref<4x8x1024xf32, #tpu.memory_space<vmem>>, vector<1x1x16xf32>,
      %parallel_loop3A_2067 = arith.constant 3 : i32
      %parallel_loop3A_2068 = arith.index_cast %parallel_loop3A_2067 : i32 to index
      %parallel_loop3A_2069 = arith.index_cast %parallel_loop3A_295 : i32 to index
      %parallel_loop3A_2070 = arith.constant 848 : index
      %parallel_loop3A_2071 = tpu.vector_load %arg6[%parallel_loop3A_2068, %parallel_loop3A_2069, %parallel_loop3A_2070] {strides = array<i32>} : memref<4x8x1024xf32, #tpu.memory_space<vmem>>, vector<1x1x16xf32>,
      %parallel_loop3A_2072 = vector.shape_cast %parallel_loop3A_2071 : vector<1x1x16xf32> to vector<16xf32>
      %parallel_loop3A_2073 = vector.shape_cast %parallel_loop3A_1967 : vector<16xf32> to vector<1x1x16xf32>
      tpu.vector_store %arg6[%parallel_loop3A_2068, %parallel_loop3A_2069, %parallel_loop3A_2070], %parallel_loop3A_2073 {add = true, strides = array<i32>} : memref<4x8x1024xf32, #tpu.memory_space<vmem>>, vector<1x1x16xf32>,
      %parallel_loop3A_2074 = arith.constant 3 : i32
      %parallel_loop3A_2075 = arith.index_cast %parallel_loop3A_2074 : i32 to index
      %parallel_loop3A_2076 = arith.index_cast %parallel_loop3A_295 : i32 to index
      %parallel_loop3A_2077 = arith.constant 864 : index
      %parallel_loop3A_2078 = tpu.vector_load %arg6[%parallel_loop3A_2075, %parallel_loop3A_2076, %parallel_loop3A_2077] {strides = array<i32>} : memref<4x8x1024xf32, #tpu.memory_space<vmem>>, vector<1x1x16xf32>,
      %parallel_loop3A_2079 = vector.shape_cast %parallel_loop3A_2078 : vector<1x1x16xf32> to vector<16xf32>
      %parallel_loop3A_2080 = vector.shape_cast %parallel_loop3A_1971 : vector<16xf32> to vector<1x1x16xf32>
      tpu.vector_store %arg6[%parallel_loop3A_2075, %parallel_loop3A_2076, %parallel_loop3A_2077], %parallel_loop3A_2080 {add = true, strides = array<i32>} : memref<4x8x1024xf32, #tpu.memory_space<vmem>>, vector<1x1x16xf32>,
      %parallel_loop3A_2081 = arith.constant 3 : i32
      %parallel_loop3A_2082 = arith.index_cast %parallel_loop3A_2081 : i32 to index
      %parallel_loop3A_2083 = arith.index_cast %parallel_loop3A_295 : i32 to index
      %parallel_loop3A_2084 = arith.constant 880 : index
      %parallel_loop3A_2085 = tpu.vector_load %arg6[%parallel_loop3A_2082, %parallel_loop3A_2083, %parallel_loop3A_2084] {strides = array<i32>} : memref<4x8x1024xf32, #tpu.memory_space<vmem>>, vector<1x1x16xf32>,
      %parallel_loop3A_2086 = vector.shape_cast %parallel_loop3A_2085 : vector<1x1x16xf32> to vector<16xf32>
      %parallel_loop3A_2087 = vector.shape_cast %parallel_loop3A_1975 : vector<16xf32> to vector<1x1x16xf32>
      tpu.vector_store %arg6[%parallel_loop3A_2082, %parallel_loop3A_2083, %parallel_loop3A_2084], %parallel_loop3A_2087 {add = true, strides = array<i32>} : memref<4x8x1024xf32, #tpu.memory_space<vmem>>, vector<1x1x16xf32>,
      %parallel_loop3A_2088 = arith.index_cast %parallel_loop3A_295 : i32 to index
      %parallel_loop3A_2089 = arith.constant 896 : index
      %parallel_loop3A_2090 = tpu.vector_load %arg5[%parallel_loop3A_2088, %parallel_loop3A_2089] {strides = array<i32>} : memref<8x1024xf32, #tpu.memory_space<vmem>>, vector<1x16xf32>,
      %parallel_loop3A_2091 = vector.shape_cast %parallel_loop3A_2090 : vector<1x16xf32> to vector<16xf32>
      %parallel_loop3A_2092 = arith.index_cast %parallel_loop3A_295 : i32 to index
      %parallel_loop3A_2093 = arith.constant 912 : index
      %parallel_loop3A_2094 = tpu.vector_load %arg5[%parallel_loop3A_2092, %parallel_loop3A_2093] {strides = array<i32>} : memref<8x1024xf32, #tpu.memory_space<vmem>>, vector<1x16xf32>,
      %parallel_loop3A_2095 = vector.shape_cast %parallel_loop3A_2094 : vector<1x16xf32> to vector<16xf32>
      %parallel_loop3A_2096 = arith.index_cast %parallel_loop3A_295 : i32 to index
      %parallel_loop3A_2097 = arith.constant 928 : index
      %parallel_loop3A_2098 = tpu.vector_load %arg5[%parallel_loop3A_2096, %parallel_loop3A_2097] {strides = array<i32>} : memref<8x1024xf32, #tpu.memory_space<vmem>>, vector<1x16xf32>,
      %parallel_loop3A_2099 = vector.shape_cast %parallel_loop3A_2098 : vector<1x16xf32> to vector<16xf32>
      %parallel_loop3A_2100 = arith.index_cast %parallel_loop3A_295 : i32 to index
      %parallel_loop3A_2101 = arith.constant 944 : index
      %parallel_loop3A_2102 = tpu.vector_load %arg5[%parallel_loop3A_2100, %parallel_loop3A_2101] {strides = array<i32>} : memref<8x1024xf32, #tpu.memory_space<vmem>>, vector<1x16xf32>,
      %parallel_loop3A_2103 = vector.shape_cast %parallel_loop3A_2102 : vector<1x16xf32> to vector<16xf32>
      %parallel_loop3A_2104 = arith.constant 0 : i32
      %parallel_loop3A_2105 = arith.index_cast %parallel_loop3A_2104 : i32 to index
      %parallel_loop3A_2106 = arith.index_cast %parallel_loop3A_295 : i32 to index
      %parallel_loop3A_2107 = arith.constant 896 : index
      %parallel_loop3A_2108 = tpu.vector_load %arg6[%parallel_loop3A_2105, %parallel_loop3A_2106, %parallel_loop3A_2107] {strides = array<i32>} : memref<4x8x1024xf32, #tpu.memory_space<vmem>>, vector<1x1x16xf32>,
      %parallel_loop3A_2109 = vector.shape_cast %parallel_loop3A_2108 : vector<1x1x16xf32> to vector<16xf32>
      %parallel_loop3A_2110 = vector.shape_cast %parallel_loop3A_2091 : vector<16xf32> to vector<1x1x16xf32>
      tpu.vector_store %arg6[%parallel_loop3A_2105, %parallel_loop3A_2106, %parallel_loop3A_2107], %parallel_loop3A_2110 {add = true, strides = array<i32>} : memref<4x8x1024xf32, #tpu.memory_space<vmem>>, vector<1x1x16xf32>,
      %parallel_loop3A_2111 = arith.constant 0 : i32
      %parallel_loop3A_2112 = arith.index_cast %parallel_loop3A_2111 : i32 to index
      %parallel_loop3A_2113 = arith.index_cast %parallel_loop3A_295 : i32 to index
      %parallel_loop3A_2114 = arith.constant 912 : index
      %parallel_loop3A_2115 = tpu.vector_load %arg6[%parallel_loop3A_2112, %parallel_loop3A_2113, %parallel_loop3A_2114] {strides = array<i32>} : memref<4x8x1024xf32, #tpu.memory_space<vmem>>, vector<1x1x16xf32>,
      %parallel_loop3A_2116 = vector.shape_cast %parallel_loop3A_2115 : vector<1x1x16xf32> to vector<16xf32>
      %parallel_loop3A_2117 = vector.shape_cast %parallel_loop3A_2095 : vector<16xf32> to vector<1x1x16xf32>
      tpu.vector_store %arg6[%parallel_loop3A_2112, %parallel_loop3A_2113, %parallel_loop3A_2114], %parallel_loop3A_2117 {add = true, strides = array<i32>} : memref<4x8x1024xf32, #tpu.memory_space<vmem>>, vector<1x1x16xf32>,
      %parallel_loop3A_2118 = arith.constant 0 : i32
      %parallel_loop3A_2119 = arith.index_cast %parallel_loop3A_2118 : i32 to index
      %parallel_loop3A_2120 = arith.index_cast %parallel_loop3A_295 : i32 to index
      %parallel_loop3A_2121 = arith.constant 928 : index
      %parallel_loop3A_2122 = tpu.vector_load %arg6[%parallel_loop3A_2119, %parallel_loop3A_2120, %parallel_loop3A_2121] {strides = array<i32>} : memref<4x8x1024xf32, #tpu.memory_space<vmem>>, vector<1x1x16xf32>,
      %parallel_loop3A_2123 = vector.shape_cast %parallel_loop3A_2122 : vector<1x1x16xf32> to vector<16xf32>
      %parallel_loop3A_2124 = vector.shape_cast %parallel_loop3A_2099 : vector<16xf32> to vector<1x1x16xf32>
      tpu.vector_store %arg6[%parallel_loop3A_2119, %parallel_loop3A_2120, %parallel_loop3A_2121], %parallel_loop3A_2124 {add = true, strides = array<i32>} : memref<4x8x1024xf32, #tpu.memory_space<vmem>>, vector<1x1x16xf32>,
      %parallel_loop3A_2125 = arith.constant 0 : i32
      %parallel_loop3A_2126 = arith.index_cast %parallel_loop3A_2125 : i32 to index
      %parallel_loop3A_2127 = arith.index_cast %parallel_loop3A_295 : i32 to index
      %parallel_loop3A_2128 = arith.constant 944 : index
      %parallel_loop3A_2129 = tpu.vector_load %arg6[%parallel_loop3A_2126, %parallel_loop3A_2127, %parallel_loop3A_2128] {strides = array<i32>} : memref<4x8x1024xf32, #tpu.memory_space<vmem>>, vector<1x1x16xf32>,
      %parallel_loop3A_2130 = vector.shape_cast %parallel_loop3A_2129 : vector<1x1x16xf32> to vector<16xf32>
      %parallel_loop3A_2131 = vector.shape_cast %parallel_loop3A_2103 : vector<16xf32> to vector<1x1x16xf32>
      tpu.vector_store %arg6[%parallel_loop3A_2126, %parallel_loop3A_2127, %parallel_loop3A_2128], %parallel_loop3A_2131 {add = true, strides = array<i32>} : memref<4x8x1024xf32, #tpu.memory_space<vmem>>, vector<1x1x16xf32>,
      %parallel_loop3A_2132 = arith.constant 1 : i32
      %parallel_loop3A_2133 = arith.index_cast %parallel_loop3A_2132 : i32 to index
      %parallel_loop3A_2134 = arith.index_cast %parallel_loop3A_295 : i32 to index
      %parallel_loop3A_2135 = arith.constant 896 : index
      %parallel_loop3A_2136 = tpu.vector_load %arg6[%parallel_loop3A_2133, %parallel_loop3A_2134, %parallel_loop3A_2135] {strides = array<i32>} : memref<4x8x1024xf32, #tpu.memory_space<vmem>>, vector<1x1x16xf32>,
      %parallel_loop3A_2137 = vector.shape_cast %parallel_loop3A_2136 : vector<1x1x16xf32> to vector<16xf32>
      %parallel_loop3A_2138 = vector.shape_cast %parallel_loop3A_2091 : vector<16xf32> to vector<1x1x16xf32>
      tpu.vector_store %arg6[%parallel_loop3A_2133, %parallel_loop3A_2134, %parallel_loop3A_2135], %parallel_loop3A_2138 {add = true, strides = array<i32>} : memref<4x8x1024xf32, #tpu.memory_space<vmem>>, vector<1x1x16xf32>,
      %parallel_loop3A_2139 = arith.constant 1 : i32
      %parallel_loop3A_2140 = arith.index_cast %parallel_loop3A_2139 : i32 to index
      %parallel_loop3A_2141 = arith.index_cast %parallel_loop3A_295 : i32 to index
      %parallel_loop3A_2142 = arith.constant 912 : index
      %parallel_loop3A_2143 = tpu.vector_load %arg6[%parallel_loop3A_2140, %parallel_loop3A_2141, %parallel_loop3A_2142] {strides = array<i32>} : memref<4x8x1024xf32, #tpu.memory_space<vmem>>, vector<1x1x16xf32>,
      %parallel_loop3A_2144 = vector.shape_cast %parallel_loop3A_2143 : vector<1x1x16xf32> to vector<16xf32>
      %parallel_loop3A_2145 = vector.shape_cast %parallel_loop3A_2095 : vector<16xf32> to vector<1x1x16xf32>
      tpu.vector_store %arg6[%parallel_loop3A_2140, %parallel_loop3A_2141, %parallel_loop3A_2142], %parallel_loop3A_2145 {add = true, strides = array<i32>} : memref<4x8x1024xf32, #tpu.memory_space<vmem>>, vector<1x1x16xf32>,
      %parallel_loop3A_2146 = arith.constant 1 : i32
      %parallel_loop3A_2147 = arith.index_cast %parallel_loop3A_2146 : i32 to index
      %parallel_loop3A_2148 = arith.index_cast %parallel_loop3A_295 : i32 to index
      %parallel_loop3A_2149 = arith.constant 928 : index
      %parallel_loop3A_2150 = tpu.vector_load %arg6[%parallel_loop3A_2147, %parallel_loop3A_2148, %parallel_loop3A_2149] {strides = array<i32>} : memref<4x8x1024xf32, #tpu.memory_space<vmem>>, vector<1x1x16xf32>,
      %parallel_loop3A_2151 = vector.shape_cast %parallel_loop3A_2150 : vector<1x1x16xf32> to vector<16xf32>
      %parallel_loop3A_2152 = vector.shape_cast %parallel_loop3A_2099 : vector<16xf32> to vector<1x1x16xf32>
      tpu.vector_store %arg6[%parallel_loop3A_2147, %parallel_loop3A_2148, %parallel_loop3A_2149], %parallel_loop3A_2152 {add = true, strides = array<i32>} : memref<4x8x1024xf32, #tpu.memory_space<vmem>>, vector<1x1x16xf32>,
      %parallel_loop3A_2153 = arith.constant 1 : i32
      %parallel_loop3A_2154 = arith.index_cast %parallel_loop3A_2153 : i32 to index
      %parallel_loop3A_2155 = arith.index_cast %parallel_loop3A_295 : i32 to index
      %parallel_loop3A_2156 = arith.constant 944 : index
      %parallel_loop3A_2157 = tpu.vector_load %arg6[%parallel_loop3A_2154, %parallel_loop3A_2155, %parallel_loop3A_2156] {strides = array<i32>} : memref<4x8x1024xf32, #tpu.memory_space<vmem>>, vector<1x1x16xf32>,
      %parallel_loop3A_2158 = vector.shape_cast %parallel_loop3A_2157 : vector<1x1x16xf32> to vector<16xf32>
      %parallel_loop3A_2159 = vector.shape_cast %parallel_loop3A_2103 : vector<16xf32> to vector<1x1x16xf32>
      tpu.vector_store %arg6[%parallel_loop3A_2154, %parallel_loop3A_2155, %parallel_loop3A_2156], %parallel_loop3A_2159 {add = true, strides = array<i32>} : memref<4x8x1024xf32, #tpu.memory_space<vmem>>, vector<1x1x16xf32>,
      %parallel_loop3A_2160 = arith.constant 2 : i32
      %parallel_loop3A_2161 = arith.index_cast %parallel_loop3A_2160 : i32 to index
      %parallel_loop3A_2162 = arith.index_cast %parallel_loop3A_295 : i32 to index
      %parallel_loop3A_2163 = arith.constant 896 : index
      %parallel_loop3A_2164 = tpu.vector_load %arg6[%parallel_loop3A_2161, %parallel_loop3A_2162, %parallel_loop3A_2163] {strides = array<i32>} : memref<4x8x1024xf32, #tpu.memory_space<vmem>>, vector<1x1x16xf32>,
      %parallel_loop3A_2165 = vector.shape_cast %parallel_loop3A_2164 : vector<1x1x16xf32> to vector<16xf32>
      %parallel_loop3A_2166 = vector.shape_cast %parallel_loop3A_2091 : vector<16xf32> to vector<1x1x16xf32>
      tpu.vector_store %arg6[%parallel_loop3A_2161, %parallel_loop3A_2162, %parallel_loop3A_2163], %parallel_loop3A_2166 {add = true, strides = array<i32>} : memref<4x8x1024xf32, #tpu.memory_space<vmem>>, vector<1x1x16xf32>,
      %parallel_loop3A_2167 = arith.constant 2 : i32
      %parallel_loop3A_2168 = arith.index_cast %parallel_loop3A_2167 : i32 to index
      %parallel_loop3A_2169 = arith.index_cast %parallel_loop3A_295 : i32 to index
      %parallel_loop3A_2170 = arith.constant 912 : index
      %parallel_loop3A_2171 = tpu.vector_load %arg6[%parallel_loop3A_2168, %parallel_loop3A_2169, %parallel_loop3A_2170] {strides = array<i32>} : memref<4x8x1024xf32, #tpu.memory_space<vmem>>, vector<1x1x16xf32>,
      %parallel_loop3A_2172 = vector.shape_cast %parallel_loop3A_2171 : vector<1x1x16xf32> to vector<16xf32>
      %parallel_loop3A_2173 = vector.shape_cast %parallel_loop3A_2095 : vector<16xf32> to vector<1x1x16xf32>
      tpu.vector_store %arg6[%parallel_loop3A_2168, %parallel_loop3A_2169, %parallel_loop3A_2170], %parallel_loop3A_2173 {add = true, strides = array<i32>} : memref<4x8x1024xf32, #tpu.memory_space<vmem>>, vector<1x1x16xf32>,
      %parallel_loop3A_2174 = arith.constant 2 : i32
      %parallel_loop3A_2175 = arith.index_cast %parallel_loop3A_2174 : i32 to index
      %parallel_loop3A_2176 = arith.index_cast %parallel_loop3A_295 : i32 to index
      %parallel_loop3A_2177 = arith.constant 928 : index
      %parallel_loop3A_2178 = tpu.vector_load %arg6[%parallel_loop3A_2175, %parallel_loop3A_2176, %parallel_loop3A_2177] {strides = array<i32>} : memref<4x8x1024xf32, #tpu.memory_space<vmem>>, vector<1x1x16xf32>,
      %parallel_loop3A_2179 = vector.shape_cast %parallel_loop3A_2178 : vector<1x1x16xf32> to vector<16xf32>
      %parallel_loop3A_2180 = vector.shape_cast %parallel_loop3A_2099 : vector<16xf32> to vector<1x1x16xf32>
      tpu.vector_store %arg6[%parallel_loop3A_2175, %parallel_loop3A_2176, %parallel_loop3A_2177], %parallel_loop3A_2180 {add = true, strides = array<i32>} : memref<4x8x1024xf32, #tpu.memory_space<vmem>>, vector<1x1x16xf32>,
      %parallel_loop3A_2181 = arith.constant 2 : i32
      %parallel_loop3A_2182 = arith.index_cast %parallel_loop3A_2181 : i32 to index
      %parallel_loop3A_2183 = arith.index_cast %parallel_loop3A_295 : i32 to index
      %parallel_loop3A_2184 = arith.constant 944 : index
      %parallel_loop3A_2185 = tpu.vector_load %arg6[%parallel_loop3A_2182, %parallel_loop3A_2183, %parallel_loop3A_2184] {strides = array<i32>} : memref<4x8x1024xf32, #tpu.memory_space<vmem>>, vector<1x1x16xf32>,
      %parallel_loop3A_2186 = vector.shape_cast %parallel_loop3A_2185 : vector<1x1x16xf32> to vector<16xf32>
      %parallel_loop3A_2187 = vector.shape_cast %parallel_loop3A_2103 : vector<16xf32> to vector<1x1x16xf32>
      tpu.vector_store %arg6[%parallel_loop3A_2182, %parallel_loop3A_2183, %parallel_loop3A_2184], %parallel_loop3A_2187 {add = true, strides = array<i32>} : memref<4x8x1024xf32, #tpu.memory_space<vmem>>, vector<1x1x16xf32>,
      %parallel_loop3A_2188 = arith.constant 3 : i32
      %parallel_loop3A_2189 = arith.index_cast %parallel_loop3A_2188 : i32 to index
      %parallel_loop3A_2190 = arith.index_cast %parallel_loop3A_295 : i32 to index
      %parallel_loop3A_2191 = arith.constant 896 : index
      %parallel_loop3A_2192 = tpu.vector_load %arg6[%parallel_loop3A_2189, %parallel_loop3A_2190, %parallel_loop3A_2191] {strides = array<i32>} : memref<4x8x1024xf32, #tpu.memory_space<vmem>>, vector<1x1x16xf32>,
      %parallel_loop3A_2193 = vector.shape_cast %parallel_loop3A_2192 : vector<1x1x16xf32> to vector<16xf32>
      %parallel_loop3A_2194 = vector.shape_cast %parallel_loop3A_2091 : vector<16xf32> to vector<1x1x16xf32>
      tpu.vector_store %arg6[%parallel_loop3A_2189, %parallel_loop3A_2190, %parallel_loop3A_2191], %parallel_loop3A_2194 {add = true, strides = array<i32>} : memref<4x8x1024xf32, #tpu.memory_space<vmem>>, vector<1x1x16xf32>,
      %parallel_loop3A_2195 = arith.constant 3 : i32
      %parallel_loop3A_2196 = arith.index_cast %parallel_loop3A_2195 : i32 to index
      %parallel_loop3A_2197 = arith.index_cast %parallel_loop3A_295 : i32 to index
      %parallel_loop3A_2198 = arith.constant 912 : index
      %parallel_loop3A_2199 = tpu.vector_load %arg6[%parallel_loop3A_2196, %parallel_loop3A_2197, %parallel_loop3A_2198] {strides = array<i32>} : memref<4x8x1024xf32, #tpu.memory_space<vmem>>, vector<1x1x16xf32>,
      %parallel_loop3A_2200 = vector.shape_cast %parallel_loop3A_2199 : vector<1x1x16xf32> to vector<16xf32>
      %parallel_loop3A_2201 = vector.shape_cast %parallel_loop3A_2095 : vector<16xf32> to vector<1x1x16xf32>
      tpu.vector_store %arg6[%parallel_loop3A_2196, %parallel_loop3A_2197, %parallel_loop3A_2198], %parallel_loop3A_2201 {add = true, strides = array<i32>} : memref<4x8x1024xf32, #tpu.memory_space<vmem>>, vector<1x1x16xf32>,
      %parallel_loop3A_2202 = arith.constant 3 : i32
      %parallel_loop3A_2203 = arith.index_cast %parallel_loop3A_2202 : i32 to index
      %parallel_loop3A_2204 = arith.index_cast %parallel_loop3A_295 : i32 to index
      %parallel_loop3A_2205 = arith.constant 928 : index
      %parallel_loop3A_2206 = tpu.vector_load %arg6[%parallel_loop3A_2203, %parallel_loop3A_2204, %parallel_loop3A_2205] {strides = array<i32>} : memref<4x8x1024xf32, #tpu.memory_space<vmem>>, vector<1x1x16xf32>,
      %parallel_loop3A_2207 = vector.shape_cast %parallel_loop3A_2206 : vector<1x1x16xf32> to vector<16xf32>
      %parallel_loop3A_2208 = vector.shape_cast %parallel_loop3A_2099 : vector<16xf32> to vector<1x1x16xf32>
      tpu.vector_store %arg6[%parallel_loop3A_2203, %parallel_loop3A_2204, %parallel_loop3A_2205], %parallel_loop3A_2208 {add = true, strides = array<i32>} : memref<4x8x1024xf32, #tpu.memory_space<vmem>>, vector<1x1x16xf32>,
      %parallel_loop3A_2209 = arith.constant 3 : i32
      %parallel_loop3A_2210 = arith.index_cast %parallel_loop3A_2209 : i32 to index
      %parallel_loop3A_2211 = arith.index_cast %parallel_loop3A_295 : i32 to index
      %parallel_loop3A_2212 = arith.constant 944 : index
      %parallel_loop3A_2213 = tpu.vector_load %arg6[%parallel_loop3A_2210, %parallel_loop3A_2211, %parallel_loop3A_2212] {strides = array<i32>} : memref<4x8x1024xf32, #tpu.memory_space<vmem>>, vector<1x1x16xf32>,
      %parallel_loop3A_2214 = vector.shape_cast %parallel_loop3A_2213 : vector<1x1x16xf32> to vector<16xf32>
      %parallel_loop3A_2215 = vector.shape_cast %parallel_loop3A_2103 : vector<16xf32> to vector<1x1x16xf32>
      tpu.vector_store %arg6[%parallel_loop3A_2210, %parallel_loop3A_2211, %parallel_loop3A_2212], %parallel_loop3A_2215 {add = true, strides = array<i32>} : memref<4x8x1024xf32, #tpu.memory_space<vmem>>, vector<1x1x16xf32>,
      %parallel_loop3A_2216 = arith.index_cast %parallel_loop3A_295 : i32 to index
      %parallel_loop3A_2217 = arith.constant 960 : index
      %parallel_loop3A_2218 = tpu.vector_load %arg5[%parallel_loop3A_2216, %parallel_loop3A_2217] {strides = array<i32>} : memref<8x1024xf32, #tpu.memory_space<vmem>>, vector<1x16xf32>,
      %parallel_loop3A_2219 = vector.shape_cast %parallel_loop3A_2218 : vector<1x16xf32> to vector<16xf32>
      %parallel_loop3A_2220 = arith.index_cast %parallel_loop3A_295 : i32 to index
      %parallel_loop3A_2221 = arith.constant 976 : index
      %parallel_loop3A_2222 = tpu.vector_load %arg5[%parallel_loop3A_2220, %parallel_loop3A_2221] {strides = array<i32>} : memref<8x1024xf32, #tpu.memory_space<vmem>>, vector<1x16xf32>,
      %parallel_loop3A_2223 = vector.shape_cast %parallel_loop3A_2222 : vector<1x16xf32> to vector<16xf32>
      %parallel_loop3A_2224 = arith.index_cast %parallel_loop3A_295 : i32 to index
      %parallel_loop3A_2225 = arith.constant 992 : index
      %parallel_loop3A_2226 = tpu.vector_load %arg5[%parallel_loop3A_2224, %parallel_loop3A_2225] {strides = array<i32>} : memref<8x1024xf32, #tpu.memory_space<vmem>>, vector<1x16xf32>,
      %parallel_loop3A_2227 = vector.shape_cast %parallel_loop3A_2226 : vector<1x16xf32> to vector<16xf32>
      %parallel_loop3A_2228 = arith.index_cast %parallel_loop3A_295 : i32 to index
      %parallel_loop3A_2229 = arith.constant 1008 : index
      %parallel_loop3A_2230 = tpu.vector_load %arg5[%parallel_loop3A_2228, %parallel_loop3A_2229] {strides = array<i32>} : memref<8x1024xf32, #tpu.memory_space<vmem>>, vector<1x16xf32>,
      %parallel_loop3A_2231 = vector.shape_cast %parallel_loop3A_2230 : vector<1x16xf32> to vector<16xf32>
      %parallel_loop3A_2232 = arith.constant 0 : i32
      %parallel_loop3A_2233 = arith.index_cast %parallel_loop3A_2232 : i32 to index
      %parallel_loop3A_2234 = arith.index_cast %parallel_loop3A_295 : i32 to index
      %parallel_loop3A_2235 = arith.constant 960 : index
      %parallel_loop3A_2236 = tpu.vector_load %arg6[%parallel_loop3A_2233, %parallel_loop3A_2234, %parallel_loop3A_2235] {strides = array<i32>} : memref<4x8x1024xf32, #tpu.memory_space<vmem>>, vector<1x1x16xf32>,
      %parallel_loop3A_2237 = vector.shape_cast %parallel_loop3A_2236 : vector<1x1x16xf32> to vector<16xf32>
      %parallel_loop3A_2238 = vector.shape_cast %parallel_loop3A_2219 : vector<16xf32> to vector<1x1x16xf32>
      tpu.vector_store %arg6[%parallel_loop3A_2233, %parallel_loop3A_2234, %parallel_loop3A_2235], %parallel_loop3A_2238 {add = true, strides = array<i32>} : memref<4x8x1024xf32, #tpu.memory_space<vmem>>, vector<1x1x16xf32>,
      %parallel_loop3A_2239 = arith.constant 0 : i32
      %parallel_loop3A_2240 = arith.index_cast %parallel_loop3A_2239 : i32 to index
      %parallel_loop3A_2241 = arith.index_cast %parallel_loop3A_295 : i32 to index
      %parallel_loop3A_2242 = arith.constant 976 : index
      %parallel_loop3A_2243 = tpu.vector_load %arg6[%parallel_loop3A_2240, %parallel_loop3A_2241, %parallel_loop3A_2242] {strides = array<i32>} : memref<4x8x1024xf32, #tpu.memory_space<vmem>>, vector<1x1x16xf32>,
      %parallel_loop3A_2244 = vector.shape_cast %parallel_loop3A_2243 : vector<1x1x16xf32> to vector<16xf32>
      %parallel_loop3A_2245 = vector.shape_cast %parallel_loop3A_2223 : vector<16xf32> to vector<1x1x16xf32>
      tpu.vector_store %arg6[%parallel_loop3A_2240, %parallel_loop3A_2241, %parallel_loop3A_2242], %parallel_loop3A_2245 {add = true, strides = array<i32>} : memref<4x8x1024xf32, #tpu.memory_space<vmem>>, vector<1x1x16xf32>,
      %parallel_loop3A_2246 = arith.constant 0 : i32
      %parallel_loop3A_2247 = arith.index_cast %parallel_loop3A_2246 : i32 to index
      %parallel_loop3A_2248 = arith.index_cast %parallel_loop3A_295 : i32 to index
      %parallel_loop3A_2249 = arith.constant 992 : index
      %parallel_loop3A_2250 = tpu.vector_load %arg6[%parallel_loop3A_2247, %parallel_loop3A_2248, %parallel_loop3A_2249] {strides = array<i32>} : memref<4x8x1024xf32, #tpu.memory_space<vmem>>, vector<1x1x16xf32>,
      %parallel_loop3A_2251 = vector.shape_cast %parallel_loop3A_2250 : vector<1x1x16xf32> to vector<16xf32>
      %parallel_loop3A_2252 = vector.shape_cast %parallel_loop3A_2227 : vector<16xf32> to vector<1x1x16xf32>
      tpu.vector_store %arg6[%parallel_loop3A_2247, %parallel_loop3A_2248, %parallel_loop3A_2249], %parallel_loop3A_2252 {add = true, strides = array<i32>} : memref<4x8x1024xf32, #tpu.memory_space<vmem>>, vector<1x1x16xf32>,
      %parallel_loop3A_2253 = arith.constant 0 : i32
      %parallel_loop3A_2254 = arith.index_cast %parallel_loop3A_2253 : i32 to index
      %parallel_loop3A_2255 = arith.index_cast %parallel_loop3A_295 : i32 to index
      %parallel_loop3A_2256 = arith.constant 1008 : index
      %parallel_loop3A_2257 = tpu.vector_load %arg6[%parallel_loop3A_2254, %parallel_loop3A_2255, %parallel_loop3A_2256] {strides = array<i32>} : memref<4x8x1024xf32, #tpu.memory_space<vmem>>, vector<1x1x16xf32>,
      %parallel_loop3A_2258 = vector.shape_cast %parallel_loop3A_2257 : vector<1x1x16xf32> to vector<16xf32>
      %parallel_loop3A_2259 = vector.shape_cast %parallel_loop3A_2231 : vector<16xf32> to vector<1x1x16xf32>
      tpu.vector_store %arg6[%parallel_loop3A_2254, %parallel_loop3A_2255, %parallel_loop3A_2256], %parallel_loop3A_2259 {add = true, strides = array<i32>} : memref<4x8x1024xf32, #tpu.memory_space<vmem>>, vector<1x1x16xf32>,
      %parallel_loop3A_2260 = arith.constant 1 : i32
      %parallel_loop3A_2261 = arith.index_cast %parallel_loop3A_2260 : i32 to index
      %parallel_loop3A_2262 = arith.index_cast %parallel_loop3A_295 : i32 to index
      %parallel_loop3A_2263 = arith.constant 960 : index
      %parallel_loop3A_2264 = tpu.vector_load %arg6[%parallel_loop3A_2261, %parallel_loop3A_2262, %parallel_loop3A_2263] {strides = array<i32>} : memref<4x8x1024xf32, #tpu.memory_space<vmem>>, vector<1x1x16xf32>,
      %parallel_loop3A_2265 = vector.shape_cast %parallel_loop3A_2264 : vector<1x1x16xf32> to vector<16xf32>
      %parallel_loop3A_2266 = vector.shape_cast %parallel_loop3A_2219 : vector<16xf32> to vector<1x1x16xf32>
      tpu.vector_store %arg6[%parallel_loop3A_2261, %parallel_loop3A_2262, %parallel_loop3A_2263], %parallel_loop3A_2266 {add = true, strides = array<i32>} : memref<4x8x1024xf32, #tpu.memory_space<vmem>>, vector<1x1x16xf32>,
      %parallel_loop3A_2267 = arith.constant 1 : i32
      %parallel_loop3A_2268 = arith.index_cast %parallel_loop3A_2267 : i32 to index
      %parallel_loop3A_2269 = arith.index_cast %parallel_loop3A_295 : i32 to index
      %parallel_loop3A_2270 = arith.constant 976 : index
      %parallel_loop3A_2271 = tpu.vector_load %arg6[%parallel_loop3A_2268, %parallel_loop3A_2269, %parallel_loop3A_2270] {strides = array<i32>} : memref<4x8x1024xf32, #tpu.memory_space<vmem>>, vector<1x1x16xf32>,
      %parallel_loop3A_2272 = vector.shape_cast %parallel_loop3A_2271 : vector<1x1x16xf32> to vector<16xf32>
      %parallel_loop3A_2273 = vector.shape_cast %parallel_loop3A_2223 : vector<16xf32> to vector<1x1x16xf32>
      tpu.vector_store %arg6[%parallel_loop3A_2268, %parallel_loop3A_2269, %parallel_loop3A_2270], %parallel_loop3A_2273 {add = true, strides = array<i32>} : memref<4x8x1024xf32, #tpu.memory_space<vmem>>, vector<1x1x16xf32>,
      %parallel_loop3A_2274 = arith.constant 1 : i32
      %parallel_loop3A_2275 = arith.index_cast %parallel_loop3A_2274 : i32 to index
      %parallel_loop3A_2276 = arith.index_cast %parallel_loop3A_295 : i32 to index
      %parallel_loop3A_2277 = arith.constant 992 : index
      %parallel_loop3A_2278 = tpu.vector_load %arg6[%parallel_loop3A_2275, %parallel_loop3A_2276, %parallel_loop3A_2277] {strides = array<i32>} : memref<4x8x1024xf32, #tpu.memory_space<vmem>>, vector<1x1x16xf32>,
      %parallel_loop3A_2279 = vector.shape_cast %parallel_loop3A_2278 : vector<1x1x16xf32> to vector<16xf32>
      %parallel_loop3A_2280 = vector.shape_cast %parallel_loop3A_2227 : vector<16xf32> to vector<1x1x16xf32>
      tpu.vector_store %arg6[%parallel_loop3A_2275, %parallel_loop3A_2276, %parallel_loop3A_2277], %parallel_loop3A_2280 {add = true, strides = array<i32>} : memref<4x8x1024xf32, #tpu.memory_space<vmem>>, vector<1x1x16xf32>,
      %parallel_loop3A_2281 = arith.constant 1 : i32
      %parallel_loop3A_2282 = arith.index_cast %parallel_loop3A_2281 : i32 to index
      %parallel_loop3A_2283 = arith.index_cast %parallel_loop3A_295 : i32 to index
      %parallel_loop3A_2284 = arith.constant 1008 : index
      %parallel_loop3A_2285 = tpu.vector_load %arg6[%parallel_loop3A_2282, %parallel_loop3A_2283, %parallel_loop3A_2284] {strides = array<i32>} : memref<4x8x1024xf32, #tpu.memory_space<vmem>>, vector<1x1x16xf32>,
      %parallel_loop3A_2286 = vector.shape_cast %parallel_loop3A_2285 : vector<1x1x16xf32> to vector<16xf32>
      %parallel_loop3A_2287 = vector.shape_cast %parallel_loop3A_2231 : vector<16xf32> to vector<1x1x16xf32>
      tpu.vector_store %arg6[%parallel_loop3A_2282, %parallel_loop3A_2283, %parallel_loop3A_2284], %parallel_loop3A_2287 {add = true, strides = array<i32>} : memref<4x8x1024xf32, #tpu.memory_space<vmem>>, vector<1x1x16xf32>,
      %parallel_loop3A_2288 = arith.constant 2 : i32
      %parallel_loop3A_2289 = arith.index_cast %parallel_loop3A_2288 : i32 to index
      %parallel_loop3A_2290 = arith.index_cast %parallel_loop3A_295 : i32 to index
      %parallel_loop3A_2291 = arith.constant 960 : index
      %parallel_loop3A_2292 = tpu.vector_load %arg6[%parallel_loop3A_2289, %parallel_loop3A_2290, %parallel_loop3A_2291] {strides = array<i32>} : memref<4x8x1024xf32, #tpu.memory_space<vmem>>, vector<1x1x16xf32>,
      %parallel_loop3A_2293 = vector.shape_cast %parallel_loop3A_2292 : vector<1x1x16xf32> to vector<16xf32>
      %parallel_loop3A_2294 = vector.shape_cast %parallel_loop3A_2219 : vector<16xf32> to vector<1x1x16xf32>
      tpu.vector_store %arg6[%parallel_loop3A_2289, %parallel_loop3A_2290, %parallel_loop3A_2291], %parallel_loop3A_2294 {add = true, strides = array<i32>} : memref<4x8x1024xf32, #tpu.memory_space<vmem>>, vector<1x1x16xf32>,
      %parallel_loop3A_2295 = arith.constant 2 : i32
      %parallel_loop3A_2296 = arith.index_cast %parallel_loop3A_2295 : i32 to index
      %parallel_loop3A_2297 = arith.index_cast %parallel_loop3A_295 : i32 to index
      %parallel_loop3A_2298 = arith.constant 976 : index
      %parallel_loop3A_2299 = tpu.vector_load %arg6[%parallel_loop3A_2296, %parallel_loop3A_2297, %parallel_loop3A_2298] {strides = array<i32>} : memref<4x8x1024xf32, #tpu.memory_space<vmem>>, vector<1x1x16xf32>,
      %parallel_loop3A_2300 = vector.shape_cast %parallel_loop3A_2299 : vector<1x1x16xf32> to vector<16xf32>
      %parallel_loop3A_2301 = vector.shape_cast %parallel_loop3A_2223 : vector<16xf32> to vector<1x1x16xf32>
      tpu.vector_store %arg6[%parallel_loop3A_2296, %parallel_loop3A_2297, %parallel_loop3A_2298], %parallel_loop3A_2301 {add = true, strides = array<i32>} : memref<4x8x1024xf32, #tpu.memory_space<vmem>>, vector<1x1x16xf32>,
      %parallel_loop3A_2302 = arith.constant 2 : i32
      %parallel_loop3A_2303 = arith.index_cast %parallel_loop3A_2302 : i32 to index
      %parallel_loop3A_2304 = arith.index_cast %parallel_loop3A_295 : i32 to index
      %parallel_loop3A_2305 = arith.constant 992 : index
      %parallel_loop3A_2306 = tpu.vector_load %arg6[%parallel_loop3A_2303, %parallel_loop3A_2304, %parallel_loop3A_2305] {strides = array<i32>} : memref<4x8x1024xf32, #tpu.memory_space<vmem>>, vector<1x1x16xf32>,
      %parallel_loop3A_2307 = vector.shape_cast %parallel_loop3A_2306 : vector<1x1x16xf32> to vector<16xf32>
      %parallel_loop3A_2308 = vector.shape_cast %parallel_loop3A_2227 : vector<16xf32> to vector<1x1x16xf32>
      tpu.vector_store %arg6[%parallel_loop3A_2303, %parallel_loop3A_2304, %parallel_loop3A_2305], %parallel_loop3A_2308 {add = true, strides = array<i32>} : memref<4x8x1024xf32, #tpu.memory_space<vmem>>, vector<1x1x16xf32>,
      %parallel_loop3A_2309 = arith.constant 2 : i32
      %parallel_loop3A_2310 = arith.index_cast %parallel_loop3A_2309 : i32 to index
      %parallel_loop3A_2311 = arith.index_cast %parallel_loop3A_295 : i32 to index
      %parallel_loop3A_2312 = arith.constant 1008 : index
      %parallel_loop3A_2313 = tpu.vector_load %arg6[%parallel_loop3A_2310, %parallel_loop3A_2311, %parallel_loop3A_2312] {strides = array<i32>} : memref<4x8x1024xf32, #tpu.memory_space<vmem>>, vector<1x1x16xf32>,
      %parallel_loop3A_2314 = vector.shape_cast %parallel_loop3A_2313 : vector<1x1x16xf32> to vector<16xf32>
      %parallel_loop3A_2315 = vector.shape_cast %parallel_loop3A_2231 : vector<16xf32> to vector<1x1x16xf32>
      tpu.vector_store %arg6[%parallel_loop3A_2310, %parallel_loop3A_2311, %parallel_loop3A_2312], %parallel_loop3A_2315 {add = true, strides = array<i32>} : memref<4x8x1024xf32, #tpu.memory_space<vmem>>, vector<1x1x16xf32>,
      %parallel_loop3A_2316 = arith.constant 3 : i32
      %parallel_loop3A_2317 = arith.index_cast %parallel_loop3A_2316 : i32 to index
      %parallel_loop3A_2318 = arith.index_cast %parallel_loop3A_295 : i32 to index
      %parallel_loop3A_2319 = arith.constant 960 : index
      %parallel_loop3A_2320 = tpu.vector_load %arg6[%parallel_loop3A_2317, %parallel_loop3A_2318, %parallel_loop3A_2319] {strides = array<i32>} : memref<4x8x1024xf32, #tpu.memory_space<vmem>>, vector<1x1x16xf32>,
      %parallel_loop3A_2321 = vector.shape_cast %parallel_loop3A_2320 : vector<1x1x16xf32> to vector<16xf32>
      %parallel_loop3A_2322 = vector.shape_cast %parallel_loop3A_2219 : vector<16xf32> to vector<1x1x16xf32>
      tpu.vector_store %arg6[%parallel_loop3A_2317, %parallel_loop3A_2318, %parallel_loop3A_2319], %parallel_loop3A_2322 {add = true, strides = array<i32>} : memref<4x8x1024xf32, #tpu.memory_space<vmem>>, vector<1x1x16xf32>,
      %parallel_loop3A_2323 = arith.constant 3 : i32
      %parallel_loop3A_2324 = arith.index_cast %parallel_loop3A_2323 : i32 to index
      %parallel_loop3A_2325 = arith.index_cast %parallel_loop3A_295 : i32 to index
      %parallel_loop3A_2326 = arith.constant 976 : index
      %parallel_loop3A_2327 = tpu.vector_load %arg6[%parallel_loop3A_2324, %parallel_loop3A_2325, %parallel_loop3A_2326] {strides = array<i32>} : memref<4x8x1024xf32, #tpu.memory_space<vmem>>, vector<1x1x16xf32>,
      %parallel_loop3A_2328 = vector.shape_cast %parallel_loop3A_2327 : vector<1x1x16xf32> to vector<16xf32>
      %parallel_loop3A_2329 = vector.shape_cast %parallel_loop3A_2223 : vector<16xf32> to vector<1x1x16xf32>
      tpu.vector_store %arg6[%parallel_loop3A_2324, %parallel_loop3A_2325, %parallel_loop3A_2326], %parallel_loop3A_2329 {add = true, strides = array<i32>} : memref<4x8x1024xf32, #tpu.memory_space<vmem>>, vector<1x1x16xf32>,
      %parallel_loop3A_2330 = arith.constant 3 : i32
      %parallel_loop3A_2331 = arith.index_cast %parallel_loop3A_2330 : i32 to index
      %parallel_loop3A_2332 = arith.index_cast %parallel_loop3A_295 : i32 to index
      %parallel_loop3A_2333 = arith.constant 992 : index
      %parallel_loop3A_2334 = tpu.vector_load %arg6[%parallel_loop3A_2331, %parallel_loop3A_2332, %parallel_loop3A_2333] {strides = array<i32>} : memref<4x8x1024xf32, #tpu.memory_space<vmem>>, vector<1x1x16xf32>,
      %parallel_loop3A_2335 = vector.shape_cast %parallel_loop3A_2334 : vector<1x1x16xf32> to vector<16xf32>
      %parallel_loop3A_2336 = vector.shape_cast %parallel_loop3A_2227 : vector<16xf32> to vector<1x1x16xf32>
      tpu.vector_store %arg6[%parallel_loop3A_2331, %parallel_loop3A_2332, %parallel_loop3A_2333], %parallel_loop3A_2336 {add = true, strides = array<i32>} : memref<4x8x1024xf32, #tpu.memory_space<vmem>>, vector<1x1x16xf32>,
      %parallel_loop3A_2337 = arith.constant 3 : i32
      %parallel_loop3A_2338 = arith.index_cast %parallel_loop3A_2337 : i32 to index
      %parallel_loop3A_2339 = arith.index_cast %parallel_loop3A_295 : i32 to index
      %parallel_loop3A_2340 = arith.constant 1008 : index
      %parallel_loop3A_2341 = tpu.vector_load %arg6[%parallel_loop3A_2338, %parallel_loop3A_2339, %parallel_loop3A_2340] {strides = array<i32>} : memref<4x8x1024xf32, #tpu.memory_space<vmem>>, vector<1x1x16xf32>,
      %parallel_loop3A_2342 = vector.shape_cast %parallel_loop3A_2341 : vector<1x1x16xf32> to vector<16xf32>
      %parallel_loop3A_2343 = vector.shape_cast %parallel_loop3A_2231 : vector<16xf32> to vector<1x1x16xf32>
      tpu.vector_store %arg6[%parallel_loop3A_2338, %parallel_loop3A_2339, %parallel_loop3A_2340], %parallel_loop3A_2343 {add = true, strides = array<i32>} : memref<4x8x1024xf32, #tpu.memory_space<vmem>>, vector<1x1x16xf32>,
    } {sc.loop_unroll_factor = 2 : i64, sc.parallel_access}
    %dma_start3A_159 = arith.constant 0 : i32
    %dma_start3A_160 = arith.constant 0 : i32
    %dma_start3A_161 = arith.constant 0 : i32
    %dma_start3A_162 = arith.constant 0 : i32
    %dma_start3A_163 = tpu.memref_slice %arg6[%dma_start3A_159, %dma_start3A_161, %dma_start3A_162] : memref<4x8x1024xf32, #tpu.memory_space<vmem>> -> memref<1x8x1024xf32, #tpu.memory_space<vmem>>
    %dma_start3A_164 = tpu.memref_squeeze %dma_start3A_163 : memref<1x8x1024xf32, #tpu.memory_space<vmem>> -> memref<8x1024xf32, #tpu.memory_space<vmem>>
    %dma_start3A_165 = arith.constant 0 : i32
    %dma_start3A_166 = tpu.memref_slice %arg4[%dma_start3A_160, %mul3A_2, %dma_start3A_165] : memref<4x256x1024xf32, #tpu.memory_space<hbm>> -> memref<1x8x1024xf32, #tpu.memory_space<hbm>>
    %dma_start3A_167 = tpu.memref_squeeze %dma_start3A_166 : memref<1x8x1024xf32, #tpu.memory_space<hbm>> -> memref<8x1024xf32, #tpu.memory_space<hbm>>
    %dma_start3A_168 = arith.constant 0 : i32
    %dma_start3A_169 = tpu.memref_slice %arg4[%dma_start3A_160, %mul3A_2, %dma_start3A_168] : memref<4x256x1024xf32, #tpu.memory_space<hbm>> -> memref<1x8x1024xf32, #tpu.memory_space<hbm>>
    %dma_start3A_170 = tpu.memref_squeeze %dma_start3A_169 : memref<1x8x1024xf32, #tpu.memory_space<hbm>> -> memref<8x1024xf32, #tpu.memory_space<hbm>>
    %dma_start3A_171 = arith.constant 0 : i32
    %dma_start3A_172 = arith.constant 0 : i32
    %dma_start3A_173 = tpu.memref_slice %arg6[%dma_start3A_159, %dma_start3A_171, %dma_start3A_172] : memref<4x8x1024xf32, #tpu.memory_space<vmem>> -> memref<1x8x1024xf32, #tpu.memory_space<vmem>>
    %dma_start3A_174 = tpu.memref_squeeze %dma_start3A_173 : memref<1x8x1024xf32, #tpu.memory_space<vmem>> -> memref<8x1024xf32, #tpu.memory_space<vmem>>
    tpu.enqueue_dma source(%dma_start3A_174 : memref<8x1024xf32, #tpu.memory_space<vmem>>) target(%dma_start3A_170 : memref<8x1024xf32, #tpu.memory_space<hbm>>) target_semaphore(%arg8 : memref<!tpu.dma_semaphore, #tpu.memory_space<semaphore_mem>>)
    %dma_start3A_175 = arith.constant 1 : i32
    %dma_start3A_176 = arith.constant 1 : i32
    %dma_start3A_177 = arith.constant 0 : i32
    %dma_start3A_178 = arith.constant 0 : i32
    %dma_start3A_179 = tpu.memref_slice %arg6[%dma_start3A_175, %dma_start3A_177, %dma_start3A_178] : memref<4x8x1024xf32, #tpu.memory_space<vmem>> -> memref<1x8x1024xf32, #tpu.memory_space<vmem>>
    %dma_start3A_180 = tpu.memref_squeeze %dma_start3A_179 : memref<1x8x1024xf32, #tpu.memory_space<vmem>> -> memref<8x1024xf32, #tpu.memory_space<vmem>>
    %dma_start3A_181 = arith.constant 0 : i32
    %dma_start3A_182 = tpu.memref_slice %arg4[%dma_start3A_176, %mul3A_2, %dma_start3A_181] : memref<4x256x1024xf32, #tpu.memory_space<hbm>> -> memref<1x8x1024xf32, #tpu.memory_space<hbm>>
    %dma_start3A_183 = tpu.memref_squeeze %dma_start3A_182 : memref<1x8x1024xf32, #tpu.memory_space<hbm>> -> memref<8x1024xf32, #tpu.memory_space<hbm>>
    %dma_start3A_184 = arith.constant 0 : i32
    %dma_start3A_185 = tpu.memref_slice %arg4[%dma_start3A_176, %mul3A_2, %dma_start3A_184] : memref<4x256x1024xf32, #tpu.memory_space<hbm>> -> memref<1x8x1024xf32, #tpu.memory_space<hbm>>
    %dma_start3A_186 = tpu.memref_squeeze %dma_start3A_185 : memref<1x8x1024xf32, #tpu.memory_space<hbm>> -> memref<8x1024xf32, #tpu.memory_space<hbm>>
    %dma_start3A_187 = arith.constant 0 : i32
    %dma_start3A_188 = arith.constant 0 : i32
    %dma_start3A_189 = tpu.memref_slice %arg6[%dma_start3A_175, %dma_start3A_187, %dma_start3A_188] : memref<4x8x1024xf32, #tpu.memory_space<vmem>> -> memref<1x8x1024xf32, #tpu.memory_space<vmem>>
    %dma_start3A_190 = tpu.memref_squeeze %dma_start3A_189 : memref<1x8x1024xf32, #tpu.memory_space<vmem>> -> memref<8x1024xf32, #tpu.memory_space<vmem>>
    tpu.enqueue_dma source(%dma_start3A_190 : memref<8x1024xf32, #tpu.memory_space<vmem>>) target(%dma_start3A_186 : memref<8x1024xf32, #tpu.memory_space<hbm>>) target_semaphore(%arg8 : memref<!tpu.dma_semaphore, #tpu.memory_space<semaphore_mem>>)
    %dma_start3A_191 = arith.constant 2 : i32
    %dma_start3A_192 = arith.constant 2 : i32
    %dma_start3A_193 = arith.constant 0 : i32
    %dma_start3A_194 = arith.constant 0 : i32
    %dma_start3A_195 = tpu.memref_slice %arg6[%dma_start3A_191, %dma_start3A_193, %dma_start3A_194] : memref<4x8x1024xf32, #tpu.memory_space<vmem>> -> memref<1x8x1024xf32, #tpu.memory_space<vmem>>
    %dma_start3A_196 = tpu.memref_squeeze %dma_start3A_195 : memref<1x8x1024xf32, #tpu.memory_space<vmem>> -> memref<8x1024xf32, #tpu.memory_space<vmem>>
    %dma_start3A_197 = arith.constant 0 : i32
    %dma_start3A_198 = tpu.memref_slice %arg4[%dma_start3A_192, %mul3A_2, %dma_start3A_197] : memref<4x256x1024xf32, #tpu.memory_space<hbm>> -> memref<1x8x1024xf32, #tpu.memory_space<hbm>>
    %dma_start3A_199 = tpu.memref_squeeze %dma_start3A_198 : memref<1x8x1024xf32, #tpu.memory_space<hbm>> -> memref<8x1024xf32, #tpu.memory_space<hbm>>
    %dma_start3A_200 = arith.constant 0 : i32
    %dma_start3A_201 = tpu.memref_slice %arg4[%dma_start3A_192, %mul3A_2, %dma_start3A_200] : memref<4x256x1024xf32, #tpu.memory_space<hbm>> -> memref<1x8x1024xf32, #tpu.memory_space<hbm>>
    %dma_start3A_202 = tpu.memref_squeeze %dma_start3A_201 : memref<1x8x1024xf32, #tpu.memory_space<hbm>> -> memref<8x1024xf32, #tpu.memory_space<hbm>>
    %dma_start3A_203 = arith.constant 0 : i32
    %dma_start3A_204 = arith.constant 0 : i32
    %dma_start3A_205 = tpu.memref_slice %arg6[%dma_start3A_191, %dma_start3A_203, %dma_start3A_204] : memref<4x8x1024xf32, #tpu.memory_space<vmem>> -> memref<1x8x1024xf32, #tpu.memory_space<vmem>>
    %dma_start3A_206 = tpu.memref_squeeze %dma_start3A_205 : memref<1x8x1024xf32, #tpu.memory_space<vmem>> -> memref<8x1024xf32, #tpu.memory_space<vmem>>
    tpu.enqueue_dma source(%dma_start3A_206 : memref<8x1024xf32, #tpu.memory_space<vmem>>) target(%dma_start3A_202 : memref<8x1024xf32, #tpu.memory_space<hbm>>) target_semaphore(%arg8 : memref<!tpu.dma_semaphore, #tpu.memory_space<semaphore_mem>>)
    %dma_start3A_207 = arith.constant 3 : i32
    %dma_start3A_208 = arith.constant 3 : i32
    %dma_start3A_209 = arith.constant 0 : i32
    %dma_start3A_210 = arith.constant 0 : i32
    %dma_start3A_211 = tpu.memref_slice %arg6[%dma_start3A_207, %dma_start3A_209, %dma_start3A_210] : memref<4x8x1024xf32, #tpu.memory_space<vmem>> -> memref<1x8x1024xf32, #tpu.memory_space<vmem>>
    %dma_start3A_212 = tpu.memref_squeeze %dma_start3A_211 : memref<1x8x1024xf32, #tpu.memory_space<vmem>> -> memref<8x1024xf32, #tpu.memory_space<vmem>>
    %dma_start3A_213 = arith.constant 0 : i32
    %dma_start3A_214 = tpu.memref_slice %arg4[%dma_start3A_208, %mul3A_2, %dma_start3A_213] : memref<4x256x1024xf32, #tpu.memory_space<hbm>> -> memref<1x8x1024xf32, #tpu.memory_space<hbm>>
    %dma_start3A_215 = tpu.memref_squeeze %dma_start3A_214 : memref<1x8x1024xf32, #tpu.memory_space<hbm>> -> memref<8x1024xf32, #tpu.memory_space<hbm>>
    %dma_start3A_216 = arith.constant 0 : i32
    %dma_start3A_217 = tpu.memref_slice %arg4[%dma_start3A_208, %mul3A_2, %dma_start3A_216] : memref<4x256x1024xf32, #tpu.memory_space<hbm>> -> memref<1x8x1024xf32, #tpu.memory_space<hbm>>
    %dma_start3A_218 = tpu.memref_squeeze %dma_start3A_217 : memref<1x8x1024xf32, #tpu.memory_space<hbm>> -> memref<8x1024xf32, #tpu.memory_space<hbm>>
    %dma_start3A_219 = arith.constant 0 : i32
    %dma_start3A_220 = arith.constant 0 : i32
    %dma_start3A_221 = tpu.memref_slice %arg6[%dma_start3A_207, %dma_start3A_219, %dma_start3A_220] : memref<4x8x1024xf32, #tpu.memory_space<vmem>> -> memref<1x8x1024xf32, #tpu.memory_space<vmem>>
    %dma_start3A_222 = tpu.memref_squeeze %dma_start3A_221 : memref<1x8x1024xf32, #tpu.memory_space<vmem>> -> memref<8x1024xf32, #tpu.memory_space<vmem>>
    tpu.enqueue_dma source(%dma_start3A_222 : memref<8x1024xf32, #tpu.memory_space<vmem>>) target(%dma_start3A_218 : memref<8x1024xf32, #tpu.memory_space<hbm>>) target_semaphore(%arg8 : memref<!tpu.dma_semaphore, #tpu.memory_space<semaphore_mem>>)
    %dma_wait3A_223 = arith.constant 0 : i32
    %dma_wait3A_224 = arith.constant 0 : i32
    %dma_wait3A_225 = arith.constant 0 : i32
    %dma_wait3A_226 = arith.constant 0 : i32
    %dma_wait3A_227 = tpu.memref_slice %arg6[%dma_wait3A_223, %dma_wait3A_225, %dma_wait3A_226] : memref<4x8x1024xf32, #tpu.memory_space<vmem>> -> memref<1x8x1024xf32, #tpu.memory_space<vmem>>
    %dma_wait3A_228 = tpu.memref_squeeze %dma_wait3A_227 : memref<1x8x1024xf32, #tpu.memory_space<vmem>> -> memref<8x1024xf32, #tpu.memory_space<vmem>>
    %dma_wait3A_229 = arith.constant 0 : i32
    %dma_wait3A_230 = arith.constant 0 : i32
    %dma_wait3A_231 = tpu.memref_slice %arg4[%dma_wait3A_224, %dma_wait3A_229, %dma_wait3A_230] : memref<4x256x1024xf32, #tpu.memory_space<hbm>> -> memref<1x8x1024xf32, #tpu.memory_space<hbm>>
    %dma_wait3A_232 = tpu.memref_squeeze %dma_wait3A_231 : memref<1x8x1024xf32, #tpu.memory_space<hbm>> -> memref<8x1024xf32, #tpu.memory_space<hbm>>
    %dma_wait3A_233 = arith.constant 0 : i32
    %dma_wait3A_234 = arith.constant 0 : i32
    %dma_wait3A_235 = tpu.memref_slice %arg4[%dma_wait3A_224, %dma_wait3A_233, %dma_wait3A_234] : memref<4x256x1024xf32, #tpu.memory_space<hbm>> -> memref<1x8x1024xf32, #tpu.memory_space<hbm>>
    %dma_wait3A_236 = tpu.memref_squeeze %dma_wait3A_235 : memref<1x8x1024xf32, #tpu.memory_space<hbm>> -> memref<8x1024xf32, #tpu.memory_space<hbm>>
    %dma_wait3A_237 = arith.constant 0 : i32
    %dma_wait3A_238 = arith.constant 0 : i32
    %dma_wait3A_239 = tpu.memref_slice %arg6[%dma_wait3A_223, %dma_wait3A_237, %dma_wait3A_238] : memref<4x8x1024xf32, #tpu.memory_space<vmem>> -> memref<1x8x1024xf32, #tpu.memory_space<vmem>>
    %dma_wait3A_240 = tpu.memref_squeeze %dma_wait3A_239 : memref<1x8x1024xf32, #tpu.memory_space<vmem>> -> memref<8x1024xf32, #tpu.memory_space<vmem>>
    tpu.wait_dma2 semaphore(%arg8 : memref<!tpu.dma_semaphore, #tpu.memory_space<semaphore_mem>>) src(%dma_wait3A_240 : memref<8x1024xf32, #tpu.memory_space<vmem>>) dst(%dma_wait3A_236 : memref<8x1024xf32, #tpu.memory_space<hbm>>)
    %dma_wait3A_241 = arith.constant 0 : i32
    %dma_wait3A_242 = arith.constant 0 : i32
    %dma_wait3A_243 = arith.constant 0 : i32
    %dma_wait3A_244 = arith.constant 0 : i32
    %dma_wait3A_245 = tpu.memref_slice %arg6[%dma_wait3A_241, %dma_wait3A_243, %dma_wait3A_244] : memref<4x8x1024xf32, #tpu.memory_space<vmem>> -> memref<1x8x1024xf32, #tpu.memory_space<vmem>>
    %dma_wait3A_246 = tpu.memref_squeeze %dma_wait3A_245 : memref<1x8x1024xf32, #tpu.memory_space<vmem>> -> memref<8x1024xf32, #tpu.memory_space<vmem>>
    %dma_wait3A_247 = arith.constant 0 : i32
    %dma_wait3A_248 = arith.constant 0 : i32
    %dma_wait3A_249 = tpu.memref_slice %arg4[%dma_wait3A_242, %dma_wait3A_247, %dma_wait3A_248] : memref<4x256x1024xf32, #tpu.memory_space<hbm>> -> memref<1x8x1024xf32, #tpu.memory_space<hbm>>
    %dma_wait3A_250 = tpu.memref_squeeze %dma_wait3A_249 : memref<1x8x1024xf32, #tpu.memory_space<hbm>> -> memref<8x1024xf32, #tpu.memory_space<hbm>>
    %dma_wait3A_251 = arith.constant 0 : i32
    %dma_wait3A_252 = arith.constant 0 : i32
    %dma_wait3A_253 = tpu.memref_slice %arg4[%dma_wait3A_242, %dma_wait3A_251, %dma_wait3A_252] : memref<4x256x1024xf32, #tpu.memory_space<hbm>> -> memref<1x8x1024xf32, #tpu.memory_space<hbm>>
    %dma_wait3A_254 = tpu.memref_squeeze %dma_wait3A_253 : memref<1x8x1024xf32, #tpu.memory_space<hbm>> -> memref<8x1024xf32, #tpu.memory_space<hbm>>
    %dma_wait3A_255 = arith.constant 0 : i32
    %dma_wait3A_256 = arith.constant 0 : i32
    %dma_wait3A_257 = tpu.memref_slice %arg6[%dma_wait3A_241, %dma_wait3A_255, %dma_wait3A_256] : memref<4x8x1024xf32, #tpu.memory_space<vmem>> -> memref<1x8x1024xf32, #tpu.memory_space<vmem>>
    %dma_wait3A_258 = tpu.memref_squeeze %dma_wait3A_257 : memref<1x8x1024xf32, #tpu.memory_space<vmem>> -> memref<8x1024xf32, #tpu.memory_space<vmem>>
    tpu.wait_dma2 semaphore(%arg8 : memref<!tpu.dma_semaphore, #tpu.memory_space<semaphore_mem>>) src(%dma_wait3A_258 : memref<8x1024xf32, #tpu.memory_space<vmem>>) dst(%dma_wait3A_254 : memref<8x1024xf32, #tpu.memory_space<hbm>>)
    %dma_wait3A_259 = arith.constant 0 : i32
    %dma_wait3A_260 = arith.constant 0 : i32
    %dma_wait3A_261 = arith.constant 0 : i32
    %dma_wait3A_262 = arith.constant 0 : i32
    %dma_wait3A_263 = tpu.memref_slice %arg6[%dma_wait3A_259, %dma_wait3A_261, %dma_wait3A_262] : memref<4x8x1024xf32, #tpu.memory_space<vmem>> -> memref<1x8x1024xf32, #tpu.memory_space<vmem>>
    %dma_wait3A_264 = tpu.memref_squeeze %dma_wait3A_263 : memref<1x8x1024xf32, #tpu.memory_space<vmem>> -> memref<8x1024xf32, #tpu.memory_space<vmem>>
    %dma_wait3A_265 = arith.constant 0 : i32
    %dma_wait3A_266 = arith.constant 0 : i32
    %dma_wait3A_267 = tpu.memref_slice %arg4[%dma_wait3A_260, %dma_wait3A_265, %dma_wait3A_266] : memref<4x256x1024xf32, #tpu.memory_space<hbm>> -> memref<1x8x1024xf32, #tpu.memory_space<hbm>>
    %dma_wait3A_268 = tpu.memref_squeeze %dma_wait3A_267 : memref<1x8x1024xf32, #tpu.memory_space<hbm>> -> memref<8x1024xf32, #tpu.memory_space<hbm>>
    %dma_wait3A_269 = arith.constant 0 : i32
    %dma_wait3A_270 = arith.constant 0 : i32
    %dma_wait3A_271 = tpu.memref_slice %arg4[%dma_wait3A_260, %dma_wait3A_269, %dma_wait3A_270] : memref<4x256x1024xf32, #tpu.memory_space<hbm>> -> memref<1x8x1024xf32, #tpu.memory_space<hbm>>
    %dma_wait3A_272 = tpu.memref_squeeze %dma_wait3A_271 : memref<1x8x1024xf32, #tpu.memory_space<hbm>> -> memref<8x1024xf32, #tpu.memory_space<hbm>>
    %dma_wait3A_273 = arith.constant 0 : i32
    %dma_wait3A_274 = arith.constant 0 : i32
    %dma_wait3A_275 = tpu.memref_slice %arg6[%dma_wait3A_259, %dma_wait3A_273, %dma_wait3A_274] : memref<4x8x1024xf32, #tpu.memory_space<vmem>> -> memref<1x8x1024xf32, #tpu.memory_space<vmem>>
    %dma_wait3A_276 = tpu.memref_squeeze %dma_wait3A_275 : memref<1x8x1024xf32, #tpu.memory_space<vmem>> -> memref<8x1024xf32, #tpu.memory_space<vmem>>
    tpu.wait_dma2 semaphore(%arg8 : memref<!tpu.dma_semaphore, #tpu.memory_space<semaphore_mem>>) src(%dma_wait3A_276 : memref<8x1024xf32, #tpu.memory_space<vmem>>) dst(%dma_wait3A_272 : memref<8x1024xf32, #tpu.memory_space<hbm>>)
    %dma_wait3A_277 = arith.constant 0 : i32
    %dma_wait3A_278 = arith.constant 0 : i32
    %dma_wait3A_279 = arith.constant 0 : i32
    %dma_wait3A_280 = arith.constant 0 : i32
    %dma_wait3A_281 = tpu.memref_slice %arg6[%dma_wait3A_277, %dma_wait3A_279, %dma_wait3A_280] : memref<4x8x1024xf32, #tpu.memory_space<vmem>> -> memref<1x8x1024xf32, #tpu.memory_space<vmem>>
    %dma_wait3A_282 = tpu.memref_squeeze %dma_wait3A_281 : memref<1x8x1024xf32, #tpu.memory_space<vmem>> -> memref<8x1024xf32, #tpu.memory_space<vmem>>
    %dma_wait3A_283 = arith.constant 0 : i32
    %dma_wait3A_284 = arith.constant 0 : i32
    %dma_wait3A_285 = tpu.memref_slice %arg4[%dma_wait3A_278, %dma_wait3A_283, %dma_wait3A_284] : memref<4x256x1024xf32, #tpu.memory_space<hbm>> -> memref<1x8x1024xf32, #tpu.memory_space<hbm>>
    %dma_wait3A_286 = tpu.memref_squeeze %dma_wait3A_285 : memref<1x8x1024xf32, #tpu.memory_space<hbm>> -> memref<8x1024xf32, #tpu.memory_space<hbm>>
    %dma_wait3A_287 = arith.constant 0 : i32
    %dma_wait3A_288 = arith.constant 0 : i32
    %dma_wait3A_289 = tpu.memref_slice %arg4[%dma_wait3A_278, %dma_wait3A_287, %dma_wait3A_288] : memref<4x256x1024xf32, #tpu.memory_space<hbm>> -> memref<1x8x1024xf32, #tpu.memory_space<hbm>>
    %dma_wait3A_290 = tpu.memref_squeeze %dma_wait3A_289 : memref<1x8x1024xf32, #tpu.memory_space<hbm>> -> memref<8x1024xf32, #tpu.memory_space<hbm>>
    %dma_wait3A_291 = arith.constant 0 : i32
    %dma_wait3A_292 = arith.constant 0 : i32
    %dma_wait3A_293 = tpu.memref_slice %arg6[%dma_wait3A_277, %dma_wait3A_291, %dma_wait3A_292] : memref<4x8x1024xf32, #tpu.memory_space<vmem>> -> memref<1x8x1024xf32, #tpu.memory_space<vmem>>
    %dma_wait3A_294 = tpu.memref_squeeze %dma_wait3A_293 : memref<1x8x1024xf32, #tpu.memory_space<vmem>> -> memref<8x1024xf32, #tpu.memory_space<vmem>>
    tpu.wait_dma2 semaphore(%arg8 : memref<!tpu.dma_semaphore, #tpu.memory_space<semaphore_mem>>) src(%dma_wait3A_294 : memref<8x1024xf32, #tpu.memory_space<vmem>>) dst(%dma_wait3A_290 : memref<8x1024xf32, #tpu.memory_space<hbm>>)
    return
  }
}

module attributes {stable_mosaic.version = 14 : i64} {
  func.func @_tc_add(%arg0: i32, %arg1: i32, %arg2: memref<1x256x1024xf32, #tpu.memory_space<vmem>>, %arg3: memref<256x1024xf32, #tpu.memory_space<vmem>>, %arg4: memref<1x256x1024xf32, #tpu.memory_space<vmem>>) attributes {dimension_semantics = [#tpu.dimension_semantics<arbitrary>, #tpu.dimension_semantics<arbitrary>], iteration_bounds = array<i64: 7, 4>, scalar_prefetch = 0 : i64, scratch_operands = 0 : i64, tpu.core_type = #tpu.core_type<tc>, window_params = [{transform_indices = @transform_0, window_bounds = array<i64: 1, 256, 1024>}, {transform_indices = @transform_1, window_bounds = array<i64: 256, 1024>}, {transform_indices = @transform_2, window_bounds = array<i64: 1, 256, 1024>}]} {
    %get3A = arith.constant 0 : index
    %get3A_0 = arith.constant 0 : index
    %get3A_1 = arith.constant 0 : index
    %get3A_2 = vector.load %arg2[%get3A, %get3A_0, %get3A_1] : memref<1x256x1024xf32, #tpu.memory_space<vmem>>, vector<1x256x1024xf32>
    %get3A_3 = arith.constant 0 : index
    %get3A_4 = arith.constant 0 : index
    %get3A_5 = vector.load %arg3[%get3A_3, %get3A_4] : memref<256x1024xf32, #tpu.memory_space<vmem>>, vector<256x1024xf32>
    %broadcast_in_dim3A = vector.shape_cast %get3A_5 : vector<256x1024xf32> to vector<1x256x1024xf32>
    %add3A = arith.addf %get3A_2, %broadcast_in_dim3A : vector<1x256x1024xf32>
    %swap3A = arith.constant 0 : index
    %swap3A_6 = arith.constant 0 : index
    %swap3A_7 = arith.constant 0 : index
    %swap3A_8 = vector.load %arg4[%swap3A, %swap3A_6, %swap3A_7] : memref<1x256x1024xf32, #tpu.memory_space<vmem>>, vector<1x256x1024xf32>
    tpu.vector_store %arg4[%swap3A, %swap3A_6, %swap3A_7], %add3A {strides = array<i32>} : memref<1x256x1024xf32, #tpu.memory_space<vmem>>, vector<1x256x1024xf32>,
    return
  }
  func.func @transform_0(%arg0: i32, %arg1: i32) -> (i32, i32, i32) {
    %c0_i32 = arith.constant 0 : i32
    %c0_i32_0 = arith.constant 0 : i32
    return %arg1, %arg0, %c0_i32 : i32, i32, i32
  }
  func.func @transform_1(%arg0: i32, %arg1: i32) -> (i32, i32) {
    %c0_i32 = arith.constant 0 : i32
    %c0_i32_0 = arith.constant 0 : i32
    return %arg0, %c0_i32 : i32, i32
  }
  func.func @transform_2(%arg0: i32, %arg1: i32) -> (i32, i32, i32) {
    %c0_i32 = arith.constant 0 : i32
    %c0_i32_0 = arith.constant 0 : i32
    return %arg1, %arg0, %c0_i32 : i32, i32, i32
  }
}

</mosaic_0001>

<sc_bundles>
// kernel: kernel.4.cloned.1.call-start
scs
__scs_entry_jumppad:
0x0: {  	(pc) =	sbr.rel $0x88, $3  }
0x1: {  	(tag) =	ssettag $0x0;
	lr =	simm.s32 $0x1  }
0x2: {  	[smem:$0x3F9F] =	sst lr;
	_ =	strace $0xD0000000  }
0x3: {  	_ = 	snop  }
0x4: {  	_ = 	snop  }
0x5: {  	_ = 	snop  }
0x6: {  	_ = 	snop  }
0x7: {  	_ = 	snop  }
__scs_overlays_trampoline_lowered:
0x8: {  	[smem:$0x3FAE] =	sst s0  }
0x9: {  	[smem:$0x3FAF] =	sst s1  }
0xa: {  	[smem:$0x3FB0] =	sst s2  }
0xb: {  	[smem:$0x3FB1] =	sst s3  }
0xc: {  	[smem:$0x3FB2] =	sst s4  }
0xd: {  	[smem:$0x3FB3] =	sst s5  }
0xe: {  	[smem:$0x3FB4] =	sst s6  }
0xf: {  	[smem:$0x3FB5] =	sst s7  }
0x10: {  	[smem:$0x3FB6] =	sst s8  }
0x11: {  	[smem:$0x3FB7] =	sst s9;
	s0 =	simm.s32 @!p0 $0x0  }
0x12: {  	s1 =	sld [smem:$0x3F9D];
	s0 =	simm.s32 @p0 $0x1  }
0x13: {  	[smem:$0x3FB8] =	sst s0;
	s0 =	simm.s32 @!p1 $0x0  }
0x14: {  	s2 =	sld [smem:$0x3F9C];
	s0 =	simm.s32 @p1 $0x1  }
0x15: {  	[smem:$0x3FB9] =	sst s0;
	s0 =	simm.s32 @!p2 $0x0  }
0x16: {  	s3 =	sld [smem:$0x3FDB];
	s0 =	simm.s32 @p2 $0x1  }
0x17: {  	s4 =	simm.s32 $0x1BF5;
	[smem:$0x3FBB] =	sst s0  }
0x18: {  	s0 =	sld [smem:$0x3F9E];
	_ =	swait.ge [sflag:s4], $0x0  }
0x19: {  	s7 =	sld [smem:$0x3F9F]  }
0x1a: {  	s8 =	sadd.s32 $0xFFFFE003, lr  }
0x1b: {  	s9 =	sadd.s32 $0xFFFFFEF7, lr;
	s5 =	simm.s32 $0xFFFFFFFF;
	p2 =	slt.u32 s8, $0xFFFFF086  }
0x1c: {  	p1 =	slt.u32 s9, $0xF7A;
	s5 =	simm.s32 @!p2 $0x0  }
0x1d: {  	s5 =	simm.s32 @p1 $0x1;
	p0 =	seq.s32 s7, s2  }
0x1e: {  	s7 =	smul.u32 @!p0 $0xF7A, s2;
	p2 =	seq.s32 @!p0 s5, $0x0  }
0x1f: {  	s9 =	smul.u32 $0xF7A, s1;
	s8 =	simm.s32 @!p0 $0x1BF5;
	p2 =	por !p2, p0  }
0x20: {  	[sflag:s8] =	ssyncset.s32 @!p0 $0xFFFFF086;
	s6 =	sadd.s32 @!p0 s3, s7;
	s7 =	simm.s32 @!p0 $0x108  }
0x21: {  	s3 =	sadd.s32 s3, s9;
	s6 =	sadd.s32 @!p0 $0x88, s6;
	s7 =	simm.s32 @p2 $0x1082  }
0x22: {  	[simem:s7], [sflag:s8] =	dma.local @!p0 [hbm:s6], $0xF7A  }
0x23: {  	s9 =	sor.u32 $0xD0000000, s2;
	s6 =	simm.s32 $0x108;
	_ =	swait.ge @!p0 [sflag:s8], $0x0  }
0x24: {  	s3 =	sadd.s32 $0x88, s3;
	s6 =	simm.s32 @!p1 $0x1082;
	[sflag:s4] =	ssyncset.s32 $0xFFFFF086  }
0x25: {  	[simem:s6], [sflag:s4] =	dma.local [hbm:s3], $0xF7A  }
0x26: {  	[smem:$0x3F9F] =	sst s1;
	(tag) =	ssettag s2;
	_ =	strace s9  }
0x27: {  	s1 =	sld [smem:$0x3FAF]  }
0x28: {  	s2 =	sld [smem:$0x3FB0]  }
0x29: {  	s4 =	sld [smem:$0x3FB2]  }
0x2a: {  	p0 =	seq.s32 s5, $0x0;
	s5 =	sld [smem:$0x3FB3]  }
0x2b: {  	s6 =	sld [smem:$0x3FB4]  }
0x2c: {  	s7 =	sld [smem:$0x3FB5]  }
0x2d: {  	s3 =	simm.s32 $0x108;
	s8 =	sld [smem:$0x3FB6]  }
0x2e: {  	s3 =	simm.s32 @!p0 $0x1082;
	s9 =	sld [smem:$0x3FB7]  }
0x2f: {  	lr =	sadd.s32 s0, s3;
	s0 =	sld [smem:$0x3FAE]  }
0x30: {  	s3 =	sld [smem:$0x3FB1]  }
0x31: {  	[smem:$0x3FBA] =	sst s10  }
0x32: {  	s10 =	sld [smem:$0x3FB8];
	_ =	sdelay $0x3  }
0x33: {  	p0 =	seq.s32 s10, $0x1;
	s10 =	sld [smem:$0x3FBA];
	_ =	sdelay $0x3  }
0x34: {  	[smem:$0x3FBA] =	sst s10  }
0x35: {  	s10 =	sld [smem:$0x3FB9];
	_ =	sdelay $0x3  }
0x36: {  	p1 =	seq.s32 s10, $0x1;
	s10 =	sld [smem:$0x3FBA];
	_ =	sdelay $0x3  }
0x37: {  	[smem:$0x3FBA] =	sst s10  }
0x38: {  	s10 =	sld [smem:$0x3FBB]  }
0x39: {  	_ = 	snop;
	(pc) =	sbr.ind lr, $3  }
0x3a: {  	_ = 	snop  }
0x3b: {  	_ = 	snop  }
0x3c: {  	p2 =	seq.s32 s10, $0x1;
	s10 =	sld [smem:$0x3FBA]  }
0x3d: {  	_ =	shalt  }
0x3e: {  	_ =	shalt  }
0x3f: {  	_ =	shalt  }
0x40: {  	_ =	shalt  }
0x41: {  	_ =	shalt  }
0x42: {  	_ =	shalt  }
0x43: {  	_ =	shalt  }
0x44: {  	_ =	shalt  }
0x45: {  	_ =	shalt  }
0x46: {  	_ =	shalt  }
0x47: {  	_ =	shalt  }
0x48: {  	_ =	shalt  }
0x49: {  	_ =	shalt  }
0x4a: {  	_ =	shalt  }
0x4b: {  	_ =	shalt  }
0x4c: {  	_ =	shalt  }
0x4d: {  	_ =	shalt  }
0x4e: {  	_ =	shalt  }
0x4f: {  	_ =	shalt  }
0x50: {  	_ =	shalt  }
0x51: {  	_ =	shalt  }
0x52: {  	_ =	shalt  }
0x53: {  	_ =	shalt  }
0x54: {  	_ =	shalt  }
0x55: {  	_ =	shalt  }
0x56: {  	_ =	shalt  }
0x57: {  	_ =	shalt  }
0x58: {  	_ =	shalt  }
0x59: {  	_ =	shalt  }
0x5a: {  	_ =	shalt  }
0x5b: {  	_ =	shalt  }
0x5c: {  	_ =	shalt  }
0x5d: {  	_ =	shalt  }
0x5e: {  	_ =	shalt  }
0x5f: {  	_ =	shalt  }
0x60: {  	_ =	shalt  }
0x61: {  	_ =	shalt  }
0x62: {  	_ =	shalt  }
0x63: {  	_ =	shalt  }
0x64: {  	_ =	shalt  }
0x65: {  	_ =	shalt  }
0x66: {  	_ =	shalt  }
0x67: {  	_ =	shalt  }
0x68: {  	_ =	shalt  }
0x69: {  	_ =	shalt  }
0x6a: {  	_ =	shalt  }
0x6b: {  	_ =	shalt  }
0x6c: {  	_ =	shalt  }
0x6d: {  	_ =	shalt  }
0x6e: {  	_ =	shalt  }
0x6f: {  	_ =	shalt  }
0x70: {  	_ =	shalt  }
0x71: {  	_ =	shalt  }
0x72: {  	_ =	shalt  }
0x73: {  	_ =	shalt  }
0x74: {  	_ =	shalt  }
0x75: {  	_ =	shalt  }
0x76: {  	_ =	shalt  }
0x77: {  	_ =	shalt  }
0x78: {  	_ =	shalt  }
0x79: {  	_ =	shalt  }
0x7a: {  	_ =	shalt  }
0x7b: {  	_ =	shalt  }
0x7c: {  	_ =	shalt  }
0x7d: {  	_ =	shalt  }
0x7e: {  	_ =	shalt  }
0x7f: {  	_ =	shalt  }
0x80: {  	_ =	shalt  }
0x81: {  	_ =	shalt  }
0x82: {  	_ =	shalt  }
0x83: {  	_ =	shalt  }
0x84: {  	_ =	shalt  }
0x85: {  	_ =	shalt  }
0x86: {  	_ =	shalt  }
0x87: {  	_ =	shalt  }
.Lfunc_end0:
.L_simem_size_0:
called_computation_lowered:
.L_overlay_start_0:
0x88: {  	s2 =	sld [smem:$0x3FD9]  }
0x89: {  	s3 =	sld [smem:$0x3FFE];
	_ =	sdelay $0x1  }
0x8a: {  	s1 =	srdreg.scid  }
0x8b: {  	s0 =	sand.u32 $0x1, s1  }
0x8c: {  	s17 =	sshll.u32 s0, $0xA;
	s2 =	sadd.s32 s3, s2  }
0x8d: {  	s2 =	sadd.s32 s2, s17  }
0x8e: {  	[smem:$0x3FC6] =	sst s2  }
0x8f: {  	_ = 	snop  }
0x90: {  	s2 =	sld [smem:$0x3FC9]  }
0x91: {  	s18 =	sld [smem:$0x3FC8];
	(tm) =	ssettm $0x1  }
0x92: {  	s4 =	sld [smem:$0x3FFB];
	_ =	sdelay $0x3  }
0x93: {  	_ =	strace s4  }
0x94: {  	s4 =	sld [smem:$0x3FFC];
	_ =	sdelay $0x3  }
0x95: {  	_ =	strace s4  }
0x96: {  	s4 =	sld [smem:$0x3FFD];
	_ =	sdelay $0x3  }
0x97: {  	_ =	strace s4  }
0x98: {  	_ =	strace $0x8FFFFFFF  }
0x99: {  	s19 =	sld [smem:$0x3FDB];
	_ =	sdelay $0x1  }
0x9a: {  	s5 =	simm.s32 $_scs_section_size  }
0x9b: {  	s6 =	simm.s32 $_size__tile_overlayer_lowered;
	s7 =	simm.s32 $_tile_overlayer_lowered  }
0x9c: {  	s22 =	simm.s32 $0x1BFF;
	s21 =	sshll.u32 s7, $0x1;
	s4 =	sadd.s32 s5, s19  }
0x9d: {  	s8 =	simm.s32 $0x0;
	s20 =	sshll.u32 s6, $0x1;
	s6 =	sadd.s32 s21, s4  }
0x9e: {  	[timem:s8], [sflag:s22] =	dma.local [hbm:s6], s20  }
0x9f: {  	_ =	swait.ge [sflag:s22], s20  }
0xa0: {  	s5 =	ssub.s32 $0x0, s20;
	[sflag:s22] =	ssyncset.done $0x0  }
0xa1: {  	[sflag:s22] =	ssyncadd.s32 s5;
	_ =	sdelay $0x1  }
0xa2: {  	s23 =	simm.s32 $0x1B8B  }
0xa3: {  	_ =	swait.ge [sflag:s23], $0x1  }
0xa4: {  	[sflag:s23] =	ssyncset.done $0x0  }
0xa5: {  	s25 =	simm.s32 $0x1B8E;
	s24 =	sld [smem:$0x3FFE];
	[sflag:s23] =	ssyncadd.s32 $0xFFFFFFFF  }
0xa6: {  	s26 =	simm.s32 $execute0_lowered;
	[smem:$0x3FD2] =	sst s25  }
0xa7: {  	s6 =	sshll.u32 s26, $0x1;
	_ =	strace $0x80000046;
	[dreg:$0x1] =	wrdreg $0xFFFFFFFF  }
0xa8: {  	s28 =	simm.s32 $_size_execute0_lowered;
	s4 =	sadd.s32 s4, s6;
	[dreg:$0x0] =	wrdreg $0x0  }
0xa9: {  	s6 =	sshll.u32 s28, $0x1;
	[dreg:$0x2] =	wrdreg s4  }
0xaa: {  	[dreg:$0x3] =	wrdreg s6  }
0xab: {  	[dreg:$0x4] =	wrdreg $0xC0  }
0xac: {  	_ =	task [dreg:s8], $0x5FFFF  }
0xad: {  	[dreg:$0x1] =	wrdreg $0xFFFFFFFF  }
0xae: {  	[dreg:$0x0] =	wrdreg $0x60  }
0xaf: {  	[dreg:$0x2] =	wrdreg s2  }
0xb0: {  	[dreg:$0x3] =	wrdreg s18  }
0xb1: {  	[dreg:$0x4] =	wrdreg s24  }
0xb2: {  	[dreg:$0x5] =	wrdreg $0x9  }
0xb3: {  	_ =	task.clear_ibuf [dreg:s8], $0x6FFFF;
	_ =	strace $0x90000046  }
0xb4: {  	s29 =	simm.s32 $0x9;
	_ =	strace $0x80000048  }
0xb5: {  	_ =	swait.ge [sflag:s29], $0x1  }
0xb6: {  	[sflag:s29] =	ssyncadd.s32 $0xFFFFFFFF  }
0xb7: {  	_ =	strace $0x90000048  }
0xb8: {  	_ =	sfence  }
0xb9: {  	s30 =	sld [smem:$0x0];
	_ =	sdelay $0x2  }
0xba: {  	s31 =	sshll.u32 s1, $0xD;
	s1 =	sshrl.u32 s1, $0x2  }
0xbb: {  	s3 =	sand.u32 $0x4000, s31;
	s1 =	sadd.s32 s1, s30  }
0xbc: {  	s0 =	sor.u32 s3, s0;
	s1 =	sshll.u32 s1, $0x11  }
0xbd: {  	s0 =	sor.u32 s1, s0  }
0xbe: {  	s0 =	sadd.s32 $0x8F2B, s0  }
0xbf: {  	[sflag:s0] =	ssyncadd.remote.s32 $0x1  }
0xc0: {  	_ =	sfence.sel $0xFFFF  }
0xc1: {  	[dreg:$0x0] =	wrdreg $0xFFFFFFFF;
	(pc) =	sbr.abs _section_cstart, $3  }
0xc2: {  	[dreg:$0x1] =	wrdreg $0xFFFFFFFF  }
0xc3: {  	_ =	task.clear_ibuf [dreg:s8], $0x2FFFF;
	_ =	strace $0x9FFFFFFF  }
0xc4: {  	(tm) =	ssettm $0x7FFFFFFF  }
0xc5: {  	_ =	shalt  }
tec
execute0_lowered:
.L_overlay_start_1:
0x0: {  	(tag) =	ssettag $0x1  }
0x1: {  	s5 =	rddreg [dreg:$0x0]  }
0x2: {  	s3 =	rddreg [dreg:$0x1]  }
0x3: {  	s4 =	rddreg [dreg:$0x2]  }
0x4: {  	s0 =	rddreg [dreg:$0x3];
	s2 =	simm.s32 $0x0;
	s6 =	srdreg.scid  }
0x5: {  	s1 =	stileid.u32;
	s13 =	simm.s32 $0x2000;
	s14 =	simm.s32 $0x4000  }
0x6: {  	s15 =	simm.s32 $0x6000;
	s16 =	simm.s32 $0x8000;
	s17 =	simm.s32 $0x1  }
0x7: {  	s18 =	simm.s32 $0x2;
	s19 =	simm.s32 $0x0;
	s6 =	sand.u32 $0x1, s6  }
0x8: {  	[smem:$0x7FF] =	sst s2;
	s7 =	sshll.u32 s1, $0xB;
	s8 =	sshll.u32 s6, $0xA  }
0x9: {  	s6 =	ssub.s32 $0x2, s6;
	_ =	strace $0x80000047;
	s7 =	sor.u32 s8, s7  }
0xa: {  	s30 =	sshrl.u32 s6, $0x1;
	s11 =	sadd.s32 s7, s4;
	s31 =	sor.u32 $0x38000, s7  }
0xb: {  	s12 =	ssub.s32 s6, s30;
	s7 =	sadd.s32 s7, s5;
	s3 =	sadd.s32 s3, s31  }
0xc: {  	s4 =	sadd.s32 s5, s31;
	s5 =	sadd.s32 $0x78000, s7;
	s6 =	sadd.s32 $0xB8000, s7  }
0xd: {  	s7 =	sadd.s32 $0xF8000, s7;
	s8 =	sadd.s32 $0x600, s11;
	s9 =	sadd.s32 $0x8600, s11  }
0xe: {  	s10 =	sadd.s32 $0x10600, s11;
	s11 =	sadd.s32 $0x18600, s11;
	s12 =	smax.u32 s12, $0x1  }
.LBB2_1:
0xf: {  	[tilespmem:s2], [sflag:$0x1] =	stream.linear.gather [hbm4b:s3+s2], $0x2000, $0x38;
	[tilespmem:$0xA000] =	vst v63  }
0x10: {  	_ = 	snop  }
0x11: {  	[tilespmem:s13], [sflag:$0x1] =	stream.linear.gather [hbm4b:s4+s2], $0x2000, $0x38;
	[tilespmem:$0xA000] =	vst v63  }
0x12: {  	_ = 	snop  }
0x13: {  	[tilespmem:s14], [sflag:$0x1] =	stream.linear.gather [hbm4b:s5+s2], $0x2000, $0x38;
	[tilespmem:$0xA000] =	vst v63  }
0x14: {  	_ = 	snop  }
0x15: {  	[tilespmem:s15], [sflag:$0x1] =	stream.linear.gather [hbm4b:s6+s2], $0x2000, $0x38;
	[tilespmem:$0xA000] =	vst v63  }
0x16: {  	_ = 	snop  }
0x17: {  	[tilespmem:s16], [sflag:$0x1] =	stream.linear.gather [hbm4b:s7+s2], $0x2000, $0x38;
	[tilespmem:$0xA000] =	vst v63  }
0x18: {  	_ =	swait.ge [sflag:s17], $0x2000  }
0x19: {  	[sflag:s17] =	ssyncset.done $0x0  }
0x1a: {  	[sflag:s17] =	ssyncadd.s32 $0xFFFFE000  }
0x1b: {  	_ =	swait.ge [sflag:s17], $0x2000  }
0x1c: {  	[sflag:s17] =	ssyncset.done $0x0  }
0x1d: {  	[sflag:s17] =	ssyncadd.s32 $0xFFFFE000  }
0x1e: {  	_ =	swait.ge [sflag:s17], $0x2000  }
0x1f: {  	[sflag:s17] =	ssyncset.done $0x0  }
0x20: {  	[sflag:s17] =	ssyncadd.s32 $0xFFFFE000  }
0x21: {  	_ =	swait.ge [sflag:s17], $0x2000  }
0x22: {  	[sflag:s17] =	ssyncset.done $0x0  }
0x23: {  	[sflag:s17] =	ssyncadd.s32 $0xFFFFE000  }
0x24: {  	_ =	swait.ge [sflag:s17], $0x2000  }
0x25: {  	[sflag:s17] =	ssyncset.done $0x0  }
0x26: {  	s20 =	simm.s32 $0x0;
	[sflag:s17] =	ssyncadd.s32 $0xFFFFE000  }
.LBB2_2:
0x27: {  	s21 =	sshll.u32 s20, $0x7  }
0x28: {  	v0 =	vld [tilespmem:s21+$0x0]  }
0x29: {  	v1 =	vld [tilespmem:s21+$0x10]  }
0x2a: {  	v2 =	vld [tilespmem:s21+$0x20]  }
0x2b: {  	v3 =	vld [tilespmem:s21+$0x30]  }
0x2c: {  	v54 =	vld [tilespmem:s21+$0x40]  }
0x2d: {  	v55 =	vld [tilespmem:s21+$0x50]  }
0x2e: {  	v56 =	vld [tilespmem:s21+$0x60]  }
0x2f: {  	v4 =	vld [tilespmem:s21+$0x70]  }
0x30: {  	[tilespmem:s21+$0x2000] =	vst.add.f32.msk $0xffff, v0  }
0x31: {  	[tilespmem:s21+$0x2010] =	vst.add.f32.msk $0xffff, v1  }
0x32: {  	[tilespmem:s21+$0x2020] =	vst.add.f32.msk $0xffff, v2  }
0x33: {  	[tilespmem:s21+$0x2030] =	vst.add.f32.msk $0xffff, v3  }
0x34: {  	[tilespmem:s21+$0x4000] =	vst.add.f32.msk $0xffff, v0  }
0x35: {  	[tilespmem:s21+$0x4010] =	vst.add.f32.msk $0xffff, v1  }
0x36: {  	[tilespmem:s21+$0x4020] =	vst.add.f32.msk $0xffff, v2  }
0x37: {  	[tilespmem:s21+$0x4030] =	vst.add.f32.msk $0xffff, v3  }
0x38: {  	[tilespmem:s21+$0x6000] =	vst.add.f32.msk $0xffff, v0  }
0x39: {  	[tilespmem:s21+$0x6010] =	vst.add.f32.msk $0xffff, v1  }
0x3a: {  	[tilespmem:s21+$0x6020] =	vst.add.f32.msk $0xffff, v2  }
0x3b: {  	[tilespmem:s21+$0x6030] =	vst.add.f32.msk $0xffff, v3  }
0x3c: {  	[tilespmem:s21+$0x8000] =	vst.add.f32.msk $0xffff, v0  }
0x3d: {  	[tilespmem:s21+$0x8010] =	vst.add.f32.msk $0xffff, v1  }
0x3e: {  	[tilespmem:s21+$0x8020] =	vst.add.f32.msk $0xffff, v2  }
0x3f: {  	[tilespmem:s21+$0x8030] =	vst.add.f32.msk $0xffff, v3  }
0x40: {  	[tilespmem:s21+$0x2040] =	vst.add.f32.msk $0xffff, v54  }
0x41: {  	[tilespmem:s21+$0x2050] =	vst.add.f32.msk $0xffff, v55  }
0x42: {  	[tilespmem:s21+$0x2060] =	vst.add.f32.msk $0xffff, v56  }
0x43: {  	[tilespmem:s21+$0x2070] =	vst.add.f32.msk $0xffff, v4  }
0x44: {  	[tilespmem:s21+$0x4040] =	vst.add.f32.msk $0xffff, v54  }
0x45: {  	[tilespmem:s21+$0x4050] =	vst.add.f32.msk $0xffff, v55  }
0x46: {  	[tilespmem:s21+$0x4060] =	vst.add.f32.msk $0xffff, v56  }
0x47: {  	[tilespmem:s21+$0x4070] =	vst.add.f32.msk $0xffff, v4  }
0x48: {  	[tilespmem:s21+$0x6040] =	vst.add.f32.msk $0xffff, v54  }
0x49: {  	[tilespmem:s21+$0x6050] =	vst.add.f32.msk $0xffff, v55  }
0x4a: {  	[tilespmem:s21+$0x6060] =	vst.add.f32.msk $0xffff, v56  }
0x4b: {  	[tilespmem:s21+$0x6070] =	vst.add.f32.msk $0xffff, v4  }
0x4c: {  	[tilespmem:s21+$0x8040] =	vst.add.f32.msk $0xffff, v54  }
0x4d: {  	[tilespmem:s21+$0x8050] =	vst.add.f32.msk $0xffff, v55  }
0x4e: {  	[tilespmem:s21+$0x8060] =	vst.add.f32.msk $0xffff, v56  }
0x4f: {  	s22 =	sor.u32 $0x400, s21;
	[tilespmem:s21+$0x8070] =	vst.add.f32.msk $0xffff, v4  }
0x50: {  	s23 =	sor.u32 $0x410, s21;
	v0 =	vld [tilespmem:s22+$0x0]  }
0x51: {  	s24 =	sor.u32 $0x420, s21;
	v1 =	vld [tilespmem:s23+$0x0]  }
0x52: {  	s25 =	sor.u32 $0x430, s21;
	v2 =	vld [tilespmem:s24+$0x0]  }
0x53: {  	v3 =	vld [tilespmem:s25+$0x0];
	_ =	sdelay $0x1  }
0x54: {  	[tilespmem:s21+$0x2400] =	vst.add.f32.msk $0xffff, v0  }
0x55: {  	[tilespmem:s21+$0x2410] =	vst.add.f32.msk $0xffff, v1  }
0x56: {  	[tilespmem:s21+$0x2420] =	vst.add.f32.msk $0xffff, v2  }
0x57: {  	[tilespmem:s21+$0x2430] =	vst.add.f32.msk $0xffff, v3  }
0x58: {  	[tilespmem:s21+$0x4400] =	vst.add.f32.msk $0xffff, v0  }
0x59: {  	[tilespmem:s21+$0x4410] =	vst.add.f32.msk $0xffff, v1  }
0x5a: {  	[tilespmem:s21+$0x4420] =	vst.add.f32.msk $0xffff, v2  }
0x5b: {  	[tilespmem:s21+$0x4430] =	vst.add.f32.msk $0xffff, v3  }
0x5c: {  	[tilespmem:s21+$0x6400] =	vst.add.f32.msk $0xffff, v0  }
0x5d: {  	[tilespmem:s21+$0x6410] =	vst.add.f32.msk $0xffff, v1  }
0x5e: {  	[tilespmem:s21+$0x6420] =	vst.add.f32.msk $0xffff, v2  }
0x5f: {  	[tilespmem:s21+$0x6430] =	vst.add.f32.msk $0xffff, v3  }
0x60: {  	[tilespmem:s21+$0x8400] =	vst.add.f32.msk $0xffff, v0  }
0x61: {  	[tilespmem:s21+$0x8410] =	vst.add.f32.msk $0xffff, v1  }
0x62: {  	[tilespmem:s21+$0x8420] =	vst.add.f32.msk $0xffff, v2  }
0x63: {  	s26 =	sor.u32 $0x440, s21;
	[tilespmem:s21+$0x8430] =	vst.add.f32.msk $0xffff, v3  }
0x64: {  	s28 =	sor.u32 $0x450, s21;
	v0 =	vld [tilespmem:s26+$0x0]  }
0x65: {  	s29 =	sor.u32 $0x460, s21;
	v1 =	vld [tilespmem:s28+$0x0]  }
0x66: {  	s30 =	sor.u32 $0x470, s21;
	v2 =	vld [tilespmem:s29+$0x0]  }
0x67: {  	v3 =	vld [tilespmem:s30+$0x0];
	_ =	sdelay $0x1  }
0x68: {  	[tilespmem:s21+$0x2440] =	vst.add.f32.msk $0xffff, v0  }
0x69: {  	[tilespmem:s21+$0x2450] =	vst.add.f32.msk $0xffff, v1  }
0x6a: {  	[tilespmem:s21+$0x2460] =	vst.add.f32.msk $0xffff, v2  }
0x6b: {  	[tilespmem:s21+$0x2470] =	vst.add.f32.msk $0xffff, v3  }
0x6c: {  	[tilespmem:s21+$0x4440] =	vst.add.f32.msk $0xffff, v0  }
0x6d: {  	[tilespmem:s21+$0x4450] =	vst.add.f32.msk $0xffff, v1  }
0x6e: {  	[tilespmem:s21+$0x4460] =	vst.add.f32.msk $0xffff, v2  }
0x6f: {  	[tilespmem:s21+$0x4470] =	vst.add.f32.msk $0xffff, v3  }
0x70: {  	[tilespmem:s21+$0x6440] =	vst.add.f32.msk $0xffff, v0  }
0x71: {  	[tilespmem:s21+$0x6450] =	vst.add.f32.msk $0xffff, v1  }
0x72: {  	[tilespmem:s21+$0x6460] =	vst.add.f32.msk $0xffff, v2  }
0x73: {  	[tilespmem:s21+$0x6470] =	vst.add.f32.msk $0xffff, v3  }
0x74: {  	[tilespmem:s21+$0x8440] =	vst.add.f32.msk $0xffff, v0  }
0x75: {  	[tilespmem:s21+$0x8450] =	vst.add.f32.msk $0xffff, v1  }
0x76: {  	[tilespmem:s21+$0x8460] =	vst.add.f32.msk $0xffff, v2  }
0x77: {  	s31 =	sor.u32 $0x800, s21;
	[tilespmem:s21+$0x8470] =	vst.add.f32.msk $0xffff, v3  }
0x78: {  	s23 =	sor.u32 $0x810, s21;
	v0 =	vld [tilespmem:s31+$0x0]  }
0x79: {  	s24 =	sor.u32 $0x820, s21;
	v1 =	vld [tilespmem:s23+$0x0]  }
0x7a: {  	s25 =	sor.u32 $0x830, s21;
	v2 =	vld [tilespmem:s24+$0x0]  }
0x7b: {  	v3 =	vld [tilespmem:s25+$0x0];
	_ =	sdelay $0x1  }
0x7c: {  	[tilespmem:s21+$0x2800] =	vst.add.f32.msk $0xffff, v0  }
0x7d: {  	[tilespmem:s21+$0x2810] =	vst.add.f32.msk $0xffff, v1  }
0x7e: {  	[tilespmem:s21+$0x2820] =	vst.add.f32.msk $0xffff, v2  }
0x7f: {  	[tilespmem:s21+$0x2830] =	vst.add.f32.msk $0xffff, v3  }
0x80: {  	[tilespmem:s21+$0x4800] =	vst.add.f32.msk $0xffff, v0  }
0x81: {  	[tilespmem:s21+$0x4810] =	vst.add.f32.msk $0xffff, v1  }
0x82: {  	[tilespmem:s21+$0x4820] =	vst.add.f32.msk $0xffff, v2  }
0x83: {  	[tilespmem:s21+$0x4830] =	vst.add.f32.msk $0xffff, v3  }
0x84: {  	[tilespmem:s21+$0x6800] =	vst.add.f32.msk $0xffff, v0  }
0x85: {  	[tilespmem:s21+$0x6810] =	vst.add.f32.msk $0xffff, v1  }
0x86: {  	[tilespmem:s21+$0x6820] =	vst.add.f32.msk $0xffff, v2  }
0x87: {  	[tilespmem:s21+$0x6830] =	vst.add.f32.msk $0xffff, v3  }
0x88: {  	[tilespmem:s21+$0x8800] =	vst.add.f32.msk $0xffff, v0  }
0x89: {  	[tilespmem:s21+$0x8810] =	vst.add.f32.msk $0xffff, v1  }
0x8a: {  	[tilespmem:s21+$0x8820] =	vst.add.f32.msk $0xffff, v2  }
0x8b: {  	s26 =	sor.u32 $0x840, s21;
	[tilespmem:s21+$0x8830] =	vst.add.f32.msk $0xffff, v3  }
0x8c: {  	s28 =	sor.u32 $0x850, s21;
	v0 =	vld [tilespmem:s26+$0x0]  }
0x8d: {  	s29 =	sor.u32 $0x860, s21;
	v1 =	vld [tilespmem:s28+$0x0]  }
0x8e: {  	s30 =	sor.u32 $0x870, s21;
	v2 =	vld [tilespmem:s29+$0x0]  }
0x8f: {  	v3 =	vld [tilespmem:s30+$0x0];
	_ =	sdelay $0x1  }
0x90: {  	[tilespmem:s21+$0x2840] =	vst.add.f32.msk $0xffff, v0  }
0x91: {  	[tilespmem:s21+$0x2850] =	vst.add.f32.msk $0xffff, v1  }
0x92: {  	[tilespmem:s21+$0x2860] =	vst.add.f32.msk $0xffff, v2  }
0x93: {  	[tilespmem:s21+$0x2870] =	vst.add.f32.msk $0xffff, v3  }
0x94: {  	[tilespmem:s21+$0x4840] =	vst.add.f32.msk $0xffff, v0  }
0x95: {  	[tilespmem:s21+$0x4850] =	vst.add.f32.msk $0xffff, v1  }
0x96: {  	[tilespmem:s21+$0x4860] =	vst.add.f32.msk $0xffff, v2  }
0x97: {  	[tilespmem:s21+$0x4870] =	vst.add.f32.msk $0xffff, v3  }
0x98: {  	[tilespmem:s21+$0x6840] =	vst.add.f32.msk $0xffff, v0  }
0x99: {  	[tilespmem:s21+$0x6850] =	vst.add.f32.msk $0xffff, v1  }
0x9a: {  	[tilespmem:s21+$0x6860] =	vst.add.f32.msk $0xffff, v2  }
0x9b: {  	[tilespmem:s21+$0x6870] =	vst.add.f32.msk $0xffff, v3  }
0x9c: {  	[tilespmem:s21+$0x8840] =	vst.add.f32.msk $0xffff, v0  }
0x9d: {  	[tilespmem:s21+$0x8850] =	vst.add.f32.msk $0xffff, v1  }
0x9e: {  	[tilespmem:s21+$0x8860] =	vst.add.f32.msk $0xffff, v2  }
0x9f: {  	s31 =	sor.u32 $0xC00, s21;
	[tilespmem:s21+$0x8870] =	vst.add.f32.msk $0xffff, v3  }
0xa0: {  	s23 =	sor.u32 $0xC10, s21;
	v0 =	vld [tilespmem:s31+$0x0]  }
0xa1: {  	s24 =	sor.u32 $0xC20, s21;
	v1 =	vld [tilespmem:s23+$0x0]  }
0xa2: {  	s25 =	sor.u32 $0xC30, s21;
	v2 =	vld [tilespmem:s24+$0x0]  }
0xa3: {  	v3 =	vld [tilespmem:s25+$0x0];
	_ =	sdelay $0x1  }
0xa4: {  	[tilespmem:s21+$0x2C00] =	vst.add.f32.msk $0xffff, v0  }
0xa5: {  	[tilespmem:s21+$0x2C10] =	vst.add.f32.msk $0xffff, v1  }
0xa6: {  	[tilespmem:s21+$0x2C20] =	vst.add.f32.msk $0xffff, v2  }
0xa7: {  	[tilespmem:s21+$0x2C30] =	vst.add.f32.msk $0xffff, v3  }
0xa8: {  	[tilespmem:s21+$0x4C00] =	vst.add.f32.msk $0xffff, v0  }
0xa9: {  	[tilespmem:s21+$0x4C10] =	vst.add.f32.msk $0xffff, v1  }
0xaa: {  	[tilespmem:s21+$0x4C20] =	vst.add.f32.msk $0xffff, v2  }
0xab: {  	[tilespmem:s21+$0x4C30] =	vst.add.f32.msk $0xffff, v3  }
0xac: {  	[tilespmem:s21+$0x6C00] =	vst.add.f32.msk $0xffff, v0  }
0xad: {  	[tilespmem:s21+$0x6C10] =	vst.add.f32.msk $0xffff, v1  }
0xae: {  	[tilespmem:s21+$0x6C20] =	vst.add.f32.msk $0xffff, v2  }
0xaf: {  	[tilespmem:s21+$0x6C30] =	vst.add.f32.msk $0xffff, v3  }
0xb0: {  	[tilespmem:s21+$0x8C00] =	vst.add.f32.msk $0xffff, v0  }
0xb1: {  	[tilespmem:s21+$0x8C10] =	vst.add.f32.msk $0xffff, v1  }
0xb2: {  	[tilespmem:s21+$0x8C20] =	vst.add.f32.msk $0xffff, v2  }
0xb3: {  	s26 =	sor.u32 $0xC40, s21;
	[tilespmem:s21+$0x8C30] =	vst.add.f32.msk $0xffff, v3  }
0xb4: {  	s28 =	sor.u32 $0xC50, s21;
	v0 =	vld [tilespmem:s26+$0x0]  }
0xb5: {  	s29 =	sor.u32 $0xC60, s21;
	v57 =	vld [tilespmem:s28+$0x0]  }
0xb6: {  	s30 =	sor.u32 $0xC70, s21;
	v58 =	vld [tilespmem:s29+$0x0]  }
0xb7: {  	v59 =	vld [tilespmem:s30+$0x0];
	_ =	sdelay $0x1  }
0xb8: {  	[tilespmem:s21+$0x2C40] =	vst.add.f32.msk $0xffff, v0  }
0xb9: {  	[tilespmem:s21+$0x2C50] =	vst.add.f32.msk $0xffff, v57  }
0xba: {  	[tilespmem:s21+$0x2C60] =	vst.add.f32.msk $0xffff, v58  }
0xbb: {  	[tilespmem:s21+$0x2C70] =	vst.add.f32.msk $0xffff, v59  }
0xbc: {  	[tilespmem:s21+$0x4C40] =	vst.add.f32.msk $0xffff, v0  }
0xbd: {  	[tilespmem:s21+$0x4C50] =	vst.add.f32.msk $0xffff, v57  }
0xbe: {  	[tilespmem:s21+$0x4C60] =	vst.add.f32.msk $0xffff, v58  }
0xbf: {  	[tilespmem:s21+$0x4C70] =	vst.add.f32.msk $0xffff, v59  }
0xc0: {  	[tilespmem:s21+$0x6C40] =	vst.add.f32.msk $0xffff, v0  }
0xc1: {  	[tilespmem:s21+$0x6C50] =	vst.add.f32.msk $0xffff, v57  }
0xc2: {  	[tilespmem:s21+$0x6C60] =	vst.add.f32.msk $0xffff, v58  }
0xc3: {  	[tilespmem:s21+$0x6C70] =	vst.add.f32.msk $0xffff, v59  }
0xc4: {  	[tilespmem:s21+$0x8C40] =	vst.add.f32.msk $0xffff, v0  }
0xc5: {  	[tilespmem:s21+$0x8C50] =	vst.add.f32.msk $0xffff, v57  }
0xc6: {  	[tilespmem:s21+$0x8C60] =	vst.add.f32.msk $0xffff, v58  }
0xc7: {  	s31 =	sor.u32 $0x1000, s21;
	[tilespmem:s21+$0x8C70] =	vst.add.f32.msk $0xffff, v59  }
0xc8: {  	s23 =	sor.u32 $0x1010, s21;
	v0 =	vld [tilespmem:s31+$0x0]  }
0xc9: {  	s24 =	sor.u32 $0x1020, s21;
	v1 =	vld [tilespmem:s23+$0x0]  }
0xca: {  	s25 =	sor.u32 $0x1030, s21;
	v2 =	vld [tilespmem:s24+$0x0]  }
0xcb: {  	v3 =	vld [tilespmem:s25+$0x0];
	_ =	sdelay $0x1  }
0xcc: {  	[tilespmem:s21+$0x3000] =	vst.add.f32.msk $0xffff, v0  }
0xcd: {  	[tilespmem:s21+$0x3010] =	vst.add.f32.msk $0xffff, v1  }
0xce: {  	[tilespmem:s21+$0x3020] =	vst.add.f32.msk $0xffff, v2  }
0xcf: {  	[tilespmem:s21+$0x3030] =	vst.add.f32.msk $0xffff, v3  }
0xd0: {  	[tilespmem:s21+$0x5000] =	vst.add.f32.msk $0xffff, v0  }
0xd1: {  	[tilespmem:s21+$0x5010] =	vst.add.f32.msk $0xffff, v1  }
0xd2: {  	[tilespmem:s21+$0x5020] =	vst.add.f32.msk $0xffff, v2  }
0xd3: {  	[tilespmem:s21+$0x5030] =	vst.add.f32.msk $0xffff, v3  }
0xd4: {  	[tilespmem:s21+$0x7000] =	vst.add.f32.msk $0xffff, v0  }
0xd5: {  	[tilespmem:s21+$0x7010] =	vst.add.f32.msk $0xffff, v1  }
0xd6: {  	[tilespmem:s21+$0x7020] =	vst.add.f32.msk $0xffff, v2  }
0xd7: {  	[tilespmem:s21+$0x7030] =	vst.add.f32.msk $0xffff, v3  }
0xd8: {  	[tilespmem:s21+$0x9000] =	vst.add.f32.msk $0xffff, v0  }
0xd9: {  	[tilespmem:s21+$0x9010] =	vst.add.f32.msk $0xffff, v1  }
0xda: {  	[tilespmem:s21+$0x9020] =	vst.add.f32.msk $0xffff, v2  }
0xdb: {  	s26 =	sor.u32 $0x1040, s21;
	[tilespmem:s21+$0x9030] =	vst.add.f32.msk $0xffff, v3  }
0xdc: {  	s28 =	sor.u32 $0x1050, s21;
	v0 =	vld [tilespmem:s26+$0x0]  }
0xdd: {  	s29 =	sor.u32 $0x1060, s21;
	v1 =	vld [tilespmem:s28+$0x0]  }
0xde: {  	s30 =	sor.u32 $0x1070, s21;
	v2 =	vld [tilespmem:s29+$0x0]  }
0xdf: {  	v3 =	vld [tilespmem:s30+$0x0];
	_ =	sdelay $0x1  }
0xe0: {  	[tilespmem:s21+$0x3040] =	vst.add.f32.msk $0xffff, v0  }
0xe1: {  	[tilespmem:s21+$0x3050] =	vst.add.f32.msk $0xffff, v1  }
0xe2: {  	[tilespmem:s21+$0x3060] =	vst.add.f32.msk $0xffff, v2  }
0xe3: {  	[tilespmem:s21+$0x3070] =	vst.add.f32.msk $0xffff, v3  }
0xe4: {  	[tilespmem:s21+$0x5040] =	vst.add.f32.msk $0xffff, v0  }
0xe5: {  	[tilespmem:s21+$0x5050] =	vst.add.f32.msk $0xffff, v1  }
0xe6: {  	[tilespmem:s21+$0x5060] =	vst.add.f32.msk $0xffff, v2  }
0xe7: {  	[tilespmem:s21+$0x5070] =	vst.add.f32.msk $0xffff, v3  }
0xe8: {  	[tilespmem:s21+$0x7040] =	vst.add.f32.msk $0xffff, v0  }
0xe9: {  	[tilespmem:s21+$0x7050] =	vst.add.f32.msk $0xffff, v1  }
0xea: {  	[tilespmem:s21+$0x7060] =	vst.add.f32.msk $0xffff, v2  }
0xeb: {  	[tilespmem:s21+$0x7070] =	vst.add.f32.msk $0xffff, v3  }
0xec: {  	[tilespmem:s21+$0x9040] =	vst.add.f32.msk $0xffff, v0  }
0xed: {  	[tilespmem:s21+$0x9050] =	vst.add.f32.msk $0xffff, v1  }
0xee: {  	[tilespmem:s21+$0x9060] =	vst.add.f32.msk $0xffff, v2  }
0xef: {  	s31 =	sor.u32 $0x1400, s21;
	[tilespmem:s21+$0x9070] =	vst.add.f32.msk $0xffff, v3  }
0xf0: {  	s23 =	sor.u32 $0x1410, s21;
	v0 =	vld [tilespmem:s31+$0x0]  }
0xf1: {  	s24 =	sor.u32 $0x1420, s21;
	v1 =	vld [tilespmem:s23+$0x0]  }
0xf2: {  	s25 =	sor.u32 $0x1430, s21;
	v2 =	vld [tilespmem:s24+$0x0]  }
0xf3: {  	v3 =	vld [tilespmem:s25+$0x0];
	_ =	sdelay $0x1  }
0xf4: {  	[tilespmem:s21+$0x3400] =	vst.add.f32.msk $0xffff, v0  }
0xf5: {  	[tilespmem:s21+$0x3410] =	vst.add.f32.msk $0xffff, v1  }
0xf6: {  	[tilespmem:s21+$0x3420] =	vst.add.f32.msk $0xffff, v2  }
0xf7: {  	[tilespmem:s21+$0x3430] =	vst.add.f32.msk $0xffff, v3  }
0xf8: {  	[tilespmem:s21+$0x5400] =	vst.add.f32.msk $0xffff, v0  }
0xf9: {  	[tilespmem:s21+$0x5410] =	vst.add.f32.msk $0xffff, v1  }
0xfa: {  	[tilespmem:s21+$0x5420] =	vst.add.f32.msk $0xffff, v2  }
0xfb: {  	[tilespmem:s21+$0x5430] =	vst.add.f32.msk $0xffff, v3  }
0xfc: {  	[tilespmem:s21+$0x7400] =	vst.add.f32.msk $0xffff, v0  }
0xfd: {  	[tilespmem:s21+$0x7410] =	vst.add.f32.msk $0xffff, v1  }
0xfe: {  	[tilespmem:s21+$0x7420] =	vst.add.f32.msk $0xffff, v2  }
0xff: {  	[tilespmem:s21+$0x7430] =	vst.add.f32.msk $0xffff, v3  }
0x100: {  	[tilespmem:s21+$0x9400] =	vst.add.f32.msk $0xffff, v0  }
0x101: {  	[tilespmem:s21+$0x9410] =	vst.add.f32.msk $0xffff, v1  }
0x102: {  	[tilespmem:s21+$0x9420] =	vst.add.f32.msk $0xffff, v2  }
0x103: {  	s26 =	sor.u32 $0x1440, s21;
	[tilespmem:s21+$0x9430] =	vst.add.f32.msk $0xffff, v3  }
0x104: {  	s28 =	sor.u32 $0x1450, s21;
	v0 =	vld [tilespmem:s26+$0x0]  }
0x105: {  	s29 =	sor.u32 $0x1460, s21;
	v1 =	vld [tilespmem:s28+$0x0]  }
0x106: {  	s30 =	sor.u32 $0x1470, s21;
	v2 =	vld [tilespmem:s29+$0x0]  }
0x107: {  	v3 =	vld [tilespmem:s30+$0x0];
	_ =	sdelay $0x1  }
0x108: {  	[tilespmem:s21+$0x3440] =	vst.add.f32.msk $0xffff, v0  }
0x109: {  	[tilespmem:s21+$0x3450] =	vst.add.f32.msk $0xffff, v1  }
0x10a: {  	[tilespmem:s21+$0x3460] =	vst.add.f32.msk $0xffff, v2  }
0x10b: {  	[tilespmem:s21+$0x3470] =	vst.add.f32.msk $0xffff, v3  }
0x10c: {  	[tilespmem:s21+$0x5440] =	vst.add.f32.msk $0xffff, v0  }
0x10d: {  	[tilespmem:s21+$0x5450] =	vst.add.f32.msk $0xffff, v1  }
0x10e: {  	[tilespmem:s21+$0x5460] =	vst.add.f32.msk $0xffff, v2  }
0x10f: {  	[tilespmem:s21+$0x5470] =	vst.add.f32.msk $0xffff, v3  }
0x110: {  	[tilespmem:s21+$0x7440] =	vst.add.f32.msk $0xffff, v0  }
0x111: {  	[tilespmem:s21+$0x7450] =	vst.add.f32.msk $0xffff, v1  }
0x112: {  	[tilespmem:s21+$0x7460] =	vst.add.f32.msk $0xffff, v2  }
0x113: {  	[tilespmem:s21+$0x7470] =	vst.add.f32.msk $0xffff, v3  }
0x114: {  	[tilespmem:s21+$0x9440] =	vst.add.f32.msk $0xffff, v0  }
0x115: {  	[tilespmem:s21+$0x9450] =	vst.add.f32.msk $0xffff, v1  }
0x116: {  	[tilespmem:s21+$0x9460] =	vst.add.f32.msk $0xffff, v2  }
0x117: {  	s31 =	sor.u32 $0x1800, s21;
	[tilespmem:s21+$0x9470] =	vst.add.f32.msk $0xffff, v3  }
0x118: {  	s23 =	sor.u32 $0x1810, s21;
	v0 =	vld [tilespmem:s31+$0x0]  }
0x119: {  	s24 =	sor.u32 $0x1820, s21;
	v1 =	vld [tilespmem:s23+$0x0]  }
0x11a: {  	s25 =	sor.u32 $0x1830, s21;
	v2 =	vld [tilespmem:s24+$0x0]  }
0x11b: {  	v3 =	vld [tilespmem:s25+$0x0];
	_ =	sdelay $0x1  }
0x11c: {  	[tilespmem:s21+$0x3800] =	vst.add.f32.msk $0xffff, v0  }
0x11d: {  	[tilespmem:s21+$0x3810] =	vst.add.f32.msk $0xffff, v1  }
0x11e: {  	[tilespmem:s21+$0x3820] =	vst.add.f32.msk $0xffff, v2  }
0x11f: {  	[tilespmem:s21+$0x3830] =	vst.add.f32.msk $0xffff, v3  }
0x120: {  	[tilespmem:s21+$0x5800] =	vst.add.f32.msk $0xffff, v0  }
0x121: {  	[tilespmem:s21+$0x5810] =	vst.add.f32.msk $0xffff, v1  }
0x122: {  	[tilespmem:s21+$0x5820] =	vst.add.f32.msk $0xffff, v2  }
0x123: {  	[tilespmem:s21+$0x5830] =	vst.add.f32.msk $0xffff, v3  }
0x124: {  	[tilespmem:s21+$0x7800] =	vst.add.f32.msk $0xffff, v0  }
0x125: {  	[tilespmem:s21+$0x7810] =	vst.add.f32.msk $0xffff, v1  }
0x126: {  	[tilespmem:s21+$0x7820] =	vst.add.f32.msk $0xffff, v2  }
0x127: {  	[tilespmem:s21+$0x7830] =	vst.add.f32.msk $0xffff, v3  }
0x128: {  	[tilespmem:s21+$0x9800] =	vst.add.f32.msk $0xffff, v0  }
0x129: {  	[tilespmem:s21+$0x9810] =	vst.add.f32.msk $0xffff, v1  }
0x12a: {  	[tilespmem:s21+$0x9820] =	vst.add.f32.msk $0xffff, v2  }
0x12b: {  	s26 =	sor.u32 $0x1840, s21;
	[tilespmem:s21+$0x9830] =	vst.add.f32.msk $0xffff, v3  }
0x12c: {  	s28 =	sor.u32 $0x1850, s21;
	v0 =	vld [tilespmem:s26+$0x0]  }
0x12d: {  	s29 =	sor.u32 $0x1860, s21;
	v1 =	vld [tilespmem:s28+$0x0]  }
0x12e: {  	s30 =	sor.u32 $0x1870, s21;
	v2 =	vld [tilespmem:s29+$0x0]  }
0x12f: {  	v3 =	vld [tilespmem:s30+$0x0];
	_ =	sdelay $0x1  }
0x130: {  	[tilespmem:s21+$0x3840] =	vst.add.f32.msk $0xffff, v0  }
0x131: {  	[tilespmem:s21+$0x3850] =	vst.add.f32.msk $0xffff, v1  }
0x132: {  	[tilespmem:s21+$0x3860] =	vst.add.f32.msk $0xffff, v2  }
0x133: {  	[tilespmem:s21+$0x3870] =	vst.add.f32.msk $0xffff, v3  }
0x134: {  	[tilespmem:s21+$0x5840] =	vst.add.f32.msk $0xffff, v0  }
0x135: {  	[tilespmem:s21+$0x5850] =	vst.add.f32.msk $0xffff, v1  }
0x136: {  	[tilespmem:s21+$0x5860] =	vst.add.f32.msk $0xffff, v2  }
0x137: {  	[tilespmem:s21+$0x5870] =	vst.add.f32.msk $0xffff, v3  }
0x138: {  	[tilespmem:s21+$0x7840] =	vst.add.f32.msk $0xffff, v0  }
0x139: {  	[tilespmem:s21+$0x7850] =	vst.add.f32.msk $0xffff, v1  }
0x13a: {  	[tilespmem:s21+$0x7860] =	vst.add.f32.msk $0xffff, v2  }
0x13b: {  	[tilespmem:s21+$0x7870] =	vst.add.f32.msk $0xffff, v3  }
0x13c: {  	[tilespmem:s21+$0x9840] =	vst.add.f32.msk $0xffff, v0  }
0x13d: {  	[tilespmem:s21+$0x9850] =	vst.add.f32.msk $0xffff, v1  }
0x13e: {  	[tilespmem:s21+$0x9860] =	vst.add.f32.msk $0xffff, v2  }
0x13f: {  	s31 =	sor.u32 $0x1C00, s21;
	[tilespmem:s21+$0x9870] =	vst.add.f32.msk $0xffff, v3  }
0x140: {  	s23 =	sor.u32 $0x1C10, s21;
	v0 =	vld [tilespmem:s31+$0x0]  }
0x141: {  	s24 =	sor.u32 $0x1C20, s21;
	v1 =	vld [tilespmem:s23+$0x0]  }
0x142: {  	s25 =	sor.u32 $0x1C30, s21;
	v2 =	vld [tilespmem:s24+$0x0]  }
0x143: {  	v3 =	vld [tilespmem:s25+$0x0];
	s31 =	sor.u32 $0x80, s21  }
0x144: {  	s23 =	sor.u32 $0x90, s21;
	v60 =	vld [tilespmem:s31+$0x0]  }
0x145: {  	s24 =	sor.u32 $0xA0, s21;
	v5 =	vld [tilespmem:s23+$0x0]  }
0x146: {  	s25 =	sor.u32 $0xB0, s21;
	v6 =	vld [tilespmem:s24+$0x0]  }
0x147: {  	v7 =	vld [tilespmem:s25+$0x0]  }
0x148: {  	[tilespmem:s21+$0x3C00] =	vst.add.f32.msk $0xffff, v0  }
0x149: {  	[tilespmem:s21+$0x3C10] =	vst.add.f32.msk $0xffff, v1  }
0x14a: {  	[tilespmem:s21+$0x3C20] =	vst.add.f32.msk $0xffff, v2  }
0x14b: {  	[tilespmem:s21+$0x3C30] =	vst.add.f32.msk $0xffff, v3  }
0x14c: {  	[tilespmem:s21+$0x5C00] =	vst.add.f32.msk $0xffff, v0  }
0x14d: {  	[tilespmem:s21+$0x5C10] =	vst.add.f32.msk $0xffff, v1  }
0x14e: {  	[tilespmem:s21+$0x5C20] =	vst.add.f32.msk $0xffff, v2  }
0x14f: {  	[tilespmem:s21+$0x5C30] =	vst.add.f32.msk $0xffff, v3  }
0x150: {  	[tilespmem:s21+$0x7C00] =	vst.add.f32.msk $0xffff, v0  }
0x151: {  	[tilespmem:s21+$0x7C10] =	vst.add.f32.msk $0xffff, v1  }
0x152: {  	[tilespmem:s21+$0x7C20] =	vst.add.f32.msk $0xffff, v2  }
0x153: {  	[tilespmem:s21+$0x7C30] =	vst.add.f32.msk $0xffff, v3  }
0x154: {  	[tilespmem:s21+$0x9C00] =	vst.add.f32.msk $0xffff, v0  }
0x155: {  	[tilespmem:s21+$0x9C10] =	vst.add.f32.msk $0xffff, v1  }
0x156: {  	[tilespmem:s21+$0x9C20] =	vst.add.f32.msk $0xffff, v2  }
0x157: {  	s26 =	sor.u32 $0x1C40, s21;
	[tilespmem:s21+$0x9C30] =	vst.add.f32.msk $0xffff, v3  }
0x158: {  	s28 =	sor.u32 $0x1C50, s21;
	v3 =	vld [tilespmem:s26+$0x0]  }
0x159: {  	s29 =	sor.u32 $0x1C60, s21;
	v2 =	vld [tilespmem:s28+$0x0]  }
0x15a: {  	s30 =	sor.u32 $0x1C70, s21;
	v1 =	vld [tilespmem:s29+$0x0]  }
0x15b: {  	v0 =	vld [tilespmem:s30+$0x0]  }
0x15c: {  	[tilespmem:s21+$0x2080] =	vst.add.f32.msk $0xffff, v60  }
0x15d: {  	[tilespmem:s21+$0x2090] =	vst.add.f32.msk $0xffff, v5  }
0x15e: {  	[tilespmem:s21+$0x20A0] =	vst.add.f32.msk $0xffff, v6  }
0x15f: {  	[tilespmem:s21+$0x20B0] =	vst.add.f32.msk $0xffff, v7  }
0x160: {  	[tilespmem:s21+$0x4080] =	vst.add.f32.msk $0xffff, v60  }
0x161: {  	[tilespmem:s21+$0x4090] =	vst.add.f32.msk $0xffff, v5  }
0x162: {  	[tilespmem:s21+$0x40A0] =	vst.add.f32.msk $0xffff, v6  }
0x163: {  	[tilespmem:s21+$0x40B0] =	vst.add.f32.msk $0xffff, v7  }
0x164: {  	[tilespmem:s21+$0x6080] =	vst.add.f32.msk $0xffff, v60  }
0x165: {  	[tilespmem:s21+$0x6090] =	vst.add.f32.msk $0xffff, v5  }
0x166: {  	[tilespmem:s21+$0x60A0] =	vst.add.f32.msk $0xffff, v6  }
0x167: {  	[tilespmem:s21+$0x60B0] =	vst.add.f32.msk $0xffff, v7  }
0x168: {  	[tilespmem:s21+$0x8080] =	vst.add.f32.msk $0xffff, v60  }
0x169: {  	[tilespmem:s21+$0x8090] =	vst.add.f32.msk $0xffff, v5  }
0x16a: {  	[tilespmem:s21+$0x80A0] =	vst.add.f32.msk $0xffff, v6  }
0x16b: {  	[tilespmem:s21+$0x80B0] =	vst.add.f32.msk $0xffff, v7;
	s26 =	sor.u32 $0xC0, s21  }
0x16c: {  	s28 =	sor.u32 $0xD0, s21;
	v4 =	vld [tilespmem:s26+$0x0]  }
0x16d: {  	s29 =	sor.u32 $0xE0, s21;
	v5 =	vld [tilespmem:s28+$0x0]  }
0x16e: {  	s30 =	sor.u32 $0xF0, s21;
	v6 =	vld [tilespmem:s29+$0x0]  }
0x16f: {  	v7 =	vld [tilespmem:s30+$0x0]  }
0x170: {  	[tilespmem:s21+$0x3C40] =	vst.add.f32.msk $0xffff, v3  }
0x171: {  	[tilespmem:s21+$0x5C40] =	vst.add.f32.msk $0xffff, v3  }
0x172: {  	[tilespmem:s21+$0x20C0] =	vst.add.f32.msk $0xffff, v4  }
0x173: {  	[tilespmem:s21+$0x20D0] =	vst.add.f32.msk $0xffff, v5  }
0x174: {  	[tilespmem:s21+$0x20E0] =	vst.add.f32.msk $0xffff, v6  }
0x175: {  	[tilespmem:s21+$0x20F0] =	vst.add.f32.msk $0xffff, v7  }
0x176: {  	[tilespmem:s21+$0x40C0] =	vst.add.f32.msk $0xffff, v4  }
0x177: {  	[tilespmem:s21+$0x40D0] =	vst.add.f32.msk $0xffff, v5  }
0x178: {  	[tilespmem:s21+$0x40E0] =	vst.add.f32.msk $0xffff, v6  }
0x179: {  	[tilespmem:s21+$0x40F0] =	vst.add.f32.msk $0xffff, v7  }
0x17a: {  	[tilespmem:s21+$0x60C0] =	vst.add.f32.msk $0xffff, v4  }
0x17b: {  	[tilespmem:s21+$0x60D0] =	vst.add.f32.msk $0xffff, v5  }
0x17c: {  	[tilespmem:s21+$0x60E0] =	vst.add.f32.msk $0xffff, v6  }
0x17d: {  	[tilespmem:s21+$0x60F0] =	vst.add.f32.msk $0xffff, v7  }
0x17e: {  	[tilespmem:s21+$0x80C0] =	vst.add.f32.msk $0xffff, v4  }
0x17f: {  	[tilespmem:s21+$0x80D0] =	vst.add.f32.msk $0xffff, v5  }
0x180: {  	[tilespmem:s21+$0x80E0] =	vst.add.f32.msk $0xffff, v6  }
0x181: {  	s31 =	sor.u32 $0x480, s21;
	[tilespmem:s21+$0x80F0] =	vst.add.f32.msk $0xffff, v7  }
0x182: {  	s23 =	sor.u32 $0x490, s21;
	v4 =	vld [tilespmem:s31+$0x0]  }
0x183: {  	s24 =	sor.u32 $0x4A0, s21;
	v5 =	vld [tilespmem:s23+$0x0]  }
0x184: {  	s25 =	sor.u32 $0x4B0, s21;
	v6 =	vld [tilespmem:s24+$0x0]  }
0x185: {  	v7 =	vld [tilespmem:s25+$0x0]  }
0x186: {  	[tilespmem:s21+$0x7C40] =	vst.add.f32.msk $0xffff, v3  }
0x187: {  	[tilespmem:s21+$0x2480] =	vst.add.f32.msk $0xffff, v4  }
0x188: {  	[tilespmem:s21+$0x2490] =	vst.add.f32.msk $0xffff, v5  }
0x189: {  	[tilespmem:s21+$0x24A0] =	vst.add.f32.msk $0xffff, v6  }
0x18a: {  	[tilespmem:s21+$0x24B0] =	vst.add.f32.msk $0xffff, v7  }
0x18b: {  	[tilespmem:s21+$0x4480] =	vst.add.f32.msk $0xffff, v4  }
0x18c: {  	[tilespmem:s21+$0x4490] =	vst.add.f32.msk $0xffff, v5  }
0x18d: {  	[tilespmem:s21+$0x44A0] =	vst.add.f32.msk $0xffff, v6  }
0x18e: {  	[tilespmem:s21+$0x44B0] =	vst.add.f32.msk $0xffff, v7  }
0x18f: {  	[tilespmem:s21+$0x6480] =	vst.add.f32.msk $0xffff, v4  }
0x190: {  	[tilespmem:s21+$0x6490] =	vst.add.f32.msk $0xffff, v5  }
0x191: {  	[tilespmem:s21+$0x64A0] =	vst.add.f32.msk $0xffff, v6  }
0x192: {  	[tilespmem:s21+$0x64B0] =	vst.add.f32.msk $0xffff, v7  }
0x193: {  	[tilespmem:s21+$0x8480] =	vst.add.f32.msk $0xffff, v4  }
0x194: {  	[tilespmem:s21+$0x8490] =	vst.add.f32.msk $0xffff, v5  }
0x195: {  	[tilespmem:s21+$0x84A0] =	vst.add.f32.msk $0xffff, v6  }
0x196: {  	s26 =	sor.u32 $0x4C0, s21;
	[tilespmem:s21+$0x84B0] =	vst.add.f32.msk $0xffff, v7  }
0x197: {  	s28 =	sor.u32 $0x4D0, s21;
	v4 =	vld [tilespmem:s26+$0x0]  }
0x198: {  	s29 =	sor.u32 $0x4E0, s21;
	v5 =	vld [tilespmem:s28+$0x0]  }
0x199: {  	s30 =	sor.u32 $0x4F0, s21;
	v6 =	vld [tilespmem:s29+$0x0]  }
0x19a: {  	v7 =	vld [tilespmem:s30+$0x0]  }
0x19b: {  	[tilespmem:s21+$0x9C40] =	vst.add.f32.msk $0xffff, v3  }
0x19c: {  	[tilespmem:s21+$0x24C0] =	vst.add.f32.msk $0xffff, v4  }
0x19d: {  	[tilespmem:s21+$0x24D0] =	vst.add.f32.msk $0xffff, v5  }
0x19e: {  	[tilespmem:s21+$0x24E0] =	vst.add.f32.msk $0xffff, v6  }
0x19f: {  	[tilespmem:s21+$0x24F0] =	vst.add.f32.msk $0xffff, v7  }
0x1a0: {  	[tilespmem:s21+$0x44C0] =	vst.add.f32.msk $0xffff, v4  }
0x1a1: {  	[tilespmem:s21+$0x44D0] =	vst.add.f32.msk $0xffff, v5  }
0x1a2: {  	[tilespmem:s21+$0x44E0] =	vst.add.f32.msk $0xffff, v6  }
0x1a3: {  	[tilespmem:s21+$0x44F0] =	vst.add.f32.msk $0xffff, v7  }
0x1a4: {  	[tilespmem:s21+$0x64C0] =	vst.add.f32.msk $0xffff, v4  }
0x1a5: {  	[tilespmem:s21+$0x64D0] =	vst.add.f32.msk $0xffff, v5  }
0x1a6: {  	[tilespmem:s21+$0x64E0] =	vst.add.f32.msk $0xffff, v6  }
0x1a7: {  	[tilespmem:s21+$0x64F0] =	vst.add.f32.msk $0xffff, v7  }
0x1a8: {  	[tilespmem:s21+$0x84C0] =	vst.add.f32.msk $0xffff, v4  }
0x1a9: {  	[tilespmem:s21+$0x84D0] =	vst.add.f32.msk $0xffff, v5  }
0x1aa: {  	[tilespmem:s21+$0x84E0] =	vst.add.f32.msk $0xffff, v6  }
0x1ab: {  	s31 =	sor.u32 $0x880, s21;
	[tilespmem:s21+$0x84F0] =	vst.add.f32.msk $0xffff, v7  }
0x1ac: {  	s23 =	sor.u32 $0x890, s21;
	v61 =	vld [tilespmem:s31+$0x0]  }
0x1ad: {  	s24 =	sor.u32 $0x8A0, s21;
	v4 =	vld [tilespmem:s23+$0x0]  }
0x1ae: {  	s25 =	sor.u32 $0x8B0, s21;
	v5 =	vld [tilespmem:s24+$0x0]  }
0x1af: {  	v6 =	vld [tilespmem:s25+$0x0]  }
0x1b0: {  	[tilespmem:s21+$0x3C50] =	vst.add.f32.msk $0xffff, v2  }
0x1b1: {  	[tilespmem:s21+$0x2880] =	vst.add.f32.msk $0xffff, v61  }
0x1b2: {  	[tilespmem:s21+$0x2890] =	vst.add.f32.msk $0xffff, v4  }
0x1b3: {  	[tilespmem:s21+$0x28A0] =	vst.add.f32.msk $0xffff, v5  }
0x1b4: {  	[tilespmem:s21+$0x28B0] =	vst.add.f32.msk $0xffff, v6  }
0x1b5: {  	[tilespmem:s21+$0x4880] =	vst.add.f32.msk $0xffff, v61  }
0x1b6: {  	[tilespmem:s21+$0x4890] =	vst.add.f32.msk $0xffff, v4  }
0x1b7: {  	[tilespmem:s21+$0x48A0] =	vst.add.f32.msk $0xffff, v5  }
0x1b8: {  	[tilespmem:s21+$0x48B0] =	vst.add.f32.msk $0xffff, v6  }
0x1b9: {  	[tilespmem:s21+$0x6880] =	vst.add.f32.msk $0xffff, v61  }
0x1ba: {  	[tilespmem:s21+$0x6890] =	vst.add.f32.msk $0xffff, v4  }
0x1bb: {  	[tilespmem:s21+$0x68A0] =	vst.add.f32.msk $0xffff, v5  }
0x1bc: {  	[tilespmem:s21+$0x68B0] =	vst.add.f32.msk $0xffff, v6  }
0x1bd: {  	[tilespmem:s21+$0x8880] =	vst.add.f32.msk $0xffff, v61  }
0x1be: {  	[tilespmem:s21+$0x8890] =	vst.add.f32.msk $0xffff, v4  }
0x1bf: {  	[tilespmem:s21+$0x88A0] =	vst.add.f32.msk $0xffff, v5  }
0x1c0: {  	s26 =	sor.u32 $0x8C0, s21;
	[tilespmem:s21+$0x88B0] =	vst.add.f32.msk $0xffff, v6  }
0x1c1: {  	s28 =	sor.u32 $0x8D0, s21;
	v3 =	vld [tilespmem:s26+$0x0]  }
0x1c2: {  	s29 =	sor.u32 $0x8E0, s21;
	v4 =	vld [tilespmem:s28+$0x0]  }
0x1c3: {  	s30 =	sor.u32 $0x8F0, s21;
	v5 =	vld [tilespmem:s29+$0x0]  }
0x1c4: {  	v6 =	vld [tilespmem:s30+$0x0]  }
0x1c5: {  	[tilespmem:s21+$0x5C50] =	vst.add.f32.msk $0xffff, v2  }
0x1c6: {  	[tilespmem:s21+$0x28C0] =	vst.add.f32.msk $0xffff, v3  }
0x1c7: {  	[tilespmem:s21+$0x28D0] =	vst.add.f32.msk $0xffff, v4  }
0x1c8: {  	[tilespmem:s21+$0x28E0] =	vst.add.f32.msk $0xffff, v5  }
0x1c9: {  	[tilespmem:s21+$0x28F0] =	vst.add.f32.msk $0xffff, v6  }
0x1ca: {  	[tilespmem:s21+$0x48C0] =	vst.add.f32.msk $0xffff, v3  }
0x1cb: {  	[tilespmem:s21+$0x48D0] =	vst.add.f32.msk $0xffff, v4  }
0x1cc: {  	[tilespmem:s21+$0x48E0] =	vst.add.f32.msk $0xffff, v5  }
0x1cd: {  	[tilespmem:s21+$0x48F0] =	vst.add.f32.msk $0xffff, v6  }
0x1ce: {  	[tilespmem:s21+$0x68C0] =	vst.add.f32.msk $0xffff, v3  }
0x1cf: {  	[tilespmem:s21+$0x68D0] =	vst.add.f32.msk $0xffff, v4  }
0x1d0: {  	[tilespmem:s21+$0x68E0] =	vst.add.f32.msk $0xffff, v5  }
0x1d1: {  	[tilespmem:s21+$0x68F0] =	vst.add.f32.msk $0xffff, v6  }
0x1d2: {  	[tilespmem:s21+$0x88C0] =	vst.add.f32.msk $0xffff, v3  }
0x1d3: {  	[tilespmem:s21+$0x88D0] =	vst.add.f32.msk $0xffff, v4  }
0x1d4: {  	[tilespmem:s21+$0x88E0] =	vst.add.f32.msk $0xffff, v5  }
0x1d5: {  	s31 =	sor.u32 $0xC80, s21;
	[tilespmem:s21+$0x88F0] =	vst.add.f32.msk $0xffff, v6  }
0x1d6: {  	s23 =	sor.u32 $0xC90, s21;
	v3 =	vld [tilespmem:s31+$0x0]  }
0x1d7: {  	s24 =	sor.u32 $0xCA0, s21;
	v4 =	vld [tilespmem:s23+$0x0]  }
0x1d8: {  	s25 =	sor.u32 $0xCB0, s21;
	v5 =	vld [tilespmem:s24+$0x0]  }
0x1d9: {  	v6 =	vld [tilespmem:s25+$0x0]  }
0x1da: {  	[tilespmem:s21+$0x7C50] =	vst.add.f32.msk $0xffff, v2  }
0x1db: {  	[tilespmem:s21+$0x2C80] =	vst.add.f32.msk $0xffff, v3  }
0x1dc: {  	[tilespmem:s21+$0x2C90] =	vst.add.f32.msk $0xffff, v4  }
0x1dd: {  	[tilespmem:s21+$0x2CA0] =	vst.add.f32.msk $0xffff, v5  }
0x1de: {  	[tilespmem:s21+$0x2CB0] =	vst.add.f32.msk $0xffff, v6  }
0x1df: {  	[tilespmem:s21+$0x4C80] =	vst.add.f32.msk $0xffff, v3  }
0x1e0: {  	[tilespmem:s21+$0x4C90] =	vst.add.f32.msk $0xffff, v4  }
0x1e1: {  	[tilespmem:s21+$0x4CA0] =	vst.add.f32.msk $0xffff, v5  }
0x1e2: {  	[tilespmem:s21+$0x4CB0] =	vst.add.f32.msk $0xffff, v6  }
0x1e3: {  	[tilespmem:s21+$0x6C80] =	vst.add.f32.msk $0xffff, v3  }
0x1e4: {  	[tilespmem:s21+$0x6C90] =	vst.add.f32.msk $0xffff, v4  }
0x1e5: {  	[tilespmem:s21+$0x6CA0] =	vst.add.f32.msk $0xffff, v5  }
0x1e6: {  	[tilespmem:s21+$0x6CB0] =	vst.add.f32.msk $0xffff, v6  }
0x1e7: {  	[tilespmem:s21+$0x8C80] =	vst.add.f32.msk $0xffff, v3  }
0x1e8: {  	[tilespmem:s21+$0x8C90] =	vst.add.f32.msk $0xffff, v4  }
0x1e9: {  	[tilespmem:s21+$0x8CA0] =	vst.add.f32.msk $0xffff, v5  }
0x1ea: {  	s26 =	sor.u32 $0xCC0, s21;
	[tilespmem:s21+$0x8CB0] =	vst.add.f32.msk $0xffff, v6  }
0x1eb: {  	s28 =	sor.u32 $0xCD0, s21;
	v3 =	vld [tilespmem:s26+$0x0]  }
0x1ec: {  	s29 =	sor.u32 $0xCE0, s21;
	v4 =	vld [tilespmem:s28+$0x0]  }
0x1ed: {  	s30 =	sor.u32 $0xCF0, s21;
	v5 =	vld [tilespmem:s29+$0x0]  }
0x1ee: {  	v6 =	vld [tilespmem:s30+$0x0]  }
0x1ef: {  	[tilespmem:s21+$0x9C50] =	vst.add.f32.msk $0xffff, v2  }
0x1f0: {  	[tilespmem:s21+$0x2CC0] =	vst.add.f32.msk $0xffff, v3  }
0x1f1: {  	[tilespmem:s21+$0x2CD0] =	vst.add.f32.msk $0xffff, v4  }
0x1f2: {  	[tilespmem:s21+$0x2CE0] =	vst.add.f32.msk $0xffff, v5  }
0x1f3: {  	[tilespmem:s21+$0x2CF0] =	vst.add.f32.msk $0xffff, v6  }
0x1f4: {  	[tilespmem:s21+$0x4CC0] =	vst.add.f32.msk $0xffff, v3  }
0x1f5: {  	[tilespmem:s21+$0x4CD0] =	vst.add.f32.msk $0xffff, v4  }
0x1f6: {  	[tilespmem:s21+$0x4CE0] =	vst.add.f32.msk $0xffff, v5  }
0x1f7: {  	[tilespmem:s21+$0x4CF0] =	vst.add.f32.msk $0xffff, v6  }
0x1f8: {  	[tilespmem:s21+$0x6CC0] =	vst.add.f32.msk $0xffff, v3  }
0x1f9: {  	[tilespmem:s21+$0x6CD0] =	vst.add.f32.msk $0xffff, v4  }
0x1fa: {  	[tilespmem:s21+$0x6CE0] =	vst.add.f32.msk $0xffff, v5  }
0x1fb: {  	[tilespmem:s21+$0x6CF0] =	vst.add.f32.msk $0xffff, v6  }
0x1fc: {  	[tilespmem:s21+$0x8CC0] =	vst.add.f32.msk $0xffff, v3  }
0x1fd: {  	[tilespmem:s21+$0x8CD0] =	vst.add.f32.msk $0xffff, v4  }
0x1fe: {  	[tilespmem:s21+$0x8CE0] =	vst.add.f32.msk $0xffff, v5  }
0x1ff: {  	s31 =	sor.u32 $0x1080, s21;
	[tilespmem:s21+$0x8CF0] =	vst.add.f32.msk $0xffff, v6  }
0x200: {  	s23 =	sor.u32 $0x1090, s21;
	v62 =	vld [tilespmem:s31+$0x0]  }
0x201: {  	s24 =	sor.u32 $0x10A0, s21;
	v3 =	vld [tilespmem:s23+$0x0]  }
0x202: {  	s25 =	sor.u32 $0x10B0, s21;
	v4 =	vld [tilespmem:s24+$0x0]  }
0x203: {  	v5 =	vld [tilespmem:s25+$0x0]  }
0x204: {  	[tilespmem:s21+$0x3C60] =	vst.add.f32.msk $0xffff, v1  }
0x205: {  	[tilespmem:s21+$0x3080] =	vst.add.f32.msk $0xffff, v62  }
0x206: {  	[tilespmem:s21+$0x3090] =	vst.add.f32.msk $0xffff, v3  }
0x207: {  	[tilespmem:s21+$0x30A0] =	vst.add.f32.msk $0xffff, v4  }
0x208: {  	[tilespmem:s21+$0x30B0] =	vst.add.f32.msk $0xffff, v5  }
0x209: {  	[tilespmem:s21+$0x5080] =	vst.add.f32.msk $0xffff, v62  }
0x20a: {  	[tilespmem:s21+$0x5090] =	vst.add.f32.msk $0xffff, v3  }
0x20b: {  	[tilespmem:s21+$0x50A0] =	vst.add.f32.msk $0xffff, v4  }
0x20c: {  	[tilespmem:s21+$0x50B0] =	vst.add.f32.msk $0xffff, v5  }
0x20d: {  	[tilespmem:s21+$0x7080] =	vst.add.f32.msk $0xffff, v62  }
0x20e: {  	[tilespmem:s21+$0x7090] =	vst.add.f32.msk $0xffff, v3  }
0x20f: {  	[tilespmem:s21+$0x70A0] =	vst.add.f32.msk $0xffff, v4  }
0x210: {  	[tilespmem:s21+$0x70B0] =	vst.add.f32.msk $0xffff, v5  }
0x211: {  	[tilespmem:s21+$0x9080] =	vst.add.f32.msk $0xffff, v62  }
0x212: {  	[tilespmem:s21+$0x9090] =	vst.add.f32.msk $0xffff, v3  }
0x213: {  	[tilespmem:s21+$0x90A0] =	vst.add.f32.msk $0xffff, v4  }
0x214: {  	s26 =	sor.u32 $0x10C0, s21;
	[tilespmem:s21+$0x90B0] =	vst.add.f32.msk $0xffff, v5  }
0x215: {  	s28 =	sor.u32 $0x10D0, s21;
	v2 =	vld [tilespmem:s26+$0x0]  }
0x216: {  	s29 =	sor.u32 $0x10E0, s21;
	v3 =	vld [tilespmem:s28+$0x0]  }
0x217: {  	s30 =	sor.u32 $0x10F0, s21;
	v4 =	vld [tilespmem:s29+$0x0]  }
0x218: {  	v5 =	vld [tilespmem:s30+$0x0]  }
0x219: {  	[tilespmem:s21+$0x5C60] =	vst.add.f32.msk $0xffff, v1  }
0x21a: {  	[tilespmem:s21+$0x30C0] =	vst.add.f32.msk $0xffff, v2  }
0x21b: {  	[tilespmem:s21+$0x30D0] =	vst.add.f32.msk $0xffff, v3  }
0x21c: {  	[tilespmem:s21+$0x30E0] =	vst.add.f32.msk $0xffff, v4  }
0x21d: {  	[tilespmem:s21+$0x30F0] =	vst.add.f32.msk $0xffff, v5  }
0x21e: {  	[tilespmem:s21+$0x50C0] =	vst.add.f32.msk $0xffff, v2  }
0x21f: {  	[tilespmem:s21+$0x50D0] =	vst.add.f32.msk $0xffff, v3  }
0x220: {  	[tilespmem:s21+$0x50E0] =	vst.add.f32.msk $0xffff, v4  }
0x221: {  	[tilespmem:s21+$0x50F0] =	vst.add.f32.msk $0xffff, v5  }
0x222: {  	[tilespmem:s21+$0x70C0] =	vst.add.f32.msk $0xffff, v2  }
0x223: {  	[tilespmem:s21+$0x70D0] =	vst.add.f32.msk $0xffff, v3  }
0x224: {  	[tilespmem:s21+$0x70E0] =	vst.add.f32.msk $0xffff, v4  }
0x225: {  	[tilespmem:s21+$0x70F0] =	vst.add.f32.msk $0xffff, v5  }
0x226: {  	[tilespmem:s21+$0x90C0] =	vst.add.f32.msk $0xffff, v2  }
0x227: {  	[tilespmem:s21+$0x90D0] =	vst.add.f32.msk $0xffff, v3  }
0x228: {  	[tilespmem:s21+$0x90E0] =	vst.add.f32.msk $0xffff, v4  }
0x229: {  	s31 =	sor.u32 $0x1480, s21;
	[tilespmem:s21+$0x90F0] =	vst.add.f32.msk $0xffff, v5  }
0x22a: {  	s23 =	sor.u32 $0x1490, s21;
	v2 =	vld [tilespmem:s31+$0x0]  }
0x22b: {  	s24 =	sor.u32 $0x14A0, s21;
	v3 =	vld [tilespmem:s23+$0x0]  }
0x22c: {  	s25 =	sor.u32 $0x14B0, s21;
	v4 =	vld [tilespmem:s24+$0x0]  }
0x22d: {  	v5 =	vld [tilespmem:s25+$0x0]  }
0x22e: {  	[tilespmem:s21+$0x7C60] =	vst.add.f32.msk $0xffff, v1  }
0x22f: {  	[tilespmem:s21+$0x3480] =	vst.add.f32.msk $0xffff, v2  }
0x230: {  	[tilespmem:s21+$0x3490] =	vst.add.f32.msk $0xffff, v3  }
0x231: {  	[tilespmem:s21+$0x34A0] =	vst.add.f32.msk $0xffff, v4  }
0x232: {  	[tilespmem:s21+$0x34B0] =	vst.add.f32.msk $0xffff, v5  }
0x233: {  	[tilespmem:s21+$0x5480] =	vst.add.f32.msk $0xffff, v2  }
0x234: {  	[tilespmem:s21+$0x5490] =	vst.add.f32.msk $0xffff, v3  }
0x235: {  	[tilespmem:s21+$0x54A0] =	vst.add.f32.msk $0xffff, v4  }
0x236: {  	[tilespmem:s21+$0x54B0] =	vst.add.f32.msk $0xffff, v5  }
0x237: {  	[tilespmem:s21+$0x7480] =	vst.add.f32.msk $0xffff, v2  }
0x238: {  	[tilespmem:s21+$0x7490] =	vst.add.f32.msk $0xffff, v3  }
0x239: {  	[tilespmem:s21+$0x74A0] =	vst.add.f32.msk $0xffff, v4  }
0x23a: {  	[tilespmem:s21+$0x74B0] =	vst.add.f32.msk $0xffff, v5  }
0x23b: {  	[tilespmem:s21+$0x9480] =	vst.add.f32.msk $0xffff, v2  }
0x23c: {  	[tilespmem:s21+$0x9490] =	vst.add.f32.msk $0xffff, v3  }
0x23d: {  	[tilespmem:s21+$0x94A0] =	vst.add.f32.msk $0xffff, v4  }
0x23e: {  	s26 =	sor.u32 $0x14C0, s21;
	[tilespmem:s21+$0x94B0] =	vst.add.f32.msk $0xffff, v5  }
0x23f: {  	s28 =	sor.u32 $0x14D0, s21;
	v2 =	vld [tilespmem:s26+$0x0]  }
0x240: {  	s29 =	sor.u32 $0x14E0, s21;
	v3 =	vld [tilespmem:s28+$0x0]  }
0x241: {  	s30 =	sor.u32 $0x14F0, s21;
	v4 =	vld [tilespmem:s29+$0x0]  }
0x242: {  	v5 =	vld [tilespmem:s30+$0x0]  }
0x243: {  	[tilespmem:s21+$0x9C60] =	vst.add.f32.msk $0xffff, v1  }
0x244: {  	[tilespmem:s21+$0x34C0] =	vst.add.f32.msk $0xffff, v2  }
0x245: {  	[tilespmem:s21+$0x34D0] =	vst.add.f32.msk $0xffff, v3  }
0x246: {  	[tilespmem:s21+$0x34E0] =	vst.add.f32.msk $0xffff, v4  }
0x247: {  	[tilespmem:s21+$0x34F0] =	vst.add.f32.msk $0xffff, v5  }
0x248: {  	[tilespmem:s21+$0x54C0] =	vst.add.f32.msk $0xffff, v2  }
0x249: {  	[tilespmem:s21+$0x54D0] =	vst.add.f32.msk $0xffff, v3  }
0x24a: {  	[tilespmem:s21+$0x54E0] =	vst.add.f32.msk $0xffff, v4  }
0x24b: {  	[tilespmem:s21+$0x54F0] =	vst.add.f32.msk $0xffff, v5  }
0x24c: {  	[tilespmem:s21+$0x74C0] =	vst.add.f32.msk $0xffff, v2  }
0x24d: {  	[tilespmem:s21+$0x74D0] =	vst.add.f32.msk $0xffff, v3  }
0x24e: {  	[tilespmem:s21+$0x74E0] =	vst.add.f32.msk $0xffff, v4  }
0x24f: {  	[tilespmem:s21+$0x74F0] =	vst.add.f32.msk $0xffff, v5  }
0x250: {  	[tilespmem:s21+$0x94C0] =	vst.add.f32.msk $0xffff, v2  }
0x251: {  	[tilespmem:s21+$0x94D0] =	vst.add.f32.msk $0xffff, v3  }
0x252: {  	[tilespmem:s21+$0x94E0] =	vst.add.f32.msk $0xffff, v4  }
0x253: {  	s31 =	sor.u32 $0x1880, s21;
	[tilespmem:s21+$0x94F0] =	vst.add.f32.msk $0xffff, v5  }
0x254: {  	s23 =	sor.u32 $0x1890, s21;
	v63 =	vld [tilespmem:s31+$0x0]  }
0x255: {  	s24 =	sor.u32 $0x18A0, s21;
	v2 =	vld [tilespmem:s23+$0x0]  }
0x256: {  	s25 =	sor.u32 $0x18B0, s21;
	v3 =	vld [tilespmem:s24+$0x0]  }
0x257: {  	v4 =	vld [tilespmem:s25+$0x0]  }
0x258: {  	[tilespmem:s21+$0x3C70] =	vst.add.f32.msk $0xffff, v0  }
0x259: {  	[tilespmem:s21+$0x3880] =	vst.add.f32.msk $0xffff, v63  }
0x25a: {  	[tilespmem:s21+$0x3890] =	vst.add.f32.msk $0xffff, v2  }
0x25b: {  	[tilespmem:s21+$0x38A0] =	vst.add.f32.msk $0xffff, v3  }
0x25c: {  	[tilespmem:s21+$0x38B0] =	vst.add.f32.msk $0xffff, v4  }
0x25d: {  	[tilespmem:s21+$0x5880] =	vst.add.f32.msk $0xffff, v63  }
0x25e: {  	[tilespmem:s21+$0x5890] =	vst.add.f32.msk $0xffff, v2  }
0x25f: {  	[tilespmem:s21+$0x58A0] =	vst.add.f32.msk $0xffff, v3  }
0x260: {  	[tilespmem:s21+$0x58B0] =	vst.add.f32.msk $0xffff, v4  }
0x261: {  	[tilespmem:s21+$0x7880] =	vst.add.f32.msk $0xffff, v63  }
0x262: {  	[tilespmem:s21+$0x7890] =	vst.add.f32.msk $0xffff, v2  }
0x263: {  	[tilespmem:s21+$0x78A0] =	vst.add.f32.msk $0xffff, v3  }
0x264: {  	[tilespmem:s21+$0x78B0] =	vst.add.f32.msk $0xffff, v4  }
0x265: {  	[tilespmem:s21+$0x9880] =	vst.add.f32.msk $0xffff, v63  }
0x266: {  	[tilespmem:s21+$0x9890] =	vst.add.f32.msk $0xffff, v2  }
0x267: {  	[tilespmem:s21+$0x98A0] =	vst.add.f32.msk $0xffff, v3  }
0x268: {  	s26 =	sor.u32 $0x18C0, s21;
	[tilespmem:s21+$0x98B0] =	vst.add.f32.msk $0xffff, v4  }
0x269: {  	s28 =	sor.u32 $0x18D0, s21;
	v1 =	vld [tilespmem:s26+$0x0]  }
0x26a: {  	s29 =	sor.u32 $0x18E0, s21;
	v2 =	vld [tilespmem:s28+$0x0]  }
0x26b: {  	s30 =	sor.u32 $0x18F0, s21;
	v3 =	vld [tilespmem:s29+$0x0]  }
0x26c: {  	v4 =	vld [tilespmem:s30+$0x0]  }
0x26d: {  	[tilespmem:s21+$0x5C70] =	vst.add.f32.msk $0xffff, v0  }
0x26e: {  	[tilespmem:s21+$0x38C0] =	vst.add.f32.msk $0xffff, v1  }
0x26f: {  	[tilespmem:s21+$0x38D0] =	vst.add.f32.msk $0xffff, v2  }
0x270: {  	[tilespmem:s21+$0x38E0] =	vst.add.f32.msk $0xffff, v3  }
0x271: {  	[tilespmem:s21+$0x38F0] =	vst.add.f32.msk $0xffff, v4  }
0x272: {  	[tilespmem:s21+$0x58C0] =	vst.add.f32.msk $0xffff, v1  }
0x273: {  	[tilespmem:s21+$0x58D0] =	vst.add.f32.msk $0xffff, v2  }
0x274: {  	[tilespmem:s21+$0x58E0] =	vst.add.f32.msk $0xffff, v3  }
0x275: {  	[tilespmem:s21+$0x58F0] =	vst.add.f32.msk $0xffff, v4  }
0x276: {  	[tilespmem:s21+$0x78C0] =	vst.add.f32.msk $0xffff, v1  }
0x277: {  	[tilespmem:s21+$0x78D0] =	vst.add.f32.msk $0xffff, v2  }
0x278: {  	[tilespmem:s21+$0x78E0] =	vst.add.f32.msk $0xffff, v3  }
0x279: {  	[tilespmem:s21+$0x78F0] =	vst.add.f32.msk $0xffff, v4  }
0x27a: {  	[tilespmem:s21+$0x98C0] =	vst.add.f32.msk $0xffff, v1  }
0x27b: {  	[tilespmem:s21+$0x98D0] =	vst.add.f32.msk $0xffff, v2  }
0x27c: {  	[tilespmem:s21+$0x98E0] =	vst.add.f32.msk $0xffff, v3  }
0x27d: {  	s31 =	sor.u32 $0x1C80, s21;
	[tilespmem:s21+$0x98F0] =	vst.add.f32.msk $0xffff, v4  }
0x27e: {  	s23 =	sor.u32 $0x1C90, s21;
	v1 =	vld [tilespmem:s31+$0x0]  }
0x27f: {  	s24 =	sor.u32 $0x1CA0, s21;
	v2 =	vld [tilespmem:s23+$0x0]  }
0x280: {  	s25 =	sor.u32 $0x1CB0, s21;
	v3 =	vld [tilespmem:s24+$0x0]  }
0x281: {  	v4 =	vld [tilespmem:s25+$0x0]  }
0x282: {  	[tilespmem:s21+$0x7C70] =	vst.add.f32.msk $0xffff, v0  }
0x283: {  	[tilespmem:s21+$0x3C80] =	vst.add.f32.msk $0xffff, v1  }
0x284: {  	[tilespmem:s21+$0x3C90] =	vst.add.f32.msk $0xffff, v2  }
0x285: {  	[tilespmem:s21+$0x3CA0] =	vst.add.f32.msk $0xffff, v3  }
0x286: {  	[tilespmem:s21+$0x3CB0] =	vst.add.f32.msk $0xffff, v4  }
0x287: {  	[tilespmem:s21+$0x5C80] =	vst.add.f32.msk $0xffff, v1  }
0x288: {  	[tilespmem:s21+$0x5C90] =	vst.add.f32.msk $0xffff, v2  }
0x289: {  	[tilespmem:s21+$0x5CA0] =	vst.add.f32.msk $0xffff, v3  }
0x28a: {  	[tilespmem:s21+$0x5CB0] =	vst.add.f32.msk $0xffff, v4  }
0x28b: {  	[tilespmem:s21+$0x7C80] =	vst.add.f32.msk $0xffff, v1  }
0x28c: {  	[tilespmem:s21+$0x7C90] =	vst.add.f32.msk $0xffff, v2  }
0x28d: {  	[tilespmem:s21+$0x7CA0] =	vst.add.f32.msk $0xffff, v3  }
0x28e: {  	[tilespmem:s21+$0x7CB0] =	vst.add.f32.msk $0xffff, v4  }
0x28f: {  	[tilespmem:s21+$0x9C80] =	vst.add.f32.msk $0xffff, v1  }
0x290: {  	[tilespmem:s21+$0x9C90] =	vst.add.f32.msk $0xffff, v2  }
0x291: {  	[tilespmem:s21+$0x9CA0] =	vst.add.f32.msk $0xffff, v3  }
0x292: {  	s26 =	sor.u32 $0x1CC0, s21;
	[tilespmem:s21+$0x9CB0] =	vst.add.f32.msk $0xffff, v4  }
0x293: {  	s28 =	sor.u32 $0x1CD0, s21;
	v1 =	vld [tilespmem:s26+$0x0]  }
0x294: {  	s29 =	sor.u32 $0x1CE0, s21;
	v2 =	vld [tilespmem:s28+$0x0]  }
0x295: {  	s30 =	sor.u32 $0x1CF0, s21;
	v3 =	vld [tilespmem:s29+$0x0]  }
0x296: {  	v4 =	vld [tilespmem:s30+$0x0]  }
0x297: {  	[tilespmem:s21+$0x9C70] =	vst.add.f32.msk $0xffff, v0  }
0x298: {  	[tilespmem:s21+$0x3CC0] =	vst.add.f32.msk $0xffff, v1  }
0x299: {  	[tilespmem:s21+$0x3CD0] =	vst.add.f32.msk $0xffff, v2  }
0x29a: {  	[tilespmem:s21+$0x3CE0] =	vst.add.f32.msk $0xffff, v3  }
0x29b: {  	[tilespmem:s21+$0x3CF0] =	vst.add.f32.msk $0xffff, v4  }
0x29c: {  	[tilespmem:s21+$0x5CC0] =	vst.add.f32.msk $0xffff, v1  }
0x29d: {  	[tilespmem:s21+$0x5CD0] =	vst.add.f32.msk $0xffff, v2  }
0x29e: {  	[tilespmem:s21+$0x5CE0] =	vst.add.f32.msk $0xffff, v3  }
0x29f: {  	[tilespmem:s21+$0x5CF0] =	vst.add.f32.msk $0xffff, v4  }
0x2a0: {  	[tilespmem:s21+$0x7CC0] =	vst.add.f32.msk $0xffff, v1  }
0x2a1: {  	[tilespmem:s21+$0x7CD0] =	vst.add.f32.msk $0xffff, v2  }
0x2a2: {  	p0 =	slt.u32 s20, $0x6;
	[tilespmem:s21+$0x7CE0] =	vst.add.f32.msk $0xffff, v3  }
.Ltmp0:
0x2a3: {  	[tilespmem:s21+$0x7CF0] =	vst.add.f32.msk $0xffff, v4;
	(pc) =	sbr.rel @p0 .LBB2_2-.Ltmp0, $4  }
0x2a4: {  	[tilespmem:s21+$0x9CC0] =	vst.add.f32.msk $0xffff, v1  }
0x2a5: {  	[tilespmem:s21+$0x9CD0] =	vst.add.f32.msk $0xffff, v2  }
0x2a6: {  	s31 =	sadd.s32 $0x2, s20;
	[tilespmem:s21+$0x9CE0] =	vst.add.f32.msk $0xffff, v3  }
0x2a7: {  	s20 =	smov.u32 s31;
	[tilespmem:s21+$0x9CF0] =	vst.add.f32.msk $0xffff, v4  }
0x2a8: {  	[hbm4b:s8+s2] =	stream.linear.scatter [tilespmem:s13], [sflag:$0x2], $0x2000, $0x38;
	[tilespmem:$0xA000] =	vst v63  }
0x2a9: {  	_ = 	snop  }
0x2aa: {  	[hbm4b:s9+s2] =	stream.linear.scatter [tilespmem:s14], [sflag:$0x2], $0x2000, $0x38;
	[tilespmem:$0xA000] =	vst v63  }
0x2ab: {  	_ = 	snop  }
0x2ac: {  	[hbm4b:s10+s2] =	stream.linear.scatter [tilespmem:s15], [sflag:$0x2], $0x2000, $0x38;
	[tilespmem:$0xA000] =	vst v63  }
0x2ad: {  	_ = 	snop  }
0x2ae: {  	[hbm4b:s11+s2] =	stream.linear.scatter [tilespmem:s16], [sflag:$0x2], $0x2000, $0x38;
	[tilespmem:$0xA000] =	vst v63  }
0x2af: {  	_ =	swait.ge [sflag:s18], $0x2000  }
0x2b0: {  	[sflag:s18] =	ssyncset.done $0x0  }
0x2b1: {  	[sflag:s18] =	ssyncadd.s32 $0xFFFFE000  }
0x2b2: {  	_ =	swait.ge [sflag:s18], $0x2000  }
0x2b3: {  	[sflag:s18] =	ssyncset.done $0x0  }
0x2b4: {  	s19 =	sadd.s32 $0x1, s19;
	[sflag:s18] =	ssyncadd.s32 $0xFFFFE000  }
0x2b5: {  	p0 =	sne.s32 s19, s12;
	_ =	swait.ge [sflag:s18], $0x2000  }
.Ltmp1:
0x2b6: {  	[sflag:s18] =	ssyncset.done $0x0;
	(pc) =	sbr.rel @p0 .LBB2_1-.Ltmp1, $4  }
0x2b7: {  	[sflag:s18] =	ssyncadd.s32 $0xFFFFE000  }
0x2b8: {  	_ =	swait.ge [sflag:s18], $0x2000  }
0x2b9: {  	[sflag:s18] =	ssyncset.done $0x0  }
0x2ba: {  	[sflag:s18] =	ssyncadd.s32 $0xFFFFE000  }
0x2bb: {  	_ =	sfence.sel $0x180000  }
0x2bc: {  	[bflag:$0x0] =	sbarrier.arrive $0xFFFF  }
0x2bd: {  	p0 =	sne.s32 s1, $0x0;
	_ =	strace $0x90000047  }
0x2be: {  	s0 =	sadd.s32 @!p0 $0x100000, s0;
	[bflag:$0x2] =	sbarrier.arrive $0xFFFF  }
0x2bf: {  	[sflag:s0] =	ssyncadd.tile.s32 @!p0 $0x1;
	_ =	shalt  }
.Lfunc_end2:
_tile_overlayer_lowered:
.L_overlay_start_2:
0x2c0: {  	(tag) =	ssettag $0x2  }
0x2c1: {  	s0 =	rddreg [dreg:$0x0];
	s2 =	stileid.u32  }
0x2c2: {  	s1 =	rddreg [dreg:$0x1];
	p0 =	sne.s32 s2, $0x0  }
0x2c3: {  	s3 =	rddreg [dreg:$0x2];
	[bflag:$0x3] =	sbarrier.arrive $0xFFFF;
	s2 =	simm.s32 @!p0 $0x1C03  }
0x2c4: {  	[timem:s3], [sflag:s2] =	dma.local @!p0 [hbm:s0], s1  }
0x2c5: {  	s0 =	simm.s32 @!p0 $0x3  }
0x2c6: {  	_ =	swait.ge @!p0 [sflag:s0], s1  }
0x2c7: {  	s1 =	ssub.s32 @!p0 $0x0, s1;
	[sflag:s0] =	ssyncset.done @!p0 $0x0  }
0x2c8: {  	[sflag:s0] =	ssyncadd.s32 @!p0 s1  }
0x2c9: {  	[bflag:$0x3] =	sbarrier.arrive $0xFFFF  }
0x2ca: {  	_ =	shalt  }

</sc_bundles>
